<compile_context>
chip_gen: v7x
topology: tpu7x:2x2x1
jax: 0.10.2.dev20260603
libtpu: 0.0.44.dev20260713+nightly
codegen_flags: <defaults>
</compile_context>

<pallas_src>
import functools

import jax
import jax.numpy as jnp
from jax import lax
from jax.experimental import pallas as pl
from jax.experimental.pallas import tpu as pltpu
from jax.experimental.pallas import tpu_sc as plsc

_NC = 2
_NS = 16
_LANES = 16
_NW = _NC * _NS
_GRP = 10


def _rne_bf16_bits(mf):
    bits = lax.bitcast_convert_type(mf, jnp.int32)
    lsb = lax.shift_right_logical(bits, 16) & 1
    return lax.shift_right_logical(bits + 0x7FFF + lsb, 16)


def _matmul_stage(table, wt, v, d, lp):
    vh = v // 2
    rb = 10000

    def body(ta_ref, tb_ref, w_ref, q_ref):
        w = w_ref[...]
        pa = jnp.dot(ta_ref[...], w, preferred_element_type=jnp.float32)
        pb = jnp.dot(tb_ref[...], w, preferred_element_type=jnp.float32)
        packed = _rne_bf16_bits(pa) | (_rne_bf16_bits(pb) << 16)
        q_ref[...] = lax.bitcast_convert_type(packed, jnp.float32)

    return pl.pallas_call(
        body,
        grid=(vh // rb,),
        in_specs=[
            pl.BlockSpec((rb, d), lambda i: (i, 0)),
            pl.BlockSpec((rb, d), lambda i: (i + vh // rb, 0)),
            pl.BlockSpec((d, lp), lambda i: (0, 0)),
        ],
        out_specs=pl.BlockSpec((rb, lp), lambda i: (i, 0)),
        out_shape=jax.ShapeDtypeStruct((vh, lp), jnp.float32),
    )(table, table, wt)


def _gather_sum_stage(xt, q_flat, bvec, batch, seq, lp, vh):
    bpw = batch // _NW
    jg = bpw // _LANES

    mesh = plsc.VectorSubcoreMesh(core_axis_name="c", subcore_axis_name="s")

    @functools.partial(
        pl.kernel,
        out_type=jax.ShapeDtypeStruct((batch,), jnp.float32),
        mesh=mesh,
        scratch_types=[
            pltpu.VMEM((seq, bpw), jnp.int32),
            pltpu.VMEM((seq, bpw), jnp.int32),
            pltpu.VMEM((seq, bpw), jnp.float32),
            pltpu.VMEM((bpw,), jnp.float32),
            pltpu.VMEM((_LANES,), jnp.float32),
            pltpu.SemaphoreType.DMA((seq // _GRP,)),
        ],
    )
    def sc_kernel(xt_hbm, q_hbm, b_hbm, out_hbm, xv, idxv, gv, acc, bv, sems):
        wid = lax.axis_index("s") * _NC + lax.axis_index("c")
        base = wid * bpw
        pltpu.sync_copy(xt_hbm.at[:, pl.ds(base, bpw)], xv)
        pltpu.sync_copy(b_hbm, bv)

        def build(l, carry):
            for j in range(jg):
                sl = pl.ds(j * _LANES, _LANES)
                xw = xv[l, sl]
                sel = lax.shift_right_arithmetic(xw - vh, 31) + 1
                idxv[l, sl] = (xw - sel * vh) * lp + l
            return carry

        for g in range(seq // _GRP):
            lax.fori_loop(g * _GRP, (g + 1) * _GRP, build, 0)

            def fire(l, carry, _g=g):
                pltpu.async_copy(q_hbm.at[idxv.at[l]], gv.at[l], sems.at[_g])
                return carry

            lax.fori_loop(g * _GRP, (g + 1) * _GRP, fire, 0)

        bias = bv[pl.ds(0, _LANES)]
        for j in range(jg):
            acc[pl.ds(j * _LANES, _LANES)] = bias

        for g in range(seq // _GRP):

            def drain(l, carry, _g=g):
                pltpu.make_async_copy(q_hbm.at[idxv.at[l]], gv.at[l],
                                      sems.at[_g]).wait()
                return carry

            lax.fori_loop(g * _GRP, (g + 1) * _GRP, drain, 0)

            def accum(l, carry):
                for j in range(jg):
                    sl = pl.ds(j * _LANES, _LANES)
                    sel = lax.shift_right_arithmetic(xv[l, sl] - vh, 31) + 1
                    word = lax.bitcast_convert_type(gv[l, sl], jnp.int32)
                    lo = (word << 16) & jnp.int32(-65536)
                    hi = word & jnp.int32(-65536)
                    fbits = lo + (hi - lo) * sel
                    plsc.addupdate(acc.at[sl],
                                   lax.bitcast_convert_type(fbits, jnp.float32))
                return carry

            lax.fori_loop(g * _GRP, (g + 1) * _GRP, accum, 0)

        pltpu.sync_copy(acc, out_hbm.at[pl.ds(base, bpw)])

    return sc_kernel(xt, q_flat, bvec)


def kernel(x, vocab_vectors, W, b):
    batch, seq = x.shape
    v, d = vocab_vectors.shape
    lp = 128
    vh = v // 2

    x = x.astype(jnp.int32)
    wt = W[:, 0].reshape(seq, d).T
    wt = jnp.pad(wt, ((0, 0), (0, lp - seq)))
    bvec = jnp.broadcast_to(b.astype(jnp.float32), (_LANES,))

    q = _matmul_stage(vocab_vectors, wt, v, d, lp)
    out = _gather_sum_stage(x.T, q.reshape(vh * lp), bvec, batch, seq, lp, vh)
    return out.reshape(batch, 1)

# --- scband reference (transcript-rebuilt; emitter-appended) ---
"""Pipeline reference for scband-glo-ve-embedding-net-16690242912658 (READ-ONLY COPY).

The authoritative reference and input builder live on the scoring server;
editing this copy changes nothing except your own understanding.
"""

import jax, jax.numpy as jnp
import numpy as np

VOCAB = 100000
EMBED_DIM = 128
SEQ_LENGTH = 50
BATCH = 4096


def setup_inputs(seed: int = 0) -> dict:
    key = jax.random.key(seed)
    k1, k2, k3 = jax.random.split(key, 3)
    # token indices, in-range for the vocab
    x = jax.random.randint(k1, (BATCH, SEQ_LENGTH), 0, VOCAB, dtype=jnp.int64 if jax.config.jax_enable_x64 else jnp.int32)
    # pretrained GloVe vectors (frozen embedding table)
    vocab_vectors = jax.random.normal(k2, (VOCAB, EMBED_DIM), dtype=jnp.float32)
    # nn.Linear(seq_length * embedding_dim, 1) parameters
    fan_in = SEQ_LENGTH * EMBED_DIM
    bound = 1.0 / np.sqrt(fan_in)
    W = jax.random.uniform(k3, (fan_in, 1), minval=-bound, maxval=bound, dtype=jnp.float32)
    b = jnp.zeros((1,), dtype=jnp.float32)
    return {"x": x, "vocab_vectors": vocab_vectors, "W": W, "b": b}


def reference(x, vocab_vectors, W, b):
    # embedded = self.embedding(x)  -> gather rows of the GloVe table
    embedded = jnp.take(vocab_vectors, x, axis=0)  # (B, L, D)
    # flatten = embedded.view(B, seq_length * embedding_dim)
    flatten = embedded.reshape(embedded.shape[0], -1)  # (B, L*D)
    # return self.l1(flatten)
    out = flatten @ W + b  # (B, 1)
    return out


if False:  # reference __main__ guard neutralized (emitter)
    inp = setup_inputs()
    out = reference(**inp)
    print(out.shape)

if __name__ == "__main__":
    import jax
    _d = setup_inputs()
    print(jax.jit(kernel)(*tuple(_d.values())))

</pallas_src>

<mosaic_0001>
#map = affine_map<(d0, d1) -> (0, 0)>
#map1 = affine_map<(d0, d1) -> (0)>
module attributes {stable_mosaic.version = 14 : i64} {
  func.func @sc_kernel(%arg0: i32, %arg1: i32, %arg2: memref<50x4096xi32, #tpu.memory_space<hbm>>, %arg3: memref<6400000xf32, #tpu.memory_space<hbm>>, %arg4: memref<16xf32, #tpu.memory_space<hbm>>, %arg5: memref<4096xf32, #tpu.memory_space<hbm>>, %arg6: memref<50x128xi32, #tpu.memory_space<vmem>>, %arg7: memref<50x128xi32, #tpu.memory_space<vmem>>, %arg8: memref<50x128xf32, #tpu.memory_space<vmem>>, %arg9: memref<128xf32, #tpu.memory_space<vmem>>, %arg10: memref<16xf32, #tpu.memory_space<vmem>>, %arg11: memref<5x!tpu.dma_semaphore, #tpu.memory_space<semaphore_mem>>) attributes {dimension_semantics = [#tpu.dimension_semantics<core_parallel>, #tpu.dimension_semantics<subcore_parallel>], iteration_bounds = array<i64: 2, 16>, scalar_prefetch = 0 : i64, scratch_operands = 6 : i64, tpu.core_type = #tpu.core_type<sc_vector_subcore>, window_params = [{transform_indices = #map}, {transform_indices = #map1}, {transform_indices = #map1}, {transform_indices = #map1}]} {
    %mul3A = arith.constant 2 : i32
    %mul3A_0 = arith.muli %arg1, %mul3A : i32
    %add3A = arith.addi %mul3A_0, %arg0 : i32
    %mul3A_1 = arith.constant 128 : i32
    %mul3A_2 = arith.muli %add3A, %mul3A_1 : i32
    "tpu.region"() ({
      %run_scoped3A = tpu.sem_alloc : memref<!tpu.dma_semaphore, #tpu.memory_space<semaphore_mem>>
      %dma_start3A = arith.constant 0 : i32
      %dma_start3A_155 = tpu.memref_slice %arg2[%dma_start3A, %mul3A_2] : memref<50x4096xi32, #tpu.memory_space<hbm>> -> memref<50x128xi32, #tpu.memory_space<hbm>>
      %dma_start3A_156 = arith.constant 0 : i32
      %dma_start3A_157 = tpu.memref_slice %arg2[%dma_start3A_156, %mul3A_2] : memref<50x4096xi32, #tpu.memory_space<hbm>> -> memref<50x128xi32, #tpu.memory_space<hbm>>
      tpu.enqueue_dma source(%dma_start3A_157 : memref<50x128xi32, #tpu.memory_space<hbm>>) target(%arg6 : memref<50x128xi32, #tpu.memory_space<vmem>>) target_semaphore(%run_scoped3A : memref<!tpu.dma_semaphore, #tpu.memory_space<semaphore_mem>>)
      %dma_wait3A = arith.constant 0 : i32
      %dma_wait3A_158 = tpu.memref_slice %arg2[%dma_wait3A, %mul3A_2] : memref<50x4096xi32, #tpu.memory_space<hbm>> -> memref<50x128xi32, #tpu.memory_space<hbm>>
      %dma_wait3A_159 = arith.constant 0 : i32
      %dma_wait3A_160 = tpu.memref_slice %arg2[%dma_wait3A_159, %mul3A_2] : memref<50x4096xi32, #tpu.memory_space<hbm>> -> memref<50x128xi32, #tpu.memory_space<hbm>>
      tpu.wait_dma2 semaphore(%run_scoped3A : memref<!tpu.dma_semaphore, #tpu.memory_space<semaphore_mem>>) src(%dma_wait3A_160 : memref<50x128xi32, #tpu.memory_space<hbm>>) dst(%arg6 : memref<50x128xi32, #tpu.memory_space<vmem>>)
      tpu.yield
    }) : () -> ()
    "tpu.region"() ({
      %run_scoped3A = tpu.sem_alloc : memref<!tpu.dma_semaphore, #tpu.memory_space<semaphore_mem>>
      tpu.enqueue_dma source(%arg4 : memref<16xf32, #tpu.memory_space<hbm>>) target(%arg10 : memref<16xf32, #tpu.memory_space<vmem>>) target_semaphore(%run_scoped3A : memref<!tpu.dma_semaphore, #tpu.memory_space<semaphore_mem>>)
      tpu.wait_dma2 semaphore(%run_scoped3A : memref<!tpu.dma_semaphore, #tpu.memory_space<semaphore_mem>>) src(%arg4 : memref<16xf32, #tpu.memory_space<hbm>>) dst(%arg10 : memref<16xf32, #tpu.memory_space<vmem>>)
      tpu.yield
    }) : () -> ()
    %scan3A = arith.constant 0 : i32
    %scan3A_3 = arith.constant 0 : i32
    %scan3A_4 = arith.constant 10 : i32
    %scan3A_5 = arith.addi %scan3A_3, %scan3A_4 : i32
    %scan3A_6 = arith.constant 1 : i32
    scf.for %scan3A_155 = %scan3A_3 to %scan3A_5 step %scan3A_6  : i32 {
      %get3A_156 = arith.index_cast %scan3A_155 : i32 to index
      %get3A_157 = arith.constant 0 : index
      %get3A_158 = tpu.vector_load %arg6[%get3A_156, %get3A_157] {strides = array<i32>} : memref<50x128xi32, #tpu.memory_space<vmem>>, vector<1x16xi32>,
      %get3A_159 = vector.shape_cast %get3A_158 : vector<1x16xi32> to vector<16xi32>
      %sub3A = arith.constant 50000 : i32
      %sub3A_160 = vector.broadcast %sub3A : i32 to vector<16xi32>
      %sub3A_161 = arith.subi %get3A_159, %sub3A_160 : vector<16xi32>
      %shift_right_arithmetic3A = arith.constant 31 : i32
      %shift_right_arithmetic3A_162 = vector.broadcast %shift_right_arithmetic3A : i32 to vector<16xi32>
      %shift_right_arithmetic3A_163 = arith.shrsi %sub3A_161, %shift_right_arithmetic3A_162 : vector<16xi32>
      %add3A_164 = arith.constant 1 : i32
      %add3A_165 = vector.broadcast %add3A_164 : i32 to vector<16xi32>
      %add3A_166 = arith.addi %shift_right_arithmetic3A_163, %add3A_165 : vector<16xi32>
      %mul3A_167 = arith.constant 50000 : i32
      %mul3A_168 = vector.broadcast %mul3A_167 : i32 to vector<16xi32>
      %mul3A_169 = arith.muli %add3A_166, %mul3A_168 : vector<16xi32>
      %sub3A_170 = arith.subi %get3A_159, %mul3A_169 : vector<16xi32>
      %mul3A_171 = arith.constant 128 : i32
      %mul3A_172 = vector.broadcast %mul3A_171 : i32 to vector<16xi32>
      %mul3A_173 = arith.muli %sub3A_170, %mul3A_172 : vector<16xi32>
      %add3A_174 = vector.broadcast %scan3A_155 : i32 to vector<16xi32>
      %add3A_175 = arith.addi %mul3A_173, %add3A_174 : vector<16xi32>
      %swap3A_176 = arith.index_cast %scan3A_155 : i32 to index
      %swap3A_177 = arith.constant 0 : index
      %swap3A_178 = tpu.vector_load %arg7[%swap3A_176, %swap3A_177] {strides = array<i32>} : memref<50x128xi32, #tpu.memory_space<vmem>>, vector<1x16xi32>,
      %swap3A_179 = vector.shape_cast %swap3A_178 : vector<1x16xi32> to vector<16xi32>
      %swap3A_180 = vector.shape_cast %add3A_175 : vector<16xi32> to vector<1x16xi32>
      tpu.vector_store %arg7[%swap3A_176, %swap3A_177], %swap3A_180 {strides = array<i32>} : memref<50x128xi32, #tpu.memory_space<vmem>>, vector<1x16xi32>,
      %get3A_181 = arith.index_cast %scan3A_155 : i32 to index
      %get3A_182 = arith.constant 16 : index
      %get3A_183 = tpu.vector_load %arg6[%get3A_181, %get3A_182] {strides = array<i32>} : memref<50x128xi32, #tpu.memory_space<vmem>>, vector<1x16xi32>,
      %get3A_184 = vector.shape_cast %get3A_183 : vector<1x16xi32> to vector<16xi32>
      %sub3A_185 = arith.constant 50000 : i32
      %sub3A_186 = vector.broadcast %sub3A_185 : i32 to vector<16xi32>
      %sub3A_187 = arith.subi %get3A_184, %sub3A_186 : vector<16xi32>
      %shift_right_arithmetic3A_188 = arith.constant 31 : i32
      %shift_right_arithmetic3A_189 = vector.broadcast %shift_right_arithmetic3A_188 : i32 to vector<16xi32>
      %shift_right_arithmetic3A_190 = arith.shrsi %sub3A_187, %shift_right_arithmetic3A_189 : vector<16xi32>
      %add3A_191 = arith.constant 1 : i32
      %add3A_192 = vector.broadcast %add3A_191 : i32 to vector<16xi32>
      %add3A_193 = arith.addi %shift_right_arithmetic3A_190, %add3A_192 : vector<16xi32>
      %mul3A_194 = arith.constant 50000 : i32
      %mul3A_195 = vector.broadcast %mul3A_194 : i32 to vector<16xi32>
      %mul3A_196 = arith.muli %add3A_193, %mul3A_195 : vector<16xi32>
      %sub3A_197 = arith.subi %get3A_184, %mul3A_196 : vector<16xi32>
      %mul3A_198 = arith.constant 128 : i32
      %mul3A_199 = vector.broadcast %mul3A_198 : i32 to vector<16xi32>
      %mul3A_200 = arith.muli %sub3A_197, %mul3A_199 : vector<16xi32>
      %add3A_201 = vector.broadcast %scan3A_155 : i32 to vector<16xi32>
      %add3A_202 = arith.addi %mul3A_200, %add3A_201 : vector<16xi32>
      %swap3A_203 = arith.index_cast %scan3A_155 : i32 to index
      %swap3A_204 = arith.constant 16 : index
      %swap3A_205 = tpu.vector_load %arg7[%swap3A_203, %swap3A_204] {strides = array<i32>} : memref<50x128xi32, #tpu.memory_space<vmem>>, vector<1x16xi32>,
      %swap3A_206 = vector.shape_cast %swap3A_205 : vector<1x16xi32> to vector<16xi32>
      %swap3A_207 = vector.shape_cast %add3A_202 : vector<16xi32> to vector<1x16xi32>
      tpu.vector_store %arg7[%swap3A_203, %swap3A_204], %swap3A_207 {strides = array<i32>} : memref<50x128xi32, #tpu.memory_space<vmem>>, vector<1x16xi32>,
      %get3A_208 = arith.index_cast %scan3A_155 : i32 to index
      %get3A_209 = arith.constant 32 : index
      %get3A_210 = tpu.vector_load %arg6[%get3A_208, %get3A_209] {strides = array<i32>} : memref<50x128xi32, #tpu.memory_space<vmem>>, vector<1x16xi32>,
      %get3A_211 = vector.shape_cast %get3A_210 : vector<1x16xi32> to vector<16xi32>
      %sub3A_212 = arith.constant 50000 : i32
      %sub3A_213 = vector.broadcast %sub3A_212 : i32 to vector<16xi32>
      %sub3A_214 = arith.subi %get3A_211, %sub3A_213 : vector<16xi32>
      %shift_right_arithmetic3A_215 = arith.constant 31 : i32
      %shift_right_arithmetic3A_216 = vector.broadcast %shift_right_arithmetic3A_215 : i32 to vector<16xi32>
      %shift_right_arithmetic3A_217 = arith.shrsi %sub3A_214, %shift_right_arithmetic3A_216 : vector<16xi32>
      %add3A_218 = arith.constant 1 : i32
      %add3A_219 = vector.broadcast %add3A_218 : i32 to vector<16xi32>
      %add3A_220 = arith.addi %shift_right_arithmetic3A_217, %add3A_219 : vector<16xi32>
      %mul3A_221 = arith.constant 50000 : i32
      %mul3A_222 = vector.broadcast %mul3A_221 : i32 to vector<16xi32>
      %mul3A_223 = arith.muli %add3A_220, %mul3A_222 : vector<16xi32>
      %sub3A_224 = arith.subi %get3A_211, %mul3A_223 : vector<16xi32>
      %mul3A_225 = arith.constant 128 : i32
      %mul3A_226 = vector.broadcast %mul3A_225 : i32 to vector<16xi32>
      %mul3A_227 = arith.muli %sub3A_224, %mul3A_226 : vector<16xi32>
      %add3A_228 = vector.broadcast %scan3A_155 : i32 to vector<16xi32>
      %add3A_229 = arith.addi %mul3A_227, %add3A_228 : vector<16xi32>
      %swap3A_230 = arith.index_cast %scan3A_155 : i32 to index
      %swap3A_231 = arith.constant 32 : index
      %swap3A_232 = tpu.vector_load %arg7[%swap3A_230, %swap3A_231] {strides = array<i32>} : memref<50x128xi32, #tpu.memory_space<vmem>>, vector<1x16xi32>,
      %swap3A_233 = vector.shape_cast %swap3A_232 : vector<1x16xi32> to vector<16xi32>
      %swap3A_234 = vector.shape_cast %add3A_229 : vector<16xi32> to vector<1x16xi32>
      tpu.vector_store %arg7[%swap3A_230, %swap3A_231], %swap3A_234 {strides = array<i32>} : memref<50x128xi32, #tpu.memory_space<vmem>>, vector<1x16xi32>,
      %get3A_235 = arith.index_cast %scan3A_155 : i32 to index
      %get3A_236 = arith.constant 48 : index
      %get3A_237 = tpu.vector_load %arg6[%get3A_235, %get3A_236] {strides = array<i32>} : memref<50x128xi32, #tpu.memory_space<vmem>>, vector<1x16xi32>,
      %get3A_238 = vector.shape_cast %get3A_237 : vector<1x16xi32> to vector<16xi32>
      %sub3A_239 = arith.constant 50000 : i32
      %sub3A_240 = vector.broadcast %sub3A_239 : i32 to vector<16xi32>
      %sub3A_241 = arith.subi %get3A_238, %sub3A_240 : vector<16xi32>
      %shift_right_arithmetic3A_242 = arith.constant 31 : i32
      %shift_right_arithmetic3A_243 = vector.broadcast %shift_right_arithmetic3A_242 : i32 to vector<16xi32>
      %shift_right_arithmetic3A_244 = arith.shrsi %sub3A_241, %shift_right_arithmetic3A_243 : vector<16xi32>
      %add3A_245 = arith.constant 1 : i32
      %add3A_246 = vector.broadcast %add3A_245 : i32 to vector<16xi32>
      %add3A_247 = arith.addi %shift_right_arithmetic3A_244, %add3A_246 : vector<16xi32>
      %mul3A_248 = arith.constant 50000 : i32
      %mul3A_249 = vector.broadcast %mul3A_248 : i32 to vector<16xi32>
      %mul3A_250 = arith.muli %add3A_247, %mul3A_249 : vector<16xi32>
      %sub3A_251 = arith.subi %get3A_238, %mul3A_250 : vector<16xi32>
      %mul3A_252 = arith.constant 128 : i32
      %mul3A_253 = vector.broadcast %mul3A_252 : i32 to vector<16xi32>
      %mul3A_254 = arith.muli %sub3A_251, %mul3A_253 : vector<16xi32>
      %add3A_255 = vector.broadcast %scan3A_155 : i32 to vector<16xi32>
      %add3A_256 = arith.addi %mul3A_254, %add3A_255 : vector<16xi32>
      %swap3A_257 = arith.index_cast %scan3A_155 : i32 to index
      %swap3A_258 = arith.constant 48 : index
      %swap3A_259 = tpu.vector_load %arg7[%swap3A_257, %swap3A_258] {strides = array<i32>} : memref<50x128xi32, #tpu.memory_space<vmem>>, vector<1x16xi32>,
      %swap3A_260 = vector.shape_cast %swap3A_259 : vector<1x16xi32> to vector<16xi32>
      %swap3A_261 = vector.shape_cast %add3A_256 : vector<16xi32> to vector<1x16xi32>
      tpu.vector_store %arg7[%swap3A_257, %swap3A_258], %swap3A_261 {strides = array<i32>} : memref<50x128xi32, #tpu.memory_space<vmem>>, vector<1x16xi32>,
      %get3A_262 = arith.index_cast %scan3A_155 : i32 to index
      %get3A_263 = arith.constant 64 : index
      %get3A_264 = tpu.vector_load %arg6[%get3A_262, %get3A_263] {strides = array<i32>} : memref<50x128xi32, #tpu.memory_space<vmem>>, vector<1x16xi32>,
      %get3A_265 = vector.shape_cast %get3A_264 : vector<1x16xi32> to vector<16xi32>
      %sub3A_266 = arith.constant 50000 : i32
      %sub3A_267 = vector.broadcast %sub3A_266 : i32 to vector<16xi32>
      %sub3A_268 = arith.subi %get3A_265, %sub3A_267 : vector<16xi32>
      %shift_right_arithmetic3A_269 = arith.constant 31 : i32
      %shift_right_arithmetic3A_270 = vector.broadcast %shift_right_arithmetic3A_269 : i32 to vector<16xi32>
      %shift_right_arithmetic3A_271 = arith.shrsi %sub3A_268, %shift_right_arithmetic3A_270 : vector<16xi32>
      %add3A_272 = arith.constant 1 : i32
      %add3A_273 = vector.broadcast %add3A_272 : i32 to vector<16xi32>
      %add3A_274 = arith.addi %shift_right_arithmetic3A_271, %add3A_273 : vector<16xi32>
      %mul3A_275 = arith.constant 50000 : i32
      %mul3A_276 = vector.broadcast %mul3A_275 : i32 to vector<16xi32>
      %mul3A_277 = arith.muli %add3A_274, %mul3A_276 : vector<16xi32>
      %sub3A_278 = arith.subi %get3A_265, %mul3A_277 : vector<16xi32>
      %mul3A_279 = arith.constant 128 : i32
      %mul3A_280 = vector.broadcast %mul3A_279 : i32 to vector<16xi32>
      %mul3A_281 = arith.muli %sub3A_278, %mul3A_280 : vector<16xi32>
      %add3A_282 = vector.broadcast %scan3A_155 : i32 to vector<16xi32>
      %add3A_283 = arith.addi %mul3A_281, %add3A_282 : vector<16xi32>
      %swap3A_284 = arith.index_cast %scan3A_155 : i32 to index
      %swap3A_285 = arith.constant 64 : index
      %swap3A_286 = tpu.vector_load %arg7[%swap3A_284, %swap3A_285] {strides = array<i32>} : memref<50x128xi32, #tpu.memory_space<vmem>>, vector<1x16xi32>,
      %swap3A_287 = vector.shape_cast %swap3A_286 : vector<1x16xi32> to vector<16xi32>
      %swap3A_288 = vector.shape_cast %add3A_283 : vector<16xi32> to vector<1x16xi32>
      tpu.vector_store %arg7[%swap3A_284, %swap3A_285], %swap3A_288 {strides = array<i32>} : memref<50x128xi32, #tpu.memory_space<vmem>>, vector<1x16xi32>,
      %get3A_289 = arith.index_cast %scan3A_155 : i32 to index
      %get3A_290 = arith.constant 80 : index
      %get3A_291 = tpu.vector_load %arg6[%get3A_289, %get3A_290] {strides = array<i32>} : memref<50x128xi32, #tpu.memory_space<vmem>>, vector<1x16xi32>,
      %get3A_292 = vector.shape_cast %get3A_291 : vector<1x16xi32> to vector<16xi32>
      %sub3A_293 = arith.constant 50000 : i32
      %sub3A_294 = vector.broadcast %sub3A_293 : i32 to vector<16xi32>
      %sub3A_295 = arith.subi %get3A_292, %sub3A_294 : vector<16xi32>
      %shift_right_arithmetic3A_296 = arith.constant 31 : i32
      %shift_right_arithmetic3A_297 = vector.broadcast %shift_right_arithmetic3A_296 : i32 to vector<16xi32>
      %shift_right_arithmetic3A_298 = arith.shrsi %sub3A_295, %shift_right_arithmetic3A_297 : vector<16xi32>
      %add3A_299 = arith.constant 1 : i32
      %add3A_300 = vector.broadcast %add3A_299 : i32 to vector<16xi32>
      %add3A_301 = arith.addi %shift_right_arithmetic3A_298, %add3A_300 : vector<16xi32>
      %mul3A_302 = arith.constant 50000 : i32
      %mul3A_303 = vector.broadcast %mul3A_302 : i32 to vector<16xi32>
      %mul3A_304 = arith.muli %add3A_301, %mul3A_303 : vector<16xi32>
      %sub3A_305 = arith.subi %get3A_292, %mul3A_304 : vector<16xi32>
      %mul3A_306 = arith.constant 128 : i32
      %mul3A_307 = vector.broadcast %mul3A_306 : i32 to vector<16xi32>
      %mul3A_308 = arith.muli %sub3A_305, %mul3A_307 : vector<16xi32>
      %add3A_309 = vector.broadcast %scan3A_155 : i32 to vector<16xi32>
      %add3A_310 = arith.addi %mul3A_308, %add3A_309 : vector<16xi32>
      %swap3A_311 = arith.index_cast %scan3A_155 : i32 to index
      %swap3A_312 = arith.constant 80 : index
      %swap3A_313 = tpu.vector_load %arg7[%swap3A_311, %swap3A_312] {strides = array<i32>} : memref<50x128xi32, #tpu.memory_space<vmem>>, vector<1x16xi32>,
      %swap3A_314 = vector.shape_cast %swap3A_313 : vector<1x16xi32> to vector<16xi32>
      %swap3A_315 = vector.shape_cast %add3A_310 : vector<16xi32> to vector<1x16xi32>
      tpu.vector_store %arg7[%swap3A_311, %swap3A_312], %swap3A_315 {strides = array<i32>} : memref<50x128xi32, #tpu.memory_space<vmem>>, vector<1x16xi32>,
      %get3A_316 = arith.index_cast %scan3A_155 : i32 to index
      %get3A_317 = arith.constant 96 : index
      %get3A_318 = tpu.vector_load %arg6[%get3A_316, %get3A_317] {strides = array<i32>} : memref<50x128xi32, #tpu.memory_space<vmem>>, vector<1x16xi32>,
      %get3A_319 = vector.shape_cast %get3A_318 : vector<1x16xi32> to vector<16xi32>
      %sub3A_320 = arith.constant 50000 : i32
      %sub3A_321 = vector.broadcast %sub3A_320 : i32 to vector<16xi32>
      %sub3A_322 = arith.subi %get3A_319, %sub3A_321 : vector<16xi32>
      %shift_right_arithmetic3A_323 = arith.constant 31 : i32
      %shift_right_arithmetic3A_324 = vector.broadcast %shift_right_arithmetic3A_323 : i32 to vector<16xi32>
      %shift_right_arithmetic3A_325 = arith.shrsi %sub3A_322, %shift_right_arithmetic3A_324 : vector<16xi32>
      %add3A_326 = arith.constant 1 : i32
      %add3A_327 = vector.broadcast %add3A_326 : i32 to vector<16xi32>
      %add3A_328 = arith.addi %shift_right_arithmetic3A_325, %add3A_327 : vector<16xi32>
      %mul3A_329 = arith.constant 50000 : i32
      %mul3A_330 = vector.broadcast %mul3A_329 : i32 to vector<16xi32>
      %mul3A_331 = arith.muli %add3A_328, %mul3A_330 : vector<16xi32>
      %sub3A_332 = arith.subi %get3A_319, %mul3A_331 : vector<16xi32>
      %mul3A_333 = arith.constant 128 : i32
      %mul3A_334 = vector.broadcast %mul3A_333 : i32 to vector<16xi32>
      %mul3A_335 = arith.muli %sub3A_332, %mul3A_334 : vector<16xi32>
      %add3A_336 = vector.broadcast %scan3A_155 : i32 to vector<16xi32>
      %add3A_337 = arith.addi %mul3A_335, %add3A_336 : vector<16xi32>
      %swap3A_338 = arith.index_cast %scan3A_155 : i32 to index
      %swap3A_339 = arith.constant 96 : index
      %swap3A_340 = tpu.vector_load %arg7[%swap3A_338, %swap3A_339] {strides = array<i32>} : memref<50x128xi32, #tpu.memory_space<vmem>>, vector<1x16xi32>,
      %swap3A_341 = vector.shape_cast %swap3A_340 : vector<1x16xi32> to vector<16xi32>
      %swap3A_342 = vector.shape_cast %add3A_337 : vector<16xi32> to vector<1x16xi32>
      tpu.vector_store %arg7[%swap3A_338, %swap3A_339], %swap3A_342 {strides = array<i32>} : memref<50x128xi32, #tpu.memory_space<vmem>>, vector<1x16xi32>,
      %get3A_343 = arith.index_cast %scan3A_155 : i32 to index
      %get3A_344 = arith.constant 112 : index
      %get3A_345 = tpu.vector_load %arg6[%get3A_343, %get3A_344] {strides = array<i32>} : memref<50x128xi32, #tpu.memory_space<vmem>>, vector<1x16xi32>,
      %get3A_346 = vector.shape_cast %get3A_345 : vector<1x16xi32> to vector<16xi32>
      %sub3A_347 = arith.constant 50000 : i32
      %sub3A_348 = vector.broadcast %sub3A_347 : i32 to vector<16xi32>
      %sub3A_349 = arith.subi %get3A_346, %sub3A_348 : vector<16xi32>
      %shift_right_arithmetic3A_350 = arith.constant 31 : i32
      %shift_right_arithmetic3A_351 = vector.broadcast %shift_right_arithmetic3A_350 : i32 to vector<16xi32>
      %shift_right_arithmetic3A_352 = arith.shrsi %sub3A_349, %shift_right_arithmetic3A_351 : vector<16xi32>
      %add3A_353 = arith.constant 1 : i32
      %add3A_354 = vector.broadcast %add3A_353 : i32 to vector<16xi32>
      %add3A_355 = arith.addi %shift_right_arithmetic3A_352, %add3A_354 : vector<16xi32>
      %mul3A_356 = arith.constant 50000 : i32
      %mul3A_357 = vector.broadcast %mul3A_356 : i32 to vector<16xi32>
      %mul3A_358 = arith.muli %add3A_355, %mul3A_357 : vector<16xi32>
      %sub3A_359 = arith.subi %get3A_346, %mul3A_358 : vector<16xi32>
      %mul3A_360 = arith.constant 128 : i32
      %mul3A_361 = vector.broadcast %mul3A_360 : i32 to vector<16xi32>
      %mul3A_362 = arith.muli %sub3A_359, %mul3A_361 : vector<16xi32>
      %add3A_363 = vector.broadcast %scan3A_155 : i32 to vector<16xi32>
      %add3A_364 = arith.addi %mul3A_362, %add3A_363 : vector<16xi32>
      %swap3A_365 = arith.index_cast %scan3A_155 : i32 to index
      %swap3A_366 = arith.constant 112 : index
      %swap3A_367 = tpu.vector_load %arg7[%swap3A_365, %swap3A_366] {strides = array<i32>} : memref<50x128xi32, #tpu.memory_space<vmem>>, vector<1x16xi32>,
      %swap3A_368 = vector.shape_cast %swap3A_367 : vector<1x16xi32> to vector<16xi32>
      %swap3A_369 = vector.shape_cast %add3A_364 : vector<16xi32> to vector<1x16xi32>
      tpu.vector_store %arg7[%swap3A_365, %swap3A_366], %swap3A_369 {strides = array<i32>} : memref<50x128xi32, #tpu.memory_space<vmem>>, vector<1x16xi32>,
    }
    %scan3A_7 = arith.constant 10 : i32
    %scan3A_8 = arith.constant 0 : i32
    %scan3A_9 = arith.constant 0 : i32
    %scan3A_10 = arith.constant 10 : i32
    %scan3A_11 = arith.addi %scan3A_9, %scan3A_10 : i32
    %scan3A_12 = arith.constant 1 : i32
    scf.for %scan3A_155 = %scan3A_9 to %scan3A_11 step %scan3A_12  : i32 {
      %dma_start3A = arith.constant 0 : i32
      %dma_start3A_156 = arith.constant 0 : i32
      %dma_start3A_157 = tpu.memref_slice %arg8[%scan3A_155, %dma_start3A_156] : memref<50x128xf32, #tpu.memory_space<vmem>> -> memref<1x128xf32, #tpu.memory_space<vmem>>
      %dma_start3A_158 = tpu.memref_squeeze %dma_start3A_157 : memref<1x128xf32, #tpu.memory_space<vmem>> -> memref<128xf32, #tpu.memory_space<vmem>>
      %dma_start3A_159 = arith.constant 0 : i32
      %dma_start3A_160 = tpu.memref_slice %arg7[%scan3A_155, %dma_start3A_159] : memref<50x128xi32, #tpu.memory_space<vmem>> -> memref<1x128xi32, #tpu.memory_space<vmem>>
      %dma_start3A_161 = tpu.memref_squeeze %dma_start3A_160 : memref<1x128xi32, #tpu.memory_space<vmem>> -> memref<128xi32, #tpu.memory_space<vmem>>
      %dma_start3A_162 = arith.constant 0 : i32
      %dma_start3A_163 = tpu.memref_slice %arg3[%dma_start3A_162] : memref<6400000xf32, #tpu.memory_space<hbm>> -> memref<6400000xf32, #tpu.memory_space<hbm>>
      %dma_start3A_164 = tpu.memref_slice %arg11[%dma_start3A] : memref<5x!tpu.dma_semaphore, #tpu.memory_space<semaphore_mem>> -> memref<1x!tpu.dma_semaphore, #tpu.memory_space<semaphore_mem>>
      %dma_start3A_165 = tpu.memref_squeeze %dma_start3A_164 : memref<1x!tpu.dma_semaphore, #tpu.memory_space<semaphore_mem>> -> memref<!tpu.dma_semaphore, #tpu.memory_space<semaphore_mem>>
      tpu.enqueue_indirect_dma source(%dma_start3A_163 : memref<6400000xf32, #tpu.memory_space<hbm>>) target(%dma_start3A_158 : memref<128xf32, #tpu.memory_space<vmem>>) offsets(%dma_start3A_161 : memref<128xi32, #tpu.memory_space<vmem>>) semaphore(%dma_start3A_165 : memref<!tpu.dma_semaphore, #tpu.memory_space<semaphore_mem>>)
    }
    %scan3A_13 = arith.constant 10 : i32
    %scan3A_14 = arith.constant 0 : i32
    %scan3A_15 = arith.constant 10 : i32
    %scan3A_16 = arith.constant 10 : i32
    %scan3A_17 = arith.addi %scan3A_15, %scan3A_16 : i32
    %scan3A_18 = arith.constant 1 : i32
    scf.for %scan3A_155 = %scan3A_15 to %scan3A_17 step %scan3A_18  : i32 {
      %get3A_156 = arith.index_cast %scan3A_155 : i32 to index
      %get3A_157 = arith.constant 0 : index
      %get3A_158 = tpu.vector_load %arg6[%get3A_156, %get3A_157] {strides = array<i32>} : memref<50x128xi32, #tpu.memory_space<vmem>>, vector<1x16xi32>,
      %get3A_159 = vector.shape_cast %get3A_158 : vector<1x16xi32> to vector<16xi32>
      %sub3A = arith.constant 50000 : i32
      %sub3A_160 = vector.broadcast %sub3A : i32 to vector<16xi32>
      %sub3A_161 = arith.subi %get3A_159, %sub3A_160 : vector<16xi32>
      %shift_right_arithmetic3A = arith.constant 31 : i32
      %shift_right_arithmetic3A_162 = vector.broadcast %shift_right_arithmetic3A : i32 to vector<16xi32>
      %shift_right_arithmetic3A_163 = arith.shrsi %sub3A_161, %shift_right_arithmetic3A_162 : vector<16xi32>
      %add3A_164 = arith.constant 1 : i32
      %add3A_165 = vector.broadcast %add3A_164 : i32 to vector<16xi32>
      %add3A_166 = arith.addi %shift_right_arithmetic3A_163, %add3A_165 : vector<16xi32>
      %mul3A_167 = arith.constant 50000 : i32
      %mul3A_168 = vector.broadcast %mul3A_167 : i32 to vector<16xi32>
      %mul3A_169 = arith.muli %add3A_166, %mul3A_168 : vector<16xi32>
      %sub3A_170 = arith.subi %get3A_159, %mul3A_169 : vector<16xi32>
      %mul3A_171 = arith.constant 128 : i32
      %mul3A_172 = vector.broadcast %mul3A_171 : i32 to vector<16xi32>
      %mul3A_173 = arith.muli %sub3A_170, %mul3A_172 : vector<16xi32>
      %add3A_174 = vector.broadcast %scan3A_155 : i32 to vector<16xi32>
      %add3A_175 = arith.addi %mul3A_173, %add3A_174 : vector<16xi32>
      %swap3A_176 = arith.index_cast %scan3A_155 : i32 to index
      %swap3A_177 = arith.constant 0 : index
      %swap3A_178 = tpu.vector_load %arg7[%swap3A_176, %swap3A_177] {strides = array<i32>} : memref<50x128xi32, #tpu.memory_space<vmem>>, vector<1x16xi32>,
      %swap3A_179 = vector.shape_cast %swap3A_178 : vector<1x16xi32> to vector<16xi32>
      %swap3A_180 = vector.shape_cast %add3A_175 : vector<16xi32> to vector<1x16xi32>
      tpu.vector_store %arg7[%swap3A_176, %swap3A_177], %swap3A_180 {strides = array<i32>} : memref<50x128xi32, #tpu.memory_space<vmem>>, vector<1x16xi32>,
      %get3A_181 = arith.index_cast %scan3A_155 : i32 to index
      %get3A_182 = arith.constant 16 : index
      %get3A_183 = tpu.vector_load %arg6[%get3A_181, %get3A_182] {strides = array<i32>} : memref<50x128xi32, #tpu.memory_space<vmem>>, vector<1x16xi32>,
      %get3A_184 = vector.shape_cast %get3A_183 : vector<1x16xi32> to vector<16xi32>
      %sub3A_185 = arith.constant 50000 : i32
      %sub3A_186 = vector.broadcast %sub3A_185 : i32 to vector<16xi32>
      %sub3A_187 = arith.subi %get3A_184, %sub3A_186 : vector<16xi32>
      %shift_right_arithmetic3A_188 = arith.constant 31 : i32
      %shift_right_arithmetic3A_189 = vector.broadcast %shift_right_arithmetic3A_188 : i32 to vector<16xi32>
      %shift_right_arithmetic3A_190 = arith.shrsi %sub3A_187, %shift_right_arithmetic3A_189 : vector<16xi32>
      %add3A_191 = arith.constant 1 : i32
      %add3A_192 = vector.broadcast %add3A_191 : i32 to vector<16xi32>
      %add3A_193 = arith.addi %shift_right_arithmetic3A_190, %add3A_192 : vector<16xi32>
      %mul3A_194 = arith.constant 50000 : i32
      %mul3A_195 = vector.broadcast %mul3A_194 : i32 to vector<16xi32>
      %mul3A_196 = arith.muli %add3A_193, %mul3A_195 : vector<16xi32>
      %sub3A_197 = arith.subi %get3A_184, %mul3A_196 : vector<16xi32>
      %mul3A_198 = arith.constant 128 : i32
      %mul3A_199 = vector.broadcast %mul3A_198 : i32 to vector<16xi32>
      %mul3A_200 = arith.muli %sub3A_197, %mul3A_199 : vector<16xi32>
      %add3A_201 = vector.broadcast %scan3A_155 : i32 to vector<16xi32>
      %add3A_202 = arith.addi %mul3A_200, %add3A_201 : vector<16xi32>
      %swap3A_203 = arith.index_cast %scan3A_155 : i32 to index
      %swap3A_204 = arith.constant 16 : index
      %swap3A_205 = tpu.vector_load %arg7[%swap3A_203, %swap3A_204] {strides = array<i32>} : memref<50x128xi32, #tpu.memory_space<vmem>>, vector<1x16xi32>,
      %swap3A_206 = vector.shape_cast %swap3A_205 : vector<1x16xi32> to vector<16xi32>
      %swap3A_207 = vector.shape_cast %add3A_202 : vector<16xi32> to vector<1x16xi32>
      tpu.vector_store %arg7[%swap3A_203, %swap3A_204], %swap3A_207 {strides = array<i32>} : memref<50x128xi32, #tpu.memory_space<vmem>>, vector<1x16xi32>,
      %get3A_208 = arith.index_cast %scan3A_155 : i32 to index
      %get3A_209 = arith.constant 32 : index
      %get3A_210 = tpu.vector_load %arg6[%get3A_208, %get3A_209] {strides = array<i32>} : memref<50x128xi32, #tpu.memory_space<vmem>>, vector<1x16xi32>,
      %get3A_211 = vector.shape_cast %get3A_210 : vector<1x16xi32> to vector<16xi32>
      %sub3A_212 = arith.constant 50000 : i32
      %sub3A_213 = vector.broadcast %sub3A_212 : i32 to vector<16xi32>
      %sub3A_214 = arith.subi %get3A_211, %sub3A_213 : vector<16xi32>
      %shift_right_arithmetic3A_215 = arith.constant 31 : i32
      %shift_right_arithmetic3A_216 = vector.broadcast %shift_right_arithmetic3A_215 : i32 to vector<16xi32>
      %shift_right_arithmetic3A_217 = arith.shrsi %sub3A_214, %shift_right_arithmetic3A_216 : vector<16xi32>
      %add3A_218 = arith.constant 1 : i32
      %add3A_219 = vector.broadcast %add3A_218 : i32 to vector<16xi32>
      %add3A_220 = arith.addi %shift_right_arithmetic3A_217, %add3A_219 : vector<16xi32>
      %mul3A_221 = arith.constant 50000 : i32
      %mul3A_222 = vector.broadcast %mul3A_221 : i32 to vector<16xi32>
      %mul3A_223 = arith.muli %add3A_220, %mul3A_222 : vector<16xi32>
      %sub3A_224 = arith.subi %get3A_211, %mul3A_223 : vector<16xi32>
      %mul3A_225 = arith.constant 128 : i32
      %mul3A_226 = vector.broadcast %mul3A_225 : i32 to vector<16xi32>
      %mul3A_227 = arith.muli %sub3A_224, %mul3A_226 : vector<16xi32>
      %add3A_228 = vector.broadcast %scan3A_155 : i32 to vector<16xi32>
      %add3A_229 = arith.addi %mul3A_227, %add3A_228 : vector<16xi32>
      %swap3A_230 = arith.index_cast %scan3A_155 : i32 to index
      %swap3A_231 = arith.constant 32 : index
      %swap3A_232 = tpu.vector_load %arg7[%swap3A_230, %swap3A_231] {strides = array<i32>} : memref<50x128xi32, #tpu.memory_space<vmem>>, vector<1x16xi32>,
      %swap3A_233 = vector.shape_cast %swap3A_232 : vector<1x16xi32> to vector<16xi32>
      %swap3A_234 = vector.shape_cast %add3A_229 : vector<16xi32> to vector<1x16xi32>
      tpu.vector_store %arg7[%swap3A_230, %swap3A_231], %swap3A_234 {strides = array<i32>} : memref<50x128xi32, #tpu.memory_space<vmem>>, vector<1x16xi32>,
      %get3A_235 = arith.index_cast %scan3A_155 : i32 to index
      %get3A_236 = arith.constant 48 : index
      %get3A_237 = tpu.vector_load %arg6[%get3A_235, %get3A_236] {strides = array<i32>} : memref<50x128xi32, #tpu.memory_space<vmem>>, vector<1x16xi32>,
      %get3A_238 = vector.shape_cast %get3A_237 : vector<1x16xi32> to vector<16xi32>
      %sub3A_239 = arith.constant 50000 : i32
      %sub3A_240 = vector.broadcast %sub3A_239 : i32 to vector<16xi32>
      %sub3A_241 = arith.subi %get3A_238, %sub3A_240 : vector<16xi32>
      %shift_right_arithmetic3A_242 = arith.constant 31 : i32
      %shift_right_arithmetic3A_243 = vector.broadcast %shift_right_arithmetic3A_242 : i32 to vector<16xi32>
      %shift_right_arithmetic3A_244 = arith.shrsi %sub3A_241, %shift_right_arithmetic3A_243 : vector<16xi32>
      %add3A_245 = arith.constant 1 : i32
      %add3A_246 = vector.broadcast %add3A_245 : i32 to vector<16xi32>
      %add3A_247 = arith.addi %shift_right_arithmetic3A_244, %add3A_246 : vector<16xi32>
      %mul3A_248 = arith.constant 50000 : i32
      %mul3A_249 = vector.broadcast %mul3A_248 : i32 to vector<16xi32>
      %mul3A_250 = arith.muli %add3A_247, %mul3A_249 : vector<16xi32>
      %sub3A_251 = arith.subi %get3A_238, %mul3A_250 : vector<16xi32>
      %mul3A_252 = arith.constant 128 : i32
      %mul3A_253 = vector.broadcast %mul3A_252 : i32 to vector<16xi32>
      %mul3A_254 = arith.muli %sub3A_251, %mul3A_253 : vector<16xi32>
      %add3A_255 = vector.broadcast %scan3A_155 : i32 to vector<16xi32>
      %add3A_256 = arith.addi %mul3A_254, %add3A_255 : vector<16xi32>
      %swap3A_257 = arith.index_cast %scan3A_155 : i32 to index
      %swap3A_258 = arith.constant 48 : index
      %swap3A_259 = tpu.vector_load %arg7[%swap3A_257, %swap3A_258] {strides = array<i32>} : memref<50x128xi32, #tpu.memory_space<vmem>>, vector<1x16xi32>,
      %swap3A_260 = vector.shape_cast %swap3A_259 : vector<1x16xi32> to vector<16xi32>
      %swap3A_261 = vector.shape_cast %add3A_256 : vector<16xi32> to vector<1x16xi32>
      tpu.vector_store %arg7[%swap3A_257, %swap3A_258], %swap3A_261 {strides = array<i32>} : memref<50x128xi32, #tpu.memory_space<vmem>>, vector<1x16xi32>,
      %get3A_262 = arith.index_cast %scan3A_155 : i32 to index
      %get3A_263 = arith.constant 64 : index
      %get3A_264 = tpu.vector_load %arg6[%get3A_262, %get3A_263] {strides = array<i32>} : memref<50x128xi32, #tpu.memory_space<vmem>>, vector<1x16xi32>,
      %get3A_265 = vector.shape_cast %get3A_264 : vector<1x16xi32> to vector<16xi32>
      %sub3A_266 = arith.constant 50000 : i32
      %sub3A_267 = vector.broadcast %sub3A_266 : i32 to vector<16xi32>
      %sub3A_268 = arith.subi %get3A_265, %sub3A_267 : vector<16xi32>
      %shift_right_arithmetic3A_269 = arith.constant 31 : i32
      %shift_right_arithmetic3A_270 = vector.broadcast %shift_right_arithmetic3A_269 : i32 to vector<16xi32>
      %shift_right_arithmetic3A_271 = arith.shrsi %sub3A_268, %shift_right_arithmetic3A_270 : vector<16xi32>
      %add3A_272 = arith.constant 1 : i32
      %add3A_273 = vector.broadcast %add3A_272 : i32 to vector<16xi32>
      %add3A_274 = arith.addi %shift_right_arithmetic3A_271, %add3A_273 : vector<16xi32>
      %mul3A_275 = arith.constant 50000 : i32
      %mul3A_276 = vector.broadcast %mul3A_275 : i32 to vector<16xi32>
      %mul3A_277 = arith.muli %add3A_274, %mul3A_276 : vector<16xi32>
      %sub3A_278 = arith.subi %get3A_265, %mul3A_277 : vector<16xi32>
      %mul3A_279 = arith.constant 128 : i32
      %mul3A_280 = vector.broadcast %mul3A_279 : i32 to vector<16xi32>
      %mul3A_281 = arith.muli %sub3A_278, %mul3A_280 : vector<16xi32>
      %add3A_282 = vector.broadcast %scan3A_155 : i32 to vector<16xi32>
      %add3A_283 = arith.addi %mul3A_281, %add3A_282 : vector<16xi32>
      %swap3A_284 = arith.index_cast %scan3A_155 : i32 to index
      %swap3A_285 = arith.constant 64 : index
      %swap3A_286 = tpu.vector_load %arg7[%swap3A_284, %swap3A_285] {strides = array<i32>} : memref<50x128xi32, #tpu.memory_space<vmem>>, vector<1x16xi32>,
      %swap3A_287 = vector.shape_cast %swap3A_286 : vector<1x16xi32> to vector<16xi32>
      %swap3A_288 = vector.shape_cast %add3A_283 : vector<16xi32> to vector<1x16xi32>
      tpu.vector_store %arg7[%swap3A_284, %swap3A_285], %swap3A_288 {strides = array<i32>} : memref<50x128xi32, #tpu.memory_space<vmem>>, vector<1x16xi32>,
      %get3A_289 = arith.index_cast %scan3A_155 : i32 to index
      %get3A_290 = arith.constant 80 : index
      %get3A_291 = tpu.vector_load %arg6[%get3A_289, %get3A_290] {strides = array<i32>} : memref<50x128xi32, #tpu.memory_space<vmem>>, vector<1x16xi32>,
      %get3A_292 = vector.shape_cast %get3A_291 : vector<1x16xi32> to vector<16xi32>
      %sub3A_293 = arith.constant 50000 : i32
      %sub3A_294 = vector.broadcast %sub3A_293 : i32 to vector<16xi32>
      %sub3A_295 = arith.subi %get3A_292, %sub3A_294 : vector<16xi32>
      %shift_right_arithmetic3A_296 = arith.constant 31 : i32
      %shift_right_arithmetic3A_297 = vector.broadcast %shift_right_arithmetic3A_296 : i32 to vector<16xi32>
      %shift_right_arithmetic3A_298 = arith.shrsi %sub3A_295, %shift_right_arithmetic3A_297 : vector<16xi32>
      %add3A_299 = arith.constant 1 : i32
      %add3A_300 = vector.broadcast %add3A_299 : i32 to vector<16xi32>
      %add3A_301 = arith.addi %shift_right_arithmetic3A_298, %add3A_300 : vector<16xi32>
      %mul3A_302 = arith.constant 50000 : i32
      %mul3A_303 = vector.broadcast %mul3A_302 : i32 to vector<16xi32>
      %mul3A_304 = arith.muli %add3A_301, %mul3A_303 : vector<16xi32>
      %sub3A_305 = arith.subi %get3A_292, %mul3A_304 : vector<16xi32>
      %mul3A_306 = arith.constant 128 : i32
      %mul3A_307 = vector.broadcast %mul3A_306 : i32 to vector<16xi32>
      %mul3A_308 = arith.muli %sub3A_305, %mul3A_307 : vector<16xi32>
      %add3A_309 = vector.broadcast %scan3A_155 : i32 to vector<16xi32>
      %add3A_310 = arith.addi %mul3A_308, %add3A_309 : vector<16xi32>
      %swap3A_311 = arith.index_cast %scan3A_155 : i32 to index
      %swap3A_312 = arith.constant 80 : index
      %swap3A_313 = tpu.vector_load %arg7[%swap3A_311, %swap3A_312] {strides = array<i32>} : memref<50x128xi32, #tpu.memory_space<vmem>>, vector<1x16xi32>,
      %swap3A_314 = vector.shape_cast %swap3A_313 : vector<1x16xi32> to vector<16xi32>
      %swap3A_315 = vector.shape_cast %add3A_310 : vector<16xi32> to vector<1x16xi32>
      tpu.vector_store %arg7[%swap3A_311, %swap3A_312], %swap3A_315 {strides = array<i32>} : memref<50x128xi32, #tpu.memory_space<vmem>>, vector<1x16xi32>,
      %get3A_316 = arith.index_cast %scan3A_155 : i32 to index
      %get3A_317 = arith.constant 96 : index
      %get3A_318 = tpu.vector_load %arg6[%get3A_316, %get3A_317] {strides = array<i32>} : memref<50x128xi32, #tpu.memory_space<vmem>>, vector<1x16xi32>,
      %get3A_319 = vector.shape_cast %get3A_318 : vector<1x16xi32> to vector<16xi32>
      %sub3A_320 = arith.constant 50000 : i32
      %sub3A_321 = vector.broadcast %sub3A_320 : i32 to vector<16xi32>
      %sub3A_322 = arith.subi %get3A_319, %sub3A_321 : vector<16xi32>
      %shift_right_arithmetic3A_323 = arith.constant 31 : i32
      %shift_right_arithmetic3A_324 = vector.broadcast %shift_right_arithmetic3A_323 : i32 to vector<16xi32>
      %shift_right_arithmetic3A_325 = arith.shrsi %sub3A_322, %shift_right_arithmetic3A_324 : vector<16xi32>
      %add3A_326 = arith.constant 1 : i32
      %add3A_327 = vector.broadcast %add3A_326 : i32 to vector<16xi32>
      %add3A_328 = arith.addi %shift_right_arithmetic3A_325, %add3A_327 : vector<16xi32>
      %mul3A_329 = arith.constant 50000 : i32
      %mul3A_330 = vector.broadcast %mul3A_329 : i32 to vector<16xi32>
      %mul3A_331 = arith.muli %add3A_328, %mul3A_330 : vector<16xi32>
      %sub3A_332 = arith.subi %get3A_319, %mul3A_331 : vector<16xi32>
      %mul3A_333 = arith.constant 128 : i32
      %mul3A_334 = vector.broadcast %mul3A_333 : i32 to vector<16xi32>
      %mul3A_335 = arith.muli %sub3A_332, %mul3A_334 : vector<16xi32>
      %add3A_336 = vector.broadcast %scan3A_155 : i32 to vector<16xi32>
      %add3A_337 = arith.addi %mul3A_335, %add3A_336 : vector<16xi32>
      %swap3A_338 = arith.index_cast %scan3A_155 : i32 to index
      %swap3A_339 = arith.constant 96 : index
      %swap3A_340 = tpu.vector_load %arg7[%swap3A_338, %swap3A_339] {strides = array<i32>} : memref<50x128xi32, #tpu.memory_space<vmem>>, vector<1x16xi32>,
      %swap3A_341 = vector.shape_cast %swap3A_340 : vector<1x16xi32> to vector<16xi32>
      %swap3A_342 = vector.shape_cast %add3A_337 : vector<16xi32> to vector<1x16xi32>
      tpu.vector_store %arg7[%swap3A_338, %swap3A_339], %swap3A_342 {strides = array<i32>} : memref<50x128xi32, #tpu.memory_space<vmem>>, vector<1x16xi32>,
      %get3A_343 = arith.index_cast %scan3A_155 : i32 to index
      %get3A_344 = arith.constant 112 : index
      %get3A_345 = tpu.vector_load %arg6[%get3A_343, %get3A_344] {strides = array<i32>} : memref<50x128xi32, #tpu.memory_space<vmem>>, vector<1x16xi32>,
      %get3A_346 = vector.shape_cast %get3A_345 : vector<1x16xi32> to vector<16xi32>
      %sub3A_347 = arith.constant 50000 : i32
      %sub3A_348 = vector.broadcast %sub3A_347 : i32 to vector<16xi32>
      %sub3A_349 = arith.subi %get3A_346, %sub3A_348 : vector<16xi32>
      %shift_right_arithmetic3A_350 = arith.constant 31 : i32
      %shift_right_arithmetic3A_351 = vector.broadcast %shift_right_arithmetic3A_350 : i32 to vector<16xi32>
      %shift_right_arithmetic3A_352 = arith.shrsi %sub3A_349, %shift_right_arithmetic3A_351 : vector<16xi32>
      %add3A_353 = arith.constant 1 : i32
      %add3A_354 = vector.broadcast %add3A_353 : i32 to vector<16xi32>
      %add3A_355 = arith.addi %shift_right_arithmetic3A_352, %add3A_354 : vector<16xi32>
      %mul3A_356 = arith.constant 50000 : i32
      %mul3A_357 = vector.broadcast %mul3A_356 : i32 to vector<16xi32>
      %mul3A_358 = arith.muli %add3A_355, %mul3A_357 : vector<16xi32>
      %sub3A_359 = arith.subi %get3A_346, %mul3A_358 : vector<16xi32>
      %mul3A_360 = arith.constant 128 : i32
      %mul3A_361 = vector.broadcast %mul3A_360 : i32 to vector<16xi32>
      %mul3A_362 = arith.muli %sub3A_359, %mul3A_361 : vector<16xi32>
      %add3A_363 = vector.broadcast %scan3A_155 : i32 to vector<16xi32>
      %add3A_364 = arith.addi %mul3A_362, %add3A_363 : vector<16xi32>
      %swap3A_365 = arith.index_cast %scan3A_155 : i32 to index
      %swap3A_366 = arith.constant 112 : index
      %swap3A_367 = tpu.vector_load %arg7[%swap3A_365, %swap3A_366] {strides = array<i32>} : memref<50x128xi32, #tpu.memory_space<vmem>>, vector<1x16xi32>,
      %swap3A_368 = vector.shape_cast %swap3A_367 : vector<1x16xi32> to vector<16xi32>
      %swap3A_369 = vector.shape_cast %add3A_364 : vector<16xi32> to vector<1x16xi32>
      tpu.vector_store %arg7[%swap3A_365, %swap3A_366], %swap3A_369 {strides = array<i32>} : memref<50x128xi32, #tpu.memory_space<vmem>>, vector<1x16xi32>,
    }
    %scan3A_19 = arith.constant 10 : i32
    %scan3A_20 = arith.constant 0 : i32
    %scan3A_21 = arith.constant 10 : i32
    %scan3A_22 = arith.constant 10 : i32
    %scan3A_23 = arith.addi %scan3A_21, %scan3A_22 : i32
    %scan3A_24 = arith.constant 1 : i32
    scf.for %scan3A_155 = %scan3A_21 to %scan3A_23 step %scan3A_24  : i32 {
      %dma_start3A = arith.constant 1 : i32
      %dma_start3A_156 = arith.constant 0 : i32
      %dma_start3A_157 = tpu.memref_slice %arg8[%scan3A_155, %dma_start3A_156] : memref<50x128xf32, #tpu.memory_space<vmem>> -> memref<1x128xf32, #tpu.memory_space<vmem>>
      %dma_start3A_158 = tpu.memref_squeeze %dma_start3A_157 : memref<1x128xf32, #tpu.memory_space<vmem>> -> memref<128xf32, #tpu.memory_space<vmem>>
      %dma_start3A_159 = arith.constant 0 : i32
      %dma_start3A_160 = tpu.memref_slice %arg7[%scan3A_155, %dma_start3A_159] : memref<50x128xi32, #tpu.memory_space<vmem>> -> memref<1x128xi32, #tpu.memory_space<vmem>>
      %dma_start3A_161 = tpu.memref_squeeze %dma_start3A_160 : memref<1x128xi32, #tpu.memory_space<vmem>> -> memref<128xi32, #tpu.memory_space<vmem>>
      %dma_start3A_162 = arith.constant 0 : i32
      %dma_start3A_163 = tpu.memref_slice %arg3[%dma_start3A_162] : memref<6400000xf32, #tpu.memory_space<hbm>> -> memref<6400000xf32, #tpu.memory_space<hbm>>
      %dma_start3A_164 = tpu.memref_slice %arg11[%dma_start3A] : memref<5x!tpu.dma_semaphore, #tpu.memory_space<semaphore_mem>> -> memref<1x!tpu.dma_semaphore, #tpu.memory_space<semaphore_mem>>
      %dma_start3A_165 = tpu.memref_squeeze %dma_start3A_164 : memref<1x!tpu.dma_semaphore, #tpu.memory_space<semaphore_mem>> -> memref<!tpu.dma_semaphore, #tpu.memory_space<semaphore_mem>>
      tpu.enqueue_indirect_dma source(%dma_start3A_163 : memref<6400000xf32, #tpu.memory_space<hbm>>) target(%dma_start3A_158 : memref<128xf32, #tpu.memory_space<vmem>>) offsets(%dma_start3A_161 : memref<128xi32, #tpu.memory_space<vmem>>) semaphore(%dma_start3A_165 : memref<!tpu.dma_semaphore, #tpu.memory_space<semaphore_mem>>)
    }
    %scan3A_25 = arith.constant 10 : i32
    %scan3A_26 = arith.constant 0 : i32
    %scan3A_27 = arith.constant 20 : i32
    %scan3A_28 = arith.constant 10 : i32
    %scan3A_29 = arith.addi %scan3A_27, %scan3A_28 : i32
    %scan3A_30 = arith.constant 1 : i32
    scf.for %scan3A_155 = %scan3A_27 to %scan3A_29 step %scan3A_30  : i32 {
      %get3A_156 = arith.index_cast %scan3A_155 : i32 to index
      %get3A_157 = arith.constant 0 : index
      %get3A_158 = tpu.vector_load %arg6[%get3A_156, %get3A_157] {strides = array<i32>} : memref<50x128xi32, #tpu.memory_space<vmem>>, vector<1x16xi32>,
      %get3A_159 = vector.shape_cast %get3A_158 : vector<1x16xi32> to vector<16xi32>
      %sub3A = arith.constant 50000 : i32
      %sub3A_160 = vector.broadcast %sub3A : i32 to vector<16xi32>
      %sub3A_161 = arith.subi %get3A_159, %sub3A_160 : vector<16xi32>
      %shift_right_arithmetic3A = arith.constant 31 : i32
      %shift_right_arithmetic3A_162 = vector.broadcast %shift_right_arithmetic3A : i32 to vector<16xi32>
      %shift_right_arithmetic3A_163 = arith.shrsi %sub3A_161, %shift_right_arithmetic3A_162 : vector<16xi32>
      %add3A_164 = arith.constant 1 : i32
      %add3A_165 = vector.broadcast %add3A_164 : i32 to vector<16xi32>
      %add3A_166 = arith.addi %shift_right_arithmetic3A_163, %add3A_165 : vector<16xi32>
      %mul3A_167 = arith.constant 50000 : i32
      %mul3A_168 = vector.broadcast %mul3A_167 : i32 to vector<16xi32>
      %mul3A_169 = arith.muli %add3A_166, %mul3A_168 : vector<16xi32>
      %sub3A_170 = arith.subi %get3A_159, %mul3A_169 : vector<16xi32>
      %mul3A_171 = arith.constant 128 : i32
      %mul3A_172 = vector.broadcast %mul3A_171 : i32 to vector<16xi32>
      %mul3A_173 = arith.muli %sub3A_170, %mul3A_172 : vector<16xi32>
      %add3A_174 = vector.broadcast %scan3A_155 : i32 to vector<16xi32>
      %add3A_175 = arith.addi %mul3A_173, %add3A_174 : vector<16xi32>
      %swap3A_176 = arith.index_cast %scan3A_155 : i32 to index
      %swap3A_177 = arith.constant 0 : index
      %swap3A_178 = tpu.vector_load %arg7[%swap3A_176, %swap3A_177] {strides = array<i32>} : memref<50x128xi32, #tpu.memory_space<vmem>>, vector<1x16xi32>,
      %swap3A_179 = vector.shape_cast %swap3A_178 : vector<1x16xi32> to vector<16xi32>
      %swap3A_180 = vector.shape_cast %add3A_175 : vector<16xi32> to vector<1x16xi32>
      tpu.vector_store %arg7[%swap3A_176, %swap3A_177], %swap3A_180 {strides = array<i32>} : memref<50x128xi32, #tpu.memory_space<vmem>>, vector<1x16xi32>,
      %get3A_181 = arith.index_cast %scan3A_155 : i32 to index
      %get3A_182 = arith.constant 16 : index
      %get3A_183 = tpu.vector_load %arg6[%get3A_181, %get3A_182] {strides = array<i32>} : memref<50x128xi32, #tpu.memory_space<vmem>>, vector<1x16xi32>,
      %get3A_184 = vector.shape_cast %get3A_183 : vector<1x16xi32> to vector<16xi32>
      %sub3A_185 = arith.constant 50000 : i32
      %sub3A_186 = vector.broadcast %sub3A_185 : i32 to vector<16xi32>
      %sub3A_187 = arith.subi %get3A_184, %sub3A_186 : vector<16xi32>
      %shift_right_arithmetic3A_188 = arith.constant 31 : i32
      %shift_right_arithmetic3A_189 = vector.broadcast %shift_right_arithmetic3A_188 : i32 to vector<16xi32>
      %shift_right_arithmetic3A_190 = arith.shrsi %sub3A_187, %shift_right_arithmetic3A_189 : vector<16xi32>
      %add3A_191 = arith.constant 1 : i32
      %add3A_192 = vector.broadcast %add3A_191 : i32 to vector<16xi32>
      %add3A_193 = arith.addi %shift_right_arithmetic3A_190, %add3A_192 : vector<16xi32>
      %mul3A_194 = arith.constant 50000 : i32
      %mul3A_195 = vector.broadcast %mul3A_194 : i32 to vector<16xi32>
      %mul3A_196 = arith.muli %add3A_193, %mul3A_195 : vector<16xi32>
      %sub3A_197 = arith.subi %get3A_184, %mul3A_196 : vector<16xi32>
      %mul3A_198 = arith.constant 128 : i32
      %mul3A_199 = vector.broadcast %mul3A_198 : i32 to vector<16xi32>
      %mul3A_200 = arith.muli %sub3A_197, %mul3A_199 : vector<16xi32>
      %add3A_201 = vector.broadcast %scan3A_155 : i32 to vector<16xi32>
      %add3A_202 = arith.addi %mul3A_200, %add3A_201 : vector<16xi32>
      %swap3A_203 = arith.index_cast %scan3A_155 : i32 to index
      %swap3A_204 = arith.constant 16 : index
      %swap3A_205 = tpu.vector_load %arg7[%swap3A_203, %swap3A_204] {strides = array<i32>} : memref<50x128xi32, #tpu.memory_space<vmem>>, vector<1x16xi32>,
      %swap3A_206 = vector.shape_cast %swap3A_205 : vector<1x16xi32> to vector<16xi32>
      %swap3A_207 = vector.shape_cast %add3A_202 : vector<16xi32> to vector<1x16xi32>
      tpu.vector_store %arg7[%swap3A_203, %swap3A_204], %swap3A_207 {strides = array<i32>} : memref<50x128xi32, #tpu.memory_space<vmem>>, vector<1x16xi32>,
      %get3A_208 = arith.index_cast %scan3A_155 : i32 to index
      %get3A_209 = arith.constant 32 : index
      %get3A_210 = tpu.vector_load %arg6[%get3A_208, %get3A_209] {strides = array<i32>} : memref<50x128xi32, #tpu.memory_space<vmem>>, vector<1x16xi32>,
      %get3A_211 = vector.shape_cast %get3A_210 : vector<1x16xi32> to vector<16xi32>
      %sub3A_212 = arith.constant 50000 : i32
      %sub3A_213 = vector.broadcast %sub3A_212 : i32 to vector<16xi32>
      %sub3A_214 = arith.subi %get3A_211, %sub3A_213 : vector<16xi32>
      %shift_right_arithmetic3A_215 = arith.constant 31 : i32
      %shift_right_arithmetic3A_216 = vector.broadcast %shift_right_arithmetic3A_215 : i32 to vector<16xi32>
      %shift_right_arithmetic3A_217 = arith.shrsi %sub3A_214, %shift_right_arithmetic3A_216 : vector<16xi32>
      %add3A_218 = arith.constant 1 : i32
      %add3A_219 = vector.broadcast %add3A_218 : i32 to vector<16xi32>
      %add3A_220 = arith.addi %shift_right_arithmetic3A_217, %add3A_219 : vector<16xi32>
      %mul3A_221 = arith.constant 50000 : i32
      %mul3A_222 = vector.broadcast %mul3A_221 : i32 to vector<16xi32>
      %mul3A_223 = arith.muli %add3A_220, %mul3A_222 : vector<16xi32>
      %sub3A_224 = arith.subi %get3A_211, %mul3A_223 : vector<16xi32>
      %mul3A_225 = arith.constant 128 : i32
      %mul3A_226 = vector.broadcast %mul3A_225 : i32 to vector<16xi32>
      %mul3A_227 = arith.muli %sub3A_224, %mul3A_226 : vector<16xi32>
      %add3A_228 = vector.broadcast %scan3A_155 : i32 to vector<16xi32>
      %add3A_229 = arith.addi %mul3A_227, %add3A_228 : vector<16xi32>
      %swap3A_230 = arith.index_cast %scan3A_155 : i32 to index
      %swap3A_231 = arith.constant 32 : index
      %swap3A_232 = tpu.vector_load %arg7[%swap3A_230, %swap3A_231] {strides = array<i32>} : memref<50x128xi32, #tpu.memory_space<vmem>>, vector<1x16xi32>,
      %swap3A_233 = vector.shape_cast %swap3A_232 : vector<1x16xi32> to vector<16xi32>
      %swap3A_234 = vector.shape_cast %add3A_229 : vector<16xi32> to vector<1x16xi32>
      tpu.vector_store %arg7[%swap3A_230, %swap3A_231], %swap3A_234 {strides = array<i32>} : memref<50x128xi32, #tpu.memory_space<vmem>>, vector<1x16xi32>,
      %get3A_235 = arith.index_cast %scan3A_155 : i32 to index
      %get3A_236 = arith.constant 48 : index
      %get3A_237 = tpu.vector_load %arg6[%get3A_235, %get3A_236] {strides = array<i32>} : memref<50x128xi32, #tpu.memory_space<vmem>>, vector<1x16xi32>,
      %get3A_238 = vector.shape_cast %get3A_237 : vector<1x16xi32> to vector<16xi32>
      %sub3A_239 = arith.constant 50000 : i32
      %sub3A_240 = vector.broadcast %sub3A_239 : i32 to vector<16xi32>
      %sub3A_241 = arith.subi %get3A_238, %sub3A_240 : vector<16xi32>
      %shift_right_arithmetic3A_242 = arith.constant 31 : i32
      %shift_right_arithmetic3A_243 = vector.broadcast %shift_right_arithmetic3A_242 : i32 to vector<16xi32>
      %shift_right_arithmetic3A_244 = arith.shrsi %sub3A_241, %shift_right_arithmetic3A_243 : vector<16xi32>
      %add3A_245 = arith.constant 1 : i32
      %add3A_246 = vector.broadcast %add3A_245 : i32 to vector<16xi32>
      %add3A_247 = arith.addi %shift_right_arithmetic3A_244, %add3A_246 : vector<16xi32>
      %mul3A_248 = arith.constant 50000 : i32
      %mul3A_249 = vector.broadcast %mul3A_248 : i32 to vector<16xi32>
      %mul3A_250 = arith.muli %add3A_247, %mul3A_249 : vector<16xi32>
      %sub3A_251 = arith.subi %get3A_238, %mul3A_250 : vector<16xi32>
      %mul3A_252 = arith.constant 128 : i32
      %mul3A_253 = vector.broadcast %mul3A_252 : i32 to vector<16xi32>
      %mul3A_254 = arith.muli %sub3A_251, %mul3A_253 : vector<16xi32>
      %add3A_255 = vector.broadcast %scan3A_155 : i32 to vector<16xi32>
      %add3A_256 = arith.addi %mul3A_254, %add3A_255 : vector<16xi32>
      %swap3A_257 = arith.index_cast %scan3A_155 : i32 to index
      %swap3A_258 = arith.constant 48 : index
      %swap3A_259 = tpu.vector_load %arg7[%swap3A_257, %swap3A_258] {strides = array<i32>} : memref<50x128xi32, #tpu.memory_space<vmem>>, vector<1x16xi32>,
      %swap3A_260 = vector.shape_cast %swap3A_259 : vector<1x16xi32> to vector<16xi32>
      %swap3A_261 = vector.shape_cast %add3A_256 : vector<16xi32> to vector<1x16xi32>
      tpu.vector_store %arg7[%swap3A_257, %swap3A_258], %swap3A_261 {strides = array<i32>} : memref<50x128xi32, #tpu.memory_space<vmem>>, vector<1x16xi32>,
      %get3A_262 = arith.index_cast %scan3A_155 : i32 to index
      %get3A_263 = arith.constant 64 : index
      %get3A_264 = tpu.vector_load %arg6[%get3A_262, %get3A_263] {strides = array<i32>} : memref<50x128xi32, #tpu.memory_space<vmem>>, vector<1x16xi32>,
      %get3A_265 = vector.shape_cast %get3A_264 : vector<1x16xi32> to vector<16xi32>
      %sub3A_266 = arith.constant 50000 : i32
      %sub3A_267 = vector.broadcast %sub3A_266 : i32 to vector<16xi32>
      %sub3A_268 = arith.subi %get3A_265, %sub3A_267 : vector<16xi32>
      %shift_right_arithmetic3A_269 = arith.constant 31 : i32
      %shift_right_arithmetic3A_270 = vector.broadcast %shift_right_arithmetic3A_269 : i32 to vector<16xi32>
      %shift_right_arithmetic3A_271 = arith.shrsi %sub3A_268, %shift_right_arithmetic3A_270 : vector<16xi32>
      %add3A_272 = arith.constant 1 : i32
      %add3A_273 = vector.broadcast %add3A_272 : i32 to vector<16xi32>
      %add3A_274 = arith.addi %shift_right_arithmetic3A_271, %add3A_273 : vector<16xi32>
      %mul3A_275 = arith.constant 50000 : i32
      %mul3A_276 = vector.broadcast %mul3A_275 : i32 to vector<16xi32>
      %mul3A_277 = arith.muli %add3A_274, %mul3A_276 : vector<16xi32>
      %sub3A_278 = arith.subi %get3A_265, %mul3A_277 : vector<16xi32>
      %mul3A_279 = arith.constant 128 : i32
      %mul3A_280 = vector.broadcast %mul3A_279 : i32 to vector<16xi32>
      %mul3A_281 = arith.muli %sub3A_278, %mul3A_280 : vector<16xi32>
      %add3A_282 = vector.broadcast %scan3A_155 : i32 to vector<16xi32>
      %add3A_283 = arith.addi %mul3A_281, %add3A_282 : vector<16xi32>
      %swap3A_284 = arith.index_cast %scan3A_155 : i32 to index
      %swap3A_285 = arith.constant 64 : index
      %swap3A_286 = tpu.vector_load %arg7[%swap3A_284, %swap3A_285] {strides = array<i32>} : memref<50x128xi32, #tpu.memory_space<vmem>>, vector<1x16xi32>,
      %swap3A_287 = vector.shape_cast %swap3A_286 : vector<1x16xi32> to vector<16xi32>
      %swap3A_288 = vector.shape_cast %add3A_283 : vector<16xi32> to vector<1x16xi32>
      tpu.vector_store %arg7[%swap3A_284, %swap3A_285], %swap3A_288 {strides = array<i32>} : memref<50x128xi32, #tpu.memory_space<vmem>>, vector<1x16xi32>,
      %get3A_289 = arith.index_cast %scan3A_155 : i32 to index
      %get3A_290 = arith.constant 80 : index
      %get3A_291 = tpu.vector_load %arg6[%get3A_289, %get3A_290] {strides = array<i32>} : memref<50x128xi32, #tpu.memory_space<vmem>>, vector<1x16xi32>,
      %get3A_292 = vector.shape_cast %get3A_291 : vector<1x16xi32> to vector<16xi32>
      %sub3A_293 = arith.constant 50000 : i32
      %sub3A_294 = vector.broadcast %sub3A_293 : i32 to vector<16xi32>
      %sub3A_295 = arith.subi %get3A_292, %sub3A_294 : vector<16xi32>
      %shift_right_arithmetic3A_296 = arith.constant 31 : i32
      %shift_right_arithmetic3A_297 = vector.broadcast %shift_right_arithmetic3A_296 : i32 to vector<16xi32>
      %shift_right_arithmetic3A_298 = arith.shrsi %sub3A_295, %shift_right_arithmetic3A_297 : vector<16xi32>
      %add3A_299 = arith.constant 1 : i32
      %add3A_300 = vector.broadcast %add3A_299 : i32 to vector<16xi32>
      %add3A_301 = arith.addi %shift_right_arithmetic3A_298, %add3A_300 : vector<16xi32>
      %mul3A_302 = arith.constant 50000 : i32
      %mul3A_303 = vector.broadcast %mul3A_302 : i32 to vector<16xi32>
      %mul3A_304 = arith.muli %add3A_301, %mul3A_303 : vector<16xi32>
      %sub3A_305 = arith.subi %get3A_292, %mul3A_304 : vector<16xi32>
      %mul3A_306 = arith.constant 128 : i32
      %mul3A_307 = vector.broadcast %mul3A_306 : i32 to vector<16xi32>
      %mul3A_308 = arith.muli %sub3A_305, %mul3A_307 : vector<16xi32>
      %add3A_309 = vector.broadcast %scan3A_155 : i32 to vector<16xi32>
      %add3A_310 = arith.addi %mul3A_308, %add3A_309 : vector<16xi32>
      %swap3A_311 = arith.index_cast %scan3A_155 : i32 to index
      %swap3A_312 = arith.constant 80 : index
      %swap3A_313 = tpu.vector_load %arg7[%swap3A_311, %swap3A_312] {strides = array<i32>} : memref<50x128xi32, #tpu.memory_space<vmem>>, vector<1x16xi32>,
      %swap3A_314 = vector.shape_cast %swap3A_313 : vector<1x16xi32> to vector<16xi32>
      %swap3A_315 = vector.shape_cast %add3A_310 : vector<16xi32> to vector<1x16xi32>
      tpu.vector_store %arg7[%swap3A_311, %swap3A_312], %swap3A_315 {strides = array<i32>} : memref<50x128xi32, #tpu.memory_space<vmem>>, vector<1x16xi32>,
      %get3A_316 = arith.index_cast %scan3A_155 : i32 to index
      %get3A_317 = arith.constant 96 : index
      %get3A_318 = tpu.vector_load %arg6[%get3A_316, %get3A_317] {strides = array<i32>} : memref<50x128xi32, #tpu.memory_space<vmem>>, vector<1x16xi32>,
      %get3A_319 = vector.shape_cast %get3A_318 : vector<1x16xi32> to vector<16xi32>
      %sub3A_320 = arith.constant 50000 : i32
      %sub3A_321 = vector.broadcast %sub3A_320 : i32 to vector<16xi32>
      %sub3A_322 = arith.subi %get3A_319, %sub3A_321 : vector<16xi32>
      %shift_right_arithmetic3A_323 = arith.constant 31 : i32
      %shift_right_arithmetic3A_324 = vector.broadcast %shift_right_arithmetic3A_323 : i32 to vector<16xi32>
      %shift_right_arithmetic3A_325 = arith.shrsi %sub3A_322, %shift_right_arithmetic3A_324 : vector<16xi32>
      %add3A_326 = arith.constant 1 : i32
      %add3A_327 = vector.broadcast %add3A_326 : i32 to vector<16xi32>
      %add3A_328 = arith.addi %shift_right_arithmetic3A_325, %add3A_327 : vector<16xi32>
      %mul3A_329 = arith.constant 50000 : i32
      %mul3A_330 = vector.broadcast %mul3A_329 : i32 to vector<16xi32>
      %mul3A_331 = arith.muli %add3A_328, %mul3A_330 : vector<16xi32>
      %sub3A_332 = arith.subi %get3A_319, %mul3A_331 : vector<16xi32>
      %mul3A_333 = arith.constant 128 : i32
      %mul3A_334 = vector.broadcast %mul3A_333 : i32 to vector<16xi32>
      %mul3A_335 = arith.muli %sub3A_332, %mul3A_334 : vector<16xi32>
      %add3A_336 = vector.broadcast %scan3A_155 : i32 to vector<16xi32>
      %add3A_337 = arith.addi %mul3A_335, %add3A_336 : vector<16xi32>
      %swap3A_338 = arith.index_cast %scan3A_155 : i32 to index
      %swap3A_339 = arith.constant 96 : index
      %swap3A_340 = tpu.vector_load %arg7[%swap3A_338, %swap3A_339] {strides = array<i32>} : memref<50x128xi32, #tpu.memory_space<vmem>>, vector<1x16xi32>,
      %swap3A_341 = vector.shape_cast %swap3A_340 : vector<1x16xi32> to vector<16xi32>
      %swap3A_342 = vector.shape_cast %add3A_337 : vector<16xi32> to vector<1x16xi32>
      tpu.vector_store %arg7[%swap3A_338, %swap3A_339], %swap3A_342 {strides = array<i32>} : memref<50x128xi32, #tpu.memory_space<vmem>>, vector<1x16xi32>,
      %get3A_343 = arith.index_cast %scan3A_155 : i32 to index
      %get3A_344 = arith.constant 112 : index
      %get3A_345 = tpu.vector_load %arg6[%get3A_343, %get3A_344] {strides = array<i32>} : memref<50x128xi32, #tpu.memory_space<vmem>>, vector<1x16xi32>,
      %get3A_346 = vector.shape_cast %get3A_345 : vector<1x16xi32> to vector<16xi32>
      %sub3A_347 = arith.constant 50000 : i32
      %sub3A_348 = vector.broadcast %sub3A_347 : i32 to vector<16xi32>
      %sub3A_349 = arith.subi %get3A_346, %sub3A_348 : vector<16xi32>
      %shift_right_arithmetic3A_350 = arith.constant 31 : i32
      %shift_right_arithmetic3A_351 = vector.broadcast %shift_right_arithmetic3A_350 : i32 to vector<16xi32>
      %shift_right_arithmetic3A_352 = arith.shrsi %sub3A_349, %shift_right_arithmetic3A_351 : vector<16xi32>
      %add3A_353 = arith.constant 1 : i32
      %add3A_354 = vector.broadcast %add3A_353 : i32 to vector<16xi32>
      %add3A_355 = arith.addi %shift_right_arithmetic3A_352, %add3A_354 : vector<16xi32>
      %mul3A_356 = arith.constant 50000 : i32
      %mul3A_357 = vector.broadcast %mul3A_356 : i32 to vector<16xi32>
      %mul3A_358 = arith.muli %add3A_355, %mul3A_357 : vector<16xi32>
      %sub3A_359 = arith.subi %get3A_346, %mul3A_358 : vector<16xi32>
      %mul3A_360 = arith.constant 128 : i32
      %mul3A_361 = vector.broadcast %mul3A_360 : i32 to vector<16xi32>
      %mul3A_362 = arith.muli %sub3A_359, %mul3A_361 : vector<16xi32>
      %add3A_363 = vector.broadcast %scan3A_155 : i32 to vector<16xi32>
      %add3A_364 = arith.addi %mul3A_362, %add3A_363 : vector<16xi32>
      %swap3A_365 = arith.index_cast %scan3A_155 : i32 to index
      %swap3A_366 = arith.constant 112 : index
      %swap3A_367 = tpu.vector_load %arg7[%swap3A_365, %swap3A_366] {strides = array<i32>} : memref<50x128xi32, #tpu.memory_space<vmem>>, vector<1x16xi32>,
      %swap3A_368 = vector.shape_cast %swap3A_367 : vector<1x16xi32> to vector<16xi32>
      %swap3A_369 = vector.shape_cast %add3A_364 : vector<16xi32> to vector<1x16xi32>
      tpu.vector_store %arg7[%swap3A_365, %swap3A_366], %swap3A_369 {strides = array<i32>} : memref<50x128xi32, #tpu.memory_space<vmem>>, vector<1x16xi32>,
    }
    %scan3A_31 = arith.constant 10 : i32
    %scan3A_32 = arith.constant 0 : i32
    %scan3A_33 = arith.constant 20 : i32
    %scan3A_34 = arith.constant 10 : i32
    %scan3A_35 = arith.addi %scan3A_33, %scan3A_34 : i32
    %scan3A_36 = arith.constant 1 : i32
    scf.for %scan3A_155 = %scan3A_33 to %scan3A_35 step %scan3A_36  : i32 {
      %dma_start3A = arith.constant 2 : i32
      %dma_start3A_156 = arith.constant 0 : i32
      %dma_start3A_157 = tpu.memref_slice %arg8[%scan3A_155, %dma_start3A_156] : memref<50x128xf32, #tpu.memory_space<vmem>> -> memref<1x128xf32, #tpu.memory_space<vmem>>
      %dma_start3A_158 = tpu.memref_squeeze %dma_start3A_157 : memref<1x128xf32, #tpu.memory_space<vmem>> -> memref<128xf32, #tpu.memory_space<vmem>>
      %dma_start3A_159 = arith.constant 0 : i32
      %dma_start3A_160 = tpu.memref_slice %arg7[%scan3A_155, %dma_start3A_159] : memref<50x128xi32, #tpu.memory_space<vmem>> -> memref<1x128xi32, #tpu.memory_space<vmem>>
      %dma_start3A_161 = tpu.memref_squeeze %dma_start3A_160 : memref<1x128xi32, #tpu.memory_space<vmem>> -> memref<128xi32, #tpu.memory_space<vmem>>
      %dma_start3A_162 = arith.constant 0 : i32
      %dma_start3A_163 = tpu.memref_slice %arg3[%dma_start3A_162] : memref<6400000xf32, #tpu.memory_space<hbm>> -> memref<6400000xf32, #tpu.memory_space<hbm>>
      %dma_start3A_164 = tpu.memref_slice %arg11[%dma_start3A] : memref<5x!tpu.dma_semaphore, #tpu.memory_space<semaphore_mem>> -> memref<1x!tpu.dma_semaphore, #tpu.memory_space<semaphore_mem>>
      %dma_start3A_165 = tpu.memref_squeeze %dma_start3A_164 : memref<1x!tpu.dma_semaphore, #tpu.memory_space<semaphore_mem>> -> memref<!tpu.dma_semaphore, #tpu.memory_space<semaphore_mem>>
      tpu.enqueue_indirect_dma source(%dma_start3A_163 : memref<6400000xf32, #tpu.memory_space<hbm>>) target(%dma_start3A_158 : memref<128xf32, #tpu.memory_space<vmem>>) offsets(%dma_start3A_161 : memref<128xi32, #tpu.memory_space<vmem>>) semaphore(%dma_start3A_165 : memref<!tpu.dma_semaphore, #tpu.memory_space<semaphore_mem>>)
    }
    %scan3A_37 = arith.constant 10 : i32
    %scan3A_38 = arith.constant 0 : i32
    %scan3A_39 = arith.constant 30 : i32
    %scan3A_40 = arith.constant 10 : i32
    %scan3A_41 = arith.addi %scan3A_39, %scan3A_40 : i32
    %scan3A_42 = arith.constant 1 : i32
    scf.for %scan3A_155 = %scan3A_39 to %scan3A_41 step %scan3A_42  : i32 {
      %get3A_156 = arith.index_cast %scan3A_155 : i32 to index
      %get3A_157 = arith.constant 0 : index
      %get3A_158 = tpu.vector_load %arg6[%get3A_156, %get3A_157] {strides = array<i32>} : memref<50x128xi32, #tpu.memory_space<vmem>>, vector<1x16xi32>,
      %get3A_159 = vector.shape_cast %get3A_158 : vector<1x16xi32> to vector<16xi32>
      %sub3A = arith.constant 50000 : i32
      %sub3A_160 = vector.broadcast %sub3A : i32 to vector<16xi32>
      %sub3A_161 = arith.subi %get3A_159, %sub3A_160 : vector<16xi32>
      %shift_right_arithmetic3A = arith.constant 31 : i32
      %shift_right_arithmetic3A_162 = vector.broadcast %shift_right_arithmetic3A : i32 to vector<16xi32>
      %shift_right_arithmetic3A_163 = arith.shrsi %sub3A_161, %shift_right_arithmetic3A_162 : vector<16xi32>
      %add3A_164 = arith.constant 1 : i32
      %add3A_165 = vector.broadcast %add3A_164 : i32 to vector<16xi32>
      %add3A_166 = arith.addi %shift_right_arithmetic3A_163, %add3A_165 : vector<16xi32>
      %mul3A_167 = arith.constant 50000 : i32
      %mul3A_168 = vector.broadcast %mul3A_167 : i32 to vector<16xi32>
      %mul3A_169 = arith.muli %add3A_166, %mul3A_168 : vector<16xi32>
      %sub3A_170 = arith.subi %get3A_159, %mul3A_169 : vector<16xi32>
      %mul3A_171 = arith.constant 128 : i32
      %mul3A_172 = vector.broadcast %mul3A_171 : i32 to vector<16xi32>
      %mul3A_173 = arith.muli %sub3A_170, %mul3A_172 : vector<16xi32>
      %add3A_174 = vector.broadcast %scan3A_155 : i32 to vector<16xi32>
      %add3A_175 = arith.addi %mul3A_173, %add3A_174 : vector<16xi32>
      %swap3A_176 = arith.index_cast %scan3A_155 : i32 to index
      %swap3A_177 = arith.constant 0 : index
      %swap3A_178 = tpu.vector_load %arg7[%swap3A_176, %swap3A_177] {strides = array<i32>} : memref<50x128xi32, #tpu.memory_space<vmem>>, vector<1x16xi32>,
      %swap3A_179 = vector.shape_cast %swap3A_178 : vector<1x16xi32> to vector<16xi32>
      %swap3A_180 = vector.shape_cast %add3A_175 : vector<16xi32> to vector<1x16xi32>
      tpu.vector_store %arg7[%swap3A_176, %swap3A_177], %swap3A_180 {strides = array<i32>} : memref<50x128xi32, #tpu.memory_space<vmem>>, vector<1x16xi32>,
      %get3A_181 = arith.index_cast %scan3A_155 : i32 to index
      %get3A_182 = arith.constant 16 : index
      %get3A_183 = tpu.vector_load %arg6[%get3A_181, %get3A_182] {strides = array<i32>} : memref<50x128xi32, #tpu.memory_space<vmem>>, vector<1x16xi32>,
      %get3A_184 = vector.shape_cast %get3A_183 : vector<1x16xi32> to vector<16xi32>
      %sub3A_185 = arith.constant 50000 : i32
      %sub3A_186 = vector.broadcast %sub3A_185 : i32 to vector<16xi32>
      %sub3A_187 = arith.subi %get3A_184, %sub3A_186 : vector<16xi32>
      %shift_right_arithmetic3A_188 = arith.constant 31 : i32
      %shift_right_arithmetic3A_189 = vector.broadcast %shift_right_arithmetic3A_188 : i32 to vector<16xi32>
      %shift_right_arithmetic3A_190 = arith.shrsi %sub3A_187, %shift_right_arithmetic3A_189 : vector<16xi32>
      %add3A_191 = arith.constant 1 : i32
      %add3A_192 = vector.broadcast %add3A_191 : i32 to vector<16xi32>
      %add3A_193 = arith.addi %shift_right_arithmetic3A_190, %add3A_192 : vector<16xi32>
      %mul3A_194 = arith.constant 50000 : i32
      %mul3A_195 = vector.broadcast %mul3A_194 : i32 to vector<16xi32>
      %mul3A_196 = arith.muli %add3A_193, %mul3A_195 : vector<16xi32>
      %sub3A_197 = arith.subi %get3A_184, %mul3A_196 : vector<16xi32>
      %mul3A_198 = arith.constant 128 : i32
      %mul3A_199 = vector.broadcast %mul3A_198 : i32 to vector<16xi32>
      %mul3A_200 = arith.muli %sub3A_197, %mul3A_199 : vector<16xi32>
      %add3A_201 = vector.broadcast %scan3A_155 : i32 to vector<16xi32>
      %add3A_202 = arith.addi %mul3A_200, %add3A_201 : vector<16xi32>
      %swap3A_203 = arith.index_cast %scan3A_155 : i32 to index
      %swap3A_204 = arith.constant 16 : index
      %swap3A_205 = tpu.vector_load %arg7[%swap3A_203, %swap3A_204] {strides = array<i32>} : memref<50x128xi32, #tpu.memory_space<vmem>>, vector<1x16xi32>,
      %swap3A_206 = vector.shape_cast %swap3A_205 : vector<1x16xi32> to vector<16xi32>
      %swap3A_207 = vector.shape_cast %add3A_202 : vector<16xi32> to vector<1x16xi32>
      tpu.vector_store %arg7[%swap3A_203, %swap3A_204], %swap3A_207 {strides = array<i32>} : memref<50x128xi32, #tpu.memory_space<vmem>>, vector<1x16xi32>,
      %get3A_208 = arith.index_cast %scan3A_155 : i32 to index
      %get3A_209 = arith.constant 32 : index
      %get3A_210 = tpu.vector_load %arg6[%get3A_208, %get3A_209] {strides = array<i32>} : memref<50x128xi32, #tpu.memory_space<vmem>>, vector<1x16xi32>,
      %get3A_211 = vector.shape_cast %get3A_210 : vector<1x16xi32> to vector<16xi32>
      %sub3A_212 = arith.constant 50000 : i32
      %sub3A_213 = vector.broadcast %sub3A_212 : i32 to vector<16xi32>
      %sub3A_214 = arith.subi %get3A_211, %sub3A_213 : vector<16xi32>
      %shift_right_arithmetic3A_215 = arith.constant 31 : i32
      %shift_right_arithmetic3A_216 = vector.broadcast %shift_right_arithmetic3A_215 : i32 to vector<16xi32>
      %shift_right_arithmetic3A_217 = arith.shrsi %sub3A_214, %shift_right_arithmetic3A_216 : vector<16xi32>
      %add3A_218 = arith.constant 1 : i32
      %add3A_219 = vector.broadcast %add3A_218 : i32 to vector<16xi32>
      %add3A_220 = arith.addi %shift_right_arithmetic3A_217, %add3A_219 : vector<16xi32>
      %mul3A_221 = arith.constant 50000 : i32
      %mul3A_222 = vector.broadcast %mul3A_221 : i32 to vector<16xi32>
      %mul3A_223 = arith.muli %add3A_220, %mul3A_222 : vector<16xi32>
      %sub3A_224 = arith.subi %get3A_211, %mul3A_223 : vector<16xi32>
      %mul3A_225 = arith.constant 128 : i32
      %mul3A_226 = vector.broadcast %mul3A_225 : i32 to vector<16xi32>
      %mul3A_227 = arith.muli %sub3A_224, %mul3A_226 : vector<16xi32>
      %add3A_228 = vector.broadcast %scan3A_155 : i32 to vector<16xi32>
      %add3A_229 = arith.addi %mul3A_227, %add3A_228 : vector<16xi32>
      %swap3A_230 = arith.index_cast %scan3A_155 : i32 to index
      %swap3A_231 = arith.constant 32 : index
      %swap3A_232 = tpu.vector_load %arg7[%swap3A_230, %swap3A_231] {strides = array<i32>} : memref<50x128xi32, #tpu.memory_space<vmem>>, vector<1x16xi32>,
      %swap3A_233 = vector.shape_cast %swap3A_232 : vector<1x16xi32> to vector<16xi32>
      %swap3A_234 = vector.shape_cast %add3A_229 : vector<16xi32> to vector<1x16xi32>
      tpu.vector_store %arg7[%swap3A_230, %swap3A_231], %swap3A_234 {strides = array<i32>} : memref<50x128xi32, #tpu.memory_space<vmem>>, vector<1x16xi32>,
      %get3A_235 = arith.index_cast %scan3A_155 : i32 to index
      %get3A_236 = arith.constant 48 : index
      %get3A_237 = tpu.vector_load %arg6[%get3A_235, %get3A_236] {strides = array<i32>} : memref<50x128xi32, #tpu.memory_space<vmem>>, vector<1x16xi32>,
      %get3A_238 = vector.shape_cast %get3A_237 : vector<1x16xi32> to vector<16xi32>
      %sub3A_239 = arith.constant 50000 : i32
      %sub3A_240 = vector.broadcast %sub3A_239 : i32 to vector<16xi32>
      %sub3A_241 = arith.subi %get3A_238, %sub3A_240 : vector<16xi32>
      %shift_right_arithmetic3A_242 = arith.constant 31 : i32
      %shift_right_arithmetic3A_243 = vector.broadcast %shift_right_arithmetic3A_242 : i32 to vector<16xi32>
      %shift_right_arithmetic3A_244 = arith.shrsi %sub3A_241, %shift_right_arithmetic3A_243 : vector<16xi32>
      %add3A_245 = arith.constant 1 : i32
      %add3A_246 = vector.broadcast %add3A_245 : i32 to vector<16xi32>
      %add3A_247 = arith.addi %shift_right_arithmetic3A_244, %add3A_246 : vector<16xi32>
      %mul3A_248 = arith.constant 50000 : i32
      %mul3A_249 = vector.broadcast %mul3A_248 : i32 to vector<16xi32>
      %mul3A_250 = arith.muli %add3A_247, %mul3A_249 : vector<16xi32>
      %sub3A_251 = arith.subi %get3A_238, %mul3A_250 : vector<16xi32>
      %mul3A_252 = arith.constant 128 : i32
      %mul3A_253 = vector.broadcast %mul3A_252 : i32 to vector<16xi32>
      %mul3A_254 = arith.muli %sub3A_251, %mul3A_253 : vector<16xi32>
      %add3A_255 = vector.broadcast %scan3A_155 : i32 to vector<16xi32>
      %add3A_256 = arith.addi %mul3A_254, %add3A_255 : vector<16xi32>
      %swap3A_257 = arith.index_cast %scan3A_155 : i32 to index
      %swap3A_258 = arith.constant 48 : index
      %swap3A_259 = tpu.vector_load %arg7[%swap3A_257, %swap3A_258] {strides = array<i32>} : memref<50x128xi32, #tpu.memory_space<vmem>>, vector<1x16xi32>,
      %swap3A_260 = vector.shape_cast %swap3A_259 : vector<1x16xi32> to vector<16xi32>
      %swap3A_261 = vector.shape_cast %add3A_256 : vector<16xi32> to vector<1x16xi32>
      tpu.vector_store %arg7[%swap3A_257, %swap3A_258], %swap3A_261 {strides = array<i32>} : memref<50x128xi32, #tpu.memory_space<vmem>>, vector<1x16xi32>,
      %get3A_262 = arith.index_cast %scan3A_155 : i32 to index
      %get3A_263 = arith.constant 64 : index
      %get3A_264 = tpu.vector_load %arg6[%get3A_262, %get3A_263] {strides = array<i32>} : memref<50x128xi32, #tpu.memory_space<vmem>>, vector<1x16xi32>,
      %get3A_265 = vector.shape_cast %get3A_264 : vector<1x16xi32> to vector<16xi32>
      %sub3A_266 = arith.constant 50000 : i32
      %sub3A_267 = vector.broadcast %sub3A_266 : i32 to vector<16xi32>
      %sub3A_268 = arith.subi %get3A_265, %sub3A_267 : vector<16xi32>
      %shift_right_arithmetic3A_269 = arith.constant 31 : i32
      %shift_right_arithmetic3A_270 = vector.broadcast %shift_right_arithmetic3A_269 : i32 to vector<16xi32>
      %shift_right_arithmetic3A_271 = arith.shrsi %sub3A_268, %shift_right_arithmetic3A_270 : vector<16xi32>
      %add3A_272 = arith.constant 1 : i32
      %add3A_273 = vector.broadcast %add3A_272 : i32 to vector<16xi32>
      %add3A_274 = arith.addi %shift_right_arithmetic3A_271, %add3A_273 : vector<16xi32>
      %mul3A_275 = arith.constant 50000 : i32
      %mul3A_276 = vector.broadcast %mul3A_275 : i32 to vector<16xi32>
      %mul3A_277 = arith.muli %add3A_274, %mul3A_276 : vector<16xi32>
      %sub3A_278 = arith.subi %get3A_265, %mul3A_277 : vector<16xi32>
      %mul3A_279 = arith.constant 128 : i32
      %mul3A_280 = vector.broadcast %mul3A_279 : i32 to vector<16xi32>
      %mul3A_281 = arith.muli %sub3A_278, %mul3A_280 : vector<16xi32>
      %add3A_282 = vector.broadcast %scan3A_155 : i32 to vector<16xi32>
      %add3A_283 = arith.addi %mul3A_281, %add3A_282 : vector<16xi32>
      %swap3A_284 = arith.index_cast %scan3A_155 : i32 to index
      %swap3A_285 = arith.constant 64 : index
      %swap3A_286 = tpu.vector_load %arg7[%swap3A_284, %swap3A_285] {strides = array<i32>} : memref<50x128xi32, #tpu.memory_space<vmem>>, vector<1x16xi32>,
      %swap3A_287 = vector.shape_cast %swap3A_286 : vector<1x16xi32> to vector<16xi32>
      %swap3A_288 = vector.shape_cast %add3A_283 : vector<16xi32> to vector<1x16xi32>
      tpu.vector_store %arg7[%swap3A_284, %swap3A_285], %swap3A_288 {strides = array<i32>} : memref<50x128xi32, #tpu.memory_space<vmem>>, vector<1x16xi32>,
      %get3A_289 = arith.index_cast %scan3A_155 : i32 to index
      %get3A_290 = arith.constant 80 : index
      %get3A_291 = tpu.vector_load %arg6[%get3A_289, %get3A_290] {strides = array<i32>} : memref<50x128xi32, #tpu.memory_space<vmem>>, vector<1x16xi32>,
      %get3A_292 = vector.shape_cast %get3A_291 : vector<1x16xi32> to vector<16xi32>
      %sub3A_293 = arith.constant 50000 : i32
      %sub3A_294 = vector.broadcast %sub3A_293 : i32 to vector<16xi32>
      %sub3A_295 = arith.subi %get3A_292, %sub3A_294 : vector<16xi32>
      %shift_right_arithmetic3A_296 = arith.constant 31 : i32
      %shift_right_arithmetic3A_297 = vector.broadcast %shift_right_arithmetic3A_296 : i32 to vector<16xi32>
      %shift_right_arithmetic3A_298 = arith.shrsi %sub3A_295, %shift_right_arithmetic3A_297 : vector<16xi32>
      %add3A_299 = arith.constant 1 : i32
      %add3A_300 = vector.broadcast %add3A_299 : i32 to vector<16xi32>
      %add3A_301 = arith.addi %shift_right_arithmetic3A_298, %add3A_300 : vector<16xi32>
      %mul3A_302 = arith.constant 50000 : i32
      %mul3A_303 = vector.broadcast %mul3A_302 : i32 to vector<16xi32>
      %mul3A_304 = arith.muli %add3A_301, %mul3A_303 : vector<16xi32>
      %sub3A_305 = arith.subi %get3A_292, %mul3A_304 : vector<16xi32>
      %mul3A_306 = arith.constant 128 : i32
      %mul3A_307 = vector.broadcast %mul3A_306 : i32 to vector<16xi32>
      %mul3A_308 = arith.muli %sub3A_305, %mul3A_307 : vector<16xi32>
      %add3A_309 = vector.broadcast %scan3A_155 : i32 to vector<16xi32>
      %add3A_310 = arith.addi %mul3A_308, %add3A_309 : vector<16xi32>
      %swap3A_311 = arith.index_cast %scan3A_155 : i32 to index
      %swap3A_312 = arith.constant 80 : index
      %swap3A_313 = tpu.vector_load %arg7[%swap3A_311, %swap3A_312] {strides = array<i32>} : memref<50x128xi32, #tpu.memory_space<vmem>>, vector<1x16xi32>,
      %swap3A_314 = vector.shape_cast %swap3A_313 : vector<1x16xi32> to vector<16xi32>
      %swap3A_315 = vector.shape_cast %add3A_310 : vector<16xi32> to vector<1x16xi32>
      tpu.vector_store %arg7[%swap3A_311, %swap3A_312], %swap3A_315 {strides = array<i32>} : memref<50x128xi32, #tpu.memory_space<vmem>>, vector<1x16xi32>,
      %get3A_316 = arith.index_cast %scan3A_155 : i32 to index
      %get3A_317 = arith.constant 96 : index
      %get3A_318 = tpu.vector_load %arg6[%get3A_316, %get3A_317] {strides = array<i32>} : memref<50x128xi32, #tpu.memory_space<vmem>>, vector<1x16xi32>,
      %get3A_319 = vector.shape_cast %get3A_318 : vector<1x16xi32> to vector<16xi32>
      %sub3A_320 = arith.constant 50000 : i32
      %sub3A_321 = vector.broadcast %sub3A_320 : i32 to vector<16xi32>
      %sub3A_322 = arith.subi %get3A_319, %sub3A_321 : vector<16xi32>
      %shift_right_arithmetic3A_323 = arith.constant 31 : i32
      %shift_right_arithmetic3A_324 = vector.broadcast %shift_right_arithmetic3A_323 : i32 to vector<16xi32>
      %shift_right_arithmetic3A_325 = arith.shrsi %sub3A_322, %shift_right_arithmetic3A_324 : vector<16xi32>
      %add3A_326 = arith.constant 1 : i32
      %add3A_327 = vector.broadcast %add3A_326 : i32 to vector<16xi32>
      %add3A_328 = arith.addi %shift_right_arithmetic3A_325, %add3A_327 : vector<16xi32>
      %mul3A_329 = arith.constant 50000 : i32
      %mul3A_330 = vector.broadcast %mul3A_329 : i32 to vector<16xi32>
      %mul3A_331 = arith.muli %add3A_328, %mul3A_330 : vector<16xi32>
      %sub3A_332 = arith.subi %get3A_319, %mul3A_331 : vector<16xi32>
      %mul3A_333 = arith.constant 128 : i32
      %mul3A_334 = vector.broadcast %mul3A_333 : i32 to vector<16xi32>
      %mul3A_335 = arith.muli %sub3A_332, %mul3A_334 : vector<16xi32>
      %add3A_336 = vector.broadcast %scan3A_155 : i32 to vector<16xi32>
      %add3A_337 = arith.addi %mul3A_335, %add3A_336 : vector<16xi32>
      %swap3A_338 = arith.index_cast %scan3A_155 : i32 to index
      %swap3A_339 = arith.constant 96 : index
      %swap3A_340 = tpu.vector_load %arg7[%swap3A_338, %swap3A_339] {strides = array<i32>} : memref<50x128xi32, #tpu.memory_space<vmem>>, vector<1x16xi32>,
      %swap3A_341 = vector.shape_cast %swap3A_340 : vector<1x16xi32> to vector<16xi32>
      %swap3A_342 = vector.shape_cast %add3A_337 : vector<16xi32> to vector<1x16xi32>
      tpu.vector_store %arg7[%swap3A_338, %swap3A_339], %swap3A_342 {strides = array<i32>} : memref<50x128xi32, #tpu.memory_space<vmem>>, vector<1x16xi32>,
      %get3A_343 = arith.index_cast %scan3A_155 : i32 to index
      %get3A_344 = arith.constant 112 : index
      %get3A_345 = tpu.vector_load %arg6[%get3A_343, %get3A_344] {strides = array<i32>} : memref<50x128xi32, #tpu.memory_space<vmem>>, vector<1x16xi32>,
      %get3A_346 = vector.shape_cast %get3A_345 : vector<1x16xi32> to vector<16xi32>
      %sub3A_347 = arith.constant 50000 : i32
      %sub3A_348 = vector.broadcast %sub3A_347 : i32 to vector<16xi32>
      %sub3A_349 = arith.subi %get3A_346, %sub3A_348 : vector<16xi32>
      %shift_right_arithmetic3A_350 = arith.constant 31 : i32
      %shift_right_arithmetic3A_351 = vector.broadcast %shift_right_arithmetic3A_350 : i32 to vector<16xi32>
      %shift_right_arithmetic3A_352 = arith.shrsi %sub3A_349, %shift_right_arithmetic3A_351 : vector<16xi32>
      %add3A_353 = arith.constant 1 : i32
      %add3A_354 = vector.broadcast %add3A_353 : i32 to vector<16xi32>
      %add3A_355 = arith.addi %shift_right_arithmetic3A_352, %add3A_354 : vector<16xi32>
      %mul3A_356 = arith.constant 50000 : i32
      %mul3A_357 = vector.broadcast %mul3A_356 : i32 to vector<16xi32>
      %mul3A_358 = arith.muli %add3A_355, %mul3A_357 : vector<16xi32>
      %sub3A_359 = arith.subi %get3A_346, %mul3A_358 : vector<16xi32>
      %mul3A_360 = arith.constant 128 : i32
      %mul3A_361 = vector.broadcast %mul3A_360 : i32 to vector<16xi32>
      %mul3A_362 = arith.muli %sub3A_359, %mul3A_361 : vector<16xi32>
      %add3A_363 = vector.broadcast %scan3A_155 : i32 to vector<16xi32>
      %add3A_364 = arith.addi %mul3A_362, %add3A_363 : vector<16xi32>
      %swap3A_365 = arith.index_cast %scan3A_155 : i32 to index
      %swap3A_366 = arith.constant 112 : index
      %swap3A_367 = tpu.vector_load %arg7[%swap3A_365, %swap3A_366] {strides = array<i32>} : memref<50x128xi32, #tpu.memory_space<vmem>>, vector<1x16xi32>,
      %swap3A_368 = vector.shape_cast %swap3A_367 : vector<1x16xi32> to vector<16xi32>
      %swap3A_369 = vector.shape_cast %add3A_364 : vector<16xi32> to vector<1x16xi32>
      tpu.vector_store %arg7[%swap3A_365, %swap3A_366], %swap3A_369 {strides = array<i32>} : memref<50x128xi32, #tpu.memory_space<vmem>>, vector<1x16xi32>,
    }
    %scan3A_43 = arith.constant 10 : i32
    %scan3A_44 = arith.constant 0 : i32
    %scan3A_45 = arith.constant 30 : i32
    %scan3A_46 = arith.constant 10 : i32
    %scan3A_47 = arith.addi %scan3A_45, %scan3A_46 : i32
    %scan3A_48 = arith.constant 1 : i32
    scf.for %scan3A_155 = %scan3A_45 to %scan3A_47 step %scan3A_48  : i32 {
      %dma_start3A = arith.constant 3 : i32
      %dma_start3A_156 = arith.constant 0 : i32
      %dma_start3A_157 = tpu.memref_slice %arg8[%scan3A_155, %dma_start3A_156] : memref<50x128xf32, #tpu.memory_space<vmem>> -> memref<1x128xf32, #tpu.memory_space<vmem>>
      %dma_start3A_158 = tpu.memref_squeeze %dma_start3A_157 : memref<1x128xf32, #tpu.memory_space<vmem>> -> memref<128xf32, #tpu.memory_space<vmem>>
      %dma_start3A_159 = arith.constant 0 : i32
      %dma_start3A_160 = tpu.memref_slice %arg7[%scan3A_155, %dma_start3A_159] : memref<50x128xi32, #tpu.memory_space<vmem>> -> memref<1x128xi32, #tpu.memory_space<vmem>>
      %dma_start3A_161 = tpu.memref_squeeze %dma_start3A_160 : memref<1x128xi32, #tpu.memory_space<vmem>> -> memref<128xi32, #tpu.memory_space<vmem>>
      %dma_start3A_162 = arith.constant 0 : i32
      %dma_start3A_163 = tpu.memref_slice %arg3[%dma_start3A_162] : memref<6400000xf32, #tpu.memory_space<hbm>> -> memref<6400000xf32, #tpu.memory_space<hbm>>
      %dma_start3A_164 = tpu.memref_slice %arg11[%dma_start3A] : memref<5x!tpu.dma_semaphore, #tpu.memory_space<semaphore_mem>> -> memref<1x!tpu.dma_semaphore, #tpu.memory_space<semaphore_mem>>
      %dma_start3A_165 = tpu.memref_squeeze %dma_start3A_164 : memref<1x!tpu.dma_semaphore, #tpu.memory_space<semaphore_mem>> -> memref<!tpu.dma_semaphore, #tpu.memory_space<semaphore_mem>>
      tpu.enqueue_indirect_dma source(%dma_start3A_163 : memref<6400000xf32, #tpu.memory_space<hbm>>) target(%dma_start3A_158 : memref<128xf32, #tpu.memory_space<vmem>>) offsets(%dma_start3A_161 : memref<128xi32, #tpu.memory_space<vmem>>) semaphore(%dma_start3A_165 : memref<!tpu.dma_semaphore, #tpu.memory_space<semaphore_mem>>)
    }
    %scan3A_49 = arith.constant 10 : i32
    %scan3A_50 = arith.constant 0 : i32
    %scan3A_51 = arith.constant 40 : i32
    %scan3A_52 = arith.constant 10 : i32
    %scan3A_53 = arith.addi %scan3A_51, %scan3A_52 : i32
    %scan3A_54 = arith.constant 1 : i32
    scf.for %scan3A_155 = %scan3A_51 to %scan3A_53 step %scan3A_54  : i32 {
      %get3A_156 = arith.index_cast %scan3A_155 : i32 to index
      %get3A_157 = arith.constant 0 : index
      %get3A_158 = tpu.vector_load %arg6[%get3A_156, %get3A_157] {strides = array<i32>} : memref<50x128xi32, #tpu.memory_space<vmem>>, vector<1x16xi32>,
      %get3A_159 = vector.shape_cast %get3A_158 : vector<1x16xi32> to vector<16xi32>
      %sub3A = arith.constant 50000 : i32
      %sub3A_160 = vector.broadcast %sub3A : i32 to vector<16xi32>
      %sub3A_161 = arith.subi %get3A_159, %sub3A_160 : vector<16xi32>
      %shift_right_arithmetic3A = arith.constant 31 : i32
      %shift_right_arithmetic3A_162 = vector.broadcast %shift_right_arithmetic3A : i32 to vector<16xi32>
      %shift_right_arithmetic3A_163 = arith.shrsi %sub3A_161, %shift_right_arithmetic3A_162 : vector<16xi32>
      %add3A_164 = arith.constant 1 : i32
      %add3A_165 = vector.broadcast %add3A_164 : i32 to vector<16xi32>
      %add3A_166 = arith.addi %shift_right_arithmetic3A_163, %add3A_165 : vector<16xi32>
      %mul3A_167 = arith.constant 50000 : i32
      %mul3A_168 = vector.broadcast %mul3A_167 : i32 to vector<16xi32>
      %mul3A_169 = arith.muli %add3A_166, %mul3A_168 : vector<16xi32>
      %sub3A_170 = arith.subi %get3A_159, %mul3A_169 : vector<16xi32>
      %mul3A_171 = arith.constant 128 : i32
      %mul3A_172 = vector.broadcast %mul3A_171 : i32 to vector<16xi32>
      %mul3A_173 = arith.muli %sub3A_170, %mul3A_172 : vector<16xi32>
      %add3A_174 = vector.broadcast %scan3A_155 : i32 to vector<16xi32>
      %add3A_175 = arith.addi %mul3A_173, %add3A_174 : vector<16xi32>
      %swap3A_176 = arith.index_cast %scan3A_155 : i32 to index
      %swap3A_177 = arith.constant 0 : index
      %swap3A_178 = tpu.vector_load %arg7[%swap3A_176, %swap3A_177] {strides = array<i32>} : memref<50x128xi32, #tpu.memory_space<vmem>>, vector<1x16xi32>,
      %swap3A_179 = vector.shape_cast %swap3A_178 : vector<1x16xi32> to vector<16xi32>
      %swap3A_180 = vector.shape_cast %add3A_175 : vector<16xi32> to vector<1x16xi32>
      tpu.vector_store %arg7[%swap3A_176, %swap3A_177], %swap3A_180 {strides = array<i32>} : memref<50x128xi32, #tpu.memory_space<vmem>>, vector<1x16xi32>,
      %get3A_181 = arith.index_cast %scan3A_155 : i32 to index
      %get3A_182 = arith.constant 16 : index
      %get3A_183 = tpu.vector_load %arg6[%get3A_181, %get3A_182] {strides = array<i32>} : memref<50x128xi32, #tpu.memory_space<vmem>>, vector<1x16xi32>,
      %get3A_184 = vector.shape_cast %get3A_183 : vector<1x16xi32> to vector<16xi32>
      %sub3A_185 = arith.constant 50000 : i32
      %sub3A_186 = vector.broadcast %sub3A_185 : i32 to vector<16xi32>
      %sub3A_187 = arith.subi %get3A_184, %sub3A_186 : vector<16xi32>
      %shift_right_arithmetic3A_188 = arith.constant 31 : i32
      %shift_right_arithmetic3A_189 = vector.broadcast %shift_right_arithmetic3A_188 : i32 to vector<16xi32>
      %shift_right_arithmetic3A_190 = arith.shrsi %sub3A_187, %shift_right_arithmetic3A_189 : vector<16xi32>
      %add3A_191 = arith.constant 1 : i32
      %add3A_192 = vector.broadcast %add3A_191 : i32 to vector<16xi32>
      %add3A_193 = arith.addi %shift_right_arithmetic3A_190, %add3A_192 : vector<16xi32>
      %mul3A_194 = arith.constant 50000 : i32
      %mul3A_195 = vector.broadcast %mul3A_194 : i32 to vector<16xi32>
      %mul3A_196 = arith.muli %add3A_193, %mul3A_195 : vector<16xi32>
      %sub3A_197 = arith.subi %get3A_184, %mul3A_196 : vector<16xi32>
      %mul3A_198 = arith.constant 128 : i32
      %mul3A_199 = vector.broadcast %mul3A_198 : i32 to vector<16xi32>
      %mul3A_200 = arith.muli %sub3A_197, %mul3A_199 : vector<16xi32>
      %add3A_201 = vector.broadcast %scan3A_155 : i32 to vector<16xi32>
      %add3A_202 = arith.addi %mul3A_200, %add3A_201 : vector<16xi32>
      %swap3A_203 = arith.index_cast %scan3A_155 : i32 to index
      %swap3A_204 = arith.constant 16 : index
      %swap3A_205 = tpu.vector_load %arg7[%swap3A_203, %swap3A_204] {strides = array<i32>} : memref<50x128xi32, #tpu.memory_space<vmem>>, vector<1x16xi32>,
      %swap3A_206 = vector.shape_cast %swap3A_205 : vector<1x16xi32> to vector<16xi32>
      %swap3A_207 = vector.shape_cast %add3A_202 : vector<16xi32> to vector<1x16xi32>
      tpu.vector_store %arg7[%swap3A_203, %swap3A_204], %swap3A_207 {strides = array<i32>} : memref<50x128xi32, #tpu.memory_space<vmem>>, vector<1x16xi32>,
      %get3A_208 = arith.index_cast %scan3A_155 : i32 to index
      %get3A_209 = arith.constant 32 : index
      %get3A_210 = tpu.vector_load %arg6[%get3A_208, %get3A_209] {strides = array<i32>} : memref<50x128xi32, #tpu.memory_space<vmem>>, vector<1x16xi32>,
      %get3A_211 = vector.shape_cast %get3A_210 : vector<1x16xi32> to vector<16xi32>
      %sub3A_212 = arith.constant 50000 : i32
      %sub3A_213 = vector.broadcast %sub3A_212 : i32 to vector<16xi32>
      %sub3A_214 = arith.subi %get3A_211, %sub3A_213 : vector<16xi32>
      %shift_right_arithmetic3A_215 = arith.constant 31 : i32
      %shift_right_arithmetic3A_216 = vector.broadcast %shift_right_arithmetic3A_215 : i32 to vector<16xi32>
      %shift_right_arithmetic3A_217 = arith.shrsi %sub3A_214, %shift_right_arithmetic3A_216 : vector<16xi32>
      %add3A_218 = arith.constant 1 : i32
      %add3A_219 = vector.broadcast %add3A_218 : i32 to vector<16xi32>
      %add3A_220 = arith.addi %shift_right_arithmetic3A_217, %add3A_219 : vector<16xi32>
      %mul3A_221 = arith.constant 50000 : i32
      %mul3A_222 = vector.broadcast %mul3A_221 : i32 to vector<16xi32>
      %mul3A_223 = arith.muli %add3A_220, %mul3A_222 : vector<16xi32>
      %sub3A_224 = arith.subi %get3A_211, %mul3A_223 : vector<16xi32>
      %mul3A_225 = arith.constant 128 : i32
      %mul3A_226 = vector.broadcast %mul3A_225 : i32 to vector<16xi32>
      %mul3A_227 = arith.muli %sub3A_224, %mul3A_226 : vector<16xi32>
      %add3A_228 = vector.broadcast %scan3A_155 : i32 to vector<16xi32>
      %add3A_229 = arith.addi %mul3A_227, %add3A_228 : vector<16xi32>
      %swap3A_230 = arith.index_cast %scan3A_155 : i32 to index
      %swap3A_231 = arith.constant 32 : index
      %swap3A_232 = tpu.vector_load %arg7[%swap3A_230, %swap3A_231] {strides = array<i32>} : memref<50x128xi32, #tpu.memory_space<vmem>>, vector<1x16xi32>,
      %swap3A_233 = vector.shape_cast %swap3A_232 : vector<1x16xi32> to vector<16xi32>
      %swap3A_234 = vector.shape_cast %add3A_229 : vector<16xi32> to vector<1x16xi32>
      tpu.vector_store %arg7[%swap3A_230, %swap3A_231], %swap3A_234 {strides = array<i32>} : memref<50x128xi32, #tpu.memory_space<vmem>>, vector<1x16xi32>,
      %get3A_235 = arith.index_cast %scan3A_155 : i32 to index
      %get3A_236 = arith.constant 48 : index
      %get3A_237 = tpu.vector_load %arg6[%get3A_235, %get3A_236] {strides = array<i32>} : memref<50x128xi32, #tpu.memory_space<vmem>>, vector<1x16xi32>,
      %get3A_238 = vector.shape_cast %get3A_237 : vector<1x16xi32> to vector<16xi32>
      %sub3A_239 = arith.constant 50000 : i32
      %sub3A_240 = vector.broadcast %sub3A_239 : i32 to vector<16xi32>
      %sub3A_241 = arith.subi %get3A_238, %sub3A_240 : vector<16xi32>
      %shift_right_arithmetic3A_242 = arith.constant 31 : i32
      %shift_right_arithmetic3A_243 = vector.broadcast %shift_right_arithmetic3A_242 : i32 to vector<16xi32>
      %shift_right_arithmetic3A_244 = arith.shrsi %sub3A_241, %shift_right_arithmetic3A_243 : vector<16xi32>
      %add3A_245 = arith.constant 1 : i32
      %add3A_246 = vector.broadcast %add3A_245 : i32 to vector<16xi32>
      %add3A_247 = arith.addi %shift_right_arithmetic3A_244, %add3A_246 : vector<16xi32>
      %mul3A_248 = arith.constant 50000 : i32
      %mul3A_249 = vector.broadcast %mul3A_248 : i32 to vector<16xi32>
      %mul3A_250 = arith.muli %add3A_247, %mul3A_249 : vector<16xi32>
      %sub3A_251 = arith.subi %get3A_238, %mul3A_250 : vector<16xi32>
      %mul3A_252 = arith.constant 128 : i32
      %mul3A_253 = vector.broadcast %mul3A_252 : i32 to vector<16xi32>
      %mul3A_254 = arith.muli %sub3A_251, %mul3A_253 : vector<16xi32>
      %add3A_255 = vector.broadcast %scan3A_155 : i32 to vector<16xi32>
      %add3A_256 = arith.addi %mul3A_254, %add3A_255 : vector<16xi32>
      %swap3A_257 = arith.index_cast %scan3A_155 : i32 to index
      %swap3A_258 = arith.constant 48 : index
      %swap3A_259 = tpu.vector_load %arg7[%swap3A_257, %swap3A_258] {strides = array<i32>} : memref<50x128xi32, #tpu.memory_space<vmem>>, vector<1x16xi32>,
      %swap3A_260 = vector.shape_cast %swap3A_259 : vector<1x16xi32> to vector<16xi32>
      %swap3A_261 = vector.shape_cast %add3A_256 : vector<16xi32> to vector<1x16xi32>
      tpu.vector_store %arg7[%swap3A_257, %swap3A_258], %swap3A_261 {strides = array<i32>} : memref<50x128xi32, #tpu.memory_space<vmem>>, vector<1x16xi32>,
      %get3A_262 = arith.index_cast %scan3A_155 : i32 to index
      %get3A_263 = arith.constant 64 : index
      %get3A_264 = tpu.vector_load %arg6[%get3A_262, %get3A_263] {strides = array<i32>} : memref<50x128xi32, #tpu.memory_space<vmem>>, vector<1x16xi32>,
      %get3A_265 = vector.shape_cast %get3A_264 : vector<1x16xi32> to vector<16xi32>
      %sub3A_266 = arith.constant 50000 : i32
      %sub3A_267 = vector.broadcast %sub3A_266 : i32 to vector<16xi32>
      %sub3A_268 = arith.subi %get3A_265, %sub3A_267 : vector<16xi32>
      %shift_right_arithmetic3A_269 = arith.constant 31 : i32
      %shift_right_arithmetic3A_270 = vector.broadcast %shift_right_arithmetic3A_269 : i32 to vector<16xi32>
      %shift_right_arithmetic3A_271 = arith.shrsi %sub3A_268, %shift_right_arithmetic3A_270 : vector<16xi32>
      %add3A_272 = arith.constant 1 : i32
      %add3A_273 = vector.broadcast %add3A_272 : i32 to vector<16xi32>
      %add3A_274 = arith.addi %shift_right_arithmetic3A_271, %add3A_273 : vector<16xi32>
      %mul3A_275 = arith.constant 50000 : i32
      %mul3A_276 = vector.broadcast %mul3A_275 : i32 to vector<16xi32>
      %mul3A_277 = arith.muli %add3A_274, %mul3A_276 : vector<16xi32>
      %sub3A_278 = arith.subi %get3A_265, %mul3A_277 : vector<16xi32>
      %mul3A_279 = arith.constant 128 : i32
      %mul3A_280 = vector.broadcast %mul3A_279 : i32 to vector<16xi32>
      %mul3A_281 = arith.muli %sub3A_278, %mul3A_280 : vector<16xi32>
      %add3A_282 = vector.broadcast %scan3A_155 : i32 to vector<16xi32>
      %add3A_283 = arith.addi %mul3A_281, %add3A_282 : vector<16xi32>
      %swap3A_284 = arith.index_cast %scan3A_155 : i32 to index
      %swap3A_285 = arith.constant 64 : index
      %swap3A_286 = tpu.vector_load %arg7[%swap3A_284, %swap3A_285] {strides = array<i32>} : memref<50x128xi32, #tpu.memory_space<vmem>>, vector<1x16xi32>,
      %swap3A_287 = vector.shape_cast %swap3A_286 : vector<1x16xi32> to vector<16xi32>
      %swap3A_288 = vector.shape_cast %add3A_283 : vector<16xi32> to vector<1x16xi32>
      tpu.vector_store %arg7[%swap3A_284, %swap3A_285], %swap3A_288 {strides = array<i32>} : memref<50x128xi32, #tpu.memory_space<vmem>>, vector<1x16xi32>,
      %get3A_289 = arith.index_cast %scan3A_155 : i32 to index
      %get3A_290 = arith.constant 80 : index
      %get3A_291 = tpu.vector_load %arg6[%get3A_289, %get3A_290] {strides = array<i32>} : memref<50x128xi32, #tpu.memory_space<vmem>>, vector<1x16xi32>,
      %get3A_292 = vector.shape_cast %get3A_291 : vector<1x16xi32> to vector<16xi32>
      %sub3A_293 = arith.constant 50000 : i32
      %sub3A_294 = vector.broadcast %sub3A_293 : i32 to vector<16xi32>
      %sub3A_295 = arith.subi %get3A_292, %sub3A_294 : vector<16xi32>
      %shift_right_arithmetic3A_296 = arith.constant 31 : i32
      %shift_right_arithmetic3A_297 = vector.broadcast %shift_right_arithmetic3A_296 : i32 to vector<16xi32>
      %shift_right_arithmetic3A_298 = arith.shrsi %sub3A_295, %shift_right_arithmetic3A_297 : vector<16xi32>
      %add3A_299 = arith.constant 1 : i32
      %add3A_300 = vector.broadcast %add3A_299 : i32 to vector<16xi32>
      %add3A_301 = arith.addi %shift_right_arithmetic3A_298, %add3A_300 : vector<16xi32>
      %mul3A_302 = arith.constant 50000 : i32
      %mul3A_303 = vector.broadcast %mul3A_302 : i32 to vector<16xi32>
      %mul3A_304 = arith.muli %add3A_301, %mul3A_303 : vector<16xi32>
      %sub3A_305 = arith.subi %get3A_292, %mul3A_304 : vector<16xi32>
      %mul3A_306 = arith.constant 128 : i32
      %mul3A_307 = vector.broadcast %mul3A_306 : i32 to vector<16xi32>
      %mul3A_308 = arith.muli %sub3A_305, %mul3A_307 : vector<16xi32>
      %add3A_309 = vector.broadcast %scan3A_155 : i32 to vector<16xi32>
      %add3A_310 = arith.addi %mul3A_308, %add3A_309 : vector<16xi32>
      %swap3A_311 = arith.index_cast %scan3A_155 : i32 to index
      %swap3A_312 = arith.constant 80 : index
      %swap3A_313 = tpu.vector_load %arg7[%swap3A_311, %swap3A_312] {strides = array<i32>} : memref<50x128xi32, #tpu.memory_space<vmem>>, vector<1x16xi32>,
      %swap3A_314 = vector.shape_cast %swap3A_313 : vector<1x16xi32> to vector<16xi32>
      %swap3A_315 = vector.shape_cast %add3A_310 : vector<16xi32> to vector<1x16xi32>
      tpu.vector_store %arg7[%swap3A_311, %swap3A_312], %swap3A_315 {strides = array<i32>} : memref<50x128xi32, #tpu.memory_space<vmem>>, vector<1x16xi32>,
      %get3A_316 = arith.index_cast %scan3A_155 : i32 to index
      %get3A_317 = arith.constant 96 : index
      %get3A_318 = tpu.vector_load %arg6[%get3A_316, %get3A_317] {strides = array<i32>} : memref<50x128xi32, #tpu.memory_space<vmem>>, vector<1x16xi32>,
      %get3A_319 = vector.shape_cast %get3A_318 : vector<1x16xi32> to vector<16xi32>
      %sub3A_320 = arith.constant 50000 : i32
      %sub3A_321 = vector.broadcast %sub3A_320 : i32 to vector<16xi32>
      %sub3A_322 = arith.subi %get3A_319, %sub3A_321 : vector<16xi32>
      %shift_right_arithmetic3A_323 = arith.constant 31 : i32
      %shift_right_arithmetic3A_324 = vector.broadcast %shift_right_arithmetic3A_323 : i32 to vector<16xi32>
      %shift_right_arithmetic3A_325 = arith.shrsi %sub3A_322, %shift_right_arithmetic3A_324 : vector<16xi32>
      %add3A_326 = arith.constant 1 : i32
      %add3A_327 = vector.broadcast %add3A_326 : i32 to vector<16xi32>
      %add3A_328 = arith.addi %shift_right_arithmetic3A_325, %add3A_327 : vector<16xi32>
      %mul3A_329 = arith.constant 50000 : i32
      %mul3A_330 = vector.broadcast %mul3A_329 : i32 to vector<16xi32>
      %mul3A_331 = arith.muli %add3A_328, %mul3A_330 : vector<16xi32>
      %sub3A_332 = arith.subi %get3A_319, %mul3A_331 : vector<16xi32>
      %mul3A_333 = arith.constant 128 : i32
      %mul3A_334 = vector.broadcast %mul3A_333 : i32 to vector<16xi32>
      %mul3A_335 = arith.muli %sub3A_332, %mul3A_334 : vector<16xi32>
      %add3A_336 = vector.broadcast %scan3A_155 : i32 to vector<16xi32>
      %add3A_337 = arith.addi %mul3A_335, %add3A_336 : vector<16xi32>
      %swap3A_338 = arith.index_cast %scan3A_155 : i32 to index
      %swap3A_339 = arith.constant 96 : index
      %swap3A_340 = tpu.vector_load %arg7[%swap3A_338, %swap3A_339] {strides = array<i32>} : memref<50x128xi32, #tpu.memory_space<vmem>>, vector<1x16xi32>,
      %swap3A_341 = vector.shape_cast %swap3A_340 : vector<1x16xi32> to vector<16xi32>
      %swap3A_342 = vector.shape_cast %add3A_337 : vector<16xi32> to vector<1x16xi32>
      tpu.vector_store %arg7[%swap3A_338, %swap3A_339], %swap3A_342 {strides = array<i32>} : memref<50x128xi32, #tpu.memory_space<vmem>>, vector<1x16xi32>,
      %get3A_343 = arith.index_cast %scan3A_155 : i32 to index
      %get3A_344 = arith.constant 112 : index
      %get3A_345 = tpu.vector_load %arg6[%get3A_343, %get3A_344] {strides = array<i32>} : memref<50x128xi32, #tpu.memory_space<vmem>>, vector<1x16xi32>,
      %get3A_346 = vector.shape_cast %get3A_345 : vector<1x16xi32> to vector<16xi32>
      %sub3A_347 = arith.constant 50000 : i32
      %sub3A_348 = vector.broadcast %sub3A_347 : i32 to vector<16xi32>
      %sub3A_349 = arith.subi %get3A_346, %sub3A_348 : vector<16xi32>
      %shift_right_arithmetic3A_350 = arith.constant 31 : i32
      %shift_right_arithmetic3A_351 = vector.broadcast %shift_right_arithmetic3A_350 : i32 to vector<16xi32>
      %shift_right_arithmetic3A_352 = arith.shrsi %sub3A_349, %shift_right_arithmetic3A_351 : vector<16xi32>
      %add3A_353 = arith.constant 1 : i32
      %add3A_354 = vector.broadcast %add3A_353 : i32 to vector<16xi32>
      %add3A_355 = arith.addi %shift_right_arithmetic3A_352, %add3A_354 : vector<16xi32>
      %mul3A_356 = arith.constant 50000 : i32
      %mul3A_357 = vector.broadcast %mul3A_356 : i32 to vector<16xi32>
      %mul3A_358 = arith.muli %add3A_355, %mul3A_357 : vector<16xi32>
      %sub3A_359 = arith.subi %get3A_346, %mul3A_358 : vector<16xi32>
      %mul3A_360 = arith.constant 128 : i32
      %mul3A_361 = vector.broadcast %mul3A_360 : i32 to vector<16xi32>
      %mul3A_362 = arith.muli %sub3A_359, %mul3A_361 : vector<16xi32>
      %add3A_363 = vector.broadcast %scan3A_155 : i32 to vector<16xi32>
      %add3A_364 = arith.addi %mul3A_362, %add3A_363 : vector<16xi32>
      %swap3A_365 = arith.index_cast %scan3A_155 : i32 to index
      %swap3A_366 = arith.constant 112 : index
      %swap3A_367 = tpu.vector_load %arg7[%swap3A_365, %swap3A_366] {strides = array<i32>} : memref<50x128xi32, #tpu.memory_space<vmem>>, vector<1x16xi32>,
      %swap3A_368 = vector.shape_cast %swap3A_367 : vector<1x16xi32> to vector<16xi32>
      %swap3A_369 = vector.shape_cast %add3A_364 : vector<16xi32> to vector<1x16xi32>
      tpu.vector_store %arg7[%swap3A_365, %swap3A_366], %swap3A_369 {strides = array<i32>} : memref<50x128xi32, #tpu.memory_space<vmem>>, vector<1x16xi32>,
    }
    %scan3A_55 = arith.constant 10 : i32
    %scan3A_56 = arith.constant 0 : i32
    %scan3A_57 = arith.constant 40 : i32
    %scan3A_58 = arith.constant 10 : i32
    %scan3A_59 = arith.addi %scan3A_57, %scan3A_58 : i32
    %scan3A_60 = arith.constant 1 : i32
    scf.for %scan3A_155 = %scan3A_57 to %scan3A_59 step %scan3A_60  : i32 {
      %dma_start3A = arith.constant 4 : i32
      %dma_start3A_156 = arith.constant 0 : i32
      %dma_start3A_157 = tpu.memref_slice %arg8[%scan3A_155, %dma_start3A_156] : memref<50x128xf32, #tpu.memory_space<vmem>> -> memref<1x128xf32, #tpu.memory_space<vmem>>
      %dma_start3A_158 = tpu.memref_squeeze %dma_start3A_157 : memref<1x128xf32, #tpu.memory_space<vmem>> -> memref<128xf32, #tpu.memory_space<vmem>>
      %dma_start3A_159 = arith.constant 0 : i32
      %dma_start3A_160 = tpu.memref_slice %arg7[%scan3A_155, %dma_start3A_159] : memref<50x128xi32, #tpu.memory_space<vmem>> -> memref<1x128xi32, #tpu.memory_space<vmem>>
      %dma_start3A_161 = tpu.memref_squeeze %dma_start3A_160 : memref<1x128xi32, #tpu.memory_space<vmem>> -> memref<128xi32, #tpu.memory_space<vmem>>
      %dma_start3A_162 = arith.constant 0 : i32
      %dma_start3A_163 = tpu.memref_slice %arg3[%dma_start3A_162] : memref<6400000xf32, #tpu.memory_space<hbm>> -> memref<6400000xf32, #tpu.memory_space<hbm>>
      %dma_start3A_164 = tpu.memref_slice %arg11[%dma_start3A] : memref<5x!tpu.dma_semaphore, #tpu.memory_space<semaphore_mem>> -> memref<1x!tpu.dma_semaphore, #tpu.memory_space<semaphore_mem>>
      %dma_start3A_165 = tpu.memref_squeeze %dma_start3A_164 : memref<1x!tpu.dma_semaphore, #tpu.memory_space<semaphore_mem>> -> memref<!tpu.dma_semaphore, #tpu.memory_space<semaphore_mem>>
      tpu.enqueue_indirect_dma source(%dma_start3A_163 : memref<6400000xf32, #tpu.memory_space<hbm>>) target(%dma_start3A_158 : memref<128xf32, #tpu.memory_space<vmem>>) offsets(%dma_start3A_161 : memref<128xi32, #tpu.memory_space<vmem>>) semaphore(%dma_start3A_165 : memref<!tpu.dma_semaphore, #tpu.memory_space<semaphore_mem>>)
    }
    %scan3A_61 = arith.constant 10 : i32
    %get3A = arith.constant 0 : index
    %get3A_62 = tpu.vector_load %arg10[%get3A] {strides = array<i32>} : memref<16xf32, #tpu.memory_space<vmem>>, vector<16xf32>,
    %get3A_63 = vector.shape_cast %get3A_62 : vector<16xf32> to vector<16xf32>
    %swap3A = arith.constant 0 : index
    %swap3A_64 = tpu.vector_load %arg9[%swap3A] {strides = array<i32>} : memref<128xf32, #tpu.memory_space<vmem>>, vector<16xf32>,
    %swap3A_65 = vector.shape_cast %swap3A_64 : vector<16xf32> to vector<16xf32>
    %swap3A_66 = vector.shape_cast %get3A_63 : vector<16xf32> to vector<16xf32>
    tpu.vector_store %arg9[%swap3A], %swap3A_66 {strides = array<i32>} : memref<128xf32, #tpu.memory_space<vmem>>, vector<16xf32>,
    %swap3A_67 = arith.constant 16 : index
    %swap3A_68 = tpu.vector_load %arg9[%swap3A_67] {strides = array<i32>} : memref<128xf32, #tpu.memory_space<vmem>>, vector<16xf32>,
    %swap3A_69 = vector.shape_cast %swap3A_68 : vector<16xf32> to vector<16xf32>
    %swap3A_70 = vector.shape_cast %get3A_63 : vector<16xf32> to vector<16xf32>
    tpu.vector_store %arg9[%swap3A_67], %swap3A_70 {strides = array<i32>} : memref<128xf32, #tpu.memory_space<vmem>>, vector<16xf32>,
    %swap3A_71 = arith.constant 32 : index
    %swap3A_72 = tpu.vector_load %arg9[%swap3A_71] {strides = array<i32>} : memref<128xf32, #tpu.memory_space<vmem>>, vector<16xf32>,
    %swap3A_73 = vector.shape_cast %swap3A_72 : vector<16xf32> to vector<16xf32>
    %swap3A_74 = vector.shape_cast %get3A_63 : vector<16xf32> to vector<16xf32>
    tpu.vector_store %arg9[%swap3A_71], %swap3A_74 {strides = array<i32>} : memref<128xf32, #tpu.memory_space<vmem>>, vector<16xf32>,
    %swap3A_75 = arith.constant 48 : index
    %swap3A_76 = tpu.vector_load %arg9[%swap3A_75] {strides = array<i32>} : memref<128xf32, #tpu.memory_space<vmem>>, vector<16xf32>,
    %swap3A_77 = vector.shape_cast %swap3A_76 : vector<16xf32> to vector<16xf32>
    %swap3A_78 = vector.shape_cast %get3A_63 : vector<16xf32> to vector<16xf32>
    tpu.vector_store %arg9[%swap3A_75], %swap3A_78 {strides = array<i32>} : memref<128xf32, #tpu.memory_space<vmem>>, vector<16xf32>,
    %swap3A_79 = arith.constant 64 : index
    %swap3A_80 = tpu.vector_load %arg9[%swap3A_79] {strides = array<i32>} : memref<128xf32, #tpu.memory_space<vmem>>, vector<16xf32>,
    %swap3A_81 = vector.shape_cast %swap3A_80 : vector<16xf32> to vector<16xf32>
    %swap3A_82 = vector.shape_cast %get3A_63 : vector<16xf32> to vector<16xf32>
    tpu.vector_store %arg9[%swap3A_79], %swap3A_82 {strides = array<i32>} : memref<128xf32, #tpu.memory_space<vmem>>, vector<16xf32>,
    %swap3A_83 = arith.constant 80 : index
    %swap3A_84 = tpu.vector_load %arg9[%swap3A_83] {strides = array<i32>} : memref<128xf32, #tpu.memory_space<vmem>>, vector<16xf32>,
    %swap3A_85 = vector.shape_cast %swap3A_84 : vector<16xf32> to vector<16xf32>
    %swap3A_86 = vector.shape_cast %get3A_63 : vector<16xf32> to vector<16xf32>
    tpu.vector_store %arg9[%swap3A_83], %swap3A_86 {strides = array<i32>} : memref<128xf32, #tpu.memory_space<vmem>>, vector<16xf32>,
    %swap3A_87 = arith.constant 96 : index
    %swap3A_88 = tpu.vector_load %arg9[%swap3A_87] {strides = array<i32>} : memref<128xf32, #tpu.memory_space<vmem>>, vector<16xf32>,
    %swap3A_89 = vector.shape_cast %swap3A_88 : vector<16xf32> to vector<16xf32>
    %swap3A_90 = vector.shape_cast %get3A_63 : vector<16xf32> to vector<16xf32>
    tpu.vector_store %arg9[%swap3A_87], %swap3A_90 {strides = array<i32>} : memref<128xf32, #tpu.memory_space<vmem>>, vector<16xf32>,
    %swap3A_91 = arith.constant 112 : index
    %swap3A_92 = tpu.vector_load %arg9[%swap3A_91] {strides = array<i32>} : memref<128xf32, #tpu.memory_space<vmem>>, vector<16xf32>,
    %swap3A_93 = vector.shape_cast %swap3A_92 : vector<16xf32> to vector<16xf32>
    %swap3A_94 = vector.shape_cast %get3A_63 : vector<16xf32> to vector<16xf32>
    tpu.vector_store %arg9[%swap3A_91], %swap3A_94 {strides = array<i32>} : memref<128xf32, #tpu.memory_space<vmem>>, vector<16xf32>,
    %scan3A_95 = arith.constant 0 : i32
    %scan3A_96 = arith.constant 0 : i32
    %scan3A_97 = arith.constant 10 : i32
    %scan3A_98 = arith.addi %scan3A_96, %scan3A_97 : i32
    %scan3A_99 = arith.constant 1 : i32
    scf.for %scan3A_155 = %scan3A_96 to %scan3A_98 step %scan3A_99  : i32 {
      %dma_wait3A = arith.constant 0 : i32
      %dma_wait3A_156 = arith.constant 0 : i32
      %dma_wait3A_157 = tpu.memref_slice %arg8[%scan3A_155, %dma_wait3A_156] : memref<50x128xf32, #tpu.memory_space<vmem>> -> memref<1x128xf32, #tpu.memory_space<vmem>>
      %dma_wait3A_158 = tpu.memref_squeeze %dma_wait3A_157 : memref<1x128xf32, #tpu.memory_space<vmem>> -> memref<128xf32, #tpu.memory_space<vmem>>
      %dma_wait3A_159 = arith.constant 0 : i32
      %dma_wait3A_160 = tpu.memref_slice %arg7[%scan3A_155, %dma_wait3A_159] : memref<50x128xi32, #tpu.memory_space<vmem>> -> memref<1x128xi32, #tpu.memory_space<vmem>>
      %dma_wait3A_161 = tpu.memref_squeeze %dma_wait3A_160 : memref<1x128xi32, #tpu.memory_space<vmem>> -> memref<128xi32, #tpu.memory_space<vmem>>
      %dma_wait3A_162 = arith.constant 0 : i32
      %dma_wait3A_163 = tpu.memref_slice %arg3[%dma_wait3A_162] : memref<6400000xf32, #tpu.memory_space<hbm>> -> memref<6400000xf32, #tpu.memory_space<hbm>>
      %dma_wait3A_164 = tpu.memref_slice %arg11[%dma_wait3A] : memref<5x!tpu.dma_semaphore, #tpu.memory_space<semaphore_mem>> -> memref<1x!tpu.dma_semaphore, #tpu.memory_space<semaphore_mem>>
      %dma_wait3A_165 = tpu.memref_squeeze %dma_wait3A_164 : memref<1x!tpu.dma_semaphore, #tpu.memory_space<semaphore_mem>> -> memref<!tpu.dma_semaphore, #tpu.memory_space<semaphore_mem>>
      tpu.wait_indirect_dma semaphore(%dma_wait3A_165 : memref<!tpu.dma_semaphore, #tpu.memory_space<semaphore_mem>>) src(%dma_wait3A_163 : memref<6400000xf32, #tpu.memory_space<hbm>>) dst(%dma_wait3A_158 : memref<128xf32, #tpu.memory_space<vmem>>)
    }
    %scan3A_100 = arith.constant 10 : i32
    %scan3A_101 = arith.constant 0 : i32
    %scan3A_102 = arith.constant 0 : i32
    %scan3A_103 = arith.constant 10 : i32
    %scan3A_104 = arith.addi %scan3A_102, %scan3A_103 : i32
    %scan3A_105 = arith.constant 1 : i32
    scf.for %scan3A_155 = %scan3A_102 to %scan3A_104 step %scan3A_105  : i32 {
      %get3A_156 = arith.index_cast %scan3A_155 : i32 to index
      %get3A_157 = arith.constant 0 : index
      %get3A_158 = tpu.vector_load %arg6[%get3A_156, %get3A_157] {strides = array<i32>} : memref<50x128xi32, #tpu.memory_space<vmem>>, vector<1x16xi32>,
      %get3A_159 = vector.shape_cast %get3A_158 : vector<1x16xi32> to vector<16xi32>
      %sub3A = arith.constant 50000 : i32
      %sub3A_160 = vector.broadcast %sub3A : i32 to vector<16xi32>
      %sub3A_161 = arith.subi %get3A_159, %sub3A_160 : vector<16xi32>
      %shift_right_arithmetic3A = arith.constant 31 : i32
      %shift_right_arithmetic3A_162 = vector.broadcast %shift_right_arithmetic3A : i32 to vector<16xi32>
      %shift_right_arithmetic3A_163 = arith.shrsi %sub3A_161, %shift_right_arithmetic3A_162 : vector<16xi32>
      %add3A_164 = arith.constant 1 : i32
      %add3A_165 = vector.broadcast %add3A_164 : i32 to vector<16xi32>
      %add3A_166 = arith.addi %shift_right_arithmetic3A_163, %add3A_165 : vector<16xi32>
      %get3A_167 = arith.index_cast %scan3A_155 : i32 to index
      %get3A_168 = arith.constant 0 : index
      %get3A_169 = tpu.vector_load %arg8[%get3A_167, %get3A_168] {strides = array<i32>} : memref<50x128xf32, #tpu.memory_space<vmem>>, vector<1x16xf32>,
      %get3A_170 = vector.shape_cast %get3A_169 : vector<1x16xf32> to vector<16xf32>
      %bitcast_convert_type3A = tpu.bitcast %get3A_170 : vector<16xf32> -> vector<16xi32>
      %shift_left3A = arith.constant 16 : i32
      %shift_left3A_171 = vector.broadcast %shift_left3A : i32 to vector<16xi32>
      %shift_left3A_172 = arith.shli %bitcast_convert_type3A, %shift_left3A_171 : vector<16xi32>
      %and3A = arith.constant -65536 : i32
      %and3A_173 = vector.broadcast %and3A : i32 to vector<16xi32>
      %and3A_174 = arith.andi %shift_left3A_172, %and3A_173 : vector<16xi32>
      %and3A_175 = arith.constant -65536 : i32
      %and3A_176 = vector.broadcast %and3A_175 : i32 to vector<16xi32>
      %and3A_177 = arith.andi %bitcast_convert_type3A, %and3A_176 : vector<16xi32>
      %sub3A_178 = arith.subi %and3A_177, %and3A_174 : vector<16xi32>
      %mul3A_179 = arith.muli %sub3A_178, %add3A_166 : vector<16xi32>
      %add3A_180 = arith.addi %and3A_174, %mul3A_179 : vector<16xi32>
      %bitcast_convert_type3A_181 = tpu.bitcast %add3A_180 : vector<16xi32> -> vector<16xf32>
      %swap3A_182 = arith.constant 0 : index
      %swap3A_183 = tpu.vector_load %arg9[%swap3A_182] {strides = array<i32>} : memref<128xf32, #tpu.memory_space<vmem>>, vector<16xf32>,
      %swap3A_184 = vector.shape_cast %swap3A_183 : vector<16xf32> to vector<16xf32>
      %swap3A_185 = vector.shape_cast %bitcast_convert_type3A_181 : vector<16xf32> to vector<16xf32>
      tpu.vector_store %arg9[%swap3A_182], %swap3A_185 {add = true, strides = array<i32>} : memref<128xf32, #tpu.memory_space<vmem>>, vector<16xf32>,
      %get3A_186 = arith.index_cast %scan3A_155 : i32 to index
      %get3A_187 = arith.constant 16 : index
      %get3A_188 = tpu.vector_load %arg6[%get3A_186, %get3A_187] {strides = array<i32>} : memref<50x128xi32, #tpu.memory_space<vmem>>, vector<1x16xi32>,
      %get3A_189 = vector.shape_cast %get3A_188 : vector<1x16xi32> to vector<16xi32>
      %sub3A_190 = arith.constant 50000 : i32
      %sub3A_191 = vector.broadcast %sub3A_190 : i32 to vector<16xi32>
      %sub3A_192 = arith.subi %get3A_189, %sub3A_191 : vector<16xi32>
      %shift_right_arithmetic3A_193 = arith.constant 31 : i32
      %shift_right_arithmetic3A_194 = vector.broadcast %shift_right_arithmetic3A_193 : i32 to vector<16xi32>
      %shift_right_arithmetic3A_195 = arith.shrsi %sub3A_192, %shift_right_arithmetic3A_194 : vector<16xi32>
      %add3A_196 = arith.constant 1 : i32
      %add3A_197 = vector.broadcast %add3A_196 : i32 to vector<16xi32>
      %add3A_198 = arith.addi %shift_right_arithmetic3A_195, %add3A_197 : vector<16xi32>
      %get3A_199 = arith.index_cast %scan3A_155 : i32 to index
      %get3A_200 = arith.constant 16 : index
      %get3A_201 = tpu.vector_load %arg8[%get3A_199, %get3A_200] {strides = array<i32>} : memref<50x128xf32, #tpu.memory_space<vmem>>, vector<1x16xf32>,
      %get3A_202 = vector.shape_cast %get3A_201 : vector<1x16xf32> to vector<16xf32>
      %bitcast_convert_type3A_203 = tpu.bitcast %get3A_202 : vector<16xf32> -> vector<16xi32>
      %shift_left3A_204 = arith.constant 16 : i32
      %shift_left3A_205 = vector.broadcast %shift_left3A_204 : i32 to vector<16xi32>
      %shift_left3A_206 = arith.shli %bitcast_convert_type3A_203, %shift_left3A_205 : vector<16xi32>
      %and3A_207 = arith.constant -65536 : i32
      %and3A_208 = vector.broadcast %and3A_207 : i32 to vector<16xi32>
      %and3A_209 = arith.andi %shift_left3A_206, %and3A_208 : vector<16xi32>
      %and3A_210 = arith.constant -65536 : i32
      %and3A_211 = vector.broadcast %and3A_210 : i32 to vector<16xi32>
      %and3A_212 = arith.andi %bitcast_convert_type3A_203, %and3A_211 : vector<16xi32>
      %sub3A_213 = arith.subi %and3A_212, %and3A_209 : vector<16xi32>
      %mul3A_214 = arith.muli %sub3A_213, %add3A_198 : vector<16xi32>
      %add3A_215 = arith.addi %and3A_209, %mul3A_214 : vector<16xi32>
      %bitcast_convert_type3A_216 = tpu.bitcast %add3A_215 : vector<16xi32> -> vector<16xf32>
      %swap3A_217 = arith.constant 16 : index
      %swap3A_218 = tpu.vector_load %arg9[%swap3A_217] {strides = array<i32>} : memref<128xf32, #tpu.memory_space<vmem>>, vector<16xf32>,
      %swap3A_219 = vector.shape_cast %swap3A_218 : vector<16xf32> to vector<16xf32>
      %swap3A_220 = vector.shape_cast %bitcast_convert_type3A_216 : vector<16xf32> to vector<16xf32>
      tpu.vector_store %arg9[%swap3A_217], %swap3A_220 {add = true, strides = array<i32>} : memref<128xf32, #tpu.memory_space<vmem>>, vector<16xf32>,
      %get3A_221 = arith.index_cast %scan3A_155 : i32 to index
      %get3A_222 = arith.constant 32 : index
      %get3A_223 = tpu.vector_load %arg6[%get3A_221, %get3A_222] {strides = array<i32>} : memref<50x128xi32, #tpu.memory_space<vmem>>, vector<1x16xi32>,
      %get3A_224 = vector.shape_cast %get3A_223 : vector<1x16xi32> to vector<16xi32>
      %sub3A_225 = arith.constant 50000 : i32
      %sub3A_226 = vector.broadcast %sub3A_225 : i32 to vector<16xi32>
      %sub3A_227 = arith.subi %get3A_224, %sub3A_226 : vector<16xi32>
      %shift_right_arithmetic3A_228 = arith.constant 31 : i32
      %shift_right_arithmetic3A_229 = vector.broadcast %shift_right_arithmetic3A_228 : i32 to vector<16xi32>
      %shift_right_arithmetic3A_230 = arith.shrsi %sub3A_227, %shift_right_arithmetic3A_229 : vector<16xi32>
      %add3A_231 = arith.constant 1 : i32
      %add3A_232 = vector.broadcast %add3A_231 : i32 to vector<16xi32>
      %add3A_233 = arith.addi %shift_right_arithmetic3A_230, %add3A_232 : vector<16xi32>
      %get3A_234 = arith.index_cast %scan3A_155 : i32 to index
      %get3A_235 = arith.constant 32 : index
      %get3A_236 = tpu.vector_load %arg8[%get3A_234, %get3A_235] {strides = array<i32>} : memref<50x128xf32, #tpu.memory_space<vmem>>, vector<1x16xf32>,
      %get3A_237 = vector.shape_cast %get3A_236 : vector<1x16xf32> to vector<16xf32>
      %bitcast_convert_type3A_238 = tpu.bitcast %get3A_237 : vector<16xf32> -> vector<16xi32>
      %shift_left3A_239 = arith.constant 16 : i32
      %shift_left3A_240 = vector.broadcast %shift_left3A_239 : i32 to vector<16xi32>
      %shift_left3A_241 = arith.shli %bitcast_convert_type3A_238, %shift_left3A_240 : vector<16xi32>
      %and3A_242 = arith.constant -65536 : i32
      %and3A_243 = vector.broadcast %and3A_242 : i32 to vector<16xi32>
      %and3A_244 = arith.andi %shift_left3A_241, %and3A_243 : vector<16xi32>
      %and3A_245 = arith.constant -65536 : i32
      %and3A_246 = vector.broadcast %and3A_245 : i32 to vector<16xi32>
      %and3A_247 = arith.andi %bitcast_convert_type3A_238, %and3A_246 : vector<16xi32>
      %sub3A_248 = arith.subi %and3A_247, %and3A_244 : vector<16xi32>
      %mul3A_249 = arith.muli %sub3A_248, %add3A_233 : vector<16xi32>
      %add3A_250 = arith.addi %and3A_244, %mul3A_249 : vector<16xi32>
      %bitcast_convert_type3A_251 = tpu.bitcast %add3A_250 : vector<16xi32> -> vector<16xf32>
      %swap3A_252 = arith.constant 32 : index
      %swap3A_253 = tpu.vector_load %arg9[%swap3A_252] {strides = array<i32>} : memref<128xf32, #tpu.memory_space<vmem>>, vector<16xf32>,
      %swap3A_254 = vector.shape_cast %swap3A_253 : vector<16xf32> to vector<16xf32>
      %swap3A_255 = vector.shape_cast %bitcast_convert_type3A_251 : vector<16xf32> to vector<16xf32>
      tpu.vector_store %arg9[%swap3A_252], %swap3A_255 {add = true, strides = array<i32>} : memref<128xf32, #tpu.memory_space<vmem>>, vector<16xf32>,
      %get3A_256 = arith.index_cast %scan3A_155 : i32 to index
      %get3A_257 = arith.constant 48 : index
      %get3A_258 = tpu.vector_load %arg6[%get3A_256, %get3A_257] {strides = array<i32>} : memref<50x128xi32, #tpu.memory_space<vmem>>, vector<1x16xi32>,
      %get3A_259 = vector.shape_cast %get3A_258 : vector<1x16xi32> to vector<16xi32>
      %sub3A_260 = arith.constant 50000 : i32
      %sub3A_261 = vector.broadcast %sub3A_260 : i32 to vector<16xi32>
      %sub3A_262 = arith.subi %get3A_259, %sub3A_261 : vector<16xi32>
      %shift_right_arithmetic3A_263 = arith.constant 31 : i32
      %shift_right_arithmetic3A_264 = vector.broadcast %shift_right_arithmetic3A_263 : i32 to vector<16xi32>
      %shift_right_arithmetic3A_265 = arith.shrsi %sub3A_262, %shift_right_arithmetic3A_264 : vector<16xi32>
      %add3A_266 = arith.constant 1 : i32
      %add3A_267 = vector.broadcast %add3A_266 : i32 to vector<16xi32>
      %add3A_268 = arith.addi %shift_right_arithmetic3A_265, %add3A_267 : vector<16xi32>
      %get3A_269 = arith.index_cast %scan3A_155 : i32 to index
      %get3A_270 = arith.constant 48 : index
      %get3A_271 = tpu.vector_load %arg8[%get3A_269, %get3A_270] {strides = array<i32>} : memref<50x128xf32, #tpu.memory_space<vmem>>, vector<1x16xf32>,
      %get3A_272 = vector.shape_cast %get3A_271 : vector<1x16xf32> to vector<16xf32>
      %bitcast_convert_type3A_273 = tpu.bitcast %get3A_272 : vector<16xf32> -> vector<16xi32>
      %shift_left3A_274 = arith.constant 16 : i32
      %shift_left3A_275 = vector.broadcast %shift_left3A_274 : i32 to vector<16xi32>
      %shift_left3A_276 = arith.shli %bitcast_convert_type3A_273, %shift_left3A_275 : vector<16xi32>
      %and3A_277 = arith.constant -65536 : i32
      %and3A_278 = vector.broadcast %and3A_277 : i32 to vector<16xi32>
      %and3A_279 = arith.andi %shift_left3A_276, %and3A_278 : vector<16xi32>
      %and3A_280 = arith.constant -65536 : i32
      %and3A_281 = vector.broadcast %and3A_280 : i32 to vector<16xi32>
      %and3A_282 = arith.andi %bitcast_convert_type3A_273, %and3A_281 : vector<16xi32>
      %sub3A_283 = arith.subi %and3A_282, %and3A_279 : vector<16xi32>
      %mul3A_284 = arith.muli %sub3A_283, %add3A_268 : vector<16xi32>
      %add3A_285 = arith.addi %and3A_279, %mul3A_284 : vector<16xi32>
      %bitcast_convert_type3A_286 = tpu.bitcast %add3A_285 : vector<16xi32> -> vector<16xf32>
      %swap3A_287 = arith.constant 48 : index
      %swap3A_288 = tpu.vector_load %arg9[%swap3A_287] {strides = array<i32>} : memref<128xf32, #tpu.memory_space<vmem>>, vector<16xf32>,
      %swap3A_289 = vector.shape_cast %swap3A_288 : vector<16xf32> to vector<16xf32>
      %swap3A_290 = vector.shape_cast %bitcast_convert_type3A_286 : vector<16xf32> to vector<16xf32>
      tpu.vector_store %arg9[%swap3A_287], %swap3A_290 {add = true, strides = array<i32>} : memref<128xf32, #tpu.memory_space<vmem>>, vector<16xf32>,
      %get3A_291 = arith.index_cast %scan3A_155 : i32 to index
      %get3A_292 = arith.constant 64 : index
      %get3A_293 = tpu.vector_load %arg6[%get3A_291, %get3A_292] {strides = array<i32>} : memref<50x128xi32, #tpu.memory_space<vmem>>, vector<1x16xi32>,
      %get3A_294 = vector.shape_cast %get3A_293 : vector<1x16xi32> to vector<16xi32>
      %sub3A_295 = arith.constant 50000 : i32
      %sub3A_296 = vector.broadcast %sub3A_295 : i32 to vector<16xi32>
      %sub3A_297 = arith.subi %get3A_294, %sub3A_296 : vector<16xi32>
      %shift_right_arithmetic3A_298 = arith.constant 31 : i32
      %shift_right_arithmetic3A_299 = vector.broadcast %shift_right_arithmetic3A_298 : i32 to vector<16xi32>
      %shift_right_arithmetic3A_300 = arith.shrsi %sub3A_297, %shift_right_arithmetic3A_299 : vector<16xi32>
      %add3A_301 = arith.constant 1 : i32
      %add3A_302 = vector.broadcast %add3A_301 : i32 to vector<16xi32>
      %add3A_303 = arith.addi %shift_right_arithmetic3A_300, %add3A_302 : vector<16xi32>
      %get3A_304 = arith.index_cast %scan3A_155 : i32 to index
      %get3A_305 = arith.constant 64 : index
      %get3A_306 = tpu.vector_load %arg8[%get3A_304, %get3A_305] {strides = array<i32>} : memref<50x128xf32, #tpu.memory_space<vmem>>, vector<1x16xf32>,
      %get3A_307 = vector.shape_cast %get3A_306 : vector<1x16xf32> to vector<16xf32>
      %bitcast_convert_type3A_308 = tpu.bitcast %get3A_307 : vector<16xf32> -> vector<16xi32>
      %shift_left3A_309 = arith.constant 16 : i32
      %shift_left3A_310 = vector.broadcast %shift_left3A_309 : i32 to vector<16xi32>
      %shift_left3A_311 = arith.shli %bitcast_convert_type3A_308, %shift_left3A_310 : vector<16xi32>
      %and3A_312 = arith.constant -65536 : i32
      %and3A_313 = vector.broadcast %and3A_312 : i32 to vector<16xi32>
      %and3A_314 = arith.andi %shift_left3A_311, %and3A_313 : vector<16xi32>
      %and3A_315 = arith.constant -65536 : i32
      %and3A_316 = vector.broadcast %and3A_315 : i32 to vector<16xi32>
      %and3A_317 = arith.andi %bitcast_convert_type3A_308, %and3A_316 : vector<16xi32>
      %sub3A_318 = arith.subi %and3A_317, %and3A_314 : vector<16xi32>
      %mul3A_319 = arith.muli %sub3A_318, %add3A_303 : vector<16xi32>
      %add3A_320 = arith.addi %and3A_314, %mul3A_319 : vector<16xi32>
      %bitcast_convert_type3A_321 = tpu.bitcast %add3A_320 : vector<16xi32> -> vector<16xf32>
      %swap3A_322 = arith.constant 64 : index
      %swap3A_323 = tpu.vector_load %arg9[%swap3A_322] {strides = array<i32>} : memref<128xf32, #tpu.memory_space<vmem>>, vector<16xf32>,
      %swap3A_324 = vector.shape_cast %swap3A_323 : vector<16xf32> to vector<16xf32>
      %swap3A_325 = vector.shape_cast %bitcast_convert_type3A_321 : vector<16xf32> to vector<16xf32>
      tpu.vector_store %arg9[%swap3A_322], %swap3A_325 {add = true, strides = array<i32>} : memref<128xf32, #tpu.memory_space<vmem>>, vector<16xf32>,
      %get3A_326 = arith.index_cast %scan3A_155 : i32 to index
      %get3A_327 = arith.constant 80 : index
      %get3A_328 = tpu.vector_load %arg6[%get3A_326, %get3A_327] {strides = array<i32>} : memref<50x128xi32, #tpu.memory_space<vmem>>, vector<1x16xi32>,
      %get3A_329 = vector.shape_cast %get3A_328 : vector<1x16xi32> to vector<16xi32>
      %sub3A_330 = arith.constant 50000 : i32
      %sub3A_331 = vector.broadcast %sub3A_330 : i32 to vector<16xi32>
      %sub3A_332 = arith.subi %get3A_329, %sub3A_331 : vector<16xi32>
      %shift_right_arithmetic3A_333 = arith.constant 31 : i32
      %shift_right_arithmetic3A_334 = vector.broadcast %shift_right_arithmetic3A_333 : i32 to vector<16xi32>
      %shift_right_arithmetic3A_335 = arith.shrsi %sub3A_332, %shift_right_arithmetic3A_334 : vector<16xi32>
      %add3A_336 = arith.constant 1 : i32
      %add3A_337 = vector.broadcast %add3A_336 : i32 to vector<16xi32>
      %add3A_338 = arith.addi %shift_right_arithmetic3A_335, %add3A_337 : vector<16xi32>
      %get3A_339 = arith.index_cast %scan3A_155 : i32 to index
      %get3A_340 = arith.constant 80 : index
      %get3A_341 = tpu.vector_load %arg8[%get3A_339, %get3A_340] {strides = array<i32>} : memref<50x128xf32, #tpu.memory_space<vmem>>, vector<1x16xf32>,
      %get3A_342 = vector.shape_cast %get3A_341 : vector<1x16xf32> to vector<16xf32>
      %bitcast_convert_type3A_343 = tpu.bitcast %get3A_342 : vector<16xf32> -> vector<16xi32>
      %shift_left3A_344 = arith.constant 16 : i32
      %shift_left3A_345 = vector.broadcast %shift_left3A_344 : i32 to vector<16xi32>
      %shift_left3A_346 = arith.shli %bitcast_convert_type3A_343, %shift_left3A_345 : vector<16xi32>
      %and3A_347 = arith.constant -65536 : i32
      %and3A_348 = vector.broadcast %and3A_347 : i32 to vector<16xi32>
      %and3A_349 = arith.andi %shift_left3A_346, %and3A_348 : vector<16xi32>
      %and3A_350 = arith.constant -65536 : i32
      %and3A_351 = vector.broadcast %and3A_350 : i32 to vector<16xi32>
      %and3A_352 = arith.andi %bitcast_convert_type3A_343, %and3A_351 : vector<16xi32>
      %sub3A_353 = arith.subi %and3A_352, %and3A_349 : vector<16xi32>
      %mul3A_354 = arith.muli %sub3A_353, %add3A_338 : vector<16xi32>
      %add3A_355 = arith.addi %and3A_349, %mul3A_354 : vector<16xi32>
      %bitcast_convert_type3A_356 = tpu.bitcast %add3A_355 : vector<16xi32> -> vector<16xf32>
      %swap3A_357 = arith.constant 80 : index
      %swap3A_358 = tpu.vector_load %arg9[%swap3A_357] {strides = array<i32>} : memref<128xf32, #tpu.memory_space<vmem>>, vector<16xf32>,
      %swap3A_359 = vector.shape_cast %swap3A_358 : vector<16xf32> to vector<16xf32>
      %swap3A_360 = vector.shape_cast %bitcast_convert_type3A_356 : vector<16xf32> to vector<16xf32>
      tpu.vector_store %arg9[%swap3A_357], %swap3A_360 {add = true, strides = array<i32>} : memref<128xf32, #tpu.memory_space<vmem>>, vector<16xf32>,
      %get3A_361 = arith.index_cast %scan3A_155 : i32 to index
      %get3A_362 = arith.constant 96 : index
      %get3A_363 = tpu.vector_load %arg6[%get3A_361, %get3A_362] {strides = array<i32>} : memref<50x128xi32, #tpu.memory_space<vmem>>, vector<1x16xi32>,
      %get3A_364 = vector.shape_cast %get3A_363 : vector<1x16xi32> to vector<16xi32>
      %sub3A_365 = arith.constant 50000 : i32
      %sub3A_366 = vector.broadcast %sub3A_365 : i32 to vector<16xi32>
      %sub3A_367 = arith.subi %get3A_364, %sub3A_366 : vector<16xi32>
      %shift_right_arithmetic3A_368 = arith.constant 31 : i32
      %shift_right_arithmetic3A_369 = vector.broadcast %shift_right_arithmetic3A_368 : i32 to vector<16xi32>
      %shift_right_arithmetic3A_370 = arith.shrsi %sub3A_367, %shift_right_arithmetic3A_369 : vector<16xi32>
      %add3A_371 = arith.constant 1 : i32
      %add3A_372 = vector.broadcast %add3A_371 : i32 to vector<16xi32>
      %add3A_373 = arith.addi %shift_right_arithmetic3A_370, %add3A_372 : vector<16xi32>
      %get3A_374 = arith.index_cast %scan3A_155 : i32 to index
      %get3A_375 = arith.constant 96 : index
      %get3A_376 = tpu.vector_load %arg8[%get3A_374, %get3A_375] {strides = array<i32>} : memref<50x128xf32, #tpu.memory_space<vmem>>, vector<1x16xf32>,
      %get3A_377 = vector.shape_cast %get3A_376 : vector<1x16xf32> to vector<16xf32>
      %bitcast_convert_type3A_378 = tpu.bitcast %get3A_377 : vector<16xf32> -> vector<16xi32>
      %shift_left3A_379 = arith.constant 16 : i32
      %shift_left3A_380 = vector.broadcast %shift_left3A_379 : i32 to vector<16xi32>
      %shift_left3A_381 = arith.shli %bitcast_convert_type3A_378, %shift_left3A_380 : vector<16xi32>
      %and3A_382 = arith.constant -65536 : i32
      %and3A_383 = vector.broadcast %and3A_382 : i32 to vector<16xi32>
      %and3A_384 = arith.andi %shift_left3A_381, %and3A_383 : vector<16xi32>
      %and3A_385 = arith.constant -65536 : i32
      %and3A_386 = vector.broadcast %and3A_385 : i32 to vector<16xi32>
      %and3A_387 = arith.andi %bitcast_convert_type3A_378, %and3A_386 : vector<16xi32>
      %sub3A_388 = arith.subi %and3A_387, %and3A_384 : vector<16xi32>
      %mul3A_389 = arith.muli %sub3A_388, %add3A_373 : vector<16xi32>
      %add3A_390 = arith.addi %and3A_384, %mul3A_389 : vector<16xi32>
      %bitcast_convert_type3A_391 = tpu.bitcast %add3A_390 : vector<16xi32> -> vector<16xf32>
      %swap3A_392 = arith.constant 96 : index
      %swap3A_393 = tpu.vector_load %arg9[%swap3A_392] {strides = array<i32>} : memref<128xf32, #tpu.memory_space<vmem>>, vector<16xf32>,
      %swap3A_394 = vector.shape_cast %swap3A_393 : vector<16xf32> to vector<16xf32>
      %swap3A_395 = vector.shape_cast %bitcast_convert_type3A_391 : vector<16xf32> to vector<16xf32>
      tpu.vector_store %arg9[%swap3A_392], %swap3A_395 {add = true, strides = array<i32>} : memref<128xf32, #tpu.memory_space<vmem>>, vector<16xf32>,
      %get3A_396 = arith.index_cast %scan3A_155 : i32 to index
      %get3A_397 = arith.constant 112 : index
      %get3A_398 = tpu.vector_load %arg6[%get3A_396, %get3A_397] {strides = array<i32>} : memref<50x128xi32, #tpu.memory_space<vmem>>, vector<1x16xi32>,
      %get3A_399 = vector.shape_cast %get3A_398 : vector<1x16xi32> to vector<16xi32>
      %sub3A_400 = arith.constant 50000 : i32
      %sub3A_401 = vector.broadcast %sub3A_400 : i32 to vector<16xi32>
      %sub3A_402 = arith.subi %get3A_399, %sub3A_401 : vector<16xi32>
      %shift_right_arithmetic3A_403 = arith.constant 31 : i32
      %shift_right_arithmetic3A_404 = vector.broadcast %shift_right_arithmetic3A_403 : i32 to vector<16xi32>
      %shift_right_arithmetic3A_405 = arith.shrsi %sub3A_402, %shift_right_arithmetic3A_404 : vector<16xi32>
      %add3A_406 = arith.constant 1 : i32
      %add3A_407 = vector.broadcast %add3A_406 : i32 to vector<16xi32>
      %add3A_408 = arith.addi %shift_right_arithmetic3A_405, %add3A_407 : vector<16xi32>
      %get3A_409 = arith.index_cast %scan3A_155 : i32 to index
      %get3A_410 = arith.constant 112 : index
      %get3A_411 = tpu.vector_load %arg8[%get3A_409, %get3A_410] {strides = array<i32>} : memref<50x128xf32, #tpu.memory_space<vmem>>, vector<1x16xf32>,
      %get3A_412 = vector.shape_cast %get3A_411 : vector<1x16xf32> to vector<16xf32>
      %bitcast_convert_type3A_413 = tpu.bitcast %get3A_412 : vector<16xf32> -> vector<16xi32>
      %shift_left3A_414 = arith.constant 16 : i32
      %shift_left3A_415 = vector.broadcast %shift_left3A_414 : i32 to vector<16xi32>
      %shift_left3A_416 = arith.shli %bitcast_convert_type3A_413, %shift_left3A_415 : vector<16xi32>
      %and3A_417 = arith.constant -65536 : i32
      %and3A_418 = vector.broadcast %and3A_417 : i32 to vector<16xi32>
      %and3A_419 = arith.andi %shift_left3A_416, %and3A_418 : vector<16xi32>
      %and3A_420 = arith.constant -65536 : i32
      %and3A_421 = vector.broadcast %and3A_420 : i32 to vector<16xi32>
      %and3A_422 = arith.andi %bitcast_convert_type3A_413, %and3A_421 : vector<16xi32>
      %sub3A_423 = arith.subi %and3A_422, %and3A_419 : vector<16xi32>
      %mul3A_424 = arith.muli %sub3A_423, %add3A_408 : vector<16xi32>
      %add3A_425 = arith.addi %and3A_419, %mul3A_424 : vector<16xi32>
      %bitcast_convert_type3A_426 = tpu.bitcast %add3A_425 : vector<16xi32> -> vector<16xf32>
      %swap3A_427 = arith.constant 112 : index
      %swap3A_428 = tpu.vector_load %arg9[%swap3A_427] {strides = array<i32>} : memref<128xf32, #tpu.memory_space<vmem>>, vector<16xf32>,
      %swap3A_429 = vector.shape_cast %swap3A_428 : vector<16xf32> to vector<16xf32>
      %swap3A_430 = vector.shape_cast %bitcast_convert_type3A_426 : vector<16xf32> to vector<16xf32>
      tpu.vector_store %arg9[%swap3A_427], %swap3A_430 {add = true, strides = array<i32>} : memref<128xf32, #tpu.memory_space<vmem>>, vector<16xf32>,
    }
    %scan3A_106 = arith.constant 10 : i32
    %scan3A_107 = arith.constant 0 : i32
    %scan3A_108 = arith.constant 10 : i32
    %scan3A_109 = arith.constant 10 : i32
    %scan3A_110 = arith.addi %scan3A_108, %scan3A_109 : i32
    %scan3A_111 = arith.constant 1 : i32
    scf.for %scan3A_155 = %scan3A_108 to %scan3A_110 step %scan3A_111  : i32 {
      %dma_wait3A = arith.constant 1 : i32
      %dma_wait3A_156 = arith.constant 0 : i32
      %dma_wait3A_157 = tpu.memref_slice %arg8[%scan3A_155, %dma_wait3A_156] : memref<50x128xf32, #tpu.memory_space<vmem>> -> memref<1x128xf32, #tpu.memory_space<vmem>>
      %dma_wait3A_158 = tpu.memref_squeeze %dma_wait3A_157 : memref<1x128xf32, #tpu.memory_space<vmem>> -> memref<128xf32, #tpu.memory_space<vmem>>
      %dma_wait3A_159 = arith.constant 0 : i32
      %dma_wait3A_160 = tpu.memref_slice %arg7[%scan3A_155, %dma_wait3A_159] : memref<50x128xi32, #tpu.memory_space<vmem>> -> memref<1x128xi32, #tpu.memory_space<vmem>>
      %dma_wait3A_161 = tpu.memref_squeeze %dma_wait3A_160 : memref<1x128xi32, #tpu.memory_space<vmem>> -> memref<128xi32, #tpu.memory_space<vmem>>
      %dma_wait3A_162 = arith.constant 0 : i32
      %dma_wait3A_163 = tpu.memref_slice %arg3[%dma_wait3A_162] : memref<6400000xf32, #tpu.memory_space<hbm>> -> memref<6400000xf32, #tpu.memory_space<hbm>>
      %dma_wait3A_164 = tpu.memref_slice %arg11[%dma_wait3A] : memref<5x!tpu.dma_semaphore, #tpu.memory_space<semaphore_mem>> -> memref<1x!tpu.dma_semaphore, #tpu.memory_space<semaphore_mem>>
      %dma_wait3A_165 = tpu.memref_squeeze %dma_wait3A_164 : memref<1x!tpu.dma_semaphore, #tpu.memory_space<semaphore_mem>> -> memref<!tpu.dma_semaphore, #tpu.memory_space<semaphore_mem>>
      tpu.wait_indirect_dma semaphore(%dma_wait3A_165 : memref<!tpu.dma_semaphore, #tpu.memory_space<semaphore_mem>>) src(%dma_wait3A_163 : memref<6400000xf32, #tpu.memory_space<hbm>>) dst(%dma_wait3A_158 : memref<128xf32, #tpu.memory_space<vmem>>)
    }
    %scan3A_112 = arith.constant 10 : i32
    %scan3A_113 = arith.constant 0 : i32
    %scan3A_114 = arith.constant 10 : i32
    %scan3A_115 = arith.constant 10 : i32
    %scan3A_116 = arith.addi %scan3A_114, %scan3A_115 : i32
    %scan3A_117 = arith.constant 1 : i32
    scf.for %scan3A_155 = %scan3A_114 to %scan3A_116 step %scan3A_117  : i32 {
      %get3A_156 = arith.index_cast %scan3A_155 : i32 to index
      %get3A_157 = arith.constant 0 : index
      %get3A_158 = tpu.vector_load %arg6[%get3A_156, %get3A_157] {strides = array<i32>} : memref<50x128xi32, #tpu.memory_space<vmem>>, vector<1x16xi32>,
      %get3A_159 = vector.shape_cast %get3A_158 : vector<1x16xi32> to vector<16xi32>
      %sub3A = arith.constant 50000 : i32
      %sub3A_160 = vector.broadcast %sub3A : i32 to vector<16xi32>
      %sub3A_161 = arith.subi %get3A_159, %sub3A_160 : vector<16xi32>
      %shift_right_arithmetic3A = arith.constant 31 : i32
      %shift_right_arithmetic3A_162 = vector.broadcast %shift_right_arithmetic3A : i32 to vector<16xi32>
      %shift_right_arithmetic3A_163 = arith.shrsi %sub3A_161, %shift_right_arithmetic3A_162 : vector<16xi32>
      %add3A_164 = arith.constant 1 : i32
      %add3A_165 = vector.broadcast %add3A_164 : i32 to vector<16xi32>
      %add3A_166 = arith.addi %shift_right_arithmetic3A_163, %add3A_165 : vector<16xi32>
      %get3A_167 = arith.index_cast %scan3A_155 : i32 to index
      %get3A_168 = arith.constant 0 : index
      %get3A_169 = tpu.vector_load %arg8[%get3A_167, %get3A_168] {strides = array<i32>} : memref<50x128xf32, #tpu.memory_space<vmem>>, vector<1x16xf32>,
      %get3A_170 = vector.shape_cast %get3A_169 : vector<1x16xf32> to vector<16xf32>
      %bitcast_convert_type3A = tpu.bitcast %get3A_170 : vector<16xf32> -> vector<16xi32>
      %shift_left3A = arith.constant 16 : i32
      %shift_left3A_171 = vector.broadcast %shift_left3A : i32 to vector<16xi32>
      %shift_left3A_172 = arith.shli %bitcast_convert_type3A, %shift_left3A_171 : vector<16xi32>
      %and3A = arith.constant -65536 : i32
      %and3A_173 = vector.broadcast %and3A : i32 to vector<16xi32>
      %and3A_174 = arith.andi %shift_left3A_172, %and3A_173 : vector<16xi32>
      %and3A_175 = arith.constant -65536 : i32
      %and3A_176 = vector.broadcast %and3A_175 : i32 to vector<16xi32>
      %and3A_177 = arith.andi %bitcast_convert_type3A, %and3A_176 : vector<16xi32>
      %sub3A_178 = arith.subi %and3A_177, %and3A_174 : vector<16xi32>
      %mul3A_179 = arith.muli %sub3A_178, %add3A_166 : vector<16xi32>
      %add3A_180 = arith.addi %and3A_174, %mul3A_179 : vector<16xi32>
      %bitcast_convert_type3A_181 = tpu.bitcast %add3A_180 : vector<16xi32> -> vector<16xf32>
      %swap3A_182 = arith.constant 0 : index
      %swap3A_183 = tpu.vector_load %arg9[%swap3A_182] {strides = array<i32>} : memref<128xf32, #tpu.memory_space<vmem>>, vector<16xf32>,
      %swap3A_184 = vector.shape_cast %swap3A_183 : vector<16xf32> to vector<16xf32>
      %swap3A_185 = vector.shape_cast %bitcast_convert_type3A_181 : vector<16xf32> to vector<16xf32>
      tpu.vector_store %arg9[%swap3A_182], %swap3A_185 {add = true, strides = array<i32>} : memref<128xf32, #tpu.memory_space<vmem>>, vector<16xf32>,
      %get3A_186 = arith.index_cast %scan3A_155 : i32 to index
      %get3A_187 = arith.constant 16 : index
      %get3A_188 = tpu.vector_load %arg6[%get3A_186, %get3A_187] {strides = array<i32>} : memref<50x128xi32, #tpu.memory_space<vmem>>, vector<1x16xi32>,
      %get3A_189 = vector.shape_cast %get3A_188 : vector<1x16xi32> to vector<16xi32>
      %sub3A_190 = arith.constant 50000 : i32
      %sub3A_191 = vector.broadcast %sub3A_190 : i32 to vector<16xi32>
      %sub3A_192 = arith.subi %get3A_189, %sub3A_191 : vector<16xi32>
      %shift_right_arithmetic3A_193 = arith.constant 31 : i32
      %shift_right_arithmetic3A_194 = vector.broadcast %shift_right_arithmetic3A_193 : i32 to vector<16xi32>
      %shift_right_arithmetic3A_195 = arith.shrsi %sub3A_192, %shift_right_arithmetic3A_194 : vector<16xi32>
      %add3A_196 = arith.constant 1 : i32
      %add3A_197 = vector.broadcast %add3A_196 : i32 to vector<16xi32>
      %add3A_198 = arith.addi %shift_right_arithmetic3A_195, %add3A_197 : vector<16xi32>
      %get3A_199 = arith.index_cast %scan3A_155 : i32 to index
      %get3A_200 = arith.constant 16 : index
      %get3A_201 = tpu.vector_load %arg8[%get3A_199, %get3A_200] {strides = array<i32>} : memref<50x128xf32, #tpu.memory_space<vmem>>, vector<1x16xf32>,
      %get3A_202 = vector.shape_cast %get3A_201 : vector<1x16xf32> to vector<16xf32>
      %bitcast_convert_type3A_203 = tpu.bitcast %get3A_202 : vector<16xf32> -> vector<16xi32>
      %shift_left3A_204 = arith.constant 16 : i32
      %shift_left3A_205 = vector.broadcast %shift_left3A_204 : i32 to vector<16xi32>
      %shift_left3A_206 = arith.shli %bitcast_convert_type3A_203, %shift_left3A_205 : vector<16xi32>
      %and3A_207 = arith.constant -65536 : i32
      %and3A_208 = vector.broadcast %and3A_207 : i32 to vector<16xi32>
      %and3A_209 = arith.andi %shift_left3A_206, %and3A_208 : vector<16xi32>
      %and3A_210 = arith.constant -65536 : i32
      %and3A_211 = vector.broadcast %and3A_210 : i32 to vector<16xi32>
      %and3A_212 = arith.andi %bitcast_convert_type3A_203, %and3A_211 : vector<16xi32>
      %sub3A_213 = arith.subi %and3A_212, %and3A_209 : vector<16xi32>
      %mul3A_214 = arith.muli %sub3A_213, %add3A_198 : vector<16xi32>
      %add3A_215 = arith.addi %and3A_209, %mul3A_214 : vector<16xi32>
      %bitcast_convert_type3A_216 = tpu.bitcast %add3A_215 : vector<16xi32> -> vector<16xf32>
      %swap3A_217 = arith.constant 16 : index
      %swap3A_218 = tpu.vector_load %arg9[%swap3A_217] {strides = array<i32>} : memref<128xf32, #tpu.memory_space<vmem>>, vector<16xf32>,
      %swap3A_219 = vector.shape_cast %swap3A_218 : vector<16xf32> to vector<16xf32>
      %swap3A_220 = vector.shape_cast %bitcast_convert_type3A_216 : vector<16xf32> to vector<16xf32>
      tpu.vector_store %arg9[%swap3A_217], %swap3A_220 {add = true, strides = array<i32>} : memref<128xf32, #tpu.memory_space<vmem>>, vector<16xf32>,
      %get3A_221 = arith.index_cast %scan3A_155 : i32 to index
      %get3A_222 = arith.constant 32 : index
      %get3A_223 = tpu.vector_load %arg6[%get3A_221, %get3A_222] {strides = array<i32>} : memref<50x128xi32, #tpu.memory_space<vmem>>, vector<1x16xi32>,
      %get3A_224 = vector.shape_cast %get3A_223 : vector<1x16xi32> to vector<16xi32>
      %sub3A_225 = arith.constant 50000 : i32
      %sub3A_226 = vector.broadcast %sub3A_225 : i32 to vector<16xi32>
      %sub3A_227 = arith.subi %get3A_224, %sub3A_226 : vector<16xi32>
      %shift_right_arithmetic3A_228 = arith.constant 31 : i32
      %shift_right_arithmetic3A_229 = vector.broadcast %shift_right_arithmetic3A_228 : i32 to vector<16xi32>
      %shift_right_arithmetic3A_230 = arith.shrsi %sub3A_227, %shift_right_arithmetic3A_229 : vector<16xi32>
      %add3A_231 = arith.constant 1 : i32
      %add3A_232 = vector.broadcast %add3A_231 : i32 to vector<16xi32>
      %add3A_233 = arith.addi %shift_right_arithmetic3A_230, %add3A_232 : vector<16xi32>
      %get3A_234 = arith.index_cast %scan3A_155 : i32 to index
      %get3A_235 = arith.constant 32 : index
      %get3A_236 = tpu.vector_load %arg8[%get3A_234, %get3A_235] {strides = array<i32>} : memref<50x128xf32, #tpu.memory_space<vmem>>, vector<1x16xf32>,
      %get3A_237 = vector.shape_cast %get3A_236 : vector<1x16xf32> to vector<16xf32>
      %bitcast_convert_type3A_238 = tpu.bitcast %get3A_237 : vector<16xf32> -> vector<16xi32>
      %shift_left3A_239 = arith.constant 16 : i32
      %shift_left3A_240 = vector.broadcast %shift_left3A_239 : i32 to vector<16xi32>
      %shift_left3A_241 = arith.shli %bitcast_convert_type3A_238, %shift_left3A_240 : vector<16xi32>
      %and3A_242 = arith.constant -65536 : i32
      %and3A_243 = vector.broadcast %and3A_242 : i32 to vector<16xi32>
      %and3A_244 = arith.andi %shift_left3A_241, %and3A_243 : vector<16xi32>
      %and3A_245 = arith.constant -65536 : i32
      %and3A_246 = vector.broadcast %and3A_245 : i32 to vector<16xi32>
      %and3A_247 = arith.andi %bitcast_convert_type3A_238, %and3A_246 : vector<16xi32>
      %sub3A_248 = arith.subi %and3A_247, %and3A_244 : vector<16xi32>
      %mul3A_249 = arith.muli %sub3A_248, %add3A_233 : vector<16xi32>
      %add3A_250 = arith.addi %and3A_244, %mul3A_249 : vector<16xi32>
      %bitcast_convert_type3A_251 = tpu.bitcast %add3A_250 : vector<16xi32> -> vector<16xf32>
      %swap3A_252 = arith.constant 32 : index
      %swap3A_253 = tpu.vector_load %arg9[%swap3A_252] {strides = array<i32>} : memref<128xf32, #tpu.memory_space<vmem>>, vector<16xf32>,
      %swap3A_254 = vector.shape_cast %swap3A_253 : vector<16xf32> to vector<16xf32>
      %swap3A_255 = vector.shape_cast %bitcast_convert_type3A_251 : vector<16xf32> to vector<16xf32>
      tpu.vector_store %arg9[%swap3A_252], %swap3A_255 {add = true, strides = array<i32>} : memref<128xf32, #tpu.memory_space<vmem>>, vector<16xf32>,
      %get3A_256 = arith.index_cast %scan3A_155 : i32 to index
      %get3A_257 = arith.constant 48 : index
      %get3A_258 = tpu.vector_load %arg6[%get3A_256, %get3A_257] {strides = array<i32>} : memref<50x128xi32, #tpu.memory_space<vmem>>, vector<1x16xi32>,
      %get3A_259 = vector.shape_cast %get3A_258 : vector<1x16xi32> to vector<16xi32>
      %sub3A_260 = arith.constant 50000 : i32
      %sub3A_261 = vector.broadcast %sub3A_260 : i32 to vector<16xi32>
      %sub3A_262 = arith.subi %get3A_259, %sub3A_261 : vector<16xi32>
      %shift_right_arithmetic3A_263 = arith.constant 31 : i32
      %shift_right_arithmetic3A_264 = vector.broadcast %shift_right_arithmetic3A_263 : i32 to vector<16xi32>
      %shift_right_arithmetic3A_265 = arith.shrsi %sub3A_262, %shift_right_arithmetic3A_264 : vector<16xi32>
      %add3A_266 = arith.constant 1 : i32
      %add3A_267 = vector.broadcast %add3A_266 : i32 to vector<16xi32>
      %add3A_268 = arith.addi %shift_right_arithmetic3A_265, %add3A_267 : vector<16xi32>
      %get3A_269 = arith.index_cast %scan3A_155 : i32 to index
      %get3A_270 = arith.constant 48 : index
      %get3A_271 = tpu.vector_load %arg8[%get3A_269, %get3A_270] {strides = array<i32>} : memref<50x128xf32, #tpu.memory_space<vmem>>, vector<1x16xf32>,
      %get3A_272 = vector.shape_cast %get3A_271 : vector<1x16xf32> to vector<16xf32>
      %bitcast_convert_type3A_273 = tpu.bitcast %get3A_272 : vector<16xf32> -> vector<16xi32>
      %shift_left3A_274 = arith.constant 16 : i32
      %shift_left3A_275 = vector.broadcast %shift_left3A_274 : i32 to vector<16xi32>
      %shift_left3A_276 = arith.shli %bitcast_convert_type3A_273, %shift_left3A_275 : vector<16xi32>
      %and3A_277 = arith.constant -65536 : i32
      %and3A_278 = vector.broadcast %and3A_277 : i32 to vector<16xi32>
      %and3A_279 = arith.andi %shift_left3A_276, %and3A_278 : vector<16xi32>
      %and3A_280 = arith.constant -65536 : i32
      %and3A_281 = vector.broadcast %and3A_280 : i32 to vector<16xi32>
      %and3A_282 = arith.andi %bitcast_convert_type3A_273, %and3A_281 : vector<16xi32>
      %sub3A_283 = arith.subi %and3A_282, %and3A_279 : vector<16xi32>
      %mul3A_284 = arith.muli %sub3A_283, %add3A_268 : vector<16xi32>
      %add3A_285 = arith.addi %and3A_279, %mul3A_284 : vector<16xi32>
      %bitcast_convert_type3A_286 = tpu.bitcast %add3A_285 : vector<16xi32> -> vector<16xf32>
      %swap3A_287 = arith.constant 48 : index
      %swap3A_288 = tpu.vector_load %arg9[%swap3A_287] {strides = array<i32>} : memref<128xf32, #tpu.memory_space<vmem>>, vector<16xf32>,
      %swap3A_289 = vector.shape_cast %swap3A_288 : vector<16xf32> to vector<16xf32>
      %swap3A_290 = vector.shape_cast %bitcast_convert_type3A_286 : vector<16xf32> to vector<16xf32>
      tpu.vector_store %arg9[%swap3A_287], %swap3A_290 {add = true, strides = array<i32>} : memref<128xf32, #tpu.memory_space<vmem>>, vector<16xf32>,
      %get3A_291 = arith.index_cast %scan3A_155 : i32 to index
      %get3A_292 = arith.constant 64 : index
      %get3A_293 = tpu.vector_load %arg6[%get3A_291, %get3A_292] {strides = array<i32>} : memref<50x128xi32, #tpu.memory_space<vmem>>, vector<1x16xi32>,
      %get3A_294 = vector.shape_cast %get3A_293 : vector<1x16xi32> to vector<16xi32>
      %sub3A_295 = arith.constant 50000 : i32
      %sub3A_296 = vector.broadcast %sub3A_295 : i32 to vector<16xi32>
      %sub3A_297 = arith.subi %get3A_294, %sub3A_296 : vector<16xi32>
      %shift_right_arithmetic3A_298 = arith.constant 31 : i32
      %shift_right_arithmetic3A_299 = vector.broadcast %shift_right_arithmetic3A_298 : i32 to vector<16xi32>
      %shift_right_arithmetic3A_300 = arith.shrsi %sub3A_297, %shift_right_arithmetic3A_299 : vector<16xi32>
      %add3A_301 = arith.constant 1 : i32
      %add3A_302 = vector.broadcast %add3A_301 : i32 to vector<16xi32>
      %add3A_303 = arith.addi %shift_right_arithmetic3A_300, %add3A_302 : vector<16xi32>
      %get3A_304 = arith.index_cast %scan3A_155 : i32 to index
      %get3A_305 = arith.constant 64 : index
      %get3A_306 = tpu.vector_load %arg8[%get3A_304, %get3A_305] {strides = array<i32>} : memref<50x128xf32, #tpu.memory_space<vmem>>, vector<1x16xf32>,
      %get3A_307 = vector.shape_cast %get3A_306 : vector<1x16xf32> to vector<16xf32>
      %bitcast_convert_type3A_308 = tpu.bitcast %get3A_307 : vector<16xf32> -> vector<16xi32>
      %shift_left3A_309 = arith.constant 16 : i32
      %shift_left3A_310 = vector.broadcast %shift_left3A_309 : i32 to vector<16xi32>
      %shift_left3A_311 = arith.shli %bitcast_convert_type3A_308, %shift_left3A_310 : vector<16xi32>
      %and3A_312 = arith.constant -65536 : i32
      %and3A_313 = vector.broadcast %and3A_312 : i32 to vector<16xi32>
      %and3A_314 = arith.andi %shift_left3A_311, %and3A_313 : vector<16xi32>
      %and3A_315 = arith.constant -65536 : i32
      %and3A_316 = vector.broadcast %and3A_315 : i32 to vector<16xi32>
      %and3A_317 = arith.andi %bitcast_convert_type3A_308, %and3A_316 : vector<16xi32>
      %sub3A_318 = arith.subi %and3A_317, %and3A_314 : vector<16xi32>
      %mul3A_319 = arith.muli %sub3A_318, %add3A_303 : vector<16xi32>
      %add3A_320 = arith.addi %and3A_314, %mul3A_319 : vector<16xi32>
      %bitcast_convert_type3A_321 = tpu.bitcast %add3A_320 : vector<16xi32> -> vector<16xf32>
      %swap3A_322 = arith.constant 64 : index
      %swap3A_323 = tpu.vector_load %arg9[%swap3A_322] {strides = array<i32>} : memref<128xf32, #tpu.memory_space<vmem>>, vector<16xf32>,
      %swap3A_324 = vector.shape_cast %swap3A_323 : vector<16xf32> to vector<16xf32>
      %swap3A_325 = vector.shape_cast %bitcast_convert_type3A_321 : vector<16xf32> to vector<16xf32>
      tpu.vector_store %arg9[%swap3A_322], %swap3A_325 {add = true, strides = array<i32>} : memref<128xf32, #tpu.memory_space<vmem>>, vector<16xf32>,
      %get3A_326 = arith.index_cast %scan3A_155 : i32 to index
      %get3A_327 = arith.constant 80 : index
      %get3A_328 = tpu.vector_load %arg6[%get3A_326, %get3A_327] {strides = array<i32>} : memref<50x128xi32, #tpu.memory_space<vmem>>, vector<1x16xi32>,
      %get3A_329 = vector.shape_cast %get3A_328 : vector<1x16xi32> to vector<16xi32>
      %sub3A_330 = arith.constant 50000 : i32
      %sub3A_331 = vector.broadcast %sub3A_330 : i32 to vector<16xi32>
      %sub3A_332 = arith.subi %get3A_329, %sub3A_331 : vector<16xi32>
      %shift_right_arithmetic3A_333 = arith.constant 31 : i32
      %shift_right_arithmetic3A_334 = vector.broadcast %shift_right_arithmetic3A_333 : i32 to vector<16xi32>
      %shift_right_arithmetic3A_335 = arith.shrsi %sub3A_332, %shift_right_arithmetic3A_334 : vector<16xi32>
      %add3A_336 = arith.constant 1 : i32
      %add3A_337 = vector.broadcast %add3A_336 : i32 to vector<16xi32>
      %add3A_338 = arith.addi %shift_right_arithmetic3A_335, %add3A_337 : vector<16xi32>
      %get3A_339 = arith.index_cast %scan3A_155 : i32 to index
      %get3A_340 = arith.constant 80 : index
      %get3A_341 = tpu.vector_load %arg8[%get3A_339, %get3A_340] {strides = array<i32>} : memref<50x128xf32, #tpu.memory_space<vmem>>, vector<1x16xf32>,
      %get3A_342 = vector.shape_cast %get3A_341 : vector<1x16xf32> to vector<16xf32>
      %bitcast_convert_type3A_343 = tpu.bitcast %get3A_342 : vector<16xf32> -> vector<16xi32>
      %shift_left3A_344 = arith.constant 16 : i32
      %shift_left3A_345 = vector.broadcast %shift_left3A_344 : i32 to vector<16xi32>
      %shift_left3A_346 = arith.shli %bitcast_convert_type3A_343, %shift_left3A_345 : vector<16xi32>
      %and3A_347 = arith.constant -65536 : i32
      %and3A_348 = vector.broadcast %and3A_347 : i32 to vector<16xi32>
      %and3A_349 = arith.andi %shift_left3A_346, %and3A_348 : vector<16xi32>
      %and3A_350 = arith.constant -65536 : i32
      %and3A_351 = vector.broadcast %and3A_350 : i32 to vector<16xi32>
      %and3A_352 = arith.andi %bitcast_convert_type3A_343, %and3A_351 : vector<16xi32>
      %sub3A_353 = arith.subi %and3A_352, %and3A_349 : vector<16xi32>
      %mul3A_354 = arith.muli %sub3A_353, %add3A_338 : vector<16xi32>
      %add3A_355 = arith.addi %and3A_349, %mul3A_354 : vector<16xi32>
      %bitcast_convert_type3A_356 = tpu.bitcast %add3A_355 : vector<16xi32> -> vector<16xf32>
      %swap3A_357 = arith.constant 80 : index
      %swap3A_358 = tpu.vector_load %arg9[%swap3A_357] {strides = array<i32>} : memref<128xf32, #tpu.memory_space<vmem>>, vector<16xf32>,
      %swap3A_359 = vector.shape_cast %swap3A_358 : vector<16xf32> to vector<16xf32>
      %swap3A_360 = vector.shape_cast %bitcast_convert_type3A_356 : vector<16xf32> to vector<16xf32>
      tpu.vector_store %arg9[%swap3A_357], %swap3A_360 {add = true, strides = array<i32>} : memref<128xf32, #tpu.memory_space<vmem>>, vector<16xf32>,
      %get3A_361 = arith.index_cast %scan3A_155 : i32 to index
      %get3A_362 = arith.constant 96 : index
      %get3A_363 = tpu.vector_load %arg6[%get3A_361, %get3A_362] {strides = array<i32>} : memref<50x128xi32, #tpu.memory_space<vmem>>, vector<1x16xi32>,
      %get3A_364 = vector.shape_cast %get3A_363 : vector<1x16xi32> to vector<16xi32>
      %sub3A_365 = arith.constant 50000 : i32
      %sub3A_366 = vector.broadcast %sub3A_365 : i32 to vector<16xi32>
      %sub3A_367 = arith.subi %get3A_364, %sub3A_366 : vector<16xi32>
      %shift_right_arithmetic3A_368 = arith.constant 31 : i32
      %shift_right_arithmetic3A_369 = vector.broadcast %shift_right_arithmetic3A_368 : i32 to vector<16xi32>
      %shift_right_arithmetic3A_370 = arith.shrsi %sub3A_367, %shift_right_arithmetic3A_369 : vector<16xi32>
      %add3A_371 = arith.constant 1 : i32
      %add3A_372 = vector.broadcast %add3A_371 : i32 to vector<16xi32>
      %add3A_373 = arith.addi %shift_right_arithmetic3A_370, %add3A_372 : vector<16xi32>
      %get3A_374 = arith.index_cast %scan3A_155 : i32 to index
      %get3A_375 = arith.constant 96 : index
      %get3A_376 = tpu.vector_load %arg8[%get3A_374, %get3A_375] {strides = array<i32>} : memref<50x128xf32, #tpu.memory_space<vmem>>, vector<1x16xf32>,
      %get3A_377 = vector.shape_cast %get3A_376 : vector<1x16xf32> to vector<16xf32>
      %bitcast_convert_type3A_378 = tpu.bitcast %get3A_377 : vector<16xf32> -> vector<16xi32>
      %shift_left3A_379 = arith.constant 16 : i32
      %shift_left3A_380 = vector.broadcast %shift_left3A_379 : i32 to vector<16xi32>
      %shift_left3A_381 = arith.shli %bitcast_convert_type3A_378, %shift_left3A_380 : vector<16xi32>
      %and3A_382 = arith.constant -65536 : i32
      %and3A_383 = vector.broadcast %and3A_382 : i32 to vector<16xi32>
      %and3A_384 = arith.andi %shift_left3A_381, %and3A_383 : vector<16xi32>
      %and3A_385 = arith.constant -65536 : i32
      %and3A_386 = vector.broadcast %and3A_385 : i32 to vector<16xi32>
      %and3A_387 = arith.andi %bitcast_convert_type3A_378, %and3A_386 : vector<16xi32>
      %sub3A_388 = arith.subi %and3A_387, %and3A_384 : vector<16xi32>
      %mul3A_389 = arith.muli %sub3A_388, %add3A_373 : vector<16xi32>
      %add3A_390 = arith.addi %and3A_384, %mul3A_389 : vector<16xi32>
      %bitcast_convert_type3A_391 = tpu.bitcast %add3A_390 : vector<16xi32> -> vector<16xf32>
      %swap3A_392 = arith.constant 96 : index
      %swap3A_393 = tpu.vector_load %arg9[%swap3A_392] {strides = array<i32>} : memref<128xf32, #tpu.memory_space<vmem>>, vector<16xf32>,
      %swap3A_394 = vector.shape_cast %swap3A_393 : vector<16xf32> to vector<16xf32>
      %swap3A_395 = vector.shape_cast %bitcast_convert_type3A_391 : vector<16xf32> to vector<16xf32>
      tpu.vector_store %arg9[%swap3A_392], %swap3A_395 {add = true, strides = array<i32>} : memref<128xf32, #tpu.memory_space<vmem>>, vector<16xf32>,
      %get3A_396 = arith.index_cast %scan3A_155 : i32 to index
      %get3A_397 = arith.constant 112 : index
      %get3A_398 = tpu.vector_load %arg6[%get3A_396, %get3A_397] {strides = array<i32>} : memref<50x128xi32, #tpu.memory_space<vmem>>, vector<1x16xi32>,
      %get3A_399 = vector.shape_cast %get3A_398 : vector<1x16xi32> to vector<16xi32>
      %sub3A_400 = arith.constant 50000 : i32
      %sub3A_401 = vector.broadcast %sub3A_400 : i32 to vector<16xi32>
      %sub3A_402 = arith.subi %get3A_399, %sub3A_401 : vector<16xi32>
      %shift_right_arithmetic3A_403 = arith.constant 31 : i32
      %shift_right_arithmetic3A_404 = vector.broadcast %shift_right_arithmetic3A_403 : i32 to vector<16xi32>
      %shift_right_arithmetic3A_405 = arith.shrsi %sub3A_402, %shift_right_arithmetic3A_404 : vector<16xi32>
      %add3A_406 = arith.constant 1 : i32
      %add3A_407 = vector.broadcast %add3A_406 : i32 to vector<16xi32>
      %add3A_408 = arith.addi %shift_right_arithmetic3A_405, %add3A_407 : vector<16xi32>
      %get3A_409 = arith.index_cast %scan3A_155 : i32 to index
      %get3A_410 = arith.constant 112 : index
      %get3A_411 = tpu.vector_load %arg8[%get3A_409, %get3A_410] {strides = array<i32>} : memref<50x128xf32, #tpu.memory_space<vmem>>, vector<1x16xf32>,
      %get3A_412 = vector.shape_cast %get3A_411 : vector<1x16xf32> to vector<16xf32>
      %bitcast_convert_type3A_413 = tpu.bitcast %get3A_412 : vector<16xf32> -> vector<16xi32>
      %shift_left3A_414 = arith.constant 16 : i32
      %shift_left3A_415 = vector.broadcast %shift_left3A_414 : i32 to vector<16xi32>
      %shift_left3A_416 = arith.shli %bitcast_convert_type3A_413, %shift_left3A_415 : vector<16xi32>
      %and3A_417 = arith.constant -65536 : i32
      %and3A_418 = vector.broadcast %and3A_417 : i32 to vector<16xi32>
      %and3A_419 = arith.andi %shift_left3A_416, %and3A_418 : vector<16xi32>
      %and3A_420 = arith.constant -65536 : i32
      %and3A_421 = vector.broadcast %and3A_420 : i32 to vector<16xi32>
      %and3A_422 = arith.andi %bitcast_convert_type3A_413, %and3A_421 : vector<16xi32>
      %sub3A_423 = arith.subi %and3A_422, %and3A_419 : vector<16xi32>
      %mul3A_424 = arith.muli %sub3A_423, %add3A_408 : vector<16xi32>
      %add3A_425 = arith.addi %and3A_419, %mul3A_424 : vector<16xi32>
      %bitcast_convert_type3A_426 = tpu.bitcast %add3A_425 : vector<16xi32> -> vector<16xf32>
      %swap3A_427 = arith.constant 112 : index
      %swap3A_428 = tpu.vector_load %arg9[%swap3A_427] {strides = array<i32>} : memref<128xf32, #tpu.memory_space<vmem>>, vector<16xf32>,
      %swap3A_429 = vector.shape_cast %swap3A_428 : vector<16xf32> to vector<16xf32>
      %swap3A_430 = vector.shape_cast %bitcast_convert_type3A_426 : vector<16xf32> to vector<16xf32>
      tpu.vector_store %arg9[%swap3A_427], %swap3A_430 {add = true, strides = array<i32>} : memref<128xf32, #tpu.memory_space<vmem>>, vector<16xf32>,
    }
    %scan3A_118 = arith.constant 10 : i32
    %scan3A_119 = arith.constant 0 : i32
    %scan3A_120 = arith.constant 20 : i32
    %scan3A_121 = arith.constant 10 : i32
    %scan3A_122 = arith.addi %scan3A_120, %scan3A_121 : i32
    %scan3A_123 = arith.constant 1 : i32
    scf.for %scan3A_155 = %scan3A_120 to %scan3A_122 step %scan3A_123  : i32 {
      %dma_wait3A = arith.constant 2 : i32
      %dma_wait3A_156 = arith.constant 0 : i32
      %dma_wait3A_157 = tpu.memref_slice %arg8[%scan3A_155, %dma_wait3A_156] : memref<50x128xf32, #tpu.memory_space<vmem>> -> memref<1x128xf32, #tpu.memory_space<vmem>>
      %dma_wait3A_158 = tpu.memref_squeeze %dma_wait3A_157 : memref<1x128xf32, #tpu.memory_space<vmem>> -> memref<128xf32, #tpu.memory_space<vmem>>
      %dma_wait3A_159 = arith.constant 0 : i32
      %dma_wait3A_160 = tpu.memref_slice %arg7[%scan3A_155, %dma_wait3A_159] : memref<50x128xi32, #tpu.memory_space<vmem>> -> memref<1x128xi32, #tpu.memory_space<vmem>>
      %dma_wait3A_161 = tpu.memref_squeeze %dma_wait3A_160 : memref<1x128xi32, #tpu.memory_space<vmem>> -> memref<128xi32, #tpu.memory_space<vmem>>
      %dma_wait3A_162 = arith.constant 0 : i32
      %dma_wait3A_163 = tpu.memref_slice %arg3[%dma_wait3A_162] : memref<6400000xf32, #tpu.memory_space<hbm>> -> memref<6400000xf32, #tpu.memory_space<hbm>>
      %dma_wait3A_164 = tpu.memref_slice %arg11[%dma_wait3A] : memref<5x!tpu.dma_semaphore, #tpu.memory_space<semaphore_mem>> -> memref<1x!tpu.dma_semaphore, #tpu.memory_space<semaphore_mem>>
      %dma_wait3A_165 = tpu.memref_squeeze %dma_wait3A_164 : memref<1x!tpu.dma_semaphore, #tpu.memory_space<semaphore_mem>> -> memref<!tpu.dma_semaphore, #tpu.memory_space<semaphore_mem>>
      tpu.wait_indirect_dma semaphore(%dma_wait3A_165 : memref<!tpu.dma_semaphore, #tpu.memory_space<semaphore_mem>>) src(%dma_wait3A_163 : memref<6400000xf32, #tpu.memory_space<hbm>>) dst(%dma_wait3A_158 : memref<128xf32, #tpu.memory_space<vmem>>)
    }
    %scan3A_124 = arith.constant 10 : i32
    %scan3A_125 = arith.constant 0 : i32
    %scan3A_126 = arith.constant 20 : i32
    %scan3A_127 = arith.constant 10 : i32
    %scan3A_128 = arith.addi %scan3A_126, %scan3A_127 : i32
    %scan3A_129 = arith.constant 1 : i32
    scf.for %scan3A_155 = %scan3A_126 to %scan3A_128 step %scan3A_129  : i32 {
      %get3A_156 = arith.index_cast %scan3A_155 : i32 to index
      %get3A_157 = arith.constant 0 : index
      %get3A_158 = tpu.vector_load %arg6[%get3A_156, %get3A_157] {strides = array<i32>} : memref<50x128xi32, #tpu.memory_space<vmem>>, vector<1x16xi32>,
      %get3A_159 = vector.shape_cast %get3A_158 : vector<1x16xi32> to vector<16xi32>
      %sub3A = arith.constant 50000 : i32
      %sub3A_160 = vector.broadcast %sub3A : i32 to vector<16xi32>
      %sub3A_161 = arith.subi %get3A_159, %sub3A_160 : vector<16xi32>
      %shift_right_arithmetic3A = arith.constant 31 : i32
      %shift_right_arithmetic3A_162 = vector.broadcast %shift_right_arithmetic3A : i32 to vector<16xi32>
      %shift_right_arithmetic3A_163 = arith.shrsi %sub3A_161, %shift_right_arithmetic3A_162 : vector<16xi32>
      %add3A_164 = arith.constant 1 : i32
      %add3A_165 = vector.broadcast %add3A_164 : i32 to vector<16xi32>
      %add3A_166 = arith.addi %shift_right_arithmetic3A_163, %add3A_165 : vector<16xi32>
      %get3A_167 = arith.index_cast %scan3A_155 : i32 to index
      %get3A_168 = arith.constant 0 : index
      %get3A_169 = tpu.vector_load %arg8[%get3A_167, %get3A_168] {strides = array<i32>} : memref<50x128xf32, #tpu.memory_space<vmem>>, vector<1x16xf32>,
      %get3A_170 = vector.shape_cast %get3A_169 : vector<1x16xf32> to vector<16xf32>
      %bitcast_convert_type3A = tpu.bitcast %get3A_170 : vector<16xf32> -> vector<16xi32>
      %shift_left3A = arith.constant 16 : i32
      %shift_left3A_171 = vector.broadcast %shift_left3A : i32 to vector<16xi32>
      %shift_left3A_172 = arith.shli %bitcast_convert_type3A, %shift_left3A_171 : vector<16xi32>
      %and3A = arith.constant -65536 : i32
      %and3A_173 = vector.broadcast %and3A : i32 to vector<16xi32>
      %and3A_174 = arith.andi %shift_left3A_172, %and3A_173 : vector<16xi32>
      %and3A_175 = arith.constant -65536 : i32
      %and3A_176 = vector.broadcast %and3A_175 : i32 to vector<16xi32>
      %and3A_177 = arith.andi %bitcast_convert_type3A, %and3A_176 : vector<16xi32>
      %sub3A_178 = arith.subi %and3A_177, %and3A_174 : vector<16xi32>
      %mul3A_179 = arith.muli %sub3A_178, %add3A_166 : vector<16xi32>
      %add3A_180 = arith.addi %and3A_174, %mul3A_179 : vector<16xi32>
      %bitcast_convert_type3A_181 = tpu.bitcast %add3A_180 : vector<16xi32> -> vector<16xf32>
      %swap3A_182 = arith.constant 0 : index
      %swap3A_183 = tpu.vector_load %arg9[%swap3A_182] {strides = array<i32>} : memref<128xf32, #tpu.memory_space<vmem>>, vector<16xf32>,
      %swap3A_184 = vector.shape_cast %swap3A_183 : vector<16xf32> to vector<16xf32>
      %swap3A_185 = vector.shape_cast %bitcast_convert_type3A_181 : vector<16xf32> to vector<16xf32>
      tpu.vector_store %arg9[%swap3A_182], %swap3A_185 {add = true, strides = array<i32>} : memref<128xf32, #tpu.memory_space<vmem>>, vector<16xf32>,
      %get3A_186 = arith.index_cast %scan3A_155 : i32 to index
      %get3A_187 = arith.constant 16 : index
      %get3A_188 = tpu.vector_load %arg6[%get3A_186, %get3A_187] {strides = array<i32>} : memref<50x128xi32, #tpu.memory_space<vmem>>, vector<1x16xi32>,
      %get3A_189 = vector.shape_cast %get3A_188 : vector<1x16xi32> to vector<16xi32>
      %sub3A_190 = arith.constant 50000 : i32
      %sub3A_191 = vector.broadcast %sub3A_190 : i32 to vector<16xi32>
      %sub3A_192 = arith.subi %get3A_189, %sub3A_191 : vector<16xi32>
      %shift_right_arithmetic3A_193 = arith.constant 31 : i32
      %shift_right_arithmetic3A_194 = vector.broadcast %shift_right_arithmetic3A_193 : i32 to vector<16xi32>
      %shift_right_arithmetic3A_195 = arith.shrsi %sub3A_192, %shift_right_arithmetic3A_194 : vector<16xi32>
      %add3A_196 = arith.constant 1 : i32
      %add3A_197 = vector.broadcast %add3A_196 : i32 to vector<16xi32>
      %add3A_198 = arith.addi %shift_right_arithmetic3A_195, %add3A_197 : vector<16xi32>
      %get3A_199 = arith.index_cast %scan3A_155 : i32 to index
      %get3A_200 = arith.constant 16 : index
      %get3A_201 = tpu.vector_load %arg8[%get3A_199, %get3A_200] {strides = array<i32>} : memref<50x128xf32, #tpu.memory_space<vmem>>, vector<1x16xf32>,
      %get3A_202 = vector.shape_cast %get3A_201 : vector<1x16xf32> to vector<16xf32>
      %bitcast_convert_type3A_203 = tpu.bitcast %get3A_202 : vector<16xf32> -> vector<16xi32>
      %shift_left3A_204 = arith.constant 16 : i32
      %shift_left3A_205 = vector.broadcast %shift_left3A_204 : i32 to vector<16xi32>
      %shift_left3A_206 = arith.shli %bitcast_convert_type3A_203, %shift_left3A_205 : vector<16xi32>
      %and3A_207 = arith.constant -65536 : i32
      %and3A_208 = vector.broadcast %and3A_207 : i32 to vector<16xi32>
      %and3A_209 = arith.andi %shift_left3A_206, %and3A_208 : vector<16xi32>
      %and3A_210 = arith.constant -65536 : i32
      %and3A_211 = vector.broadcast %and3A_210 : i32 to vector<16xi32>
      %and3A_212 = arith.andi %bitcast_convert_type3A_203, %and3A_211 : vector<16xi32>
      %sub3A_213 = arith.subi %and3A_212, %and3A_209 : vector<16xi32>
      %mul3A_214 = arith.muli %sub3A_213, %add3A_198 : vector<16xi32>
      %add3A_215 = arith.addi %and3A_209, %mul3A_214 : vector<16xi32>
      %bitcast_convert_type3A_216 = tpu.bitcast %add3A_215 : vector<16xi32> -> vector<16xf32>
      %swap3A_217 = arith.constant 16 : index
      %swap3A_218 = tpu.vector_load %arg9[%swap3A_217] {strides = array<i32>} : memref<128xf32, #tpu.memory_space<vmem>>, vector<16xf32>,
      %swap3A_219 = vector.shape_cast %swap3A_218 : vector<16xf32> to vector<16xf32>
      %swap3A_220 = vector.shape_cast %bitcast_convert_type3A_216 : vector<16xf32> to vector<16xf32>
      tpu.vector_store %arg9[%swap3A_217], %swap3A_220 {add = true, strides = array<i32>} : memref<128xf32, #tpu.memory_space<vmem>>, vector<16xf32>,
      %get3A_221 = arith.index_cast %scan3A_155 : i32 to index
      %get3A_222 = arith.constant 32 : index
      %get3A_223 = tpu.vector_load %arg6[%get3A_221, %get3A_222] {strides = array<i32>} : memref<50x128xi32, #tpu.memory_space<vmem>>, vector<1x16xi32>,
      %get3A_224 = vector.shape_cast %get3A_223 : vector<1x16xi32> to vector<16xi32>
      %sub3A_225 = arith.constant 50000 : i32
      %sub3A_226 = vector.broadcast %sub3A_225 : i32 to vector<16xi32>
      %sub3A_227 = arith.subi %get3A_224, %sub3A_226 : vector<16xi32>
      %shift_right_arithmetic3A_228 = arith.constant 31 : i32
      %shift_right_arithmetic3A_229 = vector.broadcast %shift_right_arithmetic3A_228 : i32 to vector<16xi32>
      %shift_right_arithmetic3A_230 = arith.shrsi %sub3A_227, %shift_right_arithmetic3A_229 : vector<16xi32>
      %add3A_231 = arith.constant 1 : i32
      %add3A_232 = vector.broadcast %add3A_231 : i32 to vector<16xi32>
      %add3A_233 = arith.addi %shift_right_arithmetic3A_230, %add3A_232 : vector<16xi32>
      %get3A_234 = arith.index_cast %scan3A_155 : i32 to index
      %get3A_235 = arith.constant 32 : index
      %get3A_236 = tpu.vector_load %arg8[%get3A_234, %get3A_235] {strides = array<i32>} : memref<50x128xf32, #tpu.memory_space<vmem>>, vector<1x16xf32>,
      %get3A_237 = vector.shape_cast %get3A_236 : vector<1x16xf32> to vector<16xf32>
      %bitcast_convert_type3A_238 = tpu.bitcast %get3A_237 : vector<16xf32> -> vector<16xi32>
      %shift_left3A_239 = arith.constant 16 : i32
      %shift_left3A_240 = vector.broadcast %shift_left3A_239 : i32 to vector<16xi32>
      %shift_left3A_241 = arith.shli %bitcast_convert_type3A_238, %shift_left3A_240 : vector<16xi32>
      %and3A_242 = arith.constant -65536 : i32
      %and3A_243 = vector.broadcast %and3A_242 : i32 to vector<16xi32>
      %and3A_244 = arith.andi %shift_left3A_241, %and3A_243 : vector<16xi32>
      %and3A_245 = arith.constant -65536 : i32
      %and3A_246 = vector.broadcast %and3A_245 : i32 to vector<16xi32>
      %and3A_247 = arith.andi %bitcast_convert_type3A_238, %and3A_246 : vector<16xi32>
      %sub3A_248 = arith.subi %and3A_247, %and3A_244 : vector<16xi32>
      %mul3A_249 = arith.muli %sub3A_248, %add3A_233 : vector<16xi32>
      %add3A_250 = arith.addi %and3A_244, %mul3A_249 : vector<16xi32>
      %bitcast_convert_type3A_251 = tpu.bitcast %add3A_250 : vector<16xi32> -> vector<16xf32>
      %swap3A_252 = arith.constant 32 : index
      %swap3A_253 = tpu.vector_load %arg9[%swap3A_252] {strides = array<i32>} : memref<128xf32, #tpu.memory_space<vmem>>, vector<16xf32>,
      %swap3A_254 = vector.shape_cast %swap3A_253 : vector<16xf32> to vector<16xf32>
      %swap3A_255 = vector.shape_cast %bitcast_convert_type3A_251 : vector<16xf32> to vector<16xf32>
      tpu.vector_store %arg9[%swap3A_252], %swap3A_255 {add = true, strides = array<i32>} : memref<128xf32, #tpu.memory_space<vmem>>, vector<16xf32>,
      %get3A_256 = arith.index_cast %scan3A_155 : i32 to index
      %get3A_257 = arith.constant 48 : index
      %get3A_258 = tpu.vector_load %arg6[%get3A_256, %get3A_257] {strides = array<i32>} : memref<50x128xi32, #tpu.memory_space<vmem>>, vector<1x16xi32>,
      %get3A_259 = vector.shape_cast %get3A_258 : vector<1x16xi32> to vector<16xi32>
      %sub3A_260 = arith.constant 50000 : i32
      %sub3A_261 = vector.broadcast %sub3A_260 : i32 to vector<16xi32>
      %sub3A_262 = arith.subi %get3A_259, %sub3A_261 : vector<16xi32>
      %shift_right_arithmetic3A_263 = arith.constant 31 : i32
      %shift_right_arithmetic3A_264 = vector.broadcast %shift_right_arithmetic3A_263 : i32 to vector<16xi32>
      %shift_right_arithmetic3A_265 = arith.shrsi %sub3A_262, %shift_right_arithmetic3A_264 : vector<16xi32>
      %add3A_266 = arith.constant 1 : i32
      %add3A_267 = vector.broadcast %add3A_266 : i32 to vector<16xi32>
      %add3A_268 = arith.addi %shift_right_arithmetic3A_265, %add3A_267 : vector<16xi32>
      %get3A_269 = arith.index_cast %scan3A_155 : i32 to index
      %get3A_270 = arith.constant 48 : index
      %get3A_271 = tpu.vector_load %arg8[%get3A_269, %get3A_270] {strides = array<i32>} : memref<50x128xf32, #tpu.memory_space<vmem>>, vector<1x16xf32>,
      %get3A_272 = vector.shape_cast %get3A_271 : vector<1x16xf32> to vector<16xf32>
      %bitcast_convert_type3A_273 = tpu.bitcast %get3A_272 : vector<16xf32> -> vector<16xi32>
      %shift_left3A_274 = arith.constant 16 : i32
      %shift_left3A_275 = vector.broadcast %shift_left3A_274 : i32 to vector<16xi32>
      %shift_left3A_276 = arith.shli %bitcast_convert_type3A_273, %shift_left3A_275 : vector<16xi32>
      %and3A_277 = arith.constant -65536 : i32
      %and3A_278 = vector.broadcast %and3A_277 : i32 to vector<16xi32>
      %and3A_279 = arith.andi %shift_left3A_276, %and3A_278 : vector<16xi32>
      %and3A_280 = arith.constant -65536 : i32
      %and3A_281 = vector.broadcast %and3A_280 : i32 to vector<16xi32>
      %and3A_282 = arith.andi %bitcast_convert_type3A_273, %and3A_281 : vector<16xi32>
      %sub3A_283 = arith.subi %and3A_282, %and3A_279 : vector<16xi32>
      %mul3A_284 = arith.muli %sub3A_283, %add3A_268 : vector<16xi32>
      %add3A_285 = arith.addi %and3A_279, %mul3A_284 : vector<16xi32>
      %bitcast_convert_type3A_286 = tpu.bitcast %add3A_285 : vector<16xi32> -> vector<16xf32>
      %swap3A_287 = arith.constant 48 : index
      %swap3A_288 = tpu.vector_load %arg9[%swap3A_287] {strides = array<i32>} : memref<128xf32, #tpu.memory_space<vmem>>, vector<16xf32>,
      %swap3A_289 = vector.shape_cast %swap3A_288 : vector<16xf32> to vector<16xf32>
      %swap3A_290 = vector.shape_cast %bitcast_convert_type3A_286 : vector<16xf32> to vector<16xf32>
      tpu.vector_store %arg9[%swap3A_287], %swap3A_290 {add = true, strides = array<i32>} : memref<128xf32, #tpu.memory_space<vmem>>, vector<16xf32>,
      %get3A_291 = arith.index_cast %scan3A_155 : i32 to index
      %get3A_292 = arith.constant 64 : index
      %get3A_293 = tpu.vector_load %arg6[%get3A_291, %get3A_292] {strides = array<i32>} : memref<50x128xi32, #tpu.memory_space<vmem>>, vector<1x16xi32>,
      %get3A_294 = vector.shape_cast %get3A_293 : vector<1x16xi32> to vector<16xi32>
      %sub3A_295 = arith.constant 50000 : i32
      %sub3A_296 = vector.broadcast %sub3A_295 : i32 to vector<16xi32>
      %sub3A_297 = arith.subi %get3A_294, %sub3A_296 : vector<16xi32>
      %shift_right_arithmetic3A_298 = arith.constant 31 : i32
      %shift_right_arithmetic3A_299 = vector.broadcast %shift_right_arithmetic3A_298 : i32 to vector<16xi32>
      %shift_right_arithmetic3A_300 = arith.shrsi %sub3A_297, %shift_right_arithmetic3A_299 : vector<16xi32>
      %add3A_301 = arith.constant 1 : i32
      %add3A_302 = vector.broadcast %add3A_301 : i32 to vector<16xi32>
      %add3A_303 = arith.addi %shift_right_arithmetic3A_300, %add3A_302 : vector<16xi32>
      %get3A_304 = arith.index_cast %scan3A_155 : i32 to index
      %get3A_305 = arith.constant 64 : index
      %get3A_306 = tpu.vector_load %arg8[%get3A_304, %get3A_305] {strides = array<i32>} : memref<50x128xf32, #tpu.memory_space<vmem>>, vector<1x16xf32>,
      %get3A_307 = vector.shape_cast %get3A_306 : vector<1x16xf32> to vector<16xf32>
      %bitcast_convert_type3A_308 = tpu.bitcast %get3A_307 : vector<16xf32> -> vector<16xi32>
      %shift_left3A_309 = arith.constant 16 : i32
      %shift_left3A_310 = vector.broadcast %shift_left3A_309 : i32 to vector<16xi32>
      %shift_left3A_311 = arith.shli %bitcast_convert_type3A_308, %shift_left3A_310 : vector<16xi32>
      %and3A_312 = arith.constant -65536 : i32
      %and3A_313 = vector.broadcast %and3A_312 : i32 to vector<16xi32>
      %and3A_314 = arith.andi %shift_left3A_311, %and3A_313 : vector<16xi32>
      %and3A_315 = arith.constant -65536 : i32
      %and3A_316 = vector.broadcast %and3A_315 : i32 to vector<16xi32>
      %and3A_317 = arith.andi %bitcast_convert_type3A_308, %and3A_316 : vector<16xi32>
      %sub3A_318 = arith.subi %and3A_317, %and3A_314 : vector<16xi32>
      %mul3A_319 = arith.muli %sub3A_318, %add3A_303 : vector<16xi32>
      %add3A_320 = arith.addi %and3A_314, %mul3A_319 : vector<16xi32>
      %bitcast_convert_type3A_321 = tpu.bitcast %add3A_320 : vector<16xi32> -> vector<16xf32>
      %swap3A_322 = arith.constant 64 : index
      %swap3A_323 = tpu.vector_load %arg9[%swap3A_322] {strides = array<i32>} : memref<128xf32, #tpu.memory_space<vmem>>, vector<16xf32>,
      %swap3A_324 = vector.shape_cast %swap3A_323 : vector<16xf32> to vector<16xf32>
      %swap3A_325 = vector.shape_cast %bitcast_convert_type3A_321 : vector<16xf32> to vector<16xf32>
      tpu.vector_store %arg9[%swap3A_322], %swap3A_325 {add = true, strides = array<i32>} : memref<128xf32, #tpu.memory_space<vmem>>, vector<16xf32>,
      %get3A_326 = arith.index_cast %scan3A_155 : i32 to index
      %get3A_327 = arith.constant 80 : index
      %get3A_328 = tpu.vector_load %arg6[%get3A_326, %get3A_327] {strides = array<i32>} : memref<50x128xi32, #tpu.memory_space<vmem>>, vector<1x16xi32>,
      %get3A_329 = vector.shape_cast %get3A_328 : vector<1x16xi32> to vector<16xi32>
      %sub3A_330 = arith.constant 50000 : i32
      %sub3A_331 = vector.broadcast %sub3A_330 : i32 to vector<16xi32>
      %sub3A_332 = arith.subi %get3A_329, %sub3A_331 : vector<16xi32>
      %shift_right_arithmetic3A_333 = arith.constant 31 : i32
      %shift_right_arithmetic3A_334 = vector.broadcast %shift_right_arithmetic3A_333 : i32 to vector<16xi32>
      %shift_right_arithmetic3A_335 = arith.shrsi %sub3A_332, %shift_right_arithmetic3A_334 : vector<16xi32>
      %add3A_336 = arith.constant 1 : i32
      %add3A_337 = vector.broadcast %add3A_336 : i32 to vector<16xi32>
      %add3A_338 = arith.addi %shift_right_arithmetic3A_335, %add3A_337 : vector<16xi32>
      %get3A_339 = arith.index_cast %scan3A_155 : i32 to index
      %get3A_340 = arith.constant 80 : index
      %get3A_341 = tpu.vector_load %arg8[%get3A_339, %get3A_340] {strides = array<i32>} : memref<50x128xf32, #tpu.memory_space<vmem>>, vector<1x16xf32>,
      %get3A_342 = vector.shape_cast %get3A_341 : vector<1x16xf32> to vector<16xf32>
      %bitcast_convert_type3A_343 = tpu.bitcast %get3A_342 : vector<16xf32> -> vector<16xi32>
      %shift_left3A_344 = arith.constant 16 : i32
      %shift_left3A_345 = vector.broadcast %shift_left3A_344 : i32 to vector<16xi32>
      %shift_left3A_346 = arith.shli %bitcast_convert_type3A_343, %shift_left3A_345 : vector<16xi32>
      %and3A_347 = arith.constant -65536 : i32
      %and3A_348 = vector.broadcast %and3A_347 : i32 to vector<16xi32>
      %and3A_349 = arith.andi %shift_left3A_346, %and3A_348 : vector<16xi32>
      %and3A_350 = arith.constant -65536 : i32
      %and3A_351 = vector.broadcast %and3A_350 : i32 to vector<16xi32>
      %and3A_352 = arith.andi %bitcast_convert_type3A_343, %and3A_351 : vector<16xi32>
      %sub3A_353 = arith.subi %and3A_352, %and3A_349 : vector<16xi32>
      %mul3A_354 = arith.muli %sub3A_353, %add3A_338 : vector<16xi32>
      %add3A_355 = arith.addi %and3A_349, %mul3A_354 : vector<16xi32>
      %bitcast_convert_type3A_356 = tpu.bitcast %add3A_355 : vector<16xi32> -> vector<16xf32>
      %swap3A_357 = arith.constant 80 : index
      %swap3A_358 = tpu.vector_load %arg9[%swap3A_357] {strides = array<i32>} : memref<128xf32, #tpu.memory_space<vmem>>, vector<16xf32>,
      %swap3A_359 = vector.shape_cast %swap3A_358 : vector<16xf32> to vector<16xf32>
      %swap3A_360 = vector.shape_cast %bitcast_convert_type3A_356 : vector<16xf32> to vector<16xf32>
      tpu.vector_store %arg9[%swap3A_357], %swap3A_360 {add = true, strides = array<i32>} : memref<128xf32, #tpu.memory_space<vmem>>, vector<16xf32>,
      %get3A_361 = arith.index_cast %scan3A_155 : i32 to index
      %get3A_362 = arith.constant 96 : index
      %get3A_363 = tpu.vector_load %arg6[%get3A_361, %get3A_362] {strides = array<i32>} : memref<50x128xi32, #tpu.memory_space<vmem>>, vector<1x16xi32>,
      %get3A_364 = vector.shape_cast %get3A_363 : vector<1x16xi32> to vector<16xi32>
      %sub3A_365 = arith.constant 50000 : i32
      %sub3A_366 = vector.broadcast %sub3A_365 : i32 to vector<16xi32>
      %sub3A_367 = arith.subi %get3A_364, %sub3A_366 : vector<16xi32>
      %shift_right_arithmetic3A_368 = arith.constant 31 : i32
      %shift_right_arithmetic3A_369 = vector.broadcast %shift_right_arithmetic3A_368 : i32 to vector<16xi32>
      %shift_right_arithmetic3A_370 = arith.shrsi %sub3A_367, %shift_right_arithmetic3A_369 : vector<16xi32>
      %add3A_371 = arith.constant 1 : i32
      %add3A_372 = vector.broadcast %add3A_371 : i32 to vector<16xi32>
      %add3A_373 = arith.addi %shift_right_arithmetic3A_370, %add3A_372 : vector<16xi32>
      %get3A_374 = arith.index_cast %scan3A_155 : i32 to index
      %get3A_375 = arith.constant 96 : index
      %get3A_376 = tpu.vector_load %arg8[%get3A_374, %get3A_375] {strides = array<i32>} : memref<50x128xf32, #tpu.memory_space<vmem>>, vector<1x16xf32>,
      %get3A_377 = vector.shape_cast %get3A_376 : vector<1x16xf32> to vector<16xf32>
      %bitcast_convert_type3A_378 = tpu.bitcast %get3A_377 : vector<16xf32> -> vector<16xi32>
      %shift_left3A_379 = arith.constant 16 : i32
      %shift_left3A_380 = vector.broadcast %shift_left3A_379 : i32 to vector<16xi32>
      %shift_left3A_381 = arith.shli %bitcast_convert_type3A_378, %shift_left3A_380 : vector<16xi32>
      %and3A_382 = arith.constant -65536 : i32
      %and3A_383 = vector.broadcast %and3A_382 : i32 to vector<16xi32>
      %and3A_384 = arith.andi %shift_left3A_381, %and3A_383 : vector<16xi32>
      %and3A_385 = arith.constant -65536 : i32
      %and3A_386 = vector.broadcast %and3A_385 : i32 to vector<16xi32>
      %and3A_387 = arith.andi %bitcast_convert_type3A_378, %and3A_386 : vector<16xi32>
      %sub3A_388 = arith.subi %and3A_387, %and3A_384 : vector<16xi32>
      %mul3A_389 = arith.muli %sub3A_388, %add3A_373 : vector<16xi32>
      %add3A_390 = arith.addi %and3A_384, %mul3A_389 : vector<16xi32>
      %bitcast_convert_type3A_391 = tpu.bitcast %add3A_390 : vector<16xi32> -> vector<16xf32>
      %swap3A_392 = arith.constant 96 : index
      %swap3A_393 = tpu.vector_load %arg9[%swap3A_392] {strides = array<i32>} : memref<128xf32, #tpu.memory_space<vmem>>, vector<16xf32>,
      %swap3A_394 = vector.shape_cast %swap3A_393 : vector<16xf32> to vector<16xf32>
      %swap3A_395 = vector.shape_cast %bitcast_convert_type3A_391 : vector<16xf32> to vector<16xf32>
      tpu.vector_store %arg9[%swap3A_392], %swap3A_395 {add = true, strides = array<i32>} : memref<128xf32, #tpu.memory_space<vmem>>, vector<16xf32>,
      %get3A_396 = arith.index_cast %scan3A_155 : i32 to index
      %get3A_397 = arith.constant 112 : index
      %get3A_398 = tpu.vector_load %arg6[%get3A_396, %get3A_397] {strides = array<i32>} : memref<50x128xi32, #tpu.memory_space<vmem>>, vector<1x16xi32>,
      %get3A_399 = vector.shape_cast %get3A_398 : vector<1x16xi32> to vector<16xi32>
      %sub3A_400 = arith.constant 50000 : i32
      %sub3A_401 = vector.broadcast %sub3A_400 : i32 to vector<16xi32>
      %sub3A_402 = arith.subi %get3A_399, %sub3A_401 : vector<16xi32>
      %shift_right_arithmetic3A_403 = arith.constant 31 : i32
      %shift_right_arithmetic3A_404 = vector.broadcast %shift_right_arithmetic3A_403 : i32 to vector<16xi32>
      %shift_right_arithmetic3A_405 = arith.shrsi %sub3A_402, %shift_right_arithmetic3A_404 : vector<16xi32>
      %add3A_406 = arith.constant 1 : i32
      %add3A_407 = vector.broadcast %add3A_406 : i32 to vector<16xi32>
      %add3A_408 = arith.addi %shift_right_arithmetic3A_405, %add3A_407 : vector<16xi32>
      %get3A_409 = arith.index_cast %scan3A_155 : i32 to index
      %get3A_410 = arith.constant 112 : index
      %get3A_411 = tpu.vector_load %arg8[%get3A_409, %get3A_410] {strides = array<i32>} : memref<50x128xf32, #tpu.memory_space<vmem>>, vector<1x16xf32>,
      %get3A_412 = vector.shape_cast %get3A_411 : vector<1x16xf32> to vector<16xf32>
      %bitcast_convert_type3A_413 = tpu.bitcast %get3A_412 : vector<16xf32> -> vector<16xi32>
      %shift_left3A_414 = arith.constant 16 : i32
      %shift_left3A_415 = vector.broadcast %shift_left3A_414 : i32 to vector<16xi32>
      %shift_left3A_416 = arith.shli %bitcast_convert_type3A_413, %shift_left3A_415 : vector<16xi32>
      %and3A_417 = arith.constant -65536 : i32
      %and3A_418 = vector.broadcast %and3A_417 : i32 to vector<16xi32>
      %and3A_419 = arith.andi %shift_left3A_416, %and3A_418 : vector<16xi32>
      %and3A_420 = arith.constant -65536 : i32
      %and3A_421 = vector.broadcast %and3A_420 : i32 to vector<16xi32>
      %and3A_422 = arith.andi %bitcast_convert_type3A_413, %and3A_421 : vector<16xi32>
      %sub3A_423 = arith.subi %and3A_422, %and3A_419 : vector<16xi32>
      %mul3A_424 = arith.muli %sub3A_423, %add3A_408 : vector<16xi32>
      %add3A_425 = arith.addi %and3A_419, %mul3A_424 : vector<16xi32>
      %bitcast_convert_type3A_426 = tpu.bitcast %add3A_425 : vector<16xi32> -> vector<16xf32>
      %swap3A_427 = arith.constant 112 : index
      %swap3A_428 = tpu.vector_load %arg9[%swap3A_427] {strides = array<i32>} : memref<128xf32, #tpu.memory_space<vmem>>, vector<16xf32>,
      %swap3A_429 = vector.shape_cast %swap3A_428 : vector<16xf32> to vector<16xf32>
      %swap3A_430 = vector.shape_cast %bitcast_convert_type3A_426 : vector<16xf32> to vector<16xf32>
      tpu.vector_store %arg9[%swap3A_427], %swap3A_430 {add = true, strides = array<i32>} : memref<128xf32, #tpu.memory_space<vmem>>, vector<16xf32>,
    }
    %scan3A_130 = arith.constant 10 : i32
    %scan3A_131 = arith.constant 0 : i32
    %scan3A_132 = arith.constant 30 : i32
    %scan3A_133 = arith.constant 10 : i32
    %scan3A_134 = arith.addi %scan3A_132, %scan3A_133 : i32
    %scan3A_135 = arith.constant 1 : i32
    scf.for %scan3A_155 = %scan3A_132 to %scan3A_134 step %scan3A_135  : i32 {
      %dma_wait3A = arith.constant 3 : i32
      %dma_wait3A_156 = arith.constant 0 : i32
      %dma_wait3A_157 = tpu.memref_slice %arg8[%scan3A_155, %dma_wait3A_156] : memref<50x128xf32, #tpu.memory_space<vmem>> -> memref<1x128xf32, #tpu.memory_space<vmem>>
      %dma_wait3A_158 = tpu.memref_squeeze %dma_wait3A_157 : memref<1x128xf32, #tpu.memory_space<vmem>> -> memref<128xf32, #tpu.memory_space<vmem>>
      %dma_wait3A_159 = arith.constant 0 : i32
      %dma_wait3A_160 = tpu.memref_slice %arg7[%scan3A_155, %dma_wait3A_159] : memref<50x128xi32, #tpu.memory_space<vmem>> -> memref<1x128xi32, #tpu.memory_space<vmem>>
      %dma_wait3A_161 = tpu.memref_squeeze %dma_wait3A_160 : memref<1x128xi32, #tpu.memory_space<vmem>> -> memref<128xi32, #tpu.memory_space<vmem>>
      %dma_wait3A_162 = arith.constant 0 : i32
      %dma_wait3A_163 = tpu.memref_slice %arg3[%dma_wait3A_162] : memref<6400000xf32, #tpu.memory_space<hbm>> -> memref<6400000xf32, #tpu.memory_space<hbm>>
      %dma_wait3A_164 = tpu.memref_slice %arg11[%dma_wait3A] : memref<5x!tpu.dma_semaphore, #tpu.memory_space<semaphore_mem>> -> memref<1x!tpu.dma_semaphore, #tpu.memory_space<semaphore_mem>>
      %dma_wait3A_165 = tpu.memref_squeeze %dma_wait3A_164 : memref<1x!tpu.dma_semaphore, #tpu.memory_space<semaphore_mem>> -> memref<!tpu.dma_semaphore, #tpu.memory_space<semaphore_mem>>
      tpu.wait_indirect_dma semaphore(%dma_wait3A_165 : memref<!tpu.dma_semaphore, #tpu.memory_space<semaphore_mem>>) src(%dma_wait3A_163 : memref<6400000xf32, #tpu.memory_space<hbm>>) dst(%dma_wait3A_158 : memref<128xf32, #tpu.memory_space<vmem>>)
    }
    %scan3A_136 = arith.constant 10 : i32
    %scan3A_137 = arith.constant 0 : i32
    %scan3A_138 = arith.constant 30 : i32
    %scan3A_139 = arith.constant 10 : i32
    %scan3A_140 = arith.addi %scan3A_138, %scan3A_139 : i32
    %scan3A_141 = arith.constant 1 : i32
    scf.for %scan3A_155 = %scan3A_138 to %scan3A_140 step %scan3A_141  : i32 {
      %get3A_156 = arith.index_cast %scan3A_155 : i32 to index
      %get3A_157 = arith.constant 0 : index
      %get3A_158 = tpu.vector_load %arg6[%get3A_156, %get3A_157] {strides = array<i32>} : memref<50x128xi32, #tpu.memory_space<vmem>>, vector<1x16xi32>,
      %get3A_159 = vector.shape_cast %get3A_158 : vector<1x16xi32> to vector<16xi32>
      %sub3A = arith.constant 50000 : i32
      %sub3A_160 = vector.broadcast %sub3A : i32 to vector<16xi32>
      %sub3A_161 = arith.subi %get3A_159, %sub3A_160 : vector<16xi32>
      %shift_right_arithmetic3A = arith.constant 31 : i32
      %shift_right_arithmetic3A_162 = vector.broadcast %shift_right_arithmetic3A : i32 to vector<16xi32>
      %shift_right_arithmetic3A_163 = arith.shrsi %sub3A_161, %shift_right_arithmetic3A_162 : vector<16xi32>
      %add3A_164 = arith.constant 1 : i32
      %add3A_165 = vector.broadcast %add3A_164 : i32 to vector<16xi32>
      %add3A_166 = arith.addi %shift_right_arithmetic3A_163, %add3A_165 : vector<16xi32>
      %get3A_167 = arith.index_cast %scan3A_155 : i32 to index
      %get3A_168 = arith.constant 0 : index
      %get3A_169 = tpu.vector_load %arg8[%get3A_167, %get3A_168] {strides = array<i32>} : memref<50x128xf32, #tpu.memory_space<vmem>>, vector<1x16xf32>,
      %get3A_170 = vector.shape_cast %get3A_169 : vector<1x16xf32> to vector<16xf32>
      %bitcast_convert_type3A = tpu.bitcast %get3A_170 : vector<16xf32> -> vector<16xi32>
      %shift_left3A = arith.constant 16 : i32
      %shift_left3A_171 = vector.broadcast %shift_left3A : i32 to vector<16xi32>
      %shift_left3A_172 = arith.shli %bitcast_convert_type3A, %shift_left3A_171 : vector<16xi32>
      %and3A = arith.constant -65536 : i32
      %and3A_173 = vector.broadcast %and3A : i32 to vector<16xi32>
      %and3A_174 = arith.andi %shift_left3A_172, %and3A_173 : vector<16xi32>
      %and3A_175 = arith.constant -65536 : i32
      %and3A_176 = vector.broadcast %and3A_175 : i32 to vector<16xi32>
      %and3A_177 = arith.andi %bitcast_convert_type3A, %and3A_176 : vector<16xi32>
      %sub3A_178 = arith.subi %and3A_177, %and3A_174 : vector<16xi32>
      %mul3A_179 = arith.muli %sub3A_178, %add3A_166 : vector<16xi32>
      %add3A_180 = arith.addi %and3A_174, %mul3A_179 : vector<16xi32>
      %bitcast_convert_type3A_181 = tpu.bitcast %add3A_180 : vector<16xi32> -> vector<16xf32>
      %swap3A_182 = arith.constant 0 : index
      %swap3A_183 = tpu.vector_load %arg9[%swap3A_182] {strides = array<i32>} : memref<128xf32, #tpu.memory_space<vmem>>, vector<16xf32>,
      %swap3A_184 = vector.shape_cast %swap3A_183 : vector<16xf32> to vector<16xf32>
      %swap3A_185 = vector.shape_cast %bitcast_convert_type3A_181 : vector<16xf32> to vector<16xf32>
      tpu.vector_store %arg9[%swap3A_182], %swap3A_185 {add = true, strides = array<i32>} : memref<128xf32, #tpu.memory_space<vmem>>, vector<16xf32>,
      %get3A_186 = arith.index_cast %scan3A_155 : i32 to index
      %get3A_187 = arith.constant 16 : index
      %get3A_188 = tpu.vector_load %arg6[%get3A_186, %get3A_187] {strides = array<i32>} : memref<50x128xi32, #tpu.memory_space<vmem>>, vector<1x16xi32>,
      %get3A_189 = vector.shape_cast %get3A_188 : vector<1x16xi32> to vector<16xi32>
      %sub3A_190 = arith.constant 50000 : i32
      %sub3A_191 = vector.broadcast %sub3A_190 : i32 to vector<16xi32>
      %sub3A_192 = arith.subi %get3A_189, %sub3A_191 : vector<16xi32>
      %shift_right_arithmetic3A_193 = arith.constant 31 : i32
      %shift_right_arithmetic3A_194 = vector.broadcast %shift_right_arithmetic3A_193 : i32 to vector<16xi32>
      %shift_right_arithmetic3A_195 = arith.shrsi %sub3A_192, %shift_right_arithmetic3A_194 : vector<16xi32>
      %add3A_196 = arith.constant 1 : i32
      %add3A_197 = vector.broadcast %add3A_196 : i32 to vector<16xi32>
      %add3A_198 = arith.addi %shift_right_arithmetic3A_195, %add3A_197 : vector<16xi32>
      %get3A_199 = arith.index_cast %scan3A_155 : i32 to index
      %get3A_200 = arith.constant 16 : index
      %get3A_201 = tpu.vector_load %arg8[%get3A_199, %get3A_200] {strides = array<i32>} : memref<50x128xf32, #tpu.memory_space<vmem>>, vector<1x16xf32>,
      %get3A_202 = vector.shape_cast %get3A_201 : vector<1x16xf32> to vector<16xf32>
      %bitcast_convert_type3A_203 = tpu.bitcast %get3A_202 : vector<16xf32> -> vector<16xi32>
      %shift_left3A_204 = arith.constant 16 : i32
      %shift_left3A_205 = vector.broadcast %shift_left3A_204 : i32 to vector<16xi32>
      %shift_left3A_206 = arith.shli %bitcast_convert_type3A_203, %shift_left3A_205 : vector<16xi32>
      %and3A_207 = arith.constant -65536 : i32
      %and3A_208 = vector.broadcast %and3A_207 : i32 to vector<16xi32>
      %and3A_209 = arith.andi %shift_left3A_206, %and3A_208 : vector<16xi32>
      %and3A_210 = arith.constant -65536 : i32
      %and3A_211 = vector.broadcast %and3A_210 : i32 to vector<16xi32>
      %and3A_212 = arith.andi %bitcast_convert_type3A_203, %and3A_211 : vector<16xi32>
      %sub3A_213 = arith.subi %and3A_212, %and3A_209 : vector<16xi32>
      %mul3A_214 = arith.muli %sub3A_213, %add3A_198 : vector<16xi32>
      %add3A_215 = arith.addi %and3A_209, %mul3A_214 : vector<16xi32>
      %bitcast_convert_type3A_216 = tpu.bitcast %add3A_215 : vector<16xi32> -> vector<16xf32>
      %swap3A_217 = arith.constant 16 : index
      %swap3A_218 = tpu.vector_load %arg9[%swap3A_217] {strides = array<i32>} : memref<128xf32, #tpu.memory_space<vmem>>, vector<16xf32>,
      %swap3A_219 = vector.shape_cast %swap3A_218 : vector<16xf32> to vector<16xf32>
      %swap3A_220 = vector.shape_cast %bitcast_convert_type3A_216 : vector<16xf32> to vector<16xf32>
      tpu.vector_store %arg9[%swap3A_217], %swap3A_220 {add = true, strides = array<i32>} : memref<128xf32, #tpu.memory_space<vmem>>, vector<16xf32>,
      %get3A_221 = arith.index_cast %scan3A_155 : i32 to index
      %get3A_222 = arith.constant 32 : index
      %get3A_223 = tpu.vector_load %arg6[%get3A_221, %get3A_222] {strides = array<i32>} : memref<50x128xi32, #tpu.memory_space<vmem>>, vector<1x16xi32>,
      %get3A_224 = vector.shape_cast %get3A_223 : vector<1x16xi32> to vector<16xi32>
      %sub3A_225 = arith.constant 50000 : i32
      %sub3A_226 = vector.broadcast %sub3A_225 : i32 to vector<16xi32>
      %sub3A_227 = arith.subi %get3A_224, %sub3A_226 : vector<16xi32>
      %shift_right_arithmetic3A_228 = arith.constant 31 : i32
      %shift_right_arithmetic3A_229 = vector.broadcast %shift_right_arithmetic3A_228 : i32 to vector<16xi32>
      %shift_right_arithmetic3A_230 = arith.shrsi %sub3A_227, %shift_right_arithmetic3A_229 : vector<16xi32>
      %add3A_231 = arith.constant 1 : i32
      %add3A_232 = vector.broadcast %add3A_231 : i32 to vector<16xi32>
      %add3A_233 = arith.addi %shift_right_arithmetic3A_230, %add3A_232 : vector<16xi32>
      %get3A_234 = arith.index_cast %scan3A_155 : i32 to index
      %get3A_235 = arith.constant 32 : index
      %get3A_236 = tpu.vector_load %arg8[%get3A_234, %get3A_235] {strides = array<i32>} : memref<50x128xf32, #tpu.memory_space<vmem>>, vector<1x16xf32>,
      %get3A_237 = vector.shape_cast %get3A_236 : vector<1x16xf32> to vector<16xf32>
      %bitcast_convert_type3A_238 = tpu.bitcast %get3A_237 : vector<16xf32> -> vector<16xi32>
      %shift_left3A_239 = arith.constant 16 : i32
      %shift_left3A_240 = vector.broadcast %shift_left3A_239 : i32 to vector<16xi32>
      %shift_left3A_241 = arith.shli %bitcast_convert_type3A_238, %shift_left3A_240 : vector<16xi32>
      %and3A_242 = arith.constant -65536 : i32
      %and3A_243 = vector.broadcast %and3A_242 : i32 to vector<16xi32>
      %and3A_244 = arith.andi %shift_left3A_241, %and3A_243 : vector<16xi32>
      %and3A_245 = arith.constant -65536 : i32
      %and3A_246 = vector.broadcast %and3A_245 : i32 to vector<16xi32>
      %and3A_247 = arith.andi %bitcast_convert_type3A_238, %and3A_246 : vector<16xi32>
      %sub3A_248 = arith.subi %and3A_247, %and3A_244 : vector<16xi32>
      %mul3A_249 = arith.muli %sub3A_248, %add3A_233 : vector<16xi32>
      %add3A_250 = arith.addi %and3A_244, %mul3A_249 : vector<16xi32>
      %bitcast_convert_type3A_251 = tpu.bitcast %add3A_250 : vector<16xi32> -> vector<16xf32>
      %swap3A_252 = arith.constant 32 : index
      %swap3A_253 = tpu.vector_load %arg9[%swap3A_252] {strides = array<i32>} : memref<128xf32, #tpu.memory_space<vmem>>, vector<16xf32>,
      %swap3A_254 = vector.shape_cast %swap3A_253 : vector<16xf32> to vector<16xf32>
      %swap3A_255 = vector.shape_cast %bitcast_convert_type3A_251 : vector<16xf32> to vector<16xf32>
      tpu.vector_store %arg9[%swap3A_252], %swap3A_255 {add = true, strides = array<i32>} : memref<128xf32, #tpu.memory_space<vmem>>, vector<16xf32>,
      %get3A_256 = arith.index_cast %scan3A_155 : i32 to index
      %get3A_257 = arith.constant 48 : index
      %get3A_258 = tpu.vector_load %arg6[%get3A_256, %get3A_257] {strides = array<i32>} : memref<50x128xi32, #tpu.memory_space<vmem>>, vector<1x16xi32>,
      %get3A_259 = vector.shape_cast %get3A_258 : vector<1x16xi32> to vector<16xi32>
      %sub3A_260 = arith.constant 50000 : i32
      %sub3A_261 = vector.broadcast %sub3A_260 : i32 to vector<16xi32>
      %sub3A_262 = arith.subi %get3A_259, %sub3A_261 : vector<16xi32>
      %shift_right_arithmetic3A_263 = arith.constant 31 : i32
      %shift_right_arithmetic3A_264 = vector.broadcast %shift_right_arithmetic3A_263 : i32 to vector<16xi32>
      %shift_right_arithmetic3A_265 = arith.shrsi %sub3A_262, %shift_right_arithmetic3A_264 : vector<16xi32>
      %add3A_266 = arith.constant 1 : i32
      %add3A_267 = vector.broadcast %add3A_266 : i32 to vector<16xi32>
      %add3A_268 = arith.addi %shift_right_arithmetic3A_265, %add3A_267 : vector<16xi32>
      %get3A_269 = arith.index_cast %scan3A_155 : i32 to index
      %get3A_270 = arith.constant 48 : index
      %get3A_271 = tpu.vector_load %arg8[%get3A_269, %get3A_270] {strides = array<i32>} : memref<50x128xf32, #tpu.memory_space<vmem>>, vector<1x16xf32>,
      %get3A_272 = vector.shape_cast %get3A_271 : vector<1x16xf32> to vector<16xf32>
      %bitcast_convert_type3A_273 = tpu.bitcast %get3A_272 : vector<16xf32> -> vector<16xi32>
      %shift_left3A_274 = arith.constant 16 : i32
      %shift_left3A_275 = vector.broadcast %shift_left3A_274 : i32 to vector<16xi32>
      %shift_left3A_276 = arith.shli %bitcast_convert_type3A_273, %shift_left3A_275 : vector<16xi32>
      %and3A_277 = arith.constant -65536 : i32
      %and3A_278 = vector.broadcast %and3A_277 : i32 to vector<16xi32>
      %and3A_279 = arith.andi %shift_left3A_276, %and3A_278 : vector<16xi32>
      %and3A_280 = arith.constant -65536 : i32
      %and3A_281 = vector.broadcast %and3A_280 : i32 to vector<16xi32>
      %and3A_282 = arith.andi %bitcast_convert_type3A_273, %and3A_281 : vector<16xi32>
      %sub3A_283 = arith.subi %and3A_282, %and3A_279 : vector<16xi32>
      %mul3A_284 = arith.muli %sub3A_283, %add3A_268 : vector<16xi32>
      %add3A_285 = arith.addi %and3A_279, %mul3A_284 : vector<16xi32>
      %bitcast_convert_type3A_286 = tpu.bitcast %add3A_285 : vector<16xi32> -> vector<16xf32>
      %swap3A_287 = arith.constant 48 : index
      %swap3A_288 = tpu.vector_load %arg9[%swap3A_287] {strides = array<i32>} : memref<128xf32, #tpu.memory_space<vmem>>, vector<16xf32>,
      %swap3A_289 = vector.shape_cast %swap3A_288 : vector<16xf32> to vector<16xf32>
      %swap3A_290 = vector.shape_cast %bitcast_convert_type3A_286 : vector<16xf32> to vector<16xf32>
      tpu.vector_store %arg9[%swap3A_287], %swap3A_290 {add = true, strides = array<i32>} : memref<128xf32, #tpu.memory_space<vmem>>, vector<16xf32>,
      %get3A_291 = arith.index_cast %scan3A_155 : i32 to index
      %get3A_292 = arith.constant 64 : index
      %get3A_293 = tpu.vector_load %arg6[%get3A_291, %get3A_292] {strides = array<i32>} : memref<50x128xi32, #tpu.memory_space<vmem>>, vector<1x16xi32>,
      %get3A_294 = vector.shape_cast %get3A_293 : vector<1x16xi32> to vector<16xi32>
      %sub3A_295 = arith.constant 50000 : i32
      %sub3A_296 = vector.broadcast %sub3A_295 : i32 to vector<16xi32>
      %sub3A_297 = arith.subi %get3A_294, %sub3A_296 : vector<16xi32>
      %shift_right_arithmetic3A_298 = arith.constant 31 : i32
      %shift_right_arithmetic3A_299 = vector.broadcast %shift_right_arithmetic3A_298 : i32 to vector<16xi32>
      %shift_right_arithmetic3A_300 = arith.shrsi %sub3A_297, %shift_right_arithmetic3A_299 : vector<16xi32>
      %add3A_301 = arith.constant 1 : i32
      %add3A_302 = vector.broadcast %add3A_301 : i32 to vector<16xi32>
      %add3A_303 = arith.addi %shift_right_arithmetic3A_300, %add3A_302 : vector<16xi32>
      %get3A_304 = arith.index_cast %scan3A_155 : i32 to index
      %get3A_305 = arith.constant 64 : index
      %get3A_306 = tpu.vector_load %arg8[%get3A_304, %get3A_305] {strides = array<i32>} : memref<50x128xf32, #tpu.memory_space<vmem>>, vector<1x16xf32>,
      %get3A_307 = vector.shape_cast %get3A_306 : vector<1x16xf32> to vector<16xf32>
      %bitcast_convert_type3A_308 = tpu.bitcast %get3A_307 : vector<16xf32> -> vector<16xi32>
      %shift_left3A_309 = arith.constant 16 : i32
      %shift_left3A_310 = vector.broadcast %shift_left3A_309 : i32 to vector<16xi32>
      %shift_left3A_311 = arith.shli %bitcast_convert_type3A_308, %shift_left3A_310 : vector<16xi32>
      %and3A_312 = arith.constant -65536 : i32
      %and3A_313 = vector.broadcast %and3A_312 : i32 to vector<16xi32>
      %and3A_314 = arith.andi %shift_left3A_311, %and3A_313 : vector<16xi32>
      %and3A_315 = arith.constant -65536 : i32
      %and3A_316 = vector.broadcast %and3A_315 : i32 to vector<16xi32>
      %and3A_317 = arith.andi %bitcast_convert_type3A_308, %and3A_316 : vector<16xi32>
      %sub3A_318 = arith.subi %and3A_317, %and3A_314 : vector<16xi32>
      %mul3A_319 = arith.muli %sub3A_318, %add3A_303 : vector<16xi32>
      %add3A_320 = arith.addi %and3A_314, %mul3A_319 : vector<16xi32>
      %bitcast_convert_type3A_321 = tpu.bitcast %add3A_320 : vector<16xi32> -> vector<16xf32>
      %swap3A_322 = arith.constant 64 : index
      %swap3A_323 = tpu.vector_load %arg9[%swap3A_322] {strides = array<i32>} : memref<128xf32, #tpu.memory_space<vmem>>, vector<16xf32>,
      %swap3A_324 = vector.shape_cast %swap3A_323 : vector<16xf32> to vector<16xf32>
      %swap3A_325 = vector.shape_cast %bitcast_convert_type3A_321 : vector<16xf32> to vector<16xf32>
      tpu.vector_store %arg9[%swap3A_322], %swap3A_325 {add = true, strides = array<i32>} : memref<128xf32, #tpu.memory_space<vmem>>, vector<16xf32>,
      %get3A_326 = arith.index_cast %scan3A_155 : i32 to index
      %get3A_327 = arith.constant 80 : index
      %get3A_328 = tpu.vector_load %arg6[%get3A_326, %get3A_327] {strides = array<i32>} : memref<50x128xi32, #tpu.memory_space<vmem>>, vector<1x16xi32>,
      %get3A_329 = vector.shape_cast %get3A_328 : vector<1x16xi32> to vector<16xi32>
      %sub3A_330 = arith.constant 50000 : i32
      %sub3A_331 = vector.broadcast %sub3A_330 : i32 to vector<16xi32>
      %sub3A_332 = arith.subi %get3A_329, %sub3A_331 : vector<16xi32>
      %shift_right_arithmetic3A_333 = arith.constant 31 : i32
      %shift_right_arithmetic3A_334 = vector.broadcast %shift_right_arithmetic3A_333 : i32 to vector<16xi32>
      %shift_right_arithmetic3A_335 = arith.shrsi %sub3A_332, %shift_right_arithmetic3A_334 : vector<16xi32>
      %add3A_336 = arith.constant 1 : i32
      %add3A_337 = vector.broadcast %add3A_336 : i32 to vector<16xi32>
      %add3A_338 = arith.addi %shift_right_arithmetic3A_335, %add3A_337 : vector<16xi32>
      %get3A_339 = arith.index_cast %scan3A_155 : i32 to index
      %get3A_340 = arith.constant 80 : index
      %get3A_341 = tpu.vector_load %arg8[%get3A_339, %get3A_340] {strides = array<i32>} : memref<50x128xf32, #tpu.memory_space<vmem>>, vector<1x16xf32>,
      %get3A_342 = vector.shape_cast %get3A_341 : vector<1x16xf32> to vector<16xf32>
      %bitcast_convert_type3A_343 = tpu.bitcast %get3A_342 : vector<16xf32> -> vector<16xi32>
      %shift_left3A_344 = arith.constant 16 : i32
      %shift_left3A_345 = vector.broadcast %shift_left3A_344 : i32 to vector<16xi32>
      %shift_left3A_346 = arith.shli %bitcast_convert_type3A_343, %shift_left3A_345 : vector<16xi32>
      %and3A_347 = arith.constant -65536 : i32
      %and3A_348 = vector.broadcast %and3A_347 : i32 to vector<16xi32>
      %and3A_349 = arith.andi %shift_left3A_346, %and3A_348 : vector<16xi32>
      %and3A_350 = arith.constant -65536 : i32
      %and3A_351 = vector.broadcast %and3A_350 : i32 to vector<16xi32>
      %and3A_352 = arith.andi %bitcast_convert_type3A_343, %and3A_351 : vector<16xi32>
      %sub3A_353 = arith.subi %and3A_352, %and3A_349 : vector<16xi32>
      %mul3A_354 = arith.muli %sub3A_353, %add3A_338 : vector<16xi32>
      %add3A_355 = arith.addi %and3A_349, %mul3A_354 : vector<16xi32>
      %bitcast_convert_type3A_356 = tpu.bitcast %add3A_355 : vector<16xi32> -> vector<16xf32>
      %swap3A_357 = arith.constant 80 : index
      %swap3A_358 = tpu.vector_load %arg9[%swap3A_357] {strides = array<i32>} : memref<128xf32, #tpu.memory_space<vmem>>, vector<16xf32>,
      %swap3A_359 = vector.shape_cast %swap3A_358 : vector<16xf32> to vector<16xf32>
      %swap3A_360 = vector.shape_cast %bitcast_convert_type3A_356 : vector<16xf32> to vector<16xf32>
      tpu.vector_store %arg9[%swap3A_357], %swap3A_360 {add = true, strides = array<i32>} : memref<128xf32, #tpu.memory_space<vmem>>, vector<16xf32>,
      %get3A_361 = arith.index_cast %scan3A_155 : i32 to index
      %get3A_362 = arith.constant 96 : index
      %get3A_363 = tpu.vector_load %arg6[%get3A_361, %get3A_362] {strides = array<i32>} : memref<50x128xi32, #tpu.memory_space<vmem>>, vector<1x16xi32>,
      %get3A_364 = vector.shape_cast %get3A_363 : vector<1x16xi32> to vector<16xi32>
      %sub3A_365 = arith.constant 50000 : i32
      %sub3A_366 = vector.broadcast %sub3A_365 : i32 to vector<16xi32>
      %sub3A_367 = arith.subi %get3A_364, %sub3A_366 : vector<16xi32>
      %shift_right_arithmetic3A_368 = arith.constant 31 : i32
      %shift_right_arithmetic3A_369 = vector.broadcast %shift_right_arithmetic3A_368 : i32 to vector<16xi32>
      %shift_right_arithmetic3A_370 = arith.shrsi %sub3A_367, %shift_right_arithmetic3A_369 : vector<16xi32>
      %add3A_371 = arith.constant 1 : i32
      %add3A_372 = vector.broadcast %add3A_371 : i32 to vector<16xi32>
      %add3A_373 = arith.addi %shift_right_arithmetic3A_370, %add3A_372 : vector<16xi32>
      %get3A_374 = arith.index_cast %scan3A_155 : i32 to index
      %get3A_375 = arith.constant 96 : index
      %get3A_376 = tpu.vector_load %arg8[%get3A_374, %get3A_375] {strides = array<i32>} : memref<50x128xf32, #tpu.memory_space<vmem>>, vector<1x16xf32>,
      %get3A_377 = vector.shape_cast %get3A_376 : vector<1x16xf32> to vector<16xf32>
      %bitcast_convert_type3A_378 = tpu.bitcast %get3A_377 : vector<16xf32> -> vector<16xi32>
      %shift_left3A_379 = arith.constant 16 : i32
      %shift_left3A_380 = vector.broadcast %shift_left3A_379 : i32 to vector<16xi32>
      %shift_left3A_381 = arith.shli %bitcast_convert_type3A_378, %shift_left3A_380 : vector<16xi32>
      %and3A_382 = arith.constant -65536 : i32
      %and3A_383 = vector.broadcast %and3A_382 : i32 to vector<16xi32>
      %and3A_384 = arith.andi %shift_left3A_381, %and3A_383 : vector<16xi32>
      %and3A_385 = arith.constant -65536 : i32
      %and3A_386 = vector.broadcast %and3A_385 : i32 to vector<16xi32>
      %and3A_387 = arith.andi %bitcast_convert_type3A_378, %and3A_386 : vector<16xi32>
      %sub3A_388 = arith.subi %and3A_387, %and3A_384 : vector<16xi32>
      %mul3A_389 = arith.muli %sub3A_388, %add3A_373 : vector<16xi32>
      %add3A_390 = arith.addi %and3A_384, %mul3A_389 : vector<16xi32>
      %bitcast_convert_type3A_391 = tpu.bitcast %add3A_390 : vector<16xi32> -> vector<16xf32>
      %swap3A_392 = arith.constant 96 : index
      %swap3A_393 = tpu.vector_load %arg9[%swap3A_392] {strides = array<i32>} : memref<128xf32, #tpu.memory_space<vmem>>, vector<16xf32>,
      %swap3A_394 = vector.shape_cast %swap3A_393 : vector<16xf32> to vector<16xf32>
      %swap3A_395 = vector.shape_cast %bitcast_convert_type3A_391 : vector<16xf32> to vector<16xf32>
      tpu.vector_store %arg9[%swap3A_392], %swap3A_395 {add = true, strides = array<i32>} : memref<128xf32, #tpu.memory_space<vmem>>, vector<16xf32>,
      %get3A_396 = arith.index_cast %scan3A_155 : i32 to index
      %get3A_397 = arith.constant 112 : index
      %get3A_398 = tpu.vector_load %arg6[%get3A_396, %get3A_397] {strides = array<i32>} : memref<50x128xi32, #tpu.memory_space<vmem>>, vector<1x16xi32>,
      %get3A_399 = vector.shape_cast %get3A_398 : vector<1x16xi32> to vector<16xi32>
      %sub3A_400 = arith.constant 50000 : i32
      %sub3A_401 = vector.broadcast %sub3A_400 : i32 to vector<16xi32>
      %sub3A_402 = arith.subi %get3A_399, %sub3A_401 : vector<16xi32>
      %shift_right_arithmetic3A_403 = arith.constant 31 : i32
      %shift_right_arithmetic3A_404 = vector.broadcast %shift_right_arithmetic3A_403 : i32 to vector<16xi32>
      %shift_right_arithmetic3A_405 = arith.shrsi %sub3A_402, %shift_right_arithmetic3A_404 : vector<16xi32>
      %add3A_406 = arith.constant 1 : i32
      %add3A_407 = vector.broadcast %add3A_406 : i32 to vector<16xi32>
      %add3A_408 = arith.addi %shift_right_arithmetic3A_405, %add3A_407 : vector<16xi32>
      %get3A_409 = arith.index_cast %scan3A_155 : i32 to index
      %get3A_410 = arith.constant 112 : index
      %get3A_411 = tpu.vector_load %arg8[%get3A_409, %get3A_410] {strides = array<i32>} : memref<50x128xf32, #tpu.memory_space<vmem>>, vector<1x16xf32>,
      %get3A_412 = vector.shape_cast %get3A_411 : vector<1x16xf32> to vector<16xf32>
      %bitcast_convert_type3A_413 = tpu.bitcast %get3A_412 : vector<16xf32> -> vector<16xi32>
      %shift_left3A_414 = arith.constant 16 : i32
      %shift_left3A_415 = vector.broadcast %shift_left3A_414 : i32 to vector<16xi32>
      %shift_left3A_416 = arith.shli %bitcast_convert_type3A_413, %shift_left3A_415 : vector<16xi32>
      %and3A_417 = arith.constant -65536 : i32
      %and3A_418 = vector.broadcast %and3A_417 : i32 to vector<16xi32>
      %and3A_419 = arith.andi %shift_left3A_416, %and3A_418 : vector<16xi32>
      %and3A_420 = arith.constant -65536 : i32
      %and3A_421 = vector.broadcast %and3A_420 : i32 to vector<16xi32>
      %and3A_422 = arith.andi %bitcast_convert_type3A_413, %and3A_421 : vector<16xi32>
      %sub3A_423 = arith.subi %and3A_422, %and3A_419 : vector<16xi32>
      %mul3A_424 = arith.muli %sub3A_423, %add3A_408 : vector<16xi32>
      %add3A_425 = arith.addi %and3A_419, %mul3A_424 : vector<16xi32>
      %bitcast_convert_type3A_426 = tpu.bitcast %add3A_425 : vector<16xi32> -> vector<16xf32>
      %swap3A_427 = arith.constant 112 : index
      %swap3A_428 = tpu.vector_load %arg9[%swap3A_427] {strides = array<i32>} : memref<128xf32, #tpu.memory_space<vmem>>, vector<16xf32>,
      %swap3A_429 = vector.shape_cast %swap3A_428 : vector<16xf32> to vector<16xf32>
      %swap3A_430 = vector.shape_cast %bitcast_convert_type3A_426 : vector<16xf32> to vector<16xf32>
      tpu.vector_store %arg9[%swap3A_427], %swap3A_430 {add = true, strides = array<i32>} : memref<128xf32, #tpu.memory_space<vmem>>, vector<16xf32>,
    }
    %scan3A_142 = arith.constant 10 : i32
    %scan3A_143 = arith.constant 0 : i32
    %scan3A_144 = arith.constant 40 : i32
    %scan3A_145 = arith.constant 10 : i32
    %scan3A_146 = arith.addi %scan3A_144, %scan3A_145 : i32
    %scan3A_147 = arith.constant 1 : i32
    scf.for %scan3A_155 = %scan3A_144 to %scan3A_146 step %scan3A_147  : i32 {
      %dma_wait3A = arith.constant 4 : i32
      %dma_wait3A_156 = arith.constant 0 : i32
      %dma_wait3A_157 = tpu.memref_slice %arg8[%scan3A_155, %dma_wait3A_156] : memref<50x128xf32, #tpu.memory_space<vmem>> -> memref<1x128xf32, #tpu.memory_space<vmem>>
      %dma_wait3A_158 = tpu.memref_squeeze %dma_wait3A_157 : memref<1x128xf32, #tpu.memory_space<vmem>> -> memref<128xf32, #tpu.memory_space<vmem>>
      %dma_wait3A_159 = arith.constant 0 : i32
      %dma_wait3A_160 = tpu.memref_slice %arg7[%scan3A_155, %dma_wait3A_159] : memref<50x128xi32, #tpu.memory_space<vmem>> -> memref<1x128xi32, #tpu.memory_space<vmem>>
      %dma_wait3A_161 = tpu.memref_squeeze %dma_wait3A_160 : memref<1x128xi32, #tpu.memory_space<vmem>> -> memref<128xi32, #tpu.memory_space<vmem>>
      %dma_wait3A_162 = arith.constant 0 : i32
      %dma_wait3A_163 = tpu.memref_slice %arg3[%dma_wait3A_162] : memref<6400000xf32, #tpu.memory_space<hbm>> -> memref<6400000xf32, #tpu.memory_space<hbm>>
      %dma_wait3A_164 = tpu.memref_slice %arg11[%dma_wait3A] : memref<5x!tpu.dma_semaphore, #tpu.memory_space<semaphore_mem>> -> memref<1x!tpu.dma_semaphore, #tpu.memory_space<semaphore_mem>>
      %dma_wait3A_165 = tpu.memref_squeeze %dma_wait3A_164 : memref<1x!tpu.dma_semaphore, #tpu.memory_space<semaphore_mem>> -> memref<!tpu.dma_semaphore, #tpu.memory_space<semaphore_mem>>
      tpu.wait_indirect_dma semaphore(%dma_wait3A_165 : memref<!tpu.dma_semaphore, #tpu.memory_space<semaphore_mem>>) src(%dma_wait3A_163 : memref<6400000xf32, #tpu.memory_space<hbm>>) dst(%dma_wait3A_158 : memref<128xf32, #tpu.memory_space<vmem>>)
    }
    %scan3A_148 = arith.constant 10 : i32
    %scan3A_149 = arith.constant 0 : i32
    %scan3A_150 = arith.constant 40 : i32
    %scan3A_151 = arith.constant 10 : i32
    %scan3A_152 = arith.addi %scan3A_150, %scan3A_151 : i32
    %scan3A_153 = arith.constant 1 : i32
    scf.for %scan3A_155 = %scan3A_150 to %scan3A_152 step %scan3A_153  : i32 {
      %get3A_156 = arith.index_cast %scan3A_155 : i32 to index
      %get3A_157 = arith.constant 0 : index
      %get3A_158 = tpu.vector_load %arg6[%get3A_156, %get3A_157] {strides = array<i32>} : memref<50x128xi32, #tpu.memory_space<vmem>>, vector<1x16xi32>,
      %get3A_159 = vector.shape_cast %get3A_158 : vector<1x16xi32> to vector<16xi32>
      %sub3A = arith.constant 50000 : i32
      %sub3A_160 = vector.broadcast %sub3A : i32 to vector<16xi32>
      %sub3A_161 = arith.subi %get3A_159, %sub3A_160 : vector<16xi32>
      %shift_right_arithmetic3A = arith.constant 31 : i32
      %shift_right_arithmetic3A_162 = vector.broadcast %shift_right_arithmetic3A : i32 to vector<16xi32>
      %shift_right_arithmetic3A_163 = arith.shrsi %sub3A_161, %shift_right_arithmetic3A_162 : vector<16xi32>
      %add3A_164 = arith.constant 1 : i32
      %add3A_165 = vector.broadcast %add3A_164 : i32 to vector<16xi32>
      %add3A_166 = arith.addi %shift_right_arithmetic3A_163, %add3A_165 : vector<16xi32>
      %get3A_167 = arith.index_cast %scan3A_155 : i32 to index
      %get3A_168 = arith.constant 0 : index
      %get3A_169 = tpu.vector_load %arg8[%get3A_167, %get3A_168] {strides = array<i32>} : memref<50x128xf32, #tpu.memory_space<vmem>>, vector<1x16xf32>,
      %get3A_170 = vector.shape_cast %get3A_169 : vector<1x16xf32> to vector<16xf32>
      %bitcast_convert_type3A = tpu.bitcast %get3A_170 : vector<16xf32> -> vector<16xi32>
      %shift_left3A = arith.constant 16 : i32
      %shift_left3A_171 = vector.broadcast %shift_left3A : i32 to vector<16xi32>
      %shift_left3A_172 = arith.shli %bitcast_convert_type3A, %shift_left3A_171 : vector<16xi32>
      %and3A = arith.constant -65536 : i32
      %and3A_173 = vector.broadcast %and3A : i32 to vector<16xi32>
      %and3A_174 = arith.andi %shift_left3A_172, %and3A_173 : vector<16xi32>
      %and3A_175 = arith.constant -65536 : i32
      %and3A_176 = vector.broadcast %and3A_175 : i32 to vector<16xi32>
      %and3A_177 = arith.andi %bitcast_convert_type3A, %and3A_176 : vector<16xi32>
      %sub3A_178 = arith.subi %and3A_177, %and3A_174 : vector<16xi32>
      %mul3A_179 = arith.muli %sub3A_178, %add3A_166 : vector<16xi32>
      %add3A_180 = arith.addi %and3A_174, %mul3A_179 : vector<16xi32>
      %bitcast_convert_type3A_181 = tpu.bitcast %add3A_180 : vector<16xi32> -> vector<16xf32>
      %swap3A_182 = arith.constant 0 : index
      %swap3A_183 = tpu.vector_load %arg9[%swap3A_182] {strides = array<i32>} : memref<128xf32, #tpu.memory_space<vmem>>, vector<16xf32>,
      %swap3A_184 = vector.shape_cast %swap3A_183 : vector<16xf32> to vector<16xf32>
      %swap3A_185 = vector.shape_cast %bitcast_convert_type3A_181 : vector<16xf32> to vector<16xf32>
      tpu.vector_store %arg9[%swap3A_182], %swap3A_185 {add = true, strides = array<i32>} : memref<128xf32, #tpu.memory_space<vmem>>, vector<16xf32>,
      %get3A_186 = arith.index_cast %scan3A_155 : i32 to index
      %get3A_187 = arith.constant 16 : index
      %get3A_188 = tpu.vector_load %arg6[%get3A_186, %get3A_187] {strides = array<i32>} : memref<50x128xi32, #tpu.memory_space<vmem>>, vector<1x16xi32>,
      %get3A_189 = vector.shape_cast %get3A_188 : vector<1x16xi32> to vector<16xi32>
      %sub3A_190 = arith.constant 50000 : i32
      %sub3A_191 = vector.broadcast %sub3A_190 : i32 to vector<16xi32>
      %sub3A_192 = arith.subi %get3A_189, %sub3A_191 : vector<16xi32>
      %shift_right_arithmetic3A_193 = arith.constant 31 : i32
      %shift_right_arithmetic3A_194 = vector.broadcast %shift_right_arithmetic3A_193 : i32 to vector<16xi32>
      %shift_right_arithmetic3A_195 = arith.shrsi %sub3A_192, %shift_right_arithmetic3A_194 : vector<16xi32>
      %add3A_196 = arith.constant 1 : i32
      %add3A_197 = vector.broadcast %add3A_196 : i32 to vector<16xi32>
      %add3A_198 = arith.addi %shift_right_arithmetic3A_195, %add3A_197 : vector<16xi32>
      %get3A_199 = arith.index_cast %scan3A_155 : i32 to index
      %get3A_200 = arith.constant 16 : index
      %get3A_201 = tpu.vector_load %arg8[%get3A_199, %get3A_200] {strides = array<i32>} : memref<50x128xf32, #tpu.memory_space<vmem>>, vector<1x16xf32>,
      %get3A_202 = vector.shape_cast %get3A_201 : vector<1x16xf32> to vector<16xf32>
      %bitcast_convert_type3A_203 = tpu.bitcast %get3A_202 : vector<16xf32> -> vector<16xi32>
      %shift_left3A_204 = arith.constant 16 : i32
      %shift_left3A_205 = vector.broadcast %shift_left3A_204 : i32 to vector<16xi32>
      %shift_left3A_206 = arith.shli %bitcast_convert_type3A_203, %shift_left3A_205 : vector<16xi32>
      %and3A_207 = arith.constant -65536 : i32
      %and3A_208 = vector.broadcast %and3A_207 : i32 to vector<16xi32>
      %and3A_209 = arith.andi %shift_left3A_206, %and3A_208 : vector<16xi32>
      %and3A_210 = arith.constant -65536 : i32
      %and3A_211 = vector.broadcast %and3A_210 : i32 to vector<16xi32>
      %and3A_212 = arith.andi %bitcast_convert_type3A_203, %and3A_211 : vector<16xi32>
      %sub3A_213 = arith.subi %and3A_212, %and3A_209 : vector<16xi32>
      %mul3A_214 = arith.muli %sub3A_213, %add3A_198 : vector<16xi32>
      %add3A_215 = arith.addi %and3A_209, %mul3A_214 : vector<16xi32>
      %bitcast_convert_type3A_216 = tpu.bitcast %add3A_215 : vector<16xi32> -> vector<16xf32>
      %swap3A_217 = arith.constant 16 : index
      %swap3A_218 = tpu.vector_load %arg9[%swap3A_217] {strides = array<i32>} : memref<128xf32, #tpu.memory_space<vmem>>, vector<16xf32>,
      %swap3A_219 = vector.shape_cast %swap3A_218 : vector<16xf32> to vector<16xf32>
      %swap3A_220 = vector.shape_cast %bitcast_convert_type3A_216 : vector<16xf32> to vector<16xf32>
      tpu.vector_store %arg9[%swap3A_217], %swap3A_220 {add = true, strides = array<i32>} : memref<128xf32, #tpu.memory_space<vmem>>, vector<16xf32>,
      %get3A_221 = arith.index_cast %scan3A_155 : i32 to index
      %get3A_222 = arith.constant 32 : index
      %get3A_223 = tpu.vector_load %arg6[%get3A_221, %get3A_222] {strides = array<i32>} : memref<50x128xi32, #tpu.memory_space<vmem>>, vector<1x16xi32>,
      %get3A_224 = vector.shape_cast %get3A_223 : vector<1x16xi32> to vector<16xi32>
      %sub3A_225 = arith.constant 50000 : i32
      %sub3A_226 = vector.broadcast %sub3A_225 : i32 to vector<16xi32>
      %sub3A_227 = arith.subi %get3A_224, %sub3A_226 : vector<16xi32>
      %shift_right_arithmetic3A_228 = arith.constant 31 : i32
      %shift_right_arithmetic3A_229 = vector.broadcast %shift_right_arithmetic3A_228 : i32 to vector<16xi32>
      %shift_right_arithmetic3A_230 = arith.shrsi %sub3A_227, %shift_right_arithmetic3A_229 : vector<16xi32>
      %add3A_231 = arith.constant 1 : i32
      %add3A_232 = vector.broadcast %add3A_231 : i32 to vector<16xi32>
      %add3A_233 = arith.addi %shift_right_arithmetic3A_230, %add3A_232 : vector<16xi32>
      %get3A_234 = arith.index_cast %scan3A_155 : i32 to index
      %get3A_235 = arith.constant 32 : index
      %get3A_236 = tpu.vector_load %arg8[%get3A_234, %get3A_235] {strides = array<i32>} : memref<50x128xf32, #tpu.memory_space<vmem>>, vector<1x16xf32>,
      %get3A_237 = vector.shape_cast %get3A_236 : vector<1x16xf32> to vector<16xf32>
      %bitcast_convert_type3A_238 = tpu.bitcast %get3A_237 : vector<16xf32> -> vector<16xi32>
      %shift_left3A_239 = arith.constant 16 : i32
      %shift_left3A_240 = vector.broadcast %shift_left3A_239 : i32 to vector<16xi32>
      %shift_left3A_241 = arith.shli %bitcast_convert_type3A_238, %shift_left3A_240 : vector<16xi32>
      %and3A_242 = arith.constant -65536 : i32
      %and3A_243 = vector.broadcast %and3A_242 : i32 to vector<16xi32>
      %and3A_244 = arith.andi %shift_left3A_241, %and3A_243 : vector<16xi32>
      %and3A_245 = arith.constant -65536 : i32
      %and3A_246 = vector.broadcast %and3A_245 : i32 to vector<16xi32>
      %and3A_247 = arith.andi %bitcast_convert_type3A_238, %and3A_246 : vector<16xi32>
      %sub3A_248 = arith.subi %and3A_247, %and3A_244 : vector<16xi32>
      %mul3A_249 = arith.muli %sub3A_248, %add3A_233 : vector<16xi32>
      %add3A_250 = arith.addi %and3A_244, %mul3A_249 : vector<16xi32>
      %bitcast_convert_type3A_251 = tpu.bitcast %add3A_250 : vector<16xi32> -> vector<16xf32>
      %swap3A_252 = arith.constant 32 : index
      %swap3A_253 = tpu.vector_load %arg9[%swap3A_252] {strides = array<i32>} : memref<128xf32, #tpu.memory_space<vmem>>, vector<16xf32>,
      %swap3A_254 = vector.shape_cast %swap3A_253 : vector<16xf32> to vector<16xf32>
      %swap3A_255 = vector.shape_cast %bitcast_convert_type3A_251 : vector<16xf32> to vector<16xf32>
      tpu.vector_store %arg9[%swap3A_252], %swap3A_255 {add = true, strides = array<i32>} : memref<128xf32, #tpu.memory_space<vmem>>, vector<16xf32>,
      %get3A_256 = arith.index_cast %scan3A_155 : i32 to index
      %get3A_257 = arith.constant 48 : index
      %get3A_258 = tpu.vector_load %arg6[%get3A_256, %get3A_257] {strides = array<i32>} : memref<50x128xi32, #tpu.memory_space<vmem>>, vector<1x16xi32>,
      %get3A_259 = vector.shape_cast %get3A_258 : vector<1x16xi32> to vector<16xi32>
      %sub3A_260 = arith.constant 50000 : i32
      %sub3A_261 = vector.broadcast %sub3A_260 : i32 to vector<16xi32>
      %sub3A_262 = arith.subi %get3A_259, %sub3A_261 : vector<16xi32>
      %shift_right_arithmetic3A_263 = arith.constant 31 : i32
      %shift_right_arithmetic3A_264 = vector.broadcast %shift_right_arithmetic3A_263 : i32 to vector<16xi32>
      %shift_right_arithmetic3A_265 = arith.shrsi %sub3A_262, %shift_right_arithmetic3A_264 : vector<16xi32>
      %add3A_266 = arith.constant 1 : i32
      %add3A_267 = vector.broadcast %add3A_266 : i32 to vector<16xi32>
      %add3A_268 = arith.addi %shift_right_arithmetic3A_265, %add3A_267 : vector<16xi32>
      %get3A_269 = arith.index_cast %scan3A_155 : i32 to index
      %get3A_270 = arith.constant 48 : index
      %get3A_271 = tpu.vector_load %arg8[%get3A_269, %get3A_270] {strides = array<i32>} : memref<50x128xf32, #tpu.memory_space<vmem>>, vector<1x16xf32>,
      %get3A_272 = vector.shape_cast %get3A_271 : vector<1x16xf32> to vector<16xf32>
      %bitcast_convert_type3A_273 = tpu.bitcast %get3A_272 : vector<16xf32> -> vector<16xi32>
      %shift_left3A_274 = arith.constant 16 : i32
      %shift_left3A_275 = vector.broadcast %shift_left3A_274 : i32 to vector<16xi32>
      %shift_left3A_276 = arith.shli %bitcast_convert_type3A_273, %shift_left3A_275 : vector<16xi32>
      %and3A_277 = arith.constant -65536 : i32
      %and3A_278 = vector.broadcast %and3A_277 : i32 to vector<16xi32>
      %and3A_279 = arith.andi %shift_left3A_276, %and3A_278 : vector<16xi32>
      %and3A_280 = arith.constant -65536 : i32
      %and3A_281 = vector.broadcast %and3A_280 : i32 to vector<16xi32>
      %and3A_282 = arith.andi %bitcast_convert_type3A_273, %and3A_281 : vector<16xi32>
      %sub3A_283 = arith.subi %and3A_282, %and3A_279 : vector<16xi32>
      %mul3A_284 = arith.muli %sub3A_283, %add3A_268 : vector<16xi32>
      %add3A_285 = arith.addi %and3A_279, %mul3A_284 : vector<16xi32>
      %bitcast_convert_type3A_286 = tpu.bitcast %add3A_285 : vector<16xi32> -> vector<16xf32>
      %swap3A_287 = arith.constant 48 : index
      %swap3A_288 = tpu.vector_load %arg9[%swap3A_287] {strides = array<i32>} : memref<128xf32, #tpu.memory_space<vmem>>, vector<16xf32>,
      %swap3A_289 = vector.shape_cast %swap3A_288 : vector<16xf32> to vector<16xf32>
      %swap3A_290 = vector.shape_cast %bitcast_convert_type3A_286 : vector<16xf32> to vector<16xf32>
      tpu.vector_store %arg9[%swap3A_287], %swap3A_290 {add = true, strides = array<i32>} : memref<128xf32, #tpu.memory_space<vmem>>, vector<16xf32>,
      %get3A_291 = arith.index_cast %scan3A_155 : i32 to index
      %get3A_292 = arith.constant 64 : index
      %get3A_293 = tpu.vector_load %arg6[%get3A_291, %get3A_292] {strides = array<i32>} : memref<50x128xi32, #tpu.memory_space<vmem>>, vector<1x16xi32>,
      %get3A_294 = vector.shape_cast %get3A_293 : vector<1x16xi32> to vector<16xi32>
      %sub3A_295 = arith.constant 50000 : i32
      %sub3A_296 = vector.broadcast %sub3A_295 : i32 to vector<16xi32>
      %sub3A_297 = arith.subi %get3A_294, %sub3A_296 : vector<16xi32>
      %shift_right_arithmetic3A_298 = arith.constant 31 : i32
      %shift_right_arithmetic3A_299 = vector.broadcast %shift_right_arithmetic3A_298 : i32 to vector<16xi32>
      %shift_right_arithmetic3A_300 = arith.shrsi %sub3A_297, %shift_right_arithmetic3A_299 : vector<16xi32>
      %add3A_301 = arith.constant 1 : i32
      %add3A_302 = vector.broadcast %add3A_301 : i32 to vector<16xi32>
      %add3A_303 = arith.addi %shift_right_arithmetic3A_300, %add3A_302 : vector<16xi32>
      %get3A_304 = arith.index_cast %scan3A_155 : i32 to index
      %get3A_305 = arith.constant 64 : index
      %get3A_306 = tpu.vector_load %arg8[%get3A_304, %get3A_305] {strides = array<i32>} : memref<50x128xf32, #tpu.memory_space<vmem>>, vector<1x16xf32>,
      %get3A_307 = vector.shape_cast %get3A_306 : vector<1x16xf32> to vector<16xf32>
      %bitcast_convert_type3A_308 = tpu.bitcast %get3A_307 : vector<16xf32> -> vector<16xi32>
      %shift_left3A_309 = arith.constant 16 : i32
      %shift_left3A_310 = vector.broadcast %shift_left3A_309 : i32 to vector<16xi32>
      %shift_left3A_311 = arith.shli %bitcast_convert_type3A_308, %shift_left3A_310 : vector<16xi32>
      %and3A_312 = arith.constant -65536 : i32
      %and3A_313 = vector.broadcast %and3A_312 : i32 to vector<16xi32>
      %and3A_314 = arith.andi %shift_left3A_311, %and3A_313 : vector<16xi32>
      %and3A_315 = arith.constant -65536 : i32
      %and3A_316 = vector.broadcast %and3A_315 : i32 to vector<16xi32>
      %and3A_317 = arith.andi %bitcast_convert_type3A_308, %and3A_316 : vector<16xi32>
      %sub3A_318 = arith.subi %and3A_317, %and3A_314 : vector<16xi32>
      %mul3A_319 = arith.muli %sub3A_318, %add3A_303 : vector<16xi32>
      %add3A_320 = arith.addi %and3A_314, %mul3A_319 : vector<16xi32>
      %bitcast_convert_type3A_321 = tpu.bitcast %add3A_320 : vector<16xi32> -> vector<16xf32>
      %swap3A_322 = arith.constant 64 : index
      %swap3A_323 = tpu.vector_load %arg9[%swap3A_322] {strides = array<i32>} : memref<128xf32, #tpu.memory_space<vmem>>, vector<16xf32>,
      %swap3A_324 = vector.shape_cast %swap3A_323 : vector<16xf32> to vector<16xf32>
      %swap3A_325 = vector.shape_cast %bitcast_convert_type3A_321 : vector<16xf32> to vector<16xf32>
      tpu.vector_store %arg9[%swap3A_322], %swap3A_325 {add = true, strides = array<i32>} : memref<128xf32, #tpu.memory_space<vmem>>, vector<16xf32>,
      %get3A_326 = arith.index_cast %scan3A_155 : i32 to index
      %get3A_327 = arith.constant 80 : index
      %get3A_328 = tpu.vector_load %arg6[%get3A_326, %get3A_327] {strides = array<i32>} : memref<50x128xi32, #tpu.memory_space<vmem>>, vector<1x16xi32>,
      %get3A_329 = vector.shape_cast %get3A_328 : vector<1x16xi32> to vector<16xi32>
      %sub3A_330 = arith.constant 50000 : i32
      %sub3A_331 = vector.broadcast %sub3A_330 : i32 to vector<16xi32>
      %sub3A_332 = arith.subi %get3A_329, %sub3A_331 : vector<16xi32>
      %shift_right_arithmetic3A_333 = arith.constant 31 : i32
      %shift_right_arithmetic3A_334 = vector.broadcast %shift_right_arithmetic3A_333 : i32 to vector<16xi32>
      %shift_right_arithmetic3A_335 = arith.shrsi %sub3A_332, %shift_right_arithmetic3A_334 : vector<16xi32>
      %add3A_336 = arith.constant 1 : i32
      %add3A_337 = vector.broadcast %add3A_336 : i32 to vector<16xi32>
      %add3A_338 = arith.addi %shift_right_arithmetic3A_335, %add3A_337 : vector<16xi32>
      %get3A_339 = arith.index_cast %scan3A_155 : i32 to index
      %get3A_340 = arith.constant 80 : index
      %get3A_341 = tpu.vector_load %arg8[%get3A_339, %get3A_340] {strides = array<i32>} : memref<50x128xf32, #tpu.memory_space<vmem>>, vector<1x16xf32>,
      %get3A_342 = vector.shape_cast %get3A_341 : vector<1x16xf32> to vector<16xf32>
      %bitcast_convert_type3A_343 = tpu.bitcast %get3A_342 : vector<16xf32> -> vector<16xi32>
      %shift_left3A_344 = arith.constant 16 : i32
      %shift_left3A_345 = vector.broadcast %shift_left3A_344 : i32 to vector<16xi32>
      %shift_left3A_346 = arith.shli %bitcast_convert_type3A_343, %shift_left3A_345 : vector<16xi32>
      %and3A_347 = arith.constant -65536 : i32
      %and3A_348 = vector.broadcast %and3A_347 : i32 to vector<16xi32>
      %and3A_349 = arith.andi %shift_left3A_346, %and3A_348 : vector<16xi32>
      %and3A_350 = arith.constant -65536 : i32
      %and3A_351 = vector.broadcast %and3A_350 : i32 to vector<16xi32>
      %and3A_352 = arith.andi %bitcast_convert_type3A_343, %and3A_351 : vector<16xi32>
      %sub3A_353 = arith.subi %and3A_352, %and3A_349 : vector<16xi32>
      %mul3A_354 = arith.muli %sub3A_353, %add3A_338 : vector<16xi32>
      %add3A_355 = arith.addi %and3A_349, %mul3A_354 : vector<16xi32>
      %bitcast_convert_type3A_356 = tpu.bitcast %add3A_355 : vector<16xi32> -> vector<16xf32>
      %swap3A_357 = arith.constant 80 : index
      %swap3A_358 = tpu.vector_load %arg9[%swap3A_357] {strides = array<i32>} : memref<128xf32, #tpu.memory_space<vmem>>, vector<16xf32>,
      %swap3A_359 = vector.shape_cast %swap3A_358 : vector<16xf32> to vector<16xf32>
      %swap3A_360 = vector.shape_cast %bitcast_convert_type3A_356 : vector<16xf32> to vector<16xf32>
      tpu.vector_store %arg9[%swap3A_357], %swap3A_360 {add = true, strides = array<i32>} : memref<128xf32, #tpu.memory_space<vmem>>, vector<16xf32>,
      %get3A_361 = arith.index_cast %scan3A_155 : i32 to index
      %get3A_362 = arith.constant 96 : index
      %get3A_363 = tpu.vector_load %arg6[%get3A_361, %get3A_362] {strides = array<i32>} : memref<50x128xi32, #tpu.memory_space<vmem>>, vector<1x16xi32>,
      %get3A_364 = vector.shape_cast %get3A_363 : vector<1x16xi32> to vector<16xi32>
      %sub3A_365 = arith.constant 50000 : i32
      %sub3A_366 = vector.broadcast %sub3A_365 : i32 to vector<16xi32>
      %sub3A_367 = arith.subi %get3A_364, %sub3A_366 : vector<16xi32>
      %shift_right_arithmetic3A_368 = arith.constant 31 : i32
      %shift_right_arithmetic3A_369 = vector.broadcast %shift_right_arithmetic3A_368 : i32 to vector<16xi32>
      %shift_right_arithmetic3A_370 = arith.shrsi %sub3A_367, %shift_right_arithmetic3A_369 : vector<16xi32>
      %add3A_371 = arith.constant 1 : i32
      %add3A_372 = vector.broadcast %add3A_371 : i32 to vector<16xi32>
      %add3A_373 = arith.addi %shift_right_arithmetic3A_370, %add3A_372 : vector<16xi32>
      %get3A_374 = arith.index_cast %scan3A_155 : i32 to index
      %get3A_375 = arith.constant 96 : index
      %get3A_376 = tpu.vector_load %arg8[%get3A_374, %get3A_375] {strides = array<i32>} : memref<50x128xf32, #tpu.memory_space<vmem>>, vector<1x16xf32>,
      %get3A_377 = vector.shape_cast %get3A_376 : vector<1x16xf32> to vector<16xf32>
      %bitcast_convert_type3A_378 = tpu.bitcast %get3A_377 : vector<16xf32> -> vector<16xi32>
      %shift_left3A_379 = arith.constant 16 : i32
      %shift_left3A_380 = vector.broadcast %shift_left3A_379 : i32 to vector<16xi32>
      %shift_left3A_381 = arith.shli %bitcast_convert_type3A_378, %shift_left3A_380 : vector<16xi32>
      %and3A_382 = arith.constant -65536 : i32
      %and3A_383 = vector.broadcast %and3A_382 : i32 to vector<16xi32>
      %and3A_384 = arith.andi %shift_left3A_381, %and3A_383 : vector<16xi32>
      %and3A_385 = arith.constant -65536 : i32
      %and3A_386 = vector.broadcast %and3A_385 : i32 to vector<16xi32>
      %and3A_387 = arith.andi %bitcast_convert_type3A_378, %and3A_386 : vector<16xi32>
      %sub3A_388 = arith.subi %and3A_387, %and3A_384 : vector<16xi32>
      %mul3A_389 = arith.muli %sub3A_388, %add3A_373 : vector<16xi32>
      %add3A_390 = arith.addi %and3A_384, %mul3A_389 : vector<16xi32>
      %bitcast_convert_type3A_391 = tpu.bitcast %add3A_390 : vector<16xi32> -> vector<16xf32>
      %swap3A_392 = arith.constant 96 : index
      %swap3A_393 = tpu.vector_load %arg9[%swap3A_392] {strides = array<i32>} : memref<128xf32, #tpu.memory_space<vmem>>, vector<16xf32>,
      %swap3A_394 = vector.shape_cast %swap3A_393 : vector<16xf32> to vector<16xf32>
      %swap3A_395 = vector.shape_cast %bitcast_convert_type3A_391 : vector<16xf32> to vector<16xf32>
      tpu.vector_store %arg9[%swap3A_392], %swap3A_395 {add = true, strides = array<i32>} : memref<128xf32, #tpu.memory_space<vmem>>, vector<16xf32>,
      %get3A_396 = arith.index_cast %scan3A_155 : i32 to index
      %get3A_397 = arith.constant 112 : index
      %get3A_398 = tpu.vector_load %arg6[%get3A_396, %get3A_397] {strides = array<i32>} : memref<50x128xi32, #tpu.memory_space<vmem>>, vector<1x16xi32>,
      %get3A_399 = vector.shape_cast %get3A_398 : vector<1x16xi32> to vector<16xi32>
      %sub3A_400 = arith.constant 50000 : i32
      %sub3A_401 = vector.broadcast %sub3A_400 : i32 to vector<16xi32>
      %sub3A_402 = arith.subi %get3A_399, %sub3A_401 : vector<16xi32>
      %shift_right_arithmetic3A_403 = arith.constant 31 : i32
      %shift_right_arithmetic3A_404 = vector.broadcast %shift_right_arithmetic3A_403 : i32 to vector<16xi32>
      %shift_right_arithmetic3A_405 = arith.shrsi %sub3A_402, %shift_right_arithmetic3A_404 : vector<16xi32>
      %add3A_406 = arith.constant 1 : i32
      %add3A_407 = vector.broadcast %add3A_406 : i32 to vector<16xi32>
      %add3A_408 = arith.addi %shift_right_arithmetic3A_405, %add3A_407 : vector<16xi32>
      %get3A_409 = arith.index_cast %scan3A_155 : i32 to index
      %get3A_410 = arith.constant 112 : index
      %get3A_411 = tpu.vector_load %arg8[%get3A_409, %get3A_410] {strides = array<i32>} : memref<50x128xf32, #tpu.memory_space<vmem>>, vector<1x16xf32>,
      %get3A_412 = vector.shape_cast %get3A_411 : vector<1x16xf32> to vector<16xf32>
      %bitcast_convert_type3A_413 = tpu.bitcast %get3A_412 : vector<16xf32> -> vector<16xi32>
      %shift_left3A_414 = arith.constant 16 : i32
      %shift_left3A_415 = vector.broadcast %shift_left3A_414 : i32 to vector<16xi32>
      %shift_left3A_416 = arith.shli %bitcast_convert_type3A_413, %shift_left3A_415 : vector<16xi32>
      %and3A_417 = arith.constant -65536 : i32
      %and3A_418 = vector.broadcast %and3A_417 : i32 to vector<16xi32>
      %and3A_419 = arith.andi %shift_left3A_416, %and3A_418 : vector<16xi32>
      %and3A_420 = arith.constant -65536 : i32
      %and3A_421 = vector.broadcast %and3A_420 : i32 to vector<16xi32>
      %and3A_422 = arith.andi %bitcast_convert_type3A_413, %and3A_421 : vector<16xi32>
      %sub3A_423 = arith.subi %and3A_422, %and3A_419 : vector<16xi32>
      %mul3A_424 = arith.muli %sub3A_423, %add3A_408 : vector<16xi32>
      %add3A_425 = arith.addi %and3A_419, %mul3A_424 : vector<16xi32>
      %bitcast_convert_type3A_426 = tpu.bitcast %add3A_425 : vector<16xi32> -> vector<16xf32>
      %swap3A_427 = arith.constant 112 : index
      %swap3A_428 = tpu.vector_load %arg9[%swap3A_427] {strides = array<i32>} : memref<128xf32, #tpu.memory_space<vmem>>, vector<16xf32>,
      %swap3A_429 = vector.shape_cast %swap3A_428 : vector<16xf32> to vector<16xf32>
      %swap3A_430 = vector.shape_cast %bitcast_convert_type3A_426 : vector<16xf32> to vector<16xf32>
      tpu.vector_store %arg9[%swap3A_427], %swap3A_430 {add = true, strides = array<i32>} : memref<128xf32, #tpu.memory_space<vmem>>, vector<16xf32>,
    }
    %scan3A_154 = arith.constant 10 : i32
    "tpu.region"() ({
      %run_scoped3A = tpu.sem_alloc : memref<!tpu.dma_semaphore, #tpu.memory_space<semaphore_mem>>
      %dma_start3A = tpu.memref_slice %arg5[%mul3A_2] : memref<4096xf32, #tpu.memory_space<hbm>> -> memref<128xf32, #tpu.memory_space<hbm>>
      %dma_start3A_155 = tpu.memref_slice %arg5[%mul3A_2] : memref<4096xf32, #tpu.memory_space<hbm>> -> memref<128xf32, #tpu.memory_space<hbm>>
      tpu.enqueue_dma source(%arg9 : memref<128xf32, #tpu.memory_space<vmem>>) target(%dma_start3A_155 : memref<128xf32, #tpu.memory_space<hbm>>) target_semaphore(%run_scoped3A : memref<!tpu.dma_semaphore, #tpu.memory_space<semaphore_mem>>)
      %dma_wait3A = tpu.memref_slice %arg5[%mul3A_2] : memref<4096xf32, #tpu.memory_space<hbm>> -> memref<128xf32, #tpu.memory_space<hbm>>
      %dma_wait3A_156 = tpu.memref_slice %arg5[%mul3A_2] : memref<4096xf32, #tpu.memory_space<hbm>> -> memref<128xf32, #tpu.memory_space<hbm>>
      tpu.wait_dma2 semaphore(%run_scoped3A : memref<!tpu.dma_semaphore, #tpu.memory_space<semaphore_mem>>) src(%arg9 : memref<128xf32, #tpu.memory_space<vmem>>) dst(%dma_wait3A_156 : memref<128xf32, #tpu.memory_space<hbm>>)
      tpu.yield
    }) : () -> ()
    return
  }
}

module attributes {stable_mosaic.version = 14 : i64} {
  func.func @body(%arg0: i32, %arg1: memref<10000x128xf32, #tpu.memory_space<vmem>>, %arg2: memref<10000x128xf32, #tpu.memory_space<vmem>>, %arg3: memref<128x128xf32, #tpu.memory_space<vmem>>, %arg4: memref<10000x128xf32, #tpu.memory_space<vmem>>) attributes {dimension_semantics = [#tpu.dimension_semantics<arbitrary>], iteration_bounds = array<i64: 5>, scalar_prefetch = 0 : i64, scratch_operands = 0 : i64, tpu.core_type = #tpu.core_type<tc>, window_params = [{transform_indices = @transform_0, window_bounds = array<i64: 10000, 128>}, {transform_indices = @transform_1, window_bounds = array<i64: 10000, 128>}, {pipeline_mode = #tpu.pipeline_mode<synchronous>, transform_indices = @transform_2, window_bounds = array<i64: 128, 128>}, {transform_indices = @transform_3, window_bounds = array<i64: 10000, 128>}]} {
    %get3A = arith.constant 0 : index
    %get3A_0 = arith.constant 0 : index
    %get3A_1 = vector.load %arg3[%get3A, %get3A_0] : memref<128x128xf32, #tpu.memory_space<vmem>>, vector<128x128xf32>
    %get3A_2 = arith.constant 0 : index
    %get3A_3 = arith.constant 0 : index
    %get3A_4 = vector.load %arg1[%get3A_2, %get3A_3] : memref<10000x128xf32, #tpu.memory_space<vmem>>, vector<10000x128xf32>
    %dot_general3A = arith.constant dense<0.000000e+00> : vector<10000x128xf32>
    %dot_general3A_5 = tpu.matmul %get3A_4, %get3A_1, %dot_general3A {dimension_numbers = #tpu.dot_dimension_numbers<[1], [0], [0], [1], [0, 0, 1, 1], [], []>, transpose_lhs_hint = false} : vector<10000x128xf32>, vector<128x128xf32>, vector<10000x128xf32> -> vector<10000x128xf32>
    %get3A_6 = arith.constant 0 : index
    %get3A_7 = arith.constant 0 : index
    %get3A_8 = vector.load %arg2[%get3A_6, %get3A_7] : memref<10000x128xf32, #tpu.memory_space<vmem>>, vector<10000x128xf32>
    %dot_general3A_9 = arith.constant dense<0.000000e+00> : vector<10000x128xf32>
    %dot_general3A_10 = tpu.matmul %get3A_8, %get3A_1, %dot_general3A_9 {dimension_numbers = #tpu.dot_dimension_numbers<[1], [0], [0], [1], [0, 0, 1, 1], [], []>, transpose_lhs_hint = false} : vector<10000x128xf32>, vector<128x128xf32>, vector<10000x128xf32> -> vector<10000x128xf32>
    %bitcast_convert_type3A = tpu.bitcast %dot_general3A_5 : vector<10000x128xf32> -> vector<10000x128xi32>
    %shift_right_logical3A = arith.constant 16 : i32
    %shift_right_logical3A_11 = vector.broadcast %shift_right_logical3A : i32 to vector<10000x128xi32>
    %shift_right_logical3A_12 = arith.shrui %bitcast_convert_type3A, %shift_right_logical3A_11 : vector<10000x128xi32>
    %and3A = arith.constant 1 : i32
    %and3A_13 = vector.broadcast %and3A : i32 to vector<10000x128xi32>
    %and3A_14 = arith.andi %shift_right_logical3A_12, %and3A_13 : vector<10000x128xi32>
    %add3A = arith.constant 32767 : i32
    %add3A_15 = vector.broadcast %add3A : i32 to vector<10000x128xi32>
    %add3A_16 = arith.addi %bitcast_convert_type3A, %add3A_15 : vector<10000x128xi32>
    %add3A_17 = arith.addi %add3A_16, %and3A_14 : vector<10000x128xi32>
    %shift_right_logical3A_18 = arith.constant 16 : i32
    %shift_right_logical3A_19 = vector.broadcast %shift_right_logical3A_18 : i32 to vector<10000x128xi32>
    %shift_right_logical3A_20 = arith.shrui %add3A_17, %shift_right_logical3A_19 : vector<10000x128xi32>
    %bitcast_convert_type3A_21 = tpu.bitcast %dot_general3A_10 : vector<10000x128xf32> -> vector<10000x128xi32>
    %shift_right_logical3A_22 = arith.constant 16 : i32
    %shift_right_logical3A_23 = vector.broadcast %shift_right_logical3A_22 : i32 to vector<10000x128xi32>
    %shift_right_logical3A_24 = arith.shrui %bitcast_convert_type3A_21, %shift_right_logical3A_23 : vector<10000x128xi32>
    %and3A_25 = arith.constant 1 : i32
    %and3A_26 = vector.broadcast %and3A_25 : i32 to vector<10000x128xi32>
    %and3A_27 = arith.andi %shift_right_logical3A_24, %and3A_26 : vector<10000x128xi32>
    %add3A_28 = arith.constant 32767 : i32
    %add3A_29 = vector.broadcast %add3A_28 : i32 to vector<10000x128xi32>
    %add3A_30 = arith.addi %bitcast_convert_type3A_21, %add3A_29 : vector<10000x128xi32>
    %add3A_31 = arith.addi %add3A_30, %and3A_27 : vector<10000x128xi32>
    %shift_right_logical3A_32 = arith.constant 16 : i32
    %shift_right_logical3A_33 = vector.broadcast %shift_right_logical3A_32 : i32 to vector<10000x128xi32>
    %shift_right_logical3A_34 = arith.shrui %add3A_31, %shift_right_logical3A_33 : vector<10000x128xi32>
    %shift_left3A = arith.constant 16 : i32
    %shift_left3A_35 = vector.broadcast %shift_left3A : i32 to vector<10000x128xi32>
    %shift_left3A_36 = arith.shli %shift_right_logical3A_34, %shift_left3A_35 : vector<10000x128xi32>
    %or3A = arith.ori %shift_right_logical3A_20, %shift_left3A_36 : vector<10000x128xi32>
    %bitcast_convert_type3A_37 = tpu.bitcast %or3A : vector<10000x128xi32> -> vector<10000x128xf32>
    %swap3A = arith.constant 0 : index
    %swap3A_38 = arith.constant 0 : index
    %swap3A_39 = vector.load %arg4[%swap3A, %swap3A_38] : memref<10000x128xf32, #tpu.memory_space<vmem>>, vector<10000x128xf32>
    tpu.vector_store %arg4[%swap3A, %swap3A_38], %bitcast_convert_type3A_37 {strides = array<i32>} : memref<10000x128xf32, #tpu.memory_space<vmem>>, vector<10000x128xf32>,
    return
  }
  func.func @transform_0(%arg0: i32) -> (i32, i32) {
    %c0_i32 = arith.constant 0 : i32
    %c0_i32_0 = arith.constant 0 : i32
    return %arg0, %c0_i32 : i32, i32
  }
  func.func @transform_1(%arg0: i32) -> (i32, i32) {
    %add3A = arith.constant 5 : i32
    %add3A_0 = arith.addi %arg0, %add3A : i32
    %c0_i32 = arith.constant 0 : i32
    %c0_i32_1 = arith.constant 0 : i32
    return %add3A_0, %c0_i32 : i32, i32
  }
  func.func @transform_2(%arg0: i32) -> (i32, i32) {
    %c0_i32 = arith.constant 0 : i32
    %c0_i32_0 = arith.constant 0 : i32
    %c0_i32_1 = arith.constant 0 : i32
    return %c0_i32, %c0_i32_0 : i32, i32
  }
  func.func @transform_3(%arg0: i32) -> (i32, i32) {
    %c0_i32 = arith.constant 0 : i32
    %c0_i32_0 = arith.constant 0 : i32
    return %arg0, %c0_i32 : i32, i32
  }
}

</mosaic_0001>

<sc_bundles>
// kernel: kernel.4.cloned.1.call-start
scs
__scs_entry_jumppad:
0x0: {  	(pc) =	sbr.rel $0x88, $3  }
0x1: {  	(tag) =	ssettag $0x0;
	lr =	simm.s32 $0x1  }
0x2: {  	[smem:$0x3F9D] =	sst lr;
	_ =	strace $0xD0000000  }
0x3: {  	_ = 	snop  }
0x4: {  	_ = 	snop  }
0x5: {  	_ = 	snop  }
0x6: {  	_ = 	snop  }
0x7: {  	_ = 	snop  }
__scs_overlays_trampoline_lowered:
0x8: {  	[smem:$0x3FAC] =	sst s0  }
0x9: {  	[smem:$0x3FAD] =	sst s1  }
0xa: {  	[smem:$0x3FAE] =	sst s2  }
0xb: {  	[smem:$0x3FAF] =	sst s3  }
0xc: {  	[smem:$0x3FB0] =	sst s4  }
0xd: {  	[smem:$0x3FB1] =	sst s5  }
0xe: {  	[smem:$0x3FB2] =	sst s6  }
0xf: {  	[smem:$0x3FB3] =	sst s7  }
0x10: {  	[smem:$0x3FB4] =	sst s8  }
0x11: {  	[smem:$0x3FB5] =	sst s9;
	s0 =	simm.s32 @!p0 $0x0  }
0x12: {  	s1 =	sld [smem:$0x3F9B];
	s0 =	simm.s32 @p0 $0x1  }
0x13: {  	[smem:$0x3FB6] =	sst s0;
	s0 =	simm.s32 @!p1 $0x0  }
0x14: {  	s2 =	sld [smem:$0x3F9A];
	s0 =	simm.s32 @p1 $0x1  }
0x15: {  	[smem:$0x3FB7] =	sst s0;
	s0 =	simm.s32 @!p2 $0x0  }
0x16: {  	s3 =	sld [smem:$0x3FDB];
	s0 =	simm.s32 @p2 $0x1  }
0x17: {  	s4 =	simm.s32 $0x1BF5;
	[smem:$0x3FB9] =	sst s0  }
0x18: {  	s0 =	sld [smem:$0x3F9C];
	_ =	swait.ge [sflag:s4], $0x0  }
0x19: {  	s7 =	sld [smem:$0x3F9D]  }
0x1a: {  	s8 =	sadd.s32 $0xFFFFE003, lr  }
0x1b: {  	s9 =	sadd.s32 $0xFFFFFEF7, lr;
	s5 =	simm.s32 $0xFFFFFFFF;
	p2 =	slt.u32 s8, $0xFFFFF086  }
0x1c: {  	p1 =	slt.u32 s9, $0xF7A;
	s5 =	simm.s32 @!p2 $0x0  }
0x1d: {  	s5 =	simm.s32 @p1 $0x1;
	p0 =	seq.s32 s7, s2  }
0x1e: {  	s7 =	smul.u32 @!p0 $0xF7A, s2;
	p2 =	seq.s32 @!p0 s5, $0x0  }
0x1f: {  	s9 =	smul.u32 $0xF7A, s1;
	s8 =	simm.s32 @!p0 $0x1BF5;
	p2 =	por !p2, p0  }
0x20: {  	[sflag:s8] =	ssyncset.s32 @!p0 $0xFFFFF086;
	s6 =	sadd.s32 @!p0 s3, s7;
	s7 =	simm.s32 @!p0 $0x108  }
0x21: {  	s3 =	sadd.s32 s3, s9;
	s6 =	sadd.s32 @!p0 $0x88, s6;
	s7 =	simm.s32 @p2 $0x1082  }
0x22: {  	[simem:s7], [sflag:s8] =	dma.local @!p0 [hbm:s6], $0xF7A  }
0x23: {  	s9 =	sor.u32 $0xD0000000, s2;
	s6 =	simm.s32 $0x108;
	_ =	swait.ge @!p0 [sflag:s8], $0x0  }
0x24: {  	s3 =	sadd.s32 $0x88, s3;
	s6 =	simm.s32 @!p1 $0x1082;
	[sflag:s4] =	ssyncset.s32 $0xFFFFF086  }
0x25: {  	[simem:s6], [sflag:s4] =	dma.local [hbm:s3], $0xF7A  }
0x26: {  	[smem:$0x3F9D] =	sst s1;
	(tag) =	ssettag s2;
	_ =	strace s9  }
0x27: {  	s1 =	sld [smem:$0x3FAD]  }
0x28: {  	s2 =	sld [smem:$0x3FAE]  }
0x29: {  	s4 =	sld [smem:$0x3FB0]  }
0x2a: {  	p0 =	seq.s32 s5, $0x0;
	s5 =	sld [smem:$0x3FB1]  }
0x2b: {  	s6 =	sld [smem:$0x3FB2]  }
0x2c: {  	s7 =	sld [smem:$0x3FB3]  }
0x2d: {  	s3 =	simm.s32 $0x108;
	s8 =	sld [smem:$0x3FB4]  }
0x2e: {  	s3 =	simm.s32 @!p0 $0x1082;
	s9 =	sld [smem:$0x3FB5]  }
0x2f: {  	lr =	sadd.s32 s0, s3;
	s0 =	sld [smem:$0x3FAC]  }
0x30: {  	s3 =	sld [smem:$0x3FAF]  }
0x31: {  	[smem:$0x3FB8] =	sst s10  }
0x32: {  	s10 =	sld [smem:$0x3FB6];
	_ =	sdelay $0x3  }
0x33: {  	p0 =	seq.s32 s10, $0x1;
	s10 =	sld [smem:$0x3FB8];
	_ =	sdelay $0x3  }
0x34: {  	[smem:$0x3FB8] =	sst s10  }
0x35: {  	s10 =	sld [smem:$0x3FB7];
	_ =	sdelay $0x3  }
0x36: {  	p1 =	seq.s32 s10, $0x1;
	s10 =	sld [smem:$0x3FB8];
	_ =	sdelay $0x3  }
0x37: {  	[smem:$0x3FB8] =	sst s10  }
0x38: {  	s10 =	sld [smem:$0x3FB9]  }
0x39: {  	_ = 	snop;
	(pc) =	sbr.ind lr, $3  }
0x3a: {  	_ = 	snop  }
0x3b: {  	_ = 	snop  }
0x3c: {  	p2 =	seq.s32 s10, $0x1;
	s10 =	sld [smem:$0x3FB8]  }
0x3d: {  	_ =	shalt  }
0x3e: {  	_ =	shalt  }
0x3f: {  	_ =	shalt  }
0x40: {  	_ =	shalt  }
0x41: {  	_ =	shalt  }
0x42: {  	_ =	shalt  }
0x43: {  	_ =	shalt  }
0x44: {  	_ =	shalt  }
0x45: {  	_ =	shalt  }
0x46: {  	_ =	shalt  }
0x47: {  	_ =	shalt  }
0x48: {  	_ =	shalt  }
0x49: {  	_ =	shalt  }
0x4a: {  	_ =	shalt  }
0x4b: {  	_ =	shalt  }
0x4c: {  	_ =	shalt  }
0x4d: {  	_ =	shalt  }
0x4e: {  	_ =	shalt  }
0x4f: {  	_ =	shalt  }
0x50: {  	_ =	shalt  }
0x51: {  	_ =	shalt  }
0x52: {  	_ =	shalt  }
0x53: {  	_ =	shalt  }
0x54: {  	_ =	shalt  }
0x55: {  	_ =	shalt  }
0x56: {  	_ =	shalt  }
0x57: {  	_ =	shalt  }
0x58: {  	_ =	shalt  }
0x59: {  	_ =	shalt  }
0x5a: {  	_ =	shalt  }
0x5b: {  	_ =	shalt  }
0x5c: {  	_ =	shalt  }
0x5d: {  	_ =	shalt  }
0x5e: {  	_ =	shalt  }
0x5f: {  	_ =	shalt  }
0x60: {  	_ =	shalt  }
0x61: {  	_ =	shalt  }
0x62: {  	_ =	shalt  }
0x63: {  	_ =	shalt  }
0x64: {  	_ =	shalt  }
0x65: {  	_ =	shalt  }
0x66: {  	_ =	shalt  }
0x67: {  	_ =	shalt  }
0x68: {  	_ =	shalt  }
0x69: {  	_ =	shalt  }
0x6a: {  	_ =	shalt  }
0x6b: {  	_ =	shalt  }
0x6c: {  	_ =	shalt  }
0x6d: {  	_ =	shalt  }
0x6e: {  	_ =	shalt  }
0x6f: {  	_ =	shalt  }
0x70: {  	_ =	shalt  }
0x71: {  	_ =	shalt  }
0x72: {  	_ =	shalt  }
0x73: {  	_ =	shalt  }
0x74: {  	_ =	shalt  }
0x75: {  	_ =	shalt  }
0x76: {  	_ =	shalt  }
0x77: {  	_ =	shalt  }
0x78: {  	_ =	shalt  }
0x79: {  	_ =	shalt  }
0x7a: {  	_ =	shalt  }
0x7b: {  	_ =	shalt  }
0x7c: {  	_ =	shalt  }
0x7d: {  	_ =	shalt  }
0x7e: {  	_ =	shalt  }
0x7f: {  	_ =	shalt  }
0x80: {  	_ =	shalt  }
0x81: {  	_ =	shalt  }
0x82: {  	_ =	shalt  }
0x83: {  	_ =	shalt  }
0x84: {  	_ =	shalt  }
0x85: {  	_ =	shalt  }
0x86: {  	_ =	shalt  }
0x87: {  	_ =	shalt  }
.Lfunc_end0:
.L_simem_size_0:
called_computation_lowered:
.L_overlay_start_0:
0x88: {  	s2 =	sld [smem:$0x3FD9]  }
0x89: {  	s3 =	sld [smem:$0x3FFE];
	_ =	sdelay $0x1  }
0x8a: {  	s1 =	srdreg.scid  }
0x8b: {  	s0 =	sand.u32 $0x1, s1  }
0x8c: {  	s17 =	sshll.u32 s0, $0xA;
	s2 =	sadd.s32 s3, s2  }
0x8d: {  	s2 =	sadd.s32 s2, s17  }
0x8e: {  	[smem:$0x3FC4] =	sst s2  }
0x8f: {  	_ = 	snop  }
0x90: {  	s2 =	sld [smem:$0x3FC9]  }
0x91: {  	s18 =	sld [smem:$0x3FD0];
	(tm) =	ssettm $0x1  }
0x92: {  	s4 =	sld [smem:$0x3FFB];
	_ =	sdelay $0x3  }
0x93: {  	_ =	strace s4  }
0x94: {  	s4 =	sld [smem:$0x3FFC];
	_ =	sdelay $0x3  }
0x95: {  	_ =	strace s4  }
0x96: {  	s4 =	sld [smem:$0x3FFD];
	_ =	sdelay $0x3  }
0x97: {  	_ =	strace s4  }
0x98: {  	_ =	strace $0x8FFFFFFF  }
0x99: {  	s19 =	sld [smem:$0x3FDB];
	_ =	sdelay $0x1  }
0x9a: {  	s5 =	simm.s32 $_scs_section_size  }
0x9b: {  	s6 =	simm.s32 $_size__tile_overlayer_lowered;
	s7 =	simm.s32 $_tile_overlayer_lowered  }
0x9c: {  	s22 =	simm.s32 $0x1BFF;
	s21 =	sshll.u32 s7, $0x1;
	s4 =	sadd.s32 s5, s19  }
0x9d: {  	s8 =	simm.s32 $0x0;
	s20 =	sshll.u32 s6, $0x1;
	s6 =	sadd.s32 s21, s4  }
0x9e: {  	[timem:s8], [sflag:s22] =	dma.local [hbm:s6], s20  }
0x9f: {  	_ =	swait.ge [sflag:s22], s20  }
0xa0: {  	s5 =	ssub.s32 $0x0, s20;
	[sflag:s22] =	ssyncset.done $0x0  }
0xa1: {  	[sflag:s22] =	ssyncadd.s32 s5;
	_ =	sdelay $0x1  }
0xa2: {  	s23 =	simm.s32 $0x1B8B  }
0xa3: {  	_ =	swait.ge [sflag:s23], $0x1  }
0xa4: {  	[sflag:s23] =	ssyncset.done $0x0  }
0xa5: {  	s25 =	simm.s32 $0x1B8E;
	s24 =	sld [smem:$0x3FFE];
	[sflag:s23] =	ssyncadd.s32 $0xFFFFFFFF  }
0xa6: {  	s26 =	simm.s32 $execute0_lowered;
	[smem:$0x3FD2] =	sst s25  }
0xa7: {  	s6 =	sshll.u32 s26, $0x1;
	_ =	strace $0x80000046;
	[dreg:$0x1] =	wrdreg $0xFFFFFFFF  }
0xa8: {  	s28 =	simm.s32 $_size_execute0_lowered;
	s4 =	sadd.s32 s4, s6;
	[dreg:$0x0] =	wrdreg $0x0  }
0xa9: {  	s6 =	sshll.u32 s28, $0x1;
	[dreg:$0x2] =	wrdreg s4  }
0xaa: {  	[dreg:$0x3] =	wrdreg s6  }
0xab: {  	[dreg:$0x4] =	wrdreg $0xC0  }
0xac: {  	_ =	task [dreg:s8], $0x5FFFF  }
0xad: {  	[dreg:$0x1] =	wrdreg $0xFFFFFFFF  }
0xae: {  	[dreg:$0x0] =	wrdreg $0x60  }
0xaf: {  	[dreg:$0x2] =	wrdreg s2  }
0xb0: {  	[dreg:$0x3] =	wrdreg s24  }
0xb1: {  	[dreg:$0x4] =	wrdreg s18  }
0xb2: {  	[dreg:$0x5] =	wrdreg $0x9  }
0xb3: {  	_ =	task.clear_ibuf [dreg:s8], $0x6FFFF;
	_ =	strace $0x90000046  }
0xb4: {  	s29 =	simm.s32 $0x9;
	_ =	strace $0x80000048  }
0xb5: {  	_ =	swait.ge [sflag:s29], $0x1  }
0xb6: {  	[sflag:s29] =	ssyncadd.s32 $0xFFFFFFFF  }
0xb7: {  	_ =	strace $0x90000048  }
0xb8: {  	_ =	sfence  }
0xb9: {  	s30 =	sld [smem:$0x0];
	_ =	sdelay $0x2  }
0xba: {  	s31 =	sshll.u32 s1, $0xD;
	s1 =	sshrl.u32 s1, $0x2  }
0xbb: {  	s3 =	sand.u32 $0x4000, s31;
	s1 =	sadd.s32 s1, s30  }
0xbc: {  	s0 =	sor.u32 s3, s0;
	s1 =	sshll.u32 s1, $0x11  }
0xbd: {  	s0 =	sor.u32 s1, s0  }
0xbe: {  	s0 =	sadd.s32 $0x8F2B, s0  }
0xbf: {  	[sflag:s0] =	ssyncadd.remote.s32 $0x1  }
0xc0: {  	_ =	sfence.sel $0xFFFF  }
0xc1: {  	[dreg:$0x0] =	wrdreg $0xFFFFFFFF;
	(pc) =	sbr.abs _section_cstart, $3  }
0xc2: {  	[dreg:$0x1] =	wrdreg $0xFFFFFFFF  }
0xc3: {  	_ =	task.clear_ibuf [dreg:s8], $0x2FFFF;
	_ =	strace $0x9FFFFFFF  }
0xc4: {  	(tm) =	ssettm $0x7FFFFFFF  }
0xc5: {  	_ =	shalt  }
tec
execute0_lowered:
.L_overlay_start_1:
0x0: {  	(tag) =	ssettag $0x1  }
0x1: {  	s0 =	rddreg [dreg:$0x0]  }
0x2: {  	s1 =	rddreg [dreg:$0x1]  }
0x3: {  	s2 =	rddreg [dreg:$0x2];
	s3 =	simm.s32 $0x0;
	s4 =	srdreg.scid  }
0x4: {  	s5 =	stileid.u32;
	s12 =	simm.s32 $0x6;
	s14 =	simm.s32 $0x80  }
0x5: {  	s23 =	simm.s32 $0x3400;
	s24 =	simm.s32 $0x5000;
	s28 =	simm.s32 $0x1  }
0x6: {  	s29 =	simm.s32 $0x5400;
	s30 =	simm.s32 $0x5410;
	s31 =	simm.s32 $0x5420  }
0x7: {  	s10 =	simm.s32 $0x5460;
	s11 =	simm.s32 $0x5470;
	s13 =	simm.s32 $0x2  }
0x8: {  	s15 =	simm.s32 $0x3;
	s16 =	simm.s32 $0x4;
	s17 =	simm.s32 $0x5  }
0x9: {  	s18 =	simm.s32 $0x0;
	[smem:$0x7FF] =	sst s3;
	s4 =	sand.u32 $0x1, s4  }
0xa: {  	s5 =	sshll.u32 s5, $0x1;
	_ =	strace $0x80000047;
	s6 =	ssub.s32 $0x2, s4  }
0xb: {  	s7 =	sor.u32 s4, s5;
	s4 =	sadd.s32 $0xC3600, s1;
	s25 =	sshrl.u32 s6, $0x1  }
0xc: {  	s8 =	sshll.u32 s7, $0x7;
	s26 =	sshll.u32 s7, $0x4;
	s9 =	ssub.s32 s6, s25  }
0xd: {  	s5 =	sadd.s32 s0, s8;
	s7 =	sadd.s32 s2, s26;
	s25 =	simm.s32 $0x3480  }
0xe: {  	s26 =	simm.s32 $0x5080;
	s0 =	simm.s32 $0x5430;
	s2 =	simm.s32 $0x5440  }
0xf: {  	v0 =	vimm.s32 $0x1FF3CB0;
	s6 =	sadd.s32 $0x6000, s5;
	s8 =	smax.u32 s9, $0x1;
	s9 =	simm.s32 $0x5450  }
.LBB2_1:
0x10: {  	s19 =	simm.s32 $0x400;
	s20 =	simm.s32 $0x8000  }
0x11: {  	[tilespmem:s3], [sflag:$0x6] =	stream.strided.gather [hbm4b:s5+s19], $0x1800, s20, s19, $0x38;
	[tilespmem:$0x5500] =	vst v63  }
0x12: {  	s20 =	simm.s32 $0x1800  }
0x13: {  	[tilespmem:s20], [sflag:$0x6] =	stream.linear.gather [hbm4b:s6+s3], $0x100, $0x38;
	[tilespmem:$0x5500] =	vst v63  }
0x14: {  	_ =	swait.ge [sflag:s12], $0x1900  }
0x15: {  	[sflag:s12] =	ssyncset.done $0x0  }
0x16: {  	s21 =	simm.s32 $0x5480;
	[sflag:s12] =	ssyncadd.s32 $0xFFFFE700  }
0x17: {  	[tilespmem:s21], [sflag:$0x6] =	stream.linear.gather [hbm4b:s4+s3], $0x80, $0x38;
	[tilespmem:$0x5500] =	vst v63  }
0x18: {  	_ =	swait.ge [sflag:s12], $0x80  }
0x19: {  	[sflag:s12] =	ssyncset.done $0x0  }
0x1a: {  	s22 =	simm.s32 $0x40;
	[sflag:s12] =	ssyncadd.s32 $0xFFFFFF80  }
0x1b: {  	v1 =	vld [tilespmem:s22+$0xFFFFFFC0];
	_ =	sdelay $0x4  }
0x1c: {  	v2 =	vadd.s32 $0xFFFF3CB0, v1  }
0x1d: {  	vm0 =	vlt.s32 v2, $0x0  }
0x1e: {  	v2 =	vsel vm0, $0x0, v0  }
0x1f: {  	v1 =	vadd.s32 v1, v2  }
0x20: {  	v1 =	vshll.u32 v1, $0x7  }
0x21: {  	s19 =	simm.s32 $0x1C40;
	v1 =	vadd.s32 s3, v1  }
0x22: {  	[tilespmem:s19+$0xFFFFFFC0] =	vst v1  }
0x23: {  	v1 =	vld [tilespmem:s22+$0xFFFFFFD0];
	_ =	sdelay $0x4  }
0x24: {  	v2 =	vadd.s32 $0xFFFF3CB0, v1  }
0x25: {  	vm9 =	vlt.s32 v2, $0x0  }
0x26: {  	v2 =	vsel vm9, $0x0, v0  }
0x27: {  	v1 =	vadd.s32 v1, v2  }
0x28: {  	v1 =	vshll.u32 v1, $0x7  }
0x29: {  	v1 =	vadd.s32 s3, v1  }
0x2a: {  	[tilespmem:s19+$0xFFFFFFD0] =	vst v1  }
0x2b: {  	v1 =	vld [tilespmem:s22+$0xFFFFFFE0];
	_ =	sdelay $0x4  }
0x2c: {  	v2 =	vadd.s32 $0xFFFF3CB0, v1  }
0x2d: {  	vm10 =	vlt.s32 v2, $0x0  }
0x2e: {  	v2 =	vsel vm10, $0x0, v0  }
0x2f: {  	v1 =	vadd.s32 v1, v2  }
0x30: {  	v1 =	vshll.u32 v1, $0x7  }
0x31: {  	v1 =	vadd.s32 s3, v1  }
0x32: {  	[tilespmem:s19+$0xFFFFFFE0] =	vst v1  }
0x33: {  	v1 =	vld [tilespmem:s22+$0xFFFFFFF0];
	_ =	sdelay $0x4  }
0x34: {  	v2 =	vadd.s32 $0xFFFF3CB0, v1  }
0x35: {  	vm11 =	vlt.s32 v2, $0x0  }
0x36: {  	v2 =	vsel vm11, $0x0, v0  }
0x37: {  	v1 =	vadd.s32 v1, v2  }
0x38: {  	v1 =	vshll.u32 v1, $0x7  }
0x39: {  	v1 =	vadd.s32 s3, v1  }
0x3a: {  	[tilespmem:s19+$0xFFFFFFF0] =	vst v1  }
0x3b: {  	v1 =	vld [tilespmem:s22+$0x0];
	_ =	sdelay $0x4  }
0x3c: {  	v2 =	vadd.s32 $0xFFFF3CB0, v1  }
0x3d: {  	vm12 =	vlt.s32 v2, $0x0  }
0x3e: {  	v2 =	vsel vm12, $0x0, v0  }
0x3f: {  	v1 =	vadd.s32 v1, v2  }
0x40: {  	v1 =	vshll.u32 v1, $0x7  }
0x41: {  	v1 =	vadd.s32 s3, v1  }
0x42: {  	[tilespmem:s19+$0x0] =	vst v1  }
0x43: {  	v1 =	vld [tilespmem:s22+$0x10];
	_ =	sdelay $0x4  }
0x44: {  	v2 =	vadd.s32 $0xFFFF3CB0, v1  }
0x45: {  	vm13 =	vlt.s32 v2, $0x0  }
0x46: {  	v2 =	vsel vm13, $0x0, v0  }
0x47: {  	v1 =	vadd.s32 v1, v2  }
0x48: {  	v1 =	vshll.u32 v1, $0x7  }
0x49: {  	v1 =	vadd.s32 s3, v1  }
0x4a: {  	[tilespmem:s19+$0x10] =	vst v1  }
0x4b: {  	v1 =	vld [tilespmem:s22+$0x20];
	_ =	sdelay $0x4  }
0x4c: {  	v2 =	vadd.s32 $0xFFFF3CB0, v1  }
0x4d: {  	vm14 =	vlt.s32 v2, $0x0  }
0x4e: {  	v2 =	vsel vm14, $0x0, v0  }
0x4f: {  	v1 =	vadd.s32 v1, v2  }
0x50: {  	v1 =	vshll.u32 v1, $0x7  }
0x51: {  	v1 =	vadd.s32 s3, v1  }
0x52: {  	[tilespmem:s19+$0x20] =	vst v1  }
0x53: {  	v1 =	vld [tilespmem:s22+$0x30];
	_ =	sdelay $0x4  }
0x54: {  	v2 =	vadd.s32 $0xFFFF3CB0, v1  }
0x55: {  	vm15 =	vlt.s32 v2, $0x0  }
0x56: {  	v2 =	vsel vm15, $0x0, v0  }
0x57: {  	v1 =	vadd.s32 v1, v2  }
0x58: {  	v1 =	vshll.u32 v1, $0x7  }
0x59: {  	v1 =	vadd.s32 s3, v1  }
0x5a: {  	s21 =	simm.s32 $0xC0;
	[tilespmem:s19+$0x30] =	vst v1  }
0x5b: {  	s20 =	simm.s32 $0x1;
	s22 =	simm.s32 $0x2;
	v1 =	vld [tilespmem:s21+$0xFFFFFFC0]  }
.LBB2_2:
0x5c: {  	p0 =	sne.s32 s22, $0x9;
	_ =	sdelay $0x3  }
0x5d: {  	v2 =	vadd.s32 $0xFFFF3CB0, v1  }
0x5e: {  	vm0 =	vlt.s32 v2, $0x0  }
0x5f: {  	v2 =	vsel vm0, $0x0, v0  }
0x60: {  	v1 =	vadd.s32 v1, v2  }
0x61: {  	v1 =	vshll.u32 v1, $0x7  }
0x62: {  	s19 =	sadd.s32 $0x80, s19;
	v1 =	vadd.s32 s20, v1  }
0x63: {  	[tilespmem:s19+$0xFFFFFFC0] =	vst v1  }
0x64: {  	v1 =	vld [tilespmem:s21+$0xFFFFFFD0];
	_ =	sdelay $0x4  }
0x65: {  	v2 =	vadd.s32 $0xFFFF3CB0, v1  }
0x66: {  	vm0 =	vlt.s32 v2, $0x0  }
0x67: {  	v2 =	vsel vm0, $0x0, v0  }
0x68: {  	v1 =	vadd.s32 v1, v2  }
0x69: {  	v1 =	vshll.u32 v1, $0x7  }
0x6a: {  	v1 =	vadd.s32 s20, v1  }
0x6b: {  	[tilespmem:s19+$0xFFFFFFD0] =	vst v1  }
0x6c: {  	v1 =	vld [tilespmem:s21+$0xFFFFFFE0];
	_ =	sdelay $0x4  }
0x6d: {  	v2 =	vadd.s32 $0xFFFF3CB0, v1  }
0x6e: {  	vm0 =	vlt.s32 v2, $0x0  }
0x6f: {  	v2 =	vsel vm0, $0x0, v0  }
0x70: {  	v1 =	vadd.s32 v1, v2  }
0x71: {  	v1 =	vshll.u32 v1, $0x7  }
0x72: {  	v1 =	vadd.s32 s20, v1  }
0x73: {  	[tilespmem:s19+$0xFFFFFFE0] =	vst v1  }
0x74: {  	v1 =	vld [tilespmem:s21+$0xFFFFFFF0];
	_ =	sdelay $0x4  }
0x75: {  	v2 =	vadd.s32 $0xFFFF3CB0, v1  }
0x76: {  	vm0 =	vlt.s32 v2, $0x0  }
0x77: {  	v2 =	vsel vm0, $0x0, v0  }
0x78: {  	v1 =	vadd.s32 v1, v2  }
0x79: {  	v1 =	vshll.u32 v1, $0x7  }
0x7a: {  	v1 =	vadd.s32 s20, v1  }
0x7b: {  	[tilespmem:s19+$0xFFFFFFF0] =	vst v1  }
0x7c: {  	v1 =	vld [tilespmem:s21+$0x0];
	_ =	sdelay $0x4  }
0x7d: {  	v2 =	vadd.s32 $0xFFFF3CB0, v1  }
0x7e: {  	vm0 =	vlt.s32 v2, $0x0  }
0x7f: {  	v2 =	vsel vm0, $0x0, v0  }
0x80: {  	v1 =	vadd.s32 v1, v2  }
0x81: {  	v1 =	vshll.u32 v1, $0x7  }
0x82: {  	v1 =	vadd.s32 s20, v1  }
0x83: {  	[tilespmem:s19+$0x0] =	vst v1  }
0x84: {  	v1 =	vld [tilespmem:s21+$0x10];
	_ =	sdelay $0x4  }
0x85: {  	v2 =	vadd.s32 $0xFFFF3CB0, v1  }
0x86: {  	vm0 =	vlt.s32 v2, $0x0  }
0x87: {  	v2 =	vsel vm0, $0x0, v0  }
0x88: {  	v1 =	vadd.s32 v1, v2  }
0x89: {  	v1 =	vshll.u32 v1, $0x7  }
0x8a: {  	v1 =	vadd.s32 s20, v1  }
0x8b: {  	[tilespmem:s19+$0x10] =	vst v1  }
0x8c: {  	v1 =	vld [tilespmem:s21+$0x20];
	_ =	sdelay $0x4  }
0x8d: {  	v2 =	vadd.s32 $0xFFFF3CB0, v1  }
0x8e: {  	vm0 =	vlt.s32 v2, $0x0  }
0x8f: {  	v2 =	vsel vm0, $0x0, v0  }
0x90: {  	v1 =	vadd.s32 v1, v2  }
0x91: {  	v1 =	vshll.u32 v1, $0x7  }
0x92: {  	v1 =	vadd.s32 s20, v1  }
0x93: {  	[tilespmem:s19+$0x20] =	vst v1  }
0x94: {  	v1 =	vld [tilespmem:s21+$0x30];
	_ =	sdelay $0x4  }
0x95: {  	v2 =	vadd.s32 $0xFFFF3CB0, v1  }
0x96: {  	vm0 =	vlt.s32 v2, $0x0  }
0x97: {  	v2 =	vsel vm0, $0x0, v0  }
.Ltmp0:
0x98: {  	v1 =	vadd.s32 v1, v2;
	(pc) =	sbr.rel @p0 .LBB2_2-.Ltmp0, $4  }
0x99: {  	v1 =	vshll.u32 v1, $0x7  }
0x9a: {  	v1 =	vadd.s32 s20, v1;
	s20 =	smov.u32 s22  }
0x9b: {  	s21 =	sadd.s32 $0x80, s21;
	[tilespmem:s19+$0x30] =	vst v1  }
0x9c: {  	s22 =	sadd.s32 $0x1, s22;
	v1 =	vld [tilespmem:s21+$0xFFFFFFC0]  }
0x9d: {  	_ =	sdelay $0x3  }
0x9e: {  	v2 =	vadd.s32 $0xFFFF3CB0, v1  }
0x9f: {  	vm0 =	vlt.s32 v2, $0x0  }
0xa0: {  	v2 =	vsel vm0, $0x0, v0  }
0xa1: {  	v1 =	vadd.s32 v1, v2  }
0xa2: {  	v1 =	vshll.u32 v1, $0x7  }
0xa3: {  	s19 =	sadd.s32 $0x80, s19;
	v1 =	vadd.s32 s20, v1  }
0xa4: {  	[tilespmem:s19+$0xFFFFFFC0] =	vst v1  }
0xa5: {  	v1 =	vld [tilespmem:s21+$0xFFFFFFD0];
	_ =	sdelay $0x4  }
0xa6: {  	v2 =	vadd.s32 $0xFFFF3CB0, v1  }
0xa7: {  	vm13 =	vlt.s32 v2, $0x0  }
0xa8: {  	v2 =	vsel vm13, $0x0, v0  }
0xa9: {  	v1 =	vadd.s32 v1, v2  }
0xaa: {  	v1 =	vshll.u32 v1, $0x7  }
0xab: {  	v1 =	vadd.s32 s20, v1  }
0xac: {  	[tilespmem:s19+$0xFFFFFFD0] =	vst v1  }
0xad: {  	v1 =	vld [tilespmem:s21+$0xFFFFFFE0];
	_ =	sdelay $0x4  }
0xae: {  	v2 =	vadd.s32 $0xFFFF3CB0, v1  }
0xaf: {  	vm14 =	vlt.s32 v2, $0x0  }
0xb0: {  	v2 =	vsel vm14, $0x0, v0  }
0xb1: {  	v1 =	vadd.s32 v1, v2  }
0xb2: {  	v1 =	vshll.u32 v1, $0x7  }
0xb3: {  	v1 =	vadd.s32 s20, v1  }
0xb4: {  	[tilespmem:s19+$0xFFFFFFE0] =	vst v1  }
0xb5: {  	v1 =	vld [tilespmem:s21+$0xFFFFFFF0];
	_ =	sdelay $0x4  }
0xb6: {  	v2 =	vadd.s32 $0xFFFF3CB0, v1  }
0xb7: {  	vm15 =	vlt.s32 v2, $0x0  }
0xb8: {  	v2 =	vsel vm15, $0x0, v0  }
0xb9: {  	v1 =	vadd.s32 v1, v2  }
0xba: {  	v1 =	vshll.u32 v1, $0x7  }
0xbb: {  	v1 =	vadd.s32 s20, v1  }
0xbc: {  	[tilespmem:s19+$0xFFFFFFF0] =	vst v1  }
0xbd: {  	v1 =	vld [tilespmem:s21+$0x0];
	_ =	sdelay $0x4  }
0xbe: {  	v2 =	vadd.s32 $0xFFFF3CB0, v1  }
0xbf: {  	vm4 =	vlt.s32 v2, $0x0  }
0xc0: {  	v2 =	vsel vm4, $0x0, v0  }
0xc1: {  	v1 =	vadd.s32 v1, v2  }
0xc2: {  	v1 =	vshll.u32 v1, $0x7  }
0xc3: {  	v1 =	vadd.s32 s20, v1  }
0xc4: {  	[tilespmem:s19+$0x0] =	vst v1  }
0xc5: {  	v1 =	vld [tilespmem:s21+$0x10];
	_ =	sdelay $0x4  }
0xc6: {  	v2 =	vadd.s32 $0xFFFF3CB0, v1  }
0xc7: {  	vm5 =	vlt.s32 v2, $0x0  }
0xc8: {  	v2 =	vsel vm5, $0x0, v0  }
0xc9: {  	v1 =	vadd.s32 v1, v2  }
0xca: {  	v1 =	vshll.u32 v1, $0x7  }
0xcb: {  	v1 =	vadd.s32 s20, v1  }
0xcc: {  	[tilespmem:s19+$0x10] =	vst v1  }
0xcd: {  	v1 =	vld [tilespmem:s21+$0x20];
	_ =	sdelay $0x4  }
0xce: {  	v2 =	vadd.s32 $0xFFFF3CB0, v1  }
0xcf: {  	vm6 =	vlt.s32 v2, $0x0  }
0xd0: {  	v2 =	vsel vm6, $0x0, v0  }
0xd1: {  	v1 =	vadd.s32 v1, v2  }
0xd2: {  	v1 =	vshll.u32 v1, $0x7  }
0xd3: {  	v1 =	vadd.s32 s20, v1  }
0xd4: {  	[tilespmem:s19+$0x20] =	vst v1  }
0xd5: {  	v1 =	vld [tilespmem:s21+$0x30];
	_ =	sdelay $0x4  }
0xd6: {  	v2 =	vadd.s32 $0xFFFF3CB0, v1  }
0xd7: {  	vm7 =	vlt.s32 v2, $0x0  }
0xd8: {  	v2 =	vsel vm7, $0x0, v0  }
0xd9: {  	v1 =	vadd.s32 v1, v2  }
0xda: {  	v1 =	vshll.u32 v1, $0x7  }
0xdb: {  	v1 =	vadd.s32 s20, v1  }
0xdc: {  	s22 =	simm.s32 $0x3800;
	s21 =	simm.s32 $0x1C00;
	[tilespmem:s19+$0x30] =	vst v1  }
0xdd: {  	[tilespmem:s22], [sflag:$0x1] =	stream.indirect.gather [hbm4b:s1+s14], $0x1, s21, s14, $0xb8;
	[tilespmem:$0x5500] =	vst v63  }
0xde: {  	s21 =	simm.s32 $0x1C80;
	s22 =	simm.s32 $0x3880  }
0xdf: {  	[tilespmem:s22], [sflag:$0x1] =	stream.indirect.gather [hbm4b:s1+s14], $0x1, s21, s14, $0xb8;
	[tilespmem:$0x5500] =	vst v63  }
0xe0: {  	s21 =	simm.s32 $0x1D00;
	s22 =	simm.s32 $0x3900  }
0xe1: {  	[tilespmem:s22], [sflag:$0x1] =	stream.indirect.gather [hbm4b:s1+s14], $0x1, s21, s14, $0xb8;
	[tilespmem:$0x5500] =	vst v63  }
0xe2: {  	s21 =	simm.s32 $0x1D80;
	s22 =	simm.s32 $0x3980  }
0xe3: {  	[tilespmem:s22], [sflag:$0x1] =	stream.indirect.gather [hbm4b:s1+s14], $0x1, s21, s14, $0xb8;
	[tilespmem:$0x5500] =	vst v63  }
0xe4: {  	s21 =	simm.s32 $0x1E00;
	s22 =	simm.s32 $0x3A00  }
0xe5: {  	[tilespmem:s22], [sflag:$0x1] =	stream.indirect.gather [hbm4b:s1+s14], $0x1, s21, s14, $0xb8;
	[tilespmem:$0x5500] =	vst v63  }
0xe6: {  	s21 =	simm.s32 $0x1E80;
	s22 =	simm.s32 $0x3A80  }
0xe7: {  	[tilespmem:s22], [sflag:$0x1] =	stream.indirect.gather [hbm4b:s1+s14], $0x1, s21, s14, $0xb8;
	[tilespmem:$0x5500] =	vst v63  }
0xe8: {  	s21 =	simm.s32 $0x1F00;
	s22 =	simm.s32 $0x3B00  }
0xe9: {  	[tilespmem:s22], [sflag:$0x1] =	stream.indirect.gather [hbm4b:s1+s14], $0x1, s21, s14, $0xb8;
	[tilespmem:$0x5500] =	vst v63  }
0xea: {  	s21 =	simm.s32 $0x1F80;
	s22 =	simm.s32 $0x3B80  }
0xeb: {  	[tilespmem:s22], [sflag:$0x1] =	stream.indirect.gather [hbm4b:s1+s14], $0x1, s21, s14, $0xb8;
	[tilespmem:$0x5500] =	vst v63  }
0xec: {  	s21 =	simm.s32 $0x2000;
	s22 =	simm.s32 $0x3C00  }
0xed: {  	[tilespmem:s22], [sflag:$0x1] =	stream.indirect.gather [hbm4b:s1+s14], $0x1, s21, s14, $0xb8;
	[tilespmem:$0x5500] =	vst v63  }
0xee: {  	s21 =	simm.s32 $0x2080;
	s22 =	simm.s32 $0x3C80  }
0xef: {  	[tilespmem:s22], [sflag:$0x1] =	stream.indirect.gather [hbm4b:s1+s14], $0x1, s21, s14, $0xb8;
	[tilespmem:$0x5500] =	vst v63  }
0xf0: {  	s21 =	simm.s32 $0x570  }
0xf1: {  	v1 =	vld [tilespmem:s21+$0xFFFFFF90];
	_ =	sdelay $0x4  }
0xf2: {  	v2 =	vadd.s32 $0xFFFF3CB0, v1  }
0xf3: {  	vm8 =	vlt.s32 v2, $0x0  }
0xf4: {  	v2 =	vsel vm8, $0x0, v0  }
0xf5: {  	v1 =	vadd.s32 v1, v2  }
0xf6: {  	s22 =	simm.s32 $0xA;
	v1 =	vshll.u32 v1, $0x7  }
0xf7: {  	s19 =	simm.s32 $0x2170;
	v1 =	vadd.s32 s22, v1  }
0xf8: {  	[tilespmem:s19+$0xFFFFFF90] =	vst v1  }
0xf9: {  	v1 =	vld [tilespmem:s21+$0xFFFFFFA0];
	_ =	sdelay $0x4  }
0xfa: {  	v2 =	vadd.s32 $0xFFFF3CB0, v1  }
0xfb: {  	vm9 =	vlt.s32 v2, $0x0  }
0xfc: {  	v2 =	vsel vm9, $0x0, v0  }
0xfd: {  	v1 =	vadd.s32 v1, v2  }
0xfe: {  	v1 =	vshll.u32 v1, $0x7  }
0xff: {  	v1 =	vadd.s32 s22, v1  }
0x100: {  	[tilespmem:s19+$0xFFFFFFA0] =	vst v1  }
0x101: {  	v1 =	vld [tilespmem:s21+$0xFFFFFFB0];
	_ =	sdelay $0x4  }
0x102: {  	v2 =	vadd.s32 $0xFFFF3CB0, v1  }
0x103: {  	vm10 =	vlt.s32 v2, $0x0  }
0x104: {  	v2 =	vsel vm10, $0x0, v0  }
0x105: {  	v1 =	vadd.s32 v1, v2  }
0x106: {  	v1 =	vshll.u32 v1, $0x7  }
0x107: {  	v1 =	vadd.s32 s22, v1  }
0x108: {  	[tilespmem:s19+$0xFFFFFFB0] =	vst v1  }
0x109: {  	v1 =	vld [tilespmem:s21+$0xFFFFFFC0];
	_ =	sdelay $0x4  }
0x10a: {  	v2 =	vadd.s32 $0xFFFF3CB0, v1  }
0x10b: {  	vm11 =	vlt.s32 v2, $0x0  }
0x10c: {  	v2 =	vsel vm11, $0x0, v0  }
0x10d: {  	v1 =	vadd.s32 v1, v2  }
0x10e: {  	v1 =	vshll.u32 v1, $0x7  }
0x10f: {  	v1 =	vadd.s32 s22, v1  }
0x110: {  	[tilespmem:s19+$0xFFFFFFC0] =	vst v1  }
0x111: {  	v1 =	vld [tilespmem:s21+$0xFFFFFFD0];
	_ =	sdelay $0x4  }
0x112: {  	v2 =	vadd.s32 $0xFFFF3CB0, v1  }
0x113: {  	vm12 =	vlt.s32 v2, $0x0  }
0x114: {  	v2 =	vsel vm12, $0x0, v0  }
0x115: {  	v1 =	vadd.s32 v1, v2  }
0x116: {  	v1 =	vshll.u32 v1, $0x7  }
0x117: {  	v1 =	vadd.s32 s22, v1  }
0x118: {  	[tilespmem:s19+$0xFFFFFFD0] =	vst v1  }
0x119: {  	v1 =	vld [tilespmem:s21+$0xFFFFFFE0];
	_ =	sdelay $0x4  }
0x11a: {  	v2 =	vadd.s32 $0xFFFF3CB0, v1  }
0x11b: {  	vm13 =	vlt.s32 v2, $0x0  }
0x11c: {  	v2 =	vsel vm13, $0x0, v0  }
0x11d: {  	v1 =	vadd.s32 v1, v2  }
0x11e: {  	v1 =	vshll.u32 v1, $0x7  }
0x11f: {  	v1 =	vadd.s32 s22, v1  }
0x120: {  	[tilespmem:s19+$0xFFFFFFE0] =	vst v1  }
0x121: {  	v1 =	vld [tilespmem:s21+$0xFFFFFFF0];
	_ =	sdelay $0x4  }
0x122: {  	v2 =	vadd.s32 $0xFFFF3CB0, v1  }
0x123: {  	vm14 =	vlt.s32 v2, $0x0  }
0x124: {  	v2 =	vsel vm14, $0x0, v0  }
0x125: {  	v1 =	vadd.s32 v1, v2  }
0x126: {  	v1 =	vshll.u32 v1, $0x7  }
0x127: {  	v1 =	vadd.s32 s22, v1  }
0x128: {  	[tilespmem:s19+$0xFFFFFFF0] =	vst v1  }
0x129: {  	v1 =	vld [tilespmem:s21+$0x0];
	_ =	sdelay $0x4  }
0x12a: {  	v2 =	vadd.s32 $0xFFFF3CB0, v1  }
0x12b: {  	vm15 =	vlt.s32 v2, $0x0  }
0x12c: {  	v2 =	vsel vm15, $0x0, v0  }
0x12d: {  	v1 =	vadd.s32 v1, v2  }
0x12e: {  	v1 =	vshll.u32 v1, $0x7  }
0x12f: {  	v1 =	vadd.s32 s22, v1  }
0x130: {  	s21 =	simm.s32 $0x5F0;
	[tilespmem:s19+$0x0] =	vst v1  }
0x131: {  	s20 =	simm.s32 $0xB;
	s22 =	simm.s32 $0xC;
	v1 =	vld [tilespmem:s21+$0xFFFFFF90]  }
.LBB2_4:
0x132: {  	p0 =	sne.s32 s22, $0x13;
	_ =	sdelay $0x3  }
0x133: {  	v2 =	vadd.s32 $0xFFFF3CB0, v1  }
0x134: {  	vm0 =	vlt.s32 v2, $0x0  }
0x135: {  	v2 =	vsel vm0, $0x0, v0  }
0x136: {  	v1 =	vadd.s32 v1, v2  }
0x137: {  	v1 =	vshll.u32 v1, $0x7  }
0x138: {  	s19 =	sadd.s32 $0x80, s19;
	v1 =	vadd.s32 s20, v1  }
0x139: {  	[tilespmem:s19+$0xFFFFFF90] =	vst v1  }
0x13a: {  	v1 =	vld [tilespmem:s21+$0xFFFFFFA0];
	_ =	sdelay $0x4  }
0x13b: {  	v2 =	vadd.s32 $0xFFFF3CB0, v1  }
0x13c: {  	vm0 =	vlt.s32 v2, $0x0  }
0x13d: {  	v2 =	vsel vm0, $0x0, v0  }
0x13e: {  	v1 =	vadd.s32 v1, v2  }
0x13f: {  	v1 =	vshll.u32 v1, $0x7  }
0x140: {  	v1 =	vadd.s32 s20, v1  }
0x141: {  	[tilespmem:s19+$0xFFFFFFA0] =	vst v1  }
0x142: {  	v1 =	vld [tilespmem:s21+$0xFFFFFFB0];
	_ =	sdelay $0x4  }
0x143: {  	v2 =	vadd.s32 $0xFFFF3CB0, v1  }
0x144: {  	vm0 =	vlt.s32 v2, $0x0  }
0x145: {  	v2 =	vsel vm0, $0x0, v0  }
0x146: {  	v1 =	vadd.s32 v1, v2  }
0x147: {  	v1 =	vshll.u32 v1, $0x7  }
0x148: {  	v1 =	vadd.s32 s20, v1  }
0x149: {  	[tilespmem:s19+$0xFFFFFFB0] =	vst v1  }
0x14a: {  	v1 =	vld [tilespmem:s21+$0xFFFFFFC0];
	_ =	sdelay $0x4  }
0x14b: {  	v2 =	vadd.s32 $0xFFFF3CB0, v1  }
0x14c: {  	vm0 =	vlt.s32 v2, $0x0  }
0x14d: {  	v2 =	vsel vm0, $0x0, v0  }
0x14e: {  	v1 =	vadd.s32 v1, v2  }
0x14f: {  	v1 =	vshll.u32 v1, $0x7  }
0x150: {  	v1 =	vadd.s32 s20, v1  }
0x151: {  	[tilespmem:s19+$0xFFFFFFC0] =	vst v1  }
0x152: {  	v1 =	vld [tilespmem:s21+$0xFFFFFFD0];
	_ =	sdelay $0x4  }
0x153: {  	v2 =	vadd.s32 $0xFFFF3CB0, v1  }
0x154: {  	vm0 =	vlt.s32 v2, $0x0  }
0x155: {  	v2 =	vsel vm0, $0x0, v0  }
0x156: {  	v1 =	vadd.s32 v1, v2  }
0x157: {  	v1 =	vshll.u32 v1, $0x7  }
0x158: {  	v1 =	vadd.s32 s20, v1  }
0x159: {  	[tilespmem:s19+$0xFFFFFFD0] =	vst v1  }
0x15a: {  	v1 =	vld [tilespmem:s21+$0xFFFFFFE0];
	_ =	sdelay $0x4  }
0x15b: {  	v2 =	vadd.s32 $0xFFFF3CB0, v1  }
0x15c: {  	vm0 =	vlt.s32 v2, $0x0  }
0x15d: {  	v2 =	vsel vm0, $0x0, v0  }
0x15e: {  	v1 =	vadd.s32 v1, v2  }
0x15f: {  	v1 =	vshll.u32 v1, $0x7  }
0x160: {  	v1 =	vadd.s32 s20, v1  }
0x161: {  	[tilespmem:s19+$0xFFFFFFE0] =	vst v1  }
0x162: {  	v1 =	vld [tilespmem:s21+$0xFFFFFFF0];
	_ =	sdelay $0x4  }
0x163: {  	v2 =	vadd.s32 $0xFFFF3CB0, v1  }
0x164: {  	vm0 =	vlt.s32 v2, $0x0  }
0x165: {  	v2 =	vsel vm0, $0x0, v0  }
0x166: {  	v1 =	vadd.s32 v1, v2  }
0x167: {  	v1 =	vshll.u32 v1, $0x7  }
0x168: {  	v1 =	vadd.s32 s20, v1  }
0x169: {  	[tilespmem:s19+$0xFFFFFFF0] =	vst v1  }
0x16a: {  	v1 =	vld [tilespmem:s21+$0x0];
	_ =	sdelay $0x4  }
0x16b: {  	v2 =	vadd.s32 $0xFFFF3CB0, v1  }
0x16c: {  	vm0 =	vlt.s32 v2, $0x0  }
0x16d: {  	v2 =	vsel vm0, $0x0, v0  }
.Ltmp1:
0x16e: {  	v1 =	vadd.s32 v1, v2;
	(pc) =	sbr.rel @p0 .LBB2_4-.Ltmp1, $4  }
0x16f: {  	v1 =	vshll.u32 v1, $0x7  }
0x170: {  	v1 =	vadd.s32 s20, v1;
	s20 =	smov.u32 s22  }
0x171: {  	s21 =	sadd.s32 $0x80, s21;
	[tilespmem:s19+$0x0] =	vst v1  }
0x172: {  	s22 =	sadd.s32 $0x1, s22;
	v1 =	vld [tilespmem:s21+$0xFFFFFF90]  }
0x173: {  	_ =	sdelay $0x3  }
0x174: {  	v2 =	vadd.s32 $0xFFFF3CB0, v1  }
0x175: {  	vm0 =	vlt.s32 v2, $0x0  }
0x176: {  	v2 =	vsel vm0, $0x0, v0  }
0x177: {  	v1 =	vadd.s32 v1, v2  }
0x178: {  	v1 =	vshll.u32 v1, $0x7  }
0x179: {  	s19 =	sadd.s32 $0x80, s19;
	v1 =	vadd.s32 s20, v1  }
0x17a: {  	[tilespmem:s19+$0xFFFFFF90] =	vst v1  }
0x17b: {  	v1 =	vld [tilespmem:s21+$0xFFFFFFA0];
	_ =	sdelay $0x4  }
0x17c: {  	v2 =	vadd.s32 $0xFFFF3CB0, v1  }
0x17d: {  	vm13 =	vlt.s32 v2, $0x0  }
0x17e: {  	v2 =	vsel vm13, $0x0, v0  }
0x17f: {  	v1 =	vadd.s32 v1, v2  }
0x180: {  	v1 =	vshll.u32 v1, $0x7  }
0x181: {  	v1 =	vadd.s32 s20, v1  }
0x182: {  	[tilespmem:s19+$0xFFFFFFA0] =	vst v1  }
0x183: {  	v1 =	vld [tilespmem:s21+$0xFFFFFFB0];
	_ =	sdelay $0x4  }
0x184: {  	v2 =	vadd.s32 $0xFFFF3CB0, v1  }
0x185: {  	vm14 =	vlt.s32 v2, $0x0  }
0x186: {  	v2 =	vsel vm14, $0x0, v0  }
0x187: {  	v1 =	vadd.s32 v1, v2  }
0x188: {  	v1 =	vshll.u32 v1, $0x7  }
0x189: {  	v1 =	vadd.s32 s20, v1  }
0x18a: {  	[tilespmem:s19+$0xFFFFFFB0] =	vst v1  }
0x18b: {  	v1 =	vld [tilespmem:s21+$0xFFFFFFC0];
	_ =	sdelay $0x4  }
0x18c: {  	v2 =	vadd.s32 $0xFFFF3CB0, v1  }
0x18d: {  	vm15 =	vlt.s32 v2, $0x0  }
0x18e: {  	v2 =	vsel vm15, $0x0, v0  }
0x18f: {  	v1 =	vadd.s32 v1, v2  }
0x190: {  	v1 =	vshll.u32 v1, $0x7  }
0x191: {  	v1 =	vadd.s32 s20, v1  }
0x192: {  	[tilespmem:s19+$0xFFFFFFC0] =	vst v1  }
0x193: {  	v1 =	vld [tilespmem:s21+$0xFFFFFFD0];
	_ =	sdelay $0x4  }
0x194: {  	v2 =	vadd.s32 $0xFFFF3CB0, v1  }
0x195: {  	vm4 =	vlt.s32 v2, $0x0  }
0x196: {  	v2 =	vsel vm4, $0x0, v0  }
0x197: {  	v1 =	vadd.s32 v1, v2  }
0x198: {  	v1 =	vshll.u32 v1, $0x7  }
0x199: {  	v1 =	vadd.s32 s20, v1  }
0x19a: {  	[tilespmem:s19+$0xFFFFFFD0] =	vst v1  }
0x19b: {  	v1 =	vld [tilespmem:s21+$0xFFFFFFE0];
	_ =	sdelay $0x4  }
0x19c: {  	v2 =	vadd.s32 $0xFFFF3CB0, v1  }
0x19d: {  	vm5 =	vlt.s32 v2, $0x0  }
0x19e: {  	v2 =	vsel vm5, $0x0, v0  }
0x19f: {  	v1 =	vadd.s32 v1, v2  }
0x1a0: {  	v1 =	vshll.u32 v1, $0x7  }
0x1a1: {  	v1 =	vadd.s32 s20, v1  }
0x1a2: {  	[tilespmem:s19+$0xFFFFFFE0] =	vst v1  }
0x1a3: {  	v1 =	vld [tilespmem:s21+$0xFFFFFFF0];
	_ =	sdelay $0x4  }
0x1a4: {  	v2 =	vadd.s32 $0xFFFF3CB0, v1  }
0x1a5: {  	vm6 =	vlt.s32 v2, $0x0  }
0x1a6: {  	v2 =	vsel vm6, $0x0, v0  }
0x1a7: {  	v1 =	vadd.s32 v1, v2  }
0x1a8: {  	v1 =	vshll.u32 v1, $0x7  }
0x1a9: {  	v1 =	vadd.s32 s20, v1  }
0x1aa: {  	[tilespmem:s19+$0xFFFFFFF0] =	vst v1  }
0x1ab: {  	v1 =	vld [tilespmem:s21+$0x0];
	_ =	sdelay $0x4  }
0x1ac: {  	v2 =	vadd.s32 $0xFFFF3CB0, v1  }
0x1ad: {  	vm7 =	vlt.s32 v2, $0x0  }
0x1ae: {  	v2 =	vsel vm7, $0x0, v0  }
0x1af: {  	v1 =	vadd.s32 v1, v2  }
0x1b0: {  	v1 =	vshll.u32 v1, $0x7  }
0x1b1: {  	v1 =	vadd.s32 s20, v1  }
0x1b2: {  	s22 =	simm.s32 $0x3D00;
	s21 =	simm.s32 $0x2100;
	[tilespmem:s19+$0x0] =	vst v1  }
0x1b3: {  	[tilespmem:s22], [sflag:$0x2] =	stream.indirect.gather [hbm4b:s1+s14], $0x1, s21, s14, $0xb8;
	[tilespmem:$0x5500] =	vst v63  }
0x1b4: {  	s21 =	simm.s32 $0x2180;
	s22 =	simm.s32 $0x3D80  }
0x1b5: {  	[tilespmem:s22], [sflag:$0x2] =	stream.indirect.gather [hbm4b:s1+s14], $0x1, s21, s14, $0xb8;
	[tilespmem:$0x5500] =	vst v63  }
0x1b6: {  	s21 =	simm.s32 $0x2200;
	s22 =	simm.s32 $0x3E00  }
0x1b7: {  	[tilespmem:s22], [sflag:$0x2] =	stream.indirect.gather [hbm4b:s1+s14], $0x1, s21, s14, $0xb8;
	[tilespmem:$0x5500] =	vst v63  }
0x1b8: {  	s21 =	simm.s32 $0x2280;
	s22 =	simm.s32 $0x3E80  }
0x1b9: {  	[tilespmem:s22], [sflag:$0x2] =	stream.indirect.gather [hbm4b:s1+s14], $0x1, s21, s14, $0xb8;
	[tilespmem:$0x5500] =	vst v63  }
0x1ba: {  	s21 =	simm.s32 $0x2300;
	s22 =	simm.s32 $0x3F00  }
0x1bb: {  	[tilespmem:s22], [sflag:$0x2] =	stream.indirect.gather [hbm4b:s1+s14], $0x1, s21, s14, $0xb8;
	[tilespmem:$0x5500] =	vst v63  }
0x1bc: {  	s21 =	simm.s32 $0x2380;
	s22 =	simm.s32 $0x3F80  }
0x1bd: {  	[tilespmem:s22], [sflag:$0x2] =	stream.indirect.gather [hbm4b:s1+s14], $0x1, s21, s14, $0xb8;
	[tilespmem:$0x5500] =	vst v63  }
0x1be: {  	s21 =	simm.s32 $0x2400;
	s22 =	simm.s32 $0x4000  }
0x1bf: {  	[tilespmem:s22], [sflag:$0x2] =	stream.indirect.gather [hbm4b:s1+s14], $0x1, s21, s14, $0xb8;
	[tilespmem:$0x5500] =	vst v63  }
0x1c0: {  	s21 =	simm.s32 $0x2480;
	s22 =	simm.s32 $0x4080  }
0x1c1: {  	[tilespmem:s22], [sflag:$0x2] =	stream.indirect.gather [hbm4b:s1+s14], $0x1, s21, s14, $0xb8;
	[tilespmem:$0x5500] =	vst v63  }
0x1c2: {  	s21 =	simm.s32 $0x2500;
	s22 =	simm.s32 $0x4100  }
0x1c3: {  	[tilespmem:s22], [sflag:$0x2] =	stream.indirect.gather [hbm4b:s1+s14], $0x1, s21, s14, $0xb8;
	[tilespmem:$0x5500] =	vst v63  }
0x1c4: {  	s21 =	simm.s32 $0x2580;
	s22 =	simm.s32 $0x4180  }
0x1c5: {  	[tilespmem:s22], [sflag:$0x2] =	stream.indirect.gather [hbm4b:s1+s14], $0x1, s21, s14, $0xb8;
	[tilespmem:$0x5500] =	vst v63  }
0x1c6: {  	s21 =	simm.s32 $0xA70  }
0x1c7: {  	v1 =	vld [tilespmem:s21+$0xFFFFFF90];
	_ =	sdelay $0x4  }
0x1c8: {  	v2 =	vadd.s32 $0xFFFF3CB0, v1  }
0x1c9: {  	vm8 =	vlt.s32 v2, $0x0  }
0x1ca: {  	v2 =	vsel vm8, $0x0, v0  }
0x1cb: {  	v1 =	vadd.s32 v1, v2  }
0x1cc: {  	s22 =	simm.s32 $0x14;
	v1 =	vshll.u32 v1, $0x7  }
0x1cd: {  	s19 =	simm.s32 $0x2670;
	v1 =	vadd.s32 s22, v1  }
0x1ce: {  	[tilespmem:s19+$0xFFFFFF90] =	vst v1  }
0x1cf: {  	v1 =	vld [tilespmem:s21+$0xFFFFFFA0];
	_ =	sdelay $0x4  }
0x1d0: {  	v2 =	vadd.s32 $0xFFFF3CB0, v1  }
0x1d1: {  	vm9 =	vlt.s32 v2, $0x0  }
0x1d2: {  	v2 =	vsel vm9, $0x0, v0  }
0x1d3: {  	v1 =	vadd.s32 v1, v2  }
0x1d4: {  	v1 =	vshll.u32 v1, $0x7  }
0x1d5: {  	v1 =	vadd.s32 s22, v1  }
0x1d6: {  	[tilespmem:s19+$0xFFFFFFA0] =	vst v1  }
0x1d7: {  	v1 =	vld [tilespmem:s21+$0xFFFFFFB0];
	_ =	sdelay $0x4  }
0x1d8: {  	v2 =	vadd.s32 $0xFFFF3CB0, v1  }
0x1d9: {  	vm10 =	vlt.s32 v2, $0x0  }
0x1da: {  	v2 =	vsel vm10, $0x0, v0  }
0x1db: {  	v1 =	vadd.s32 v1, v2  }
0x1dc: {  	v1 =	vshll.u32 v1, $0x7  }
0x1dd: {  	v1 =	vadd.s32 s22, v1  }
0x1de: {  	[tilespmem:s19+$0xFFFFFFB0] =	vst v1  }
0x1df: {  	v1 =	vld [tilespmem:s21+$0xFFFFFFC0];
	_ =	sdelay $0x4  }
0x1e0: {  	v2 =	vadd.s32 $0xFFFF3CB0, v1  }
0x1e1: {  	vm11 =	vlt.s32 v2, $0x0  }
0x1e2: {  	v2 =	vsel vm11, $0x0, v0  }
0x1e3: {  	v1 =	vadd.s32 v1, v2  }
0x1e4: {  	v1 =	vshll.u32 v1, $0x7  }
0x1e5: {  	v1 =	vadd.s32 s22, v1  }
0x1e6: {  	[tilespmem:s19+$0xFFFFFFC0] =	vst v1  }
0x1e7: {  	v1 =	vld [tilespmem:s21+$0xFFFFFFD0];
	_ =	sdelay $0x4  }
0x1e8: {  	v2 =	vadd.s32 $0xFFFF3CB0, v1  }
0x1e9: {  	vm12 =	vlt.s32 v2, $0x0  }
0x1ea: {  	v2 =	vsel vm12, $0x0, v0  }
0x1eb: {  	v1 =	vadd.s32 v1, v2  }
0x1ec: {  	v1 =	vshll.u32 v1, $0x7  }
0x1ed: {  	v1 =	vadd.s32 s22, v1  }
0x1ee: {  	[tilespmem:s19+$0xFFFFFFD0] =	vst v1  }
0x1ef: {  	v1 =	vld [tilespmem:s21+$0xFFFFFFE0];
	_ =	sdelay $0x4  }
0x1f0: {  	v2 =	vadd.s32 $0xFFFF3CB0, v1  }
0x1f1: {  	vm13 =	vlt.s32 v2, $0x0  }
0x1f2: {  	v2 =	vsel vm13, $0x0, v0  }
0x1f3: {  	v1 =	vadd.s32 v1, v2  }
0x1f4: {  	v1 =	vshll.u32 v1, $0x7  }
0x1f5: {  	v1 =	vadd.s32 s22, v1  }
0x1f6: {  	[tilespmem:s19+$0xFFFFFFE0] =	vst v1  }
0x1f7: {  	v1 =	vld [tilespmem:s21+$0xFFFFFFF0];
	_ =	sdelay $0x4  }
0x1f8: {  	v2 =	vadd.s32 $0xFFFF3CB0, v1  }
0x1f9: {  	vm14 =	vlt.s32 v2, $0x0  }
0x1fa: {  	v2 =	vsel vm14, $0x0, v0  }
0x1fb: {  	v1 =	vadd.s32 v1, v2  }
0x1fc: {  	v1 =	vshll.u32 v1, $0x7  }
0x1fd: {  	v1 =	vadd.s32 s22, v1  }
0x1fe: {  	[tilespmem:s19+$0xFFFFFFF0] =	vst v1  }
0x1ff: {  	v1 =	vld [tilespmem:s21+$0x0];
	_ =	sdelay $0x4  }
0x200: {  	v2 =	vadd.s32 $0xFFFF3CB0, v1  }
0x201: {  	vm15 =	vlt.s32 v2, $0x0  }
0x202: {  	v2 =	vsel vm15, $0x0, v0  }
0x203: {  	v1 =	vadd.s32 v1, v2  }
0x204: {  	v1 =	vshll.u32 v1, $0x7  }
0x205: {  	v1 =	vadd.s32 s22, v1  }
0x206: {  	s21 =	simm.s32 $0xAF0;
	[tilespmem:s19+$0x0] =	vst v1  }
0x207: {  	s20 =	simm.s32 $0x15;
	s22 =	simm.s32 $0x16;
	v1 =	vld [tilespmem:s21+$0xFFFFFF90]  }
.LBB2_6:
0x208: {  	p0 =	sne.s32 s22, $0x1D;
	_ =	sdelay $0x3  }
0x209: {  	v2 =	vadd.s32 $0xFFFF3CB0, v1  }
0x20a: {  	vm0 =	vlt.s32 v2, $0x0  }
0x20b: {  	v2 =	vsel vm0, $0x0, v0  }
0x20c: {  	v1 =	vadd.s32 v1, v2  }
0x20d: {  	v1 =	vshll.u32 v1, $0x7  }
0x20e: {  	s19 =	sadd.s32 $0x80, s19;
	v1 =	vadd.s32 s20, v1  }
0x20f: {  	[tilespmem:s19+$0xFFFFFF90] =	vst v1  }
0x210: {  	v1 =	vld [tilespmem:s21+$0xFFFFFFA0];
	_ =	sdelay $0x4  }
0x211: {  	v2 =	vadd.s32 $0xFFFF3CB0, v1  }
0x212: {  	vm0 =	vlt.s32 v2, $0x0  }
0x213: {  	v2 =	vsel vm0, $0x0, v0  }
0x214: {  	v1 =	vadd.s32 v1, v2  }
0x215: {  	v1 =	vshll.u32 v1, $0x7  }
0x216: {  	v1 =	vadd.s32 s20, v1  }
0x217: {  	[tilespmem:s19+$0xFFFFFFA0] =	vst v1  }
0x218: {  	v1 =	vld [tilespmem:s21+$0xFFFFFFB0];
	_ =	sdelay $0x4  }
0x219: {  	v2 =	vadd.s32 $0xFFFF3CB0, v1  }
0x21a: {  	vm0 =	vlt.s32 v2, $0x0  }
0x21b: {  	v2 =	vsel vm0, $0x0, v0  }
0x21c: {  	v1 =	vadd.s32 v1, v2  }
0x21d: {  	v1 =	vshll.u32 v1, $0x7  }
0x21e: {  	v1 =	vadd.s32 s20, v1  }
0x21f: {  	[tilespmem:s19+$0xFFFFFFB0] =	vst v1  }
0x220: {  	v1 =	vld [tilespmem:s21+$0xFFFFFFC0];
	_ =	sdelay $0x4  }
0x221: {  	v2 =	vadd.s32 $0xFFFF3CB0, v1  }
0x222: {  	vm0 =	vlt.s32 v2, $0x0  }
0x223: {  	v2 =	vsel vm0, $0x0, v0  }
0x224: {  	v1 =	vadd.s32 v1, v2  }
0x225: {  	v1 =	vshll.u32 v1, $0x7  }
0x226: {  	v1 =	vadd.s32 s20, v1  }
0x227: {  	[tilespmem:s19+$0xFFFFFFC0] =	vst v1  }
0x228: {  	v1 =	vld [tilespmem:s21+$0xFFFFFFD0];
	_ =	sdelay $0x4  }
0x229: {  	v2 =	vadd.s32 $0xFFFF3CB0, v1  }
0x22a: {  	vm0 =	vlt.s32 v2, $0x0  }
0x22b: {  	v2 =	vsel vm0, $0x0, v0  }
0x22c: {  	v1 =	vadd.s32 v1, v2  }
0x22d: {  	v1 =	vshll.u32 v1, $0x7  }
0x22e: {  	v1 =	vadd.s32 s20, v1  }
0x22f: {  	[tilespmem:s19+$0xFFFFFFD0] =	vst v1  }
0x230: {  	v1 =	vld [tilespmem:s21+$0xFFFFFFE0];
	_ =	sdelay $0x4  }
0x231: {  	v2 =	vadd.s32 $0xFFFF3CB0, v1  }
0x232: {  	vm0 =	vlt.s32 v2, $0x0  }
0x233: {  	v2 =	vsel vm0, $0x0, v0  }
0x234: {  	v1 =	vadd.s32 v1, v2  }
0x235: {  	v1 =	vshll.u32 v1, $0x7  }
0x236: {  	v1 =	vadd.s32 s20, v1  }
0x237: {  	[tilespmem:s19+$0xFFFFFFE0] =	vst v1  }
0x238: {  	v1 =	vld [tilespmem:s21+$0xFFFFFFF0];
	_ =	sdelay $0x4  }
0x239: {  	v2 =	vadd.s32 $0xFFFF3CB0, v1  }
0x23a: {  	vm0 =	vlt.s32 v2, $0x0  }
0x23b: {  	v2 =	vsel vm0, $0x0, v0  }
0x23c: {  	v1 =	vadd.s32 v1, v2  }
0x23d: {  	v1 =	vshll.u32 v1, $0x7  }
0x23e: {  	v1 =	vadd.s32 s20, v1  }
0x23f: {  	[tilespmem:s19+$0xFFFFFFF0] =	vst v1  }
0x240: {  	v1 =	vld [tilespmem:s21+$0x0];
	_ =	sdelay $0x4  }
0x241: {  	v2 =	vadd.s32 $0xFFFF3CB0, v1  }
0x242: {  	vm0 =	vlt.s32 v2, $0x0  }
0x243: {  	v2 =	vsel vm0, $0x0, v0  }
.Ltmp2:
0x244: {  	v1 =	vadd.s32 v1, v2;
	(pc) =	sbr.rel @p0 .LBB2_6-.Ltmp2, $4  }
0x245: {  	v1 =	vshll.u32 v1, $0x7  }
0x246: {  	v1 =	vadd.s32 s20, v1;
	s20 =	smov.u32 s22  }
0x247: {  	s21 =	sadd.s32 $0x80, s21;
	[tilespmem:s19+$0x0] =	vst v1  }
0x248: {  	s22 =	sadd.s32 $0x1, s22;
	v1 =	vld [tilespmem:s21+$0xFFFFFF90]  }
0x249: {  	_ =	sdelay $0x3  }
0x24a: {  	v2 =	vadd.s32 $0xFFFF3CB0, v1  }
0x24b: {  	vm0 =	vlt.s32 v2, $0x0  }
0x24c: {  	v2 =	vsel vm0, $0x0, v0  }
0x24d: {  	v1 =	vadd.s32 v1, v2  }
0x24e: {  	v1 =	vshll.u32 v1, $0x7  }
0x24f: {  	s19 =	sadd.s32 $0x80, s19;
	v1 =	vadd.s32 s20, v1  }
0x250: {  	[tilespmem:s19+$0xFFFFFF90] =	vst v1  }
0x251: {  	v1 =	vld [tilespmem:s21+$0xFFFFFFA0];
	_ =	sdelay $0x4  }
0x252: {  	v2 =	vadd.s32 $0xFFFF3CB0, v1  }
0x253: {  	vm13 =	vlt.s32 v2, $0x0  }
0x254: {  	v2 =	vsel vm13, $0x0, v0  }
0x255: {  	v1 =	vadd.s32 v1, v2  }
0x256: {  	v1 =	vshll.u32 v1, $0x7  }
0x257: {  	v1 =	vadd.s32 s20, v1  }
0x258: {  	[tilespmem:s19+$0xFFFFFFA0] =	vst v1  }
0x259: {  	v1 =	vld [tilespmem:s21+$0xFFFFFFB0];
	_ =	sdelay $0x4  }
0x25a: {  	v2 =	vadd.s32 $0xFFFF3CB0, v1  }
0x25b: {  	vm14 =	vlt.s32 v2, $0x0  }
0x25c: {  	v2 =	vsel vm14, $0x0, v0  }
0x25d: {  	v1 =	vadd.s32 v1, v2  }
0x25e: {  	v1 =	vshll.u32 v1, $0x7  }
0x25f: {  	v1 =	vadd.s32 s20, v1  }
0x260: {  	[tilespmem:s19+$0xFFFFFFB0] =	vst v1  }
0x261: {  	v1 =	vld [tilespmem:s21+$0xFFFFFFC0];
	_ =	sdelay $0x4  }
0x262: {  	v2 =	vadd.s32 $0xFFFF3CB0, v1  }
0x263: {  	vm15 =	vlt.s32 v2, $0x0  }
0x264: {  	v2 =	vsel vm15, $0x0, v0  }
0x265: {  	v1 =	vadd.s32 v1, v2  }
0x266: {  	v1 =	vshll.u32 v1, $0x7  }
0x267: {  	v1 =	vadd.s32 s20, v1  }
0x268: {  	[tilespmem:s19+$0xFFFFFFC0] =	vst v1  }
0x269: {  	v1 =	vld [tilespmem:s21+$0xFFFFFFD0];
	_ =	sdelay $0x4  }
0x26a: {  	v2 =	vadd.s32 $0xFFFF3CB0, v1  }
0x26b: {  	vm4 =	vlt.s32 v2, $0x0  }
0x26c: {  	v2 =	vsel vm4, $0x0, v0  }
0x26d: {  	v1 =	vadd.s32 v1, v2  }
0x26e: {  	v1 =	vshll.u32 v1, $0x7  }
0x26f: {  	v1 =	vadd.s32 s20, v1  }
0x270: {  	[tilespmem:s19+$0xFFFFFFD0] =	vst v1  }
0x271: {  	v1 =	vld [tilespmem:s21+$0xFFFFFFE0];
	_ =	sdelay $0x4  }
0x272: {  	v2 =	vadd.s32 $0xFFFF3CB0, v1  }
0x273: {  	vm5 =	vlt.s32 v2, $0x0  }
0x274: {  	v2 =	vsel vm5, $0x0, v0  }
0x275: {  	v1 =	vadd.s32 v1, v2  }
0x276: {  	v1 =	vshll.u32 v1, $0x7  }
0x277: {  	v1 =	vadd.s32 s20, v1  }
0x278: {  	[tilespmem:s19+$0xFFFFFFE0] =	vst v1  }
0x279: {  	v1 =	vld [tilespmem:s21+$0xFFFFFFF0];
	_ =	sdelay $0x4  }
0x27a: {  	v2 =	vadd.s32 $0xFFFF3CB0, v1  }
0x27b: {  	vm6 =	vlt.s32 v2, $0x0  }
0x27c: {  	v2 =	vsel vm6, $0x0, v0  }
0x27d: {  	v1 =	vadd.s32 v1, v2  }
0x27e: {  	v1 =	vshll.u32 v1, $0x7  }
0x27f: {  	v1 =	vadd.s32 s20, v1  }
0x280: {  	[tilespmem:s19+$0xFFFFFFF0] =	vst v1  }
0x281: {  	v1 =	vld [tilespmem:s21+$0x0];
	_ =	sdelay $0x4  }
0x282: {  	v2 =	vadd.s32 $0xFFFF3CB0, v1  }
0x283: {  	vm7 =	vlt.s32 v2, $0x0  }
0x284: {  	v2 =	vsel vm7, $0x0, v0  }
0x285: {  	v1 =	vadd.s32 v1, v2  }
0x286: {  	v1 =	vshll.u32 v1, $0x7  }
0x287: {  	v1 =	vadd.s32 s20, v1  }
0x288: {  	s22 =	simm.s32 $0x4200;
	s21 =	simm.s32 $0x2600;
	[tilespmem:s19+$0x0] =	vst v1  }
0x289: {  	[tilespmem:s22], [sflag:$0x3] =	stream.indirect.gather [hbm4b:s1+s14], $0x1, s21, s14, $0xb8;
	[tilespmem:$0x5500] =	vst v63  }
0x28a: {  	s21 =	simm.s32 $0x2680;
	s22 =	simm.s32 $0x4280  }
0x28b: {  	[tilespmem:s22], [sflag:$0x3] =	stream.indirect.gather [hbm4b:s1+s14], $0x1, s21, s14, $0xb8;
	[tilespmem:$0x5500] =	vst v63  }
0x28c: {  	s21 =	simm.s32 $0x2700;
	s22 =	simm.s32 $0x4300  }
0x28d: {  	[tilespmem:s22], [sflag:$0x3] =	stream.indirect.gather [hbm4b:s1+s14], $0x1, s21, s14, $0xb8;
	[tilespmem:$0x5500] =	vst v63  }
0x28e: {  	s21 =	simm.s32 $0x2780;
	s22 =	simm.s32 $0x4380  }
0x28f: {  	[tilespmem:s22], [sflag:$0x3] =	stream.indirect.gather [hbm4b:s1+s14], $0x1, s21, s14, $0xb8;
	[tilespmem:$0x5500] =	vst v63  }
0x290: {  	s21 =	simm.s32 $0x2800;
	s22 =	simm.s32 $0x4400  }
0x291: {  	[tilespmem:s22], [sflag:$0x3] =	stream.indirect.gather [hbm4b:s1+s14], $0x1, s21, s14, $0xb8;
	[tilespmem:$0x5500] =	vst v63  }
0x292: {  	s21 =	simm.s32 $0x2880;
	s22 =	simm.s32 $0x4480  }
0x293: {  	[tilespmem:s22], [sflag:$0x3] =	stream.indirect.gather [hbm4b:s1+s14], $0x1, s21, s14, $0xb8;
	[tilespmem:$0x5500] =	vst v63  }
0x294: {  	s21 =	simm.s32 $0x2900;
	s22 =	simm.s32 $0x4500  }
0x295: {  	[tilespmem:s22], [sflag:$0x3] =	stream.indirect.gather [hbm4b:s1+s14], $0x1, s21, s14, $0xb8;
	[tilespmem:$0x5500] =	vst v63  }
0x296: {  	s21 =	simm.s32 $0x2980;
	s22 =	simm.s32 $0x4580  }
0x297: {  	[tilespmem:s22], [sflag:$0x3] =	stream.indirect.gather [hbm4b:s1+s14], $0x1, s21, s14, $0xb8;
	[tilespmem:$0x5500] =	vst v63  }
0x298: {  	s21 =	simm.s32 $0x2A00;
	s22 =	simm.s32 $0x4600  }
0x299: {  	[tilespmem:s22], [sflag:$0x3] =	stream.indirect.gather [hbm4b:s1+s14], $0x1, s21, s14, $0xb8;
	[tilespmem:$0x5500] =	vst v63  }
0x29a: {  	s21 =	simm.s32 $0x2A80;
	s22 =	simm.s32 $0x4680  }
0x29b: {  	[tilespmem:s22], [sflag:$0x3] =	stream.indirect.gather [hbm4b:s1+s14], $0x1, s21, s14, $0xb8;
	[tilespmem:$0x5500] =	vst v63  }
0x29c: {  	s21 =	simm.s32 $0xF70  }
0x29d: {  	v1 =	vld [tilespmem:s21+$0xFFFFFF90];
	_ =	sdelay $0x4  }
0x29e: {  	v2 =	vadd.s32 $0xFFFF3CB0, v1  }
0x29f: {  	vm8 =	vlt.s32 v2, $0x0  }
0x2a0: {  	v2 =	vsel vm8, $0x0, v0  }
0x2a1: {  	v1 =	vadd.s32 v1, v2  }
0x2a2: {  	s22 =	simm.s32 $0x1E;
	v1 =	vshll.u32 v1, $0x7  }
0x2a3: {  	s19 =	simm.s32 $0x2B70;
	v1 =	vadd.s32 s22, v1  }
0x2a4: {  	[tilespmem:s19+$0xFFFFFF90] =	vst v1  }
0x2a5: {  	v1 =	vld [tilespmem:s21+$0xFFFFFFA0];
	_ =	sdelay $0x4  }
0x2a6: {  	v2 =	vadd.s32 $0xFFFF3CB0, v1  }
0x2a7: {  	vm9 =	vlt.s32 v2, $0x0  }
0x2a8: {  	v2 =	vsel vm9, $0x0, v0  }
0x2a9: {  	v1 =	vadd.s32 v1, v2  }
0x2aa: {  	v1 =	vshll.u32 v1, $0x7  }
0x2ab: {  	v1 =	vadd.s32 s22, v1  }
0x2ac: {  	[tilespmem:s19+$0xFFFFFFA0] =	vst v1  }
0x2ad: {  	v1 =	vld [tilespmem:s21+$0xFFFFFFB0];
	_ =	sdelay $0x4  }
0x2ae: {  	v2 =	vadd.s32 $0xFFFF3CB0, v1  }
0x2af: {  	vm10 =	vlt.s32 v2, $0x0  }
0x2b0: {  	v2 =	vsel vm10, $0x0, v0  }
0x2b1: {  	v1 =	vadd.s32 v1, v2  }
0x2b2: {  	v1 =	vshll.u32 v1, $0x7  }
0x2b3: {  	v1 =	vadd.s32 s22, v1  }
0x2b4: {  	[tilespmem:s19+$0xFFFFFFB0] =	vst v1  }
0x2b5: {  	v1 =	vld [tilespmem:s21+$0xFFFFFFC0];
	_ =	sdelay $0x4  }
0x2b6: {  	v2 =	vadd.s32 $0xFFFF3CB0, v1  }
0x2b7: {  	vm11 =	vlt.s32 v2, $0x0  }
0x2b8: {  	v2 =	vsel vm11, $0x0, v0  }
0x2b9: {  	v1 =	vadd.s32 v1, v2  }
0x2ba: {  	v1 =	vshll.u32 v1, $0x7  }
0x2bb: {  	v1 =	vadd.s32 s22, v1  }
0x2bc: {  	[tilespmem:s19+$0xFFFFFFC0] =	vst v1  }
0x2bd: {  	v1 =	vld [tilespmem:s21+$0xFFFFFFD0];
	_ =	sdelay $0x4  }
0x2be: {  	v2 =	vadd.s32 $0xFFFF3CB0, v1  }
0x2bf: {  	vm12 =	vlt.s32 v2, $0x0  }
0x2c0: {  	v2 =	vsel vm12, $0x0, v0  }
0x2c1: {  	v1 =	vadd.s32 v1, v2  }
0x2c2: {  	v1 =	vshll.u32 v1, $0x7  }
0x2c3: {  	v1 =	vadd.s32 s22, v1  }
0x2c4: {  	[tilespmem:s19+$0xFFFFFFD0] =	vst v1  }
0x2c5: {  	v1 =	vld [tilespmem:s21+$0xFFFFFFE0];
	_ =	sdelay $0x4  }
0x2c6: {  	v2 =	vadd.s32 $0xFFFF3CB0, v1  }
0x2c7: {  	vm13 =	vlt.s32 v2, $0x0  }
0x2c8: {  	v2 =	vsel vm13, $0x0, v0  }
0x2c9: {  	v1 =	vadd.s32 v1, v2  }
0x2ca: {  	v1 =	vshll.u32 v1, $0x7  }
0x2cb: {  	v1 =	vadd.s32 s22, v1  }
0x2cc: {  	[tilespmem:s19+$0xFFFFFFE0] =	vst v1  }
0x2cd: {  	v1 =	vld [tilespmem:s21+$0xFFFFFFF0];
	_ =	sdelay $0x4  }
0x2ce: {  	v2 =	vadd.s32 $0xFFFF3CB0, v1  }
0x2cf: {  	vm14 =	vlt.s32 v2, $0x0  }
0x2d0: {  	v2 =	vsel vm14, $0x0, v0  }
0x2d1: {  	v1 =	vadd.s32 v1, v2  }
0x2d2: {  	v1 =	vshll.u32 v1, $0x7  }
0x2d3: {  	v1 =	vadd.s32 s22, v1  }
0x2d4: {  	[tilespmem:s19+$0xFFFFFFF0] =	vst v1  }
0x2d5: {  	v1 =	vld [tilespmem:s21+$0x0];
	_ =	sdelay $0x4  }
0x2d6: {  	v2 =	vadd.s32 $0xFFFF3CB0, v1  }
0x2d7: {  	vm15 =	vlt.s32 v2, $0x0  }
0x2d8: {  	v2 =	vsel vm15, $0x0, v0  }
0x2d9: {  	v1 =	vadd.s32 v1, v2  }
0x2da: {  	v1 =	vshll.u32 v1, $0x7  }
0x2db: {  	v1 =	vadd.s32 s22, v1  }
0x2dc: {  	s21 =	simm.s32 $0xFF0;
	[tilespmem:s19+$0x0] =	vst v1  }
0x2dd: {  	s20 =	simm.s32 $0x1F;
	s22 =	simm.s32 $0x20;
	v1 =	vld [tilespmem:s21+$0xFFFFFF90]  }
.LBB2_8:
0x2de: {  	p0 =	sne.s32 s22, $0x27;
	_ =	sdelay $0x3  }
0x2df: {  	v2 =	vadd.s32 $0xFFFF3CB0, v1  }
0x2e0: {  	vm0 =	vlt.s32 v2, $0x0  }
0x2e1: {  	v2 =	vsel vm0, $0x0, v0  }
0x2e2: {  	v1 =	vadd.s32 v1, v2  }
0x2e3: {  	v1 =	vshll.u32 v1, $0x7  }
0x2e4: {  	s19 =	sadd.s32 $0x80, s19;
	v1 =	vadd.s32 s20, v1  }
0x2e5: {  	[tilespmem:s19+$0xFFFFFF90] =	vst v1  }
0x2e6: {  	v1 =	vld [tilespmem:s21+$0xFFFFFFA0];
	_ =	sdelay $0x4  }
0x2e7: {  	v2 =	vadd.s32 $0xFFFF3CB0, v1  }
0x2e8: {  	vm0 =	vlt.s32 v2, $0x0  }
0x2e9: {  	v2 =	vsel vm0, $0x0, v0  }
0x2ea: {  	v1 =	vadd.s32 v1, v2  }
0x2eb: {  	v1 =	vshll.u32 v1, $0x7  }
0x2ec: {  	v1 =	vadd.s32 s20, v1  }
0x2ed: {  	[tilespmem:s19+$0xFFFFFFA0] =	vst v1  }
0x2ee: {  	v1 =	vld [tilespmem:s21+$0xFFFFFFB0];
	_ =	sdelay $0x4  }
0x2ef: {  	v2 =	vadd.s32 $0xFFFF3CB0, v1  }
0x2f0: {  	vm0 =	vlt.s32 v2, $0x0  }
0x2f1: {  	v2 =	vsel vm0, $0x0, v0  }
0x2f2: {  	v1 =	vadd.s32 v1, v2  }
0x2f3: {  	v1 =	vshll.u32 v1, $0x7  }
0x2f4: {  	v1 =	vadd.s32 s20, v1  }
0x2f5: {  	[tilespmem:s19+$0xFFFFFFB0] =	vst v1  }
0x2f6: {  	v1 =	vld [tilespmem:s21+$0xFFFFFFC0];
	_ =	sdelay $0x4  }
0x2f7: {  	v2 =	vadd.s32 $0xFFFF3CB0, v1  }
0x2f8: {  	vm0 =	vlt.s32 v2, $0x0  }
0x2f9: {  	v2 =	vsel vm0, $0x0, v0  }
0x2fa: {  	v1 =	vadd.s32 v1, v2  }
0x2fb: {  	v1 =	vshll.u32 v1, $0x7  }
0x2fc: {  	v1 =	vadd.s32 s20, v1  }
0x2fd: {  	[tilespmem:s19+$0xFFFFFFC0] =	vst v1  }
0x2fe: {  	v1 =	vld [tilespmem:s21+$0xFFFFFFD0];
	_ =	sdelay $0x4  }
0x2ff: {  	v2 =	vadd.s32 $0xFFFF3CB0, v1  }
0x300: {  	vm0 =	vlt.s32 v2, $0x0  }
0x301: {  	v2 =	vsel vm0, $0x0, v0  }
0x302: {  	v1 =	vadd.s32 v1, v2  }
0x303: {  	v1 =	vshll.u32 v1, $0x7  }
0x304: {  	v1 =	vadd.s32 s20, v1  }
0x305: {  	[tilespmem:s19+$0xFFFFFFD0] =	vst v1  }
0x306: {  	v1 =	vld [tilespmem:s21+$0xFFFFFFE0];
	_ =	sdelay $0x4  }
0x307: {  	v2 =	vadd.s32 $0xFFFF3CB0, v1  }
0x308: {  	vm0 =	vlt.s32 v2, $0x0  }
0x309: {  	v2 =	vsel vm0, $0x0, v0  }
0x30a: {  	v1 =	vadd.s32 v1, v2  }
0x30b: {  	v1 =	vshll.u32 v1, $0x7  }
0x30c: {  	v1 =	vadd.s32 s20, v1  }
0x30d: {  	[tilespmem:s19+$0xFFFFFFE0] =	vst v1  }
0x30e: {  	v1 =	vld [tilespmem:s21+$0xFFFFFFF0];
	_ =	sdelay $0x4  }
0x30f: {  	v2 =	vadd.s32 $0xFFFF3CB0, v1  }
0x310: {  	vm0 =	vlt.s32 v2, $0x0  }
0x311: {  	v2 =	vsel vm0, $0x0, v0  }
0x312: {  	v1 =	vadd.s32 v1, v2  }
0x313: {  	v1 =	vshll.u32 v1, $0x7  }
0x314: {  	v1 =	vadd.s32 s20, v1  }
0x315: {  	[tilespmem:s19+$0xFFFFFFF0] =	vst v1  }
0x316: {  	v1 =	vld [tilespmem:s21+$0x0];
	_ =	sdelay $0x4  }
0x317: {  	v2 =	vadd.s32 $0xFFFF3CB0, v1  }
0x318: {  	vm0 =	vlt.s32 v2, $0x0  }
0x319: {  	v2 =	vsel vm0, $0x0, v0  }
.Ltmp3:
0x31a: {  	v1 =	vadd.s32 v1, v2;
	(pc) =	sbr.rel @p0 .LBB2_8-.Ltmp3, $4  }
0x31b: {  	v1 =	vshll.u32 v1, $0x7  }
0x31c: {  	v1 =	vadd.s32 s20, v1;
	s20 =	smov.u32 s22  }
0x31d: {  	s21 =	sadd.s32 $0x80, s21;
	[tilespmem:s19+$0x0] =	vst v1  }
0x31e: {  	s22 =	sadd.s32 $0x1, s22;
	v1 =	vld [tilespmem:s21+$0xFFFFFF90]  }
0x31f: {  	_ =	sdelay $0x3  }
0x320: {  	v2 =	vadd.s32 $0xFFFF3CB0, v1  }
0x321: {  	vm0 =	vlt.s32 v2, $0x0  }
0x322: {  	v2 =	vsel vm0, $0x0, v0  }
0x323: {  	v1 =	vadd.s32 v1, v2  }
0x324: {  	v1 =	vshll.u32 v1, $0x7  }
0x325: {  	s19 =	sadd.s32 $0x80, s19;
	v1 =	vadd.s32 s20, v1  }
0x326: {  	[tilespmem:s19+$0xFFFFFF90] =	vst v1  }
0x327: {  	v1 =	vld [tilespmem:s21+$0xFFFFFFA0];
	_ =	sdelay $0x4  }
0x328: {  	v2 =	vadd.s32 $0xFFFF3CB0, v1  }
0x329: {  	vm13 =	vlt.s32 v2, $0x0  }
0x32a: {  	v2 =	vsel vm13, $0x0, v0  }
0x32b: {  	v1 =	vadd.s32 v1, v2  }
0x32c: {  	v1 =	vshll.u32 v1, $0x7  }
0x32d: {  	v1 =	vadd.s32 s20, v1  }
0x32e: {  	[tilespmem:s19+$0xFFFFFFA0] =	vst v1  }
0x32f: {  	v1 =	vld [tilespmem:s21+$0xFFFFFFB0];
	_ =	sdelay $0x4  }
0x330: {  	v2 =	vadd.s32 $0xFFFF3CB0, v1  }
0x331: {  	vm14 =	vlt.s32 v2, $0x0  }
0x332: {  	v2 =	vsel vm14, $0x0, v0  }
0x333: {  	v1 =	vadd.s32 v1, v2  }
0x334: {  	v1 =	vshll.u32 v1, $0x7  }
0x335: {  	v1 =	vadd.s32 s20, v1  }
0x336: {  	[tilespmem:s19+$0xFFFFFFB0] =	vst v1  }
0x337: {  	v1 =	vld [tilespmem:s21+$0xFFFFFFC0];
	_ =	sdelay $0x4  }
0x338: {  	v2 =	vadd.s32 $0xFFFF3CB0, v1  }
0x339: {  	vm15 =	vlt.s32 v2, $0x0  }
0x33a: {  	v2 =	vsel vm15, $0x0, v0  }
0x33b: {  	v1 =	vadd.s32 v1, v2  }
0x33c: {  	v1 =	vshll.u32 v1, $0x7  }
0x33d: {  	v1 =	vadd.s32 s20, v1  }
0x33e: {  	[tilespmem:s19+$0xFFFFFFC0] =	vst v1  }
0x33f: {  	v1 =	vld [tilespmem:s21+$0xFFFFFFD0];
	_ =	sdelay $0x4  }
0x340: {  	v2 =	vadd.s32 $0xFFFF3CB0, v1  }
0x341: {  	vm4 =	vlt.s32 v2, $0x0  }
0x342: {  	v2 =	vsel vm4, $0x0, v0  }
0x343: {  	v1 =	vadd.s32 v1, v2  }
0x344: {  	v1 =	vshll.u32 v1, $0x7  }
0x345: {  	v1 =	vadd.s32 s20, v1  }
0x346: {  	[tilespmem:s19+$0xFFFFFFD0] =	vst v1  }
0x347: {  	v1 =	vld [tilespmem:s21+$0xFFFFFFE0];
	_ =	sdelay $0x4  }
0x348: {  	v2 =	vadd.s32 $0xFFFF3CB0, v1  }
0x349: {  	vm5 =	vlt.s32 v2, $0x0  }
0x34a: {  	v2 =	vsel vm5, $0x0, v0  }
0x34b: {  	v1 =	vadd.s32 v1, v2  }
0x34c: {  	v1 =	vshll.u32 v1, $0x7  }
0x34d: {  	v1 =	vadd.s32 s20, v1  }
0x34e: {  	[tilespmem:s19+$0xFFFFFFE0] =	vst v1  }
0x34f: {  	v1 =	vld [tilespmem:s21+$0xFFFFFFF0];
	_ =	sdelay $0x4  }
0x350: {  	v2 =	vadd.s32 $0xFFFF3CB0, v1  }
0x351: {  	vm6 =	vlt.s32 v2, $0x0  }
0x352: {  	v2 =	vsel vm6, $0x0, v0  }
0x353: {  	v1 =	vadd.s32 v1, v2  }
0x354: {  	v1 =	vshll.u32 v1, $0x7  }
0x355: {  	v1 =	vadd.s32 s20, v1  }
0x356: {  	[tilespmem:s19+$0xFFFFFFF0] =	vst v1  }
0x357: {  	v1 =	vld [tilespmem:s21+$0x0];
	_ =	sdelay $0x4  }
0x358: {  	v2 =	vadd.s32 $0xFFFF3CB0, v1  }
0x359: {  	vm7 =	vlt.s32 v2, $0x0  }
0x35a: {  	v2 =	vsel vm7, $0x0, v0  }
0x35b: {  	v1 =	vadd.s32 v1, v2  }
0x35c: {  	v1 =	vshll.u32 v1, $0x7  }
0x35d: {  	v1 =	vadd.s32 s20, v1  }
0x35e: {  	s22 =	simm.s32 $0x4700;
	s21 =	simm.s32 $0x2B00;
	[tilespmem:s19+$0x0] =	vst v1  }
0x35f: {  	[tilespmem:s22], [sflag:$0x4] =	stream.indirect.gather [hbm4b:s1+s14], $0x1, s21, s14, $0xb8;
	[tilespmem:$0x5500] =	vst v63  }
0x360: {  	s21 =	simm.s32 $0x2B80;
	s22 =	simm.s32 $0x4780  }
0x361: {  	[tilespmem:s22], [sflag:$0x4] =	stream.indirect.gather [hbm4b:s1+s14], $0x1, s21, s14, $0xb8;
	[tilespmem:$0x5500] =	vst v63  }
0x362: {  	s21 =	simm.s32 $0x2C00;
	s22 =	simm.s32 $0x4800  }
0x363: {  	[tilespmem:s22], [sflag:$0x4] =	stream.indirect.gather [hbm4b:s1+s14], $0x1, s21, s14, $0xb8;
	[tilespmem:$0x5500] =	vst v63  }
0x364: {  	s21 =	simm.s32 $0x2C80;
	s22 =	simm.s32 $0x4880  }
0x365: {  	[tilespmem:s22], [sflag:$0x4] =	stream.indirect.gather [hbm4b:s1+s14], $0x1, s21, s14, $0xb8;
	[tilespmem:$0x5500] =	vst v63  }
0x366: {  	s21 =	simm.s32 $0x2D00;
	s22 =	simm.s32 $0x4900  }
0x367: {  	[tilespmem:s22], [sflag:$0x4] =	stream.indirect.gather [hbm4b:s1+s14], $0x1, s21, s14, $0xb8;
	[tilespmem:$0x5500] =	vst v63  }
0x368: {  	s21 =	simm.s32 $0x2D80;
	s22 =	simm.s32 $0x4980  }
0x369: {  	[tilespmem:s22], [sflag:$0x4] =	stream.indirect.gather [hbm4b:s1+s14], $0x1, s21, s14, $0xb8;
	[tilespmem:$0x5500] =	vst v63  }
0x36a: {  	s21 =	simm.s32 $0x2E00;
	s22 =	simm.s32 $0x4A00  }
0x36b: {  	[tilespmem:s22], [sflag:$0x4] =	stream.indirect.gather [hbm4b:s1+s14], $0x1, s21, s14, $0xb8;
	[tilespmem:$0x5500] =	vst v63  }
0x36c: {  	s21 =	simm.s32 $0x2E80;
	s22 =	simm.s32 $0x4A80  }
0x36d: {  	[tilespmem:s22], [sflag:$0x4] =	stream.indirect.gather [hbm4b:s1+s14], $0x1, s21, s14, $0xb8;
	[tilespmem:$0x5500] =	vst v63  }
0x36e: {  	s21 =	simm.s32 $0x2F00;
	s22 =	simm.s32 $0x4B00  }
0x36f: {  	[tilespmem:s22], [sflag:$0x4] =	stream.indirect.gather [hbm4b:s1+s14], $0x1, s21, s14, $0xb8;
	[tilespmem:$0x5500] =	vst v63  }
0x370: {  	s21 =	simm.s32 $0x2F80;
	s22 =	simm.s32 $0x4B80  }
0x371: {  	[tilespmem:s22], [sflag:$0x4] =	stream.indirect.gather [hbm4b:s1+s14], $0x1, s21, s14, $0xb8;
	[tilespmem:$0x5500] =	vst v63  }
0x372: {  	s21 =	simm.s32 $0x1470  }
0x373: {  	v1 =	vld [tilespmem:s21+$0xFFFFFF90];
	_ =	sdelay $0x4  }
0x374: {  	v2 =	vadd.s32 $0xFFFF3CB0, v1  }
0x375: {  	vm8 =	vlt.s32 v2, $0x0  }
0x376: {  	v2 =	vsel vm8, $0x0, v0  }
0x377: {  	v1 =	vadd.s32 v1, v2  }
0x378: {  	s22 =	simm.s32 $0x28;
	v1 =	vshll.u32 v1, $0x7  }
0x379: {  	s19 =	simm.s32 $0x3070;
	v1 =	vadd.s32 s22, v1  }
0x37a: {  	[tilespmem:s19+$0xFFFFFF90] =	vst v1  }
0x37b: {  	v1 =	vld [tilespmem:s21+$0xFFFFFFA0];
	_ =	sdelay $0x4  }
0x37c: {  	v2 =	vadd.s32 $0xFFFF3CB0, v1  }
0x37d: {  	vm9 =	vlt.s32 v2, $0x0  }
0x37e: {  	v2 =	vsel vm9, $0x0, v0  }
0x37f: {  	v1 =	vadd.s32 v1, v2  }
0x380: {  	v1 =	vshll.u32 v1, $0x7  }
0x381: {  	v1 =	vadd.s32 s22, v1  }
0x382: {  	[tilespmem:s19+$0xFFFFFFA0] =	vst v1  }
0x383: {  	v1 =	vld [tilespmem:s21+$0xFFFFFFB0];
	_ =	sdelay $0x4  }
0x384: {  	v2 =	vadd.s32 $0xFFFF3CB0, v1  }
0x385: {  	vm10 =	vlt.s32 v2, $0x0  }
0x386: {  	v2 =	vsel vm10, $0x0, v0  }
0x387: {  	v1 =	vadd.s32 v1, v2  }
0x388: {  	v1 =	vshll.u32 v1, $0x7  }
0x389: {  	v1 =	vadd.s32 s22, v1  }
0x38a: {  	[tilespmem:s19+$0xFFFFFFB0] =	vst v1  }
0x38b: {  	v1 =	vld [tilespmem:s21+$0xFFFFFFC0];
	_ =	sdelay $0x4  }
0x38c: {  	v2 =	vadd.s32 $0xFFFF3CB0, v1  }
0x38d: {  	vm11 =	vlt.s32 v2, $0x0  }
0x38e: {  	v2 =	vsel vm11, $0x0, v0  }
0x38f: {  	v1 =	vadd.s32 v1, v2  }
0x390: {  	v1 =	vshll.u32 v1, $0x7  }
0x391: {  	v1 =	vadd.s32 s22, v1  }
0x392: {  	[tilespmem:s19+$0xFFFFFFC0] =	vst v1  }
0x393: {  	v1 =	vld [tilespmem:s21+$0xFFFFFFD0];
	_ =	sdelay $0x4  }
0x394: {  	v2 =	vadd.s32 $0xFFFF3CB0, v1  }
0x395: {  	vm12 =	vlt.s32 v2, $0x0  }
0x396: {  	v2 =	vsel vm12, $0x0, v0  }
0x397: {  	v1 =	vadd.s32 v1, v2  }
0x398: {  	v1 =	vshll.u32 v1, $0x7  }
0x399: {  	v1 =	vadd.s32 s22, v1  }
0x39a: {  	[tilespmem:s19+$0xFFFFFFD0] =	vst v1  }
0x39b: {  	v1 =	vld [tilespmem:s21+$0xFFFFFFE0];
	_ =	sdelay $0x4  }
0x39c: {  	v2 =	vadd.s32 $0xFFFF3CB0, v1  }
0x39d: {  	vm13 =	vlt.s32 v2, $0x0  }
0x39e: {  	v2 =	vsel vm13, $0x0, v0  }
0x39f: {  	v1 =	vadd.s32 v1, v2  }
0x3a0: {  	v1 =	vshll.u32 v1, $0x7  }
0x3a1: {  	v1 =	vadd.s32 s22, v1  }
0x3a2: {  	[tilespmem:s19+$0xFFFFFFE0] =	vst v1  }
0x3a3: {  	v1 =	vld [tilespmem:s21+$0xFFFFFFF0];
	_ =	sdelay $0x4  }
0x3a4: {  	v2 =	vadd.s32 $0xFFFF3CB0, v1  }
0x3a5: {  	vm14 =	vlt.s32 v2, $0x0  }
0x3a6: {  	v2 =	vsel vm14, $0x0, v0  }
0x3a7: {  	v1 =	vadd.s32 v1, v2  }
0x3a8: {  	v1 =	vshll.u32 v1, $0x7  }
0x3a9: {  	v1 =	vadd.s32 s22, v1  }
0x3aa: {  	[tilespmem:s19+$0xFFFFFFF0] =	vst v1  }
0x3ab: {  	v1 =	vld [tilespmem:s21+$0x0];
	_ =	sdelay $0x4  }
0x3ac: {  	v2 =	vadd.s32 $0xFFFF3CB0, v1  }
0x3ad: {  	vm15 =	vlt.s32 v2, $0x0  }
0x3ae: {  	v2 =	vsel vm15, $0x0, v0  }
0x3af: {  	v1 =	vadd.s32 v1, v2  }
0x3b0: {  	v1 =	vshll.u32 v1, $0x7  }
0x3b1: {  	v1 =	vadd.s32 s22, v1  }
0x3b2: {  	s21 =	simm.s32 $0x14F0;
	[tilespmem:s19+$0x0] =	vst v1  }
0x3b3: {  	s20 =	simm.s32 $0x29;
	s22 =	simm.s32 $0x2A;
	v1 =	vld [tilespmem:s21+$0xFFFFFF90]  }
.LBB2_10:
0x3b4: {  	p0 =	sne.s32 s22, $0x31;
	_ =	sdelay $0x3  }
0x3b5: {  	v2 =	vadd.s32 $0xFFFF3CB0, v1  }
0x3b6: {  	vm0 =	vlt.s32 v2, $0x0  }
0x3b7: {  	v2 =	vsel vm0, $0x0, v0  }
0x3b8: {  	v1 =	vadd.s32 v1, v2  }
0x3b9: {  	v1 =	vshll.u32 v1, $0x7  }
0x3ba: {  	s19 =	sadd.s32 $0x80, s19;
	v1 =	vadd.s32 s20, v1  }
0x3bb: {  	[tilespmem:s19+$0xFFFFFF90] =	vst v1  }
0x3bc: {  	v1 =	vld [tilespmem:s21+$0xFFFFFFA0];
	_ =	sdelay $0x4  }
0x3bd: {  	v2 =	vadd.s32 $0xFFFF3CB0, v1  }
0x3be: {  	vm0 =	vlt.s32 v2, $0x0  }
0x3bf: {  	v2 =	vsel vm0, $0x0, v0  }
0x3c0: {  	v1 =	vadd.s32 v1, v2  }
0x3c1: {  	v1 =	vshll.u32 v1, $0x7  }
0x3c2: {  	v1 =	vadd.s32 s20, v1  }
0x3c3: {  	[tilespmem:s19+$0xFFFFFFA0] =	vst v1  }
0x3c4: {  	v1 =	vld [tilespmem:s21+$0xFFFFFFB0];
	_ =	sdelay $0x4  }
0x3c5: {  	v2 =	vadd.s32 $0xFFFF3CB0, v1  }
0x3c6: {  	vm0 =	vlt.s32 v2, $0x0  }
0x3c7: {  	v2 =	vsel vm0, $0x0, v0  }
0x3c8: {  	v1 =	vadd.s32 v1, v2  }
0x3c9: {  	v1 =	vshll.u32 v1, $0x7  }
0x3ca: {  	v1 =	vadd.s32 s20, v1  }
0x3cb: {  	[tilespmem:s19+$0xFFFFFFB0] =	vst v1  }
0x3cc: {  	v1 =	vld [tilespmem:s21+$0xFFFFFFC0];
	_ =	sdelay $0x4  }
0x3cd: {  	v2 =	vadd.s32 $0xFFFF3CB0, v1  }
0x3ce: {  	vm0 =	vlt.s32 v2, $0x0  }
0x3cf: {  	v2 =	vsel vm0, $0x0, v0  }
0x3d0: {  	v1 =	vadd.s32 v1, v2  }
0x3d1: {  	v1 =	vshll.u32 v1, $0x7  }
0x3d2: {  	v1 =	vadd.s32 s20, v1  }
0x3d3: {  	[tilespmem:s19+$0xFFFFFFC0] =	vst v1  }
0x3d4: {  	v1 =	vld [tilespmem:s21+$0xFFFFFFD0];
	_ =	sdelay $0x4  }
0x3d5: {  	v2 =	vadd.s32 $0xFFFF3CB0, v1  }
0x3d6: {  	vm0 =	vlt.s32 v2, $0x0  }
0x3d7: {  	v2 =	vsel vm0, $0x0, v0  }
0x3d8: {  	v1 =	vadd.s32 v1, v2  }
0x3d9: {  	v1 =	vshll.u32 v1, $0x7  }
0x3da: {  	v1 =	vadd.s32 s20, v1  }
0x3db: {  	[tilespmem:s19+$0xFFFFFFD0] =	vst v1  }
0x3dc: {  	v1 =	vld [tilespmem:s21+$0xFFFFFFE0];
	_ =	sdelay $0x4  }
0x3dd: {  	v2 =	vadd.s32 $0xFFFF3CB0, v1  }
0x3de: {  	vm0 =	vlt.s32 v2, $0x0  }
0x3df: {  	v2 =	vsel vm0, $0x0, v0  }
0x3e0: {  	v1 =	vadd.s32 v1, v2  }
0x3e1: {  	v1 =	vshll.u32 v1, $0x7  }
0x3e2: {  	v1 =	vadd.s32 s20, v1  }
0x3e3: {  	[tilespmem:s19+$0xFFFFFFE0] =	vst v1  }
0x3e4: {  	v1 =	vld [tilespmem:s21+$0xFFFFFFF0];
	_ =	sdelay $0x4  }
0x3e5: {  	v2 =	vadd.s32 $0xFFFF3CB0, v1  }
0x3e6: {  	vm0 =	vlt.s32 v2, $0x0  }
0x3e7: {  	v2 =	vsel vm0, $0x0, v0  }
0x3e8: {  	v1 =	vadd.s32 v1, v2  }
0x3e9: {  	v1 =	vshll.u32 v1, $0x7  }
0x3ea: {  	v1 =	vadd.s32 s20, v1  }
0x3eb: {  	[tilespmem:s19+$0xFFFFFFF0] =	vst v1  }
0x3ec: {  	v1 =	vld [tilespmem:s21+$0x0];
	_ =	sdelay $0x4  }
0x3ed: {  	v2 =	vadd.s32 $0xFFFF3CB0, v1  }
0x3ee: {  	vm0 =	vlt.s32 v2, $0x0  }
0x3ef: {  	v2 =	vsel vm0, $0x0, v0  }
.Ltmp4:
0x3f0: {  	v1 =	vadd.s32 v1, v2;
	(pc) =	sbr.rel @p0 .LBB2_10-.Ltmp4, $4  }
0x3f1: {  	v1 =	vshll.u32 v1, $0x7  }
0x3f2: {  	v1 =	vadd.s32 s20, v1;
	s20 =	smov.u32 s22  }
0x3f3: {  	s21 =	sadd.s32 $0x80, s21;
	[tilespmem:s19+$0x0] =	vst v1  }
0x3f4: {  	s22 =	sadd.s32 $0x1, s22;
	v1 =	vld [tilespmem:s21+$0xFFFFFF90]  }
0x3f5: {  	_ =	sdelay $0x3  }
0x3f6: {  	v2 =	vadd.s32 $0xFFFF3CB0, v1  }
0x3f7: {  	vm0 =	vlt.s32 v2, $0x0  }
0x3f8: {  	v2 =	vsel vm0, $0x0, v0  }
0x3f9: {  	v1 =	vadd.s32 v1, v2  }
0x3fa: {  	v1 =	vshll.u32 v1, $0x7  }
0x3fb: {  	s19 =	sadd.s32 $0x80, s19;
	v1 =	vadd.s32 s20, v1  }
0x3fc: {  	[tilespmem:s19+$0xFFFFFF90] =	vst v1  }
0x3fd: {  	v1 =	vld [tilespmem:s21+$0xFFFFFFA0];
	_ =	sdelay $0x4  }
0x3fe: {  	v2 =	vadd.s32 $0xFFFF3CB0, v1  }
0x3ff: {  	vm13 =	vlt.s32 v2, $0x0  }
0x400: {  	v2 =	vsel vm13, $0x0, v0  }
0x401: {  	v1 =	vadd.s32 v1, v2  }
0x402: {  	v1 =	vshll.u32 v1, $0x7  }
0x403: {  	v1 =	vadd.s32 s20, v1  }
0x404: {  	[tilespmem:s19+$0xFFFFFFA0] =	vst v1  }
0x405: {  	v1 =	vld [tilespmem:s21+$0xFFFFFFB0];
	_ =	sdelay $0x4  }
0x406: {  	v2 =	vadd.s32 $0xFFFF3CB0, v1  }
0x407: {  	vm14 =	vlt.s32 v2, $0x0  }
0x408: {  	v2 =	vsel vm14, $0x0, v0  }
0x409: {  	v1 =	vadd.s32 v1, v2  }
0x40a: {  	v1 =	vshll.u32 v1, $0x7  }
0x40b: {  	v1 =	vadd.s32 s20, v1  }
0x40c: {  	[tilespmem:s19+$0xFFFFFFB0] =	vst v1  }
0x40d: {  	v1 =	vld [tilespmem:s21+$0xFFFFFFC0];
	_ =	sdelay $0x4  }
0x40e: {  	v2 =	vadd.s32 $0xFFFF3CB0, v1  }
0x40f: {  	vm15 =	vlt.s32 v2, $0x0  }
0x410: {  	v2 =	vsel vm15, $0x0, v0  }
0x411: {  	v1 =	vadd.s32 v1, v2  }
0x412: {  	v1 =	vshll.u32 v1, $0x7  }
0x413: {  	v1 =	vadd.s32 s20, v1  }
0x414: {  	[tilespmem:s19+$0xFFFFFFC0] =	vst v1  }
0x415: {  	v1 =	vld [tilespmem:s21+$0xFFFFFFD0];
	_ =	sdelay $0x4  }
0x416: {  	v2 =	vadd.s32 $0xFFFF3CB0, v1  }
0x417: {  	vm4 =	vlt.s32 v2, $0x0  }
0x418: {  	v2 =	vsel vm4, $0x0, v0  }
0x419: {  	v1 =	vadd.s32 v1, v2  }
0x41a: {  	v1 =	vshll.u32 v1, $0x7  }
0x41b: {  	v1 =	vadd.s32 s20, v1  }
0x41c: {  	[tilespmem:s19+$0xFFFFFFD0] =	vst v1  }
0x41d: {  	v1 =	vld [tilespmem:s21+$0xFFFFFFE0];
	_ =	sdelay $0x4  }
0x41e: {  	v2 =	vadd.s32 $0xFFFF3CB0, v1  }
0x41f: {  	vm5 =	vlt.s32 v2, $0x0  }
0x420: {  	v2 =	vsel vm5, $0x0, v0  }
0x421: {  	v1 =	vadd.s32 v1, v2  }
0x422: {  	v1 =	vshll.u32 v1, $0x7  }
0x423: {  	v1 =	vadd.s32 s20, v1  }
0x424: {  	[tilespmem:s19+$0xFFFFFFE0] =	vst v1  }
0x425: {  	v1 =	vld [tilespmem:s21+$0xFFFFFFF0];
	_ =	sdelay $0x4  }
0x426: {  	v2 =	vadd.s32 $0xFFFF3CB0, v1  }
0x427: {  	vm6 =	vlt.s32 v2, $0x0  }
0x428: {  	v2 =	vsel vm6, $0x0, v0  }
0x429: {  	v1 =	vadd.s32 v1, v2  }
0x42a: {  	v1 =	vshll.u32 v1, $0x7  }
0x42b: {  	v1 =	vadd.s32 s20, v1  }
0x42c: {  	[tilespmem:s19+$0xFFFFFFF0] =	vst v1  }
0x42d: {  	v1 =	vld [tilespmem:s21+$0x0];
	_ =	sdelay $0x4  }
0x42e: {  	v2 =	vadd.s32 $0xFFFF3CB0, v1  }
0x42f: {  	vm7 =	vlt.s32 v2, $0x0  }
0x430: {  	v2 =	vsel vm7, $0x0, v0  }
0x431: {  	v1 =	vadd.s32 v1, v2  }
0x432: {  	v1 =	vshll.u32 v1, $0x7  }
0x433: {  	v1 =	vadd.s32 s20, v1  }
0x434: {  	s22 =	simm.s32 $0x4C00;
	s21 =	simm.s32 $0x3000;
	[tilespmem:s19+$0x0] =	vst v1  }
0x435: {  	[tilespmem:s22], [sflag:$0x5] =	stream.indirect.gather [hbm4b:s1+s14], $0x1, s21, s14, $0xb8;
	[tilespmem:$0x5500] =	vst v63  }
0x436: {  	s21 =	simm.s32 $0x3080;
	s22 =	simm.s32 $0x4C80  }
0x437: {  	[tilespmem:s22], [sflag:$0x5] =	stream.indirect.gather [hbm4b:s1+s14], $0x1, s21, s14, $0xb8;
	[tilespmem:$0x5500] =	vst v63  }
0x438: {  	s21 =	simm.s32 $0x3100;
	s22 =	simm.s32 $0x4D00  }
0x439: {  	[tilespmem:s22], [sflag:$0x5] =	stream.indirect.gather [hbm4b:s1+s14], $0x1, s21, s14, $0xb8;
	[tilespmem:$0x5500] =	vst v63  }
0x43a: {  	s21 =	simm.s32 $0x3180;
	s22 =	simm.s32 $0x4D80  }
0x43b: {  	[tilespmem:s22], [sflag:$0x5] =	stream.indirect.gather [hbm4b:s1+s14], $0x1, s21, s14, $0xb8;
	[tilespmem:$0x5500] =	vst v63  }
0x43c: {  	s21 =	simm.s32 $0x3200;
	s22 =	simm.s32 $0x4E00  }
0x43d: {  	[tilespmem:s22], [sflag:$0x5] =	stream.indirect.gather [hbm4b:s1+s14], $0x1, s21, s14, $0xb8;
	[tilespmem:$0x5500] =	vst v63  }
0x43e: {  	s21 =	simm.s32 $0x3280;
	s22 =	simm.s32 $0x4E80  }
0x43f: {  	[tilespmem:s22], [sflag:$0x5] =	stream.indirect.gather [hbm4b:s1+s14], $0x1, s21, s14, $0xb8;
	[tilespmem:$0x5500] =	vst v63  }
0x440: {  	s21 =	simm.s32 $0x3300;
	s22 =	simm.s32 $0x4F00  }
0x441: {  	[tilespmem:s22], [sflag:$0x5] =	stream.indirect.gather [hbm4b:s1+s14], $0x1, s21, s14, $0xb8;
	[tilespmem:$0x5500] =	vst v63  }
0x442: {  	s20 =	simm.s32 $0x3380;
	s21 =	simm.s32 $0x4F80  }
0x443: {  	[tilespmem:s21], [sflag:$0x5] =	stream.indirect.gather [hbm4b:s1+s14], $0x1, s20, s14, $0xb8;
	[tilespmem:$0x5500] =	vst v63  }
0x444: {  	_ = 	snop  }
0x445: {  	[tilespmem:s24], [sflag:$0x5] =	stream.indirect.gather [hbm4b:s1+s14], $0x1, s23, s14, $0xb8;
	[tilespmem:$0x5500] =	vst v63  }
0x446: {  	_ = 	snop  }
0x447: {  	[tilespmem:s26], [sflag:$0x5] =	stream.indirect.gather [hbm4b:s1+s14], $0x1, s25, s14, $0xb8;
	[tilespmem:$0x5500] =	vst v63  }
0x448: {  	v1 =	vld [tilespmem:$0x5480];
	_ =	sdelay $0x4  }
0x449: {  	[tilespmem:$0x5400] =	vst v1  }
0x44a: {  	[tilespmem:$0x5410] =	vst v1  }
0x44b: {  	[tilespmem:$0x5420] =	vst v1  }
0x44c: {  	[tilespmem:$0x5430] =	vst v1  }
0x44d: {  	[tilespmem:$0x5440] =	vst v1  }
0x44e: {  	[tilespmem:$0x5450] =	vst v1  }
0x44f: {  	[tilespmem:$0x5460] =	vst v1  }
0x450: {  	[tilespmem:$0x5470] =	vst v1  }
0x451: {  	_ =	swait.ge [sflag:s28], $0x80  }
0x452: {  	[sflag:s28] =	ssyncset.done $0x0  }
0x453: {  	[sflag:s28] =	ssyncadd.s32 $0xFFFFFF80  }
0x454: {  	_ =	swait.ge [sflag:s28], $0x80  }
0x455: {  	[sflag:s28] =	ssyncset.done $0x0  }
0x456: {  	[sflag:s28] =	ssyncadd.s32 $0xFFFFFF80  }
0x457: {  	_ =	swait.ge [sflag:s28], $0x80  }
0x458: {  	[sflag:s28] =	ssyncset.done $0x0  }
0x459: {  	[sflag:s28] =	ssyncadd.s32 $0xFFFFFF80  }
0x45a: {  	_ =	swait.ge [sflag:s28], $0x80  }
0x45b: {  	[sflag:s28] =	ssyncset.done $0x0  }
0x45c: {  	[sflag:s28] =	ssyncadd.s32 $0xFFFFFF80  }
0x45d: {  	_ =	swait.ge [sflag:s28], $0x80  }
0x45e: {  	[sflag:s28] =	ssyncset.done $0x0  }
0x45f: {  	[sflag:s28] =	ssyncadd.s32 $0xFFFFFF80  }
0x460: {  	_ =	swait.ge [sflag:s28], $0x80  }
0x461: {  	[sflag:s28] =	ssyncset.done $0x0  }
0x462: {  	[sflag:s28] =	ssyncadd.s32 $0xFFFFFF80  }
0x463: {  	_ =	swait.ge [sflag:s28], $0x80  }
0x464: {  	[sflag:s28] =	ssyncset.done $0x0  }
0x465: {  	[sflag:s28] =	ssyncadd.s32 $0xFFFFFF80  }
0x466: {  	_ =	swait.ge [sflag:s28], $0x80  }
0x467: {  	[sflag:s28] =	ssyncset.done $0x0  }
0x468: {  	[sflag:s28] =	ssyncadd.s32 $0xFFFFFF80  }
0x469: {  	_ =	swait.ge [sflag:s28], $0x80  }
0x46a: {  	[sflag:s28] =	ssyncset.done $0x0  }
0x46b: {  	[sflag:s28] =	ssyncadd.s32 $0xFFFFFF80  }
0x46c: {  	_ =	swait.ge [sflag:s28], $0x80  }
0x46d: {  	[sflag:s28] =	ssyncset.done $0x0  }
0x46e: {  	s22 =	simm.s32 $0x0;
	[sflag:s28] =	ssyncadd.s32 $0xFFFFFF80  }
0x46f: {  	v1 =	vld [tilespmem:s22+$0x0]  }
0x470: {  	v2 =	vld [tilespmem:s22+$0x3800];
	_ =	sdelay $0x3  }
0x471: {  	v1 =	vadd.s32 $0xFFFF3CB0, v1  }
0x472: {  	v3 =	vshll.u32 v2, $0x10;
	v2 =	vand.u32 $0xFFFF0000, v2;
	vm8 =	vlt.s32 v1, $0x0  }
0x473: {  	v1 =	vsel vm8, v3, v2  }
0x474: {  	[tilespmem:s29+$0x0] =	vst.add.f32.msk $0xffff, v1  }
0x475: {  	v1 =	vld [tilespmem:s22+$0x10]  }
0x476: {  	v2 =	vld [tilespmem:s22+$0x3810];
	_ =	sdelay $0x3  }
0x477: {  	v1 =	vadd.s32 $0xFFFF3CB0, v1  }
0x478: {  	v3 =	vshll.u32 v2, $0x10;
	v2 =	vand.u32 $0xFFFF0000, v2;
	vm9 =	vlt.s32 v1, $0x0  }
0x479: {  	v1 =	vsel vm9, v3, v2  }
0x47a: {  	[tilespmem:s30+$0x0] =	vst.add.f32.msk $0xffff, v1  }
0x47b: {  	v1 =	vld [tilespmem:s22+$0x20]  }
0x47c: {  	v2 =	vld [tilespmem:s22+$0x3820];
	_ =	sdelay $0x3  }
0x47d: {  	v1 =	vadd.s32 $0xFFFF3CB0, v1  }
0x47e: {  	v3 =	vshll.u32 v2, $0x10;
	v2 =	vand.u32 $0xFFFF0000, v2;
	vm10 =	vlt.s32 v1, $0x0  }
0x47f: {  	v1 =	vsel vm10, v3, v2  }
0x480: {  	[tilespmem:s31+$0x0] =	vst.add.f32.msk $0xffff, v1  }
0x481: {  	v1 =	vld [tilespmem:s22+$0x30]  }
0x482: {  	v2 =	vld [tilespmem:s22+$0x3830];
	_ =	sdelay $0x3  }
0x483: {  	v1 =	vadd.s32 $0xFFFF3CB0, v1  }
0x484: {  	v3 =	vshll.u32 v2, $0x10;
	v2 =	vand.u32 $0xFFFF0000, v2;
	vm11 =	vlt.s32 v1, $0x0  }
0x485: {  	v1 =	vsel vm11, v3, v2  }
0x486: {  	[tilespmem:s0+$0x0] =	vst.add.f32.msk $0xffff, v1  }
0x487: {  	v1 =	vld [tilespmem:s22+$0x40]  }
0x488: {  	v2 =	vld [tilespmem:s22+$0x3840];
	_ =	sdelay $0x3  }
0x489: {  	v1 =	vadd.s32 $0xFFFF3CB0, v1  }
0x48a: {  	v3 =	vshll.u32 v2, $0x10;
	v2 =	vand.u32 $0xFFFF0000, v2;
	vm12 =	vlt.s32 v1, $0x0  }
0x48b: {  	v1 =	vsel vm12, v3, v2  }
0x48c: {  	[tilespmem:s2+$0x0] =	vst.add.f32.msk $0xffff, v1  }
0x48d: {  	v1 =	vld [tilespmem:s22+$0x50]  }
0x48e: {  	v2 =	vld [tilespmem:s22+$0x3850];
	_ =	sdelay $0x3  }
0x48f: {  	v1 =	vadd.s32 $0xFFFF3CB0, v1  }
0x490: {  	v3 =	vshll.u32 v2, $0x10;
	v2 =	vand.u32 $0xFFFF0000, v2;
	vm13 =	vlt.s32 v1, $0x0  }
0x491: {  	v1 =	vsel vm13, v3, v2  }
0x492: {  	[tilespmem:s9+$0x0] =	vst.add.f32.msk $0xffff, v1  }
0x493: {  	v1 =	vld [tilespmem:s22+$0x60]  }
0x494: {  	v2 =	vld [tilespmem:s22+$0x3860];
	_ =	sdelay $0x3  }
0x495: {  	v1 =	vadd.s32 $0xFFFF3CB0, v1  }
0x496: {  	v3 =	vshll.u32 v2, $0x10;
	v2 =	vand.u32 $0xFFFF0000, v2;
	vm14 =	vlt.s32 v1, $0x0  }
0x497: {  	v1 =	vsel vm14, v3, v2  }
0x498: {  	[tilespmem:s10+$0x0] =	vst.add.f32.msk $0xffff, v1  }
0x499: {  	v1 =	vld [tilespmem:s22+$0x70]  }
0x49a: {  	v2 =	vld [tilespmem:s22+$0x3870];
	_ =	sdelay $0x3  }
0x49b: {  	v1 =	vadd.s32 $0xFFFF3CB0, v1  }
0x49c: {  	v3 =	vshll.u32 v2, $0x10;
	v2 =	vand.u32 $0xFFFF0000, v2;
	vm15 =	vlt.s32 v1, $0x0  }
0x49d: {  	s19 =	simm.s32 $0x200;
	s20 =	simm.s32 $0x400;
	v1 =	vsel vm15, v3, v2  }
.LBB2_12:
0x49e: {  	p0 =	sne.s32 s20, $0x1200  }
0x49f: {  	s21 =	sshra.s32 s19, $0x2;
	[tilespmem:s11+$0x0] =	vst.add.f32.msk $0xffff, v1;
	s19 =	smov.u32 s20;
	s20 =	sadd.s32 $0x200, s20  }
0x4a0: {  	v1 =	vld [tilespmem:s21+$0x0]  }
0x4a1: {  	v2 =	vld [tilespmem:s21+$0x3800];
	_ =	sdelay $0x3  }
0x4a2: {  	v1 =	vadd.s32 $0xFFFF3CB0, v1  }
0x4a3: {  	v3 =	vshll.u32 v2, $0x10;
	v2 =	vand.u32 $0xFFFF0000, v2;
	vm0 =	vlt.s32 v1, $0x0  }
0x4a4: {  	v1 =	vsel vm0, v3, v2  }
0x4a5: {  	[tilespmem:s29+$0x0] =	vst.add.f32.msk $0xffff, v1  }
0x4a6: {  	v1 =	vld [tilespmem:s21+$0x10]  }
0x4a7: {  	v2 =	vld [tilespmem:s21+$0x3810];
	_ =	sdelay $0x3  }
0x4a8: {  	v1 =	vadd.s32 $0xFFFF3CB0, v1  }
0x4a9: {  	v3 =	vshll.u32 v2, $0x10;
	v2 =	vand.u32 $0xFFFF0000, v2;
	vm0 =	vlt.s32 v1, $0x0  }
0x4aa: {  	v1 =	vsel vm0, v3, v2  }
0x4ab: {  	[tilespmem:s30+$0x0] =	vst.add.f32.msk $0xffff, v1  }
0x4ac: {  	v1 =	vld [tilespmem:s21+$0x20]  }
0x4ad: {  	v2 =	vld [tilespmem:s21+$0x3820];
	_ =	sdelay $0x3  }
0x4ae: {  	v1 =	vadd.s32 $0xFFFF3CB0, v1  }
0x4af: {  	v3 =	vshll.u32 v2, $0x10;
	v2 =	vand.u32 $0xFFFF0000, v2;
	vm0 =	vlt.s32 v1, $0x0  }
0x4b0: {  	v1 =	vsel vm0, v3, v2  }
0x4b1: {  	[tilespmem:s31+$0x0] =	vst.add.f32.msk $0xffff, v1  }
0x4b2: {  	v1 =	vld [tilespmem:s21+$0x30]  }
0x4b3: {  	v2 =	vld [tilespmem:s21+$0x3830];
	_ =	sdelay $0x3  }
0x4b4: {  	v1 =	vadd.s32 $0xFFFF3CB0, v1  }
0x4b5: {  	v3 =	vshll.u32 v2, $0x10;
	v2 =	vand.u32 $0xFFFF0000, v2;
	vm0 =	vlt.s32 v1, $0x0  }
0x4b6: {  	v1 =	vsel vm0, v3, v2  }
0x4b7: {  	[tilespmem:s0+$0x0] =	vst.add.f32.msk $0xffff, v1  }
0x4b8: {  	v1 =	vld [tilespmem:s21+$0x40]  }
0x4b9: {  	v2 =	vld [tilespmem:s21+$0x3840];
	_ =	sdelay $0x3  }
0x4ba: {  	v1 =	vadd.s32 $0xFFFF3CB0, v1  }
0x4bb: {  	v3 =	vshll.u32 v2, $0x10;
	v2 =	vand.u32 $0xFFFF0000, v2;
	vm0 =	vlt.s32 v1, $0x0  }
0x4bc: {  	v1 =	vsel vm0, v3, v2  }
0x4bd: {  	[tilespmem:s2+$0x0] =	vst.add.f32.msk $0xffff, v1  }
0x4be: {  	v1 =	vld [tilespmem:s21+$0x50]  }
0x4bf: {  	v2 =	vld [tilespmem:s21+$0x3850];
	_ =	sdelay $0x3  }
0x4c0: {  	v1 =	vadd.s32 $0xFFFF3CB0, v1  }
0x4c1: {  	v3 =	vshll.u32 v2, $0x10;
	v2 =	vand.u32 $0xFFFF0000, v2;
	vm0 =	vlt.s32 v1, $0x0  }
0x4c2: {  	v1 =	vsel vm0, v3, v2  }
0x4c3: {  	[tilespmem:s9+$0x0] =	vst.add.f32.msk $0xffff, v1  }
0x4c4: {  	v1 =	vld [tilespmem:s21+$0x60]  }
0x4c5: {  	v2 =	vld [tilespmem:s21+$0x3860];
	_ =	sdelay $0x3  }
0x4c6: {  	v1 =	vadd.s32 $0xFFFF3CB0, v1  }
0x4c7: {  	v3 =	vshll.u32 v2, $0x10;
	v2 =	vand.u32 $0xFFFF0000, v2;
	vm0 =	vlt.s32 v1, $0x0  }
0x4c8: {  	v1 =	vsel vm0, v3, v2  }
0x4c9: {  	[tilespmem:s10+$0x0] =	vst.add.f32.msk $0xffff, v1  }
0x4ca: {  	v1 =	vld [tilespmem:s21+$0x70]  }
0x4cb: {  	v2 =	vld [tilespmem:s21+$0x3870];
	_ =	sdelay $0x1  }
.Ltmp5:
0x4cc: {  	(pc) =	sbr.rel @p0 .LBB2_12-.Ltmp5, $4  }
0x4cd: {  	_ = 	snop  }
0x4ce: {  	v1 =	vadd.s32 $0xFFFF3CB0, v1  }
0x4cf: {  	v3 =	vshll.u32 v2, $0x10;
	v2 =	vand.u32 $0xFFFF0000, v2;
	vm0 =	vlt.s32 v1, $0x0  }
0x4d0: {  	v1 =	vsel vm0, v3, v2  }
0x4d1: {  	s19 =	sshra.s32 s19, $0x2;
	[tilespmem:s11+$0x0] =	vst.add.f32.msk $0xffff, v1  }
0x4d2: {  	v1 =	vld [tilespmem:s19+$0x0]  }
0x4d3: {  	v2 =	vld [tilespmem:s19+$0x3800];
	_ =	sdelay $0x3  }
0x4d4: {  	v1 =	vadd.s32 $0xFFFF3CB0, v1  }
0x4d5: {  	v3 =	vshll.u32 v2, $0x10;
	v2 =	vand.u32 $0xFFFF0000, v2;
	vm0 =	vlt.s32 v1, $0x0  }
0x4d6: {  	v1 =	vsel vm0, v3, v2  }
0x4d7: {  	[tilespmem:s29+$0x0] =	vst.add.f32.msk $0xffff, v1  }
0x4d8: {  	v1 =	vld [tilespmem:s19+$0x10]  }
0x4d9: {  	v2 =	vld [tilespmem:s19+$0x3810];
	_ =	sdelay $0x3  }
0x4da: {  	v1 =	vadd.s32 $0xFFFF3CB0, v1  }
0x4db: {  	v3 =	vshll.u32 v2, $0x10;
	v2 =	vand.u32 $0xFFFF0000, v2;
	vm13 =	vlt.s32 v1, $0x0  }
0x4dc: {  	v1 =	vsel vm13, v3, v2  }
0x4dd: {  	[tilespmem:s30+$0x0] =	vst.add.f32.msk $0xffff, v1  }
0x4de: {  	v1 =	vld [tilespmem:s19+$0x20]  }
0x4df: {  	v2 =	vld [tilespmem:s19+$0x3820];
	_ =	sdelay $0x3  }
0x4e0: {  	v1 =	vadd.s32 $0xFFFF3CB0, v1  }
0x4e1: {  	v3 =	vshll.u32 v2, $0x10;
	v2 =	vand.u32 $0xFFFF0000, v2;
	vm14 =	vlt.s32 v1, $0x0  }
0x4e2: {  	v1 =	vsel vm14, v3, v2  }
0x4e3: {  	[tilespmem:s31+$0x0] =	vst.add.f32.msk $0xffff, v1  }
0x4e4: {  	v1 =	vld [tilespmem:s19+$0x30]  }
0x4e5: {  	v2 =	vld [tilespmem:s19+$0x3830];
	_ =	sdelay $0x3  }
0x4e6: {  	v1 =	vadd.s32 $0xFFFF3CB0, v1  }
0x4e7: {  	v3 =	vshll.u32 v2, $0x10;
	v2 =	vand.u32 $0xFFFF0000, v2;
	vm15 =	vlt.s32 v1, $0x0  }
0x4e8: {  	v1 =	vsel vm15, v3, v2  }
0x4e9: {  	[tilespmem:s0+$0x0] =	vst.add.f32.msk $0xffff, v1  }
0x4ea: {  	v1 =	vld [tilespmem:s19+$0x40]  }
0x4eb: {  	v2 =	vld [tilespmem:s19+$0x3840];
	_ =	sdelay $0x3  }
0x4ec: {  	v1 =	vadd.s32 $0xFFFF3CB0, v1  }
0x4ed: {  	v3 =	vshll.u32 v2, $0x10;
	v2 =	vand.u32 $0xFFFF0000, v2;
	vm4 =	vlt.s32 v1, $0x0  }
0x4ee: {  	v1 =	vsel vm4, v3, v2  }
0x4ef: {  	[tilespmem:s2+$0x0] =	vst.add.f32.msk $0xffff, v1  }
0x4f0: {  	v1 =	vld [tilespmem:s19+$0x50]  }
0x4f1: {  	v2 =	vld [tilespmem:s19+$0x3850];
	_ =	sdelay $0x3  }
0x4f2: {  	v1 =	vadd.s32 $0xFFFF3CB0, v1  }
0x4f3: {  	v3 =	vshll.u32 v2, $0x10;
	v2 =	vand.u32 $0xFFFF0000, v2;
	vm5 =	vlt.s32 v1, $0x0  }
0x4f4: {  	v1 =	vsel vm5, v3, v2  }
0x4f5: {  	[tilespmem:s9+$0x0] =	vst.add.f32.msk $0xffff, v1  }
0x4f6: {  	v1 =	vld [tilespmem:s19+$0x60]  }
0x4f7: {  	v2 =	vld [tilespmem:s19+$0x3860];
	_ =	sdelay $0x3  }
0x4f8: {  	v1 =	vadd.s32 $0xFFFF3CB0, v1  }
0x4f9: {  	v3 =	vshll.u32 v2, $0x10;
	v2 =	vand.u32 $0xFFFF0000, v2;
	vm6 =	vlt.s32 v1, $0x0  }
0x4fa: {  	v1 =	vsel vm6, v3, v2  }
0x4fb: {  	[tilespmem:s10+$0x0] =	vst.add.f32.msk $0xffff, v1  }
0x4fc: {  	v1 =	vld [tilespmem:s19+$0x70]  }
0x4fd: {  	v2 =	vld [tilespmem:s19+$0x3870];
	_ =	sdelay $0x3  }
0x4fe: {  	v1 =	vadd.s32 $0xFFFF3CB0, v1  }
0x4ff: {  	v3 =	vshll.u32 v2, $0x10;
	v2 =	vand.u32 $0xFFFF0000, v2;
	vm7 =	vlt.s32 v1, $0x0  }
0x500: {  	v1 =	vsel vm7, v3, v2  }
0x501: {  	[tilespmem:s11+$0x0] =	vst.add.f32.msk $0xffff, v1  }
0x502: {  	_ =	swait.ge [sflag:s13], $0x80  }
0x503: {  	[sflag:s13] =	ssyncset.done $0x0  }
0x504: {  	[sflag:s13] =	ssyncadd.s32 $0xFFFFFF80  }
0x505: {  	_ =	swait.ge [sflag:s13], $0x80  }
0x506: {  	[sflag:s13] =	ssyncset.done $0x0  }
0x507: {  	[sflag:s13] =	ssyncadd.s32 $0xFFFFFF80  }
0x508: {  	_ =	swait.ge [sflag:s13], $0x80  }
0x509: {  	[sflag:s13] =	ssyncset.done $0x0  }
0x50a: {  	[sflag:s13] =	ssyncadd.s32 $0xFFFFFF80  }
0x50b: {  	_ =	swait.ge [sflag:s13], $0x80  }
0x50c: {  	[sflag:s13] =	ssyncset.done $0x0  }
0x50d: {  	[sflag:s13] =	ssyncadd.s32 $0xFFFFFF80  }
0x50e: {  	_ =	swait.ge [sflag:s13], $0x80  }
0x50f: {  	[sflag:s13] =	ssyncset.done $0x0  }
0x510: {  	[sflag:s13] =	ssyncadd.s32 $0xFFFFFF80  }
0x511: {  	_ =	swait.ge [sflag:s13], $0x80  }
0x512: {  	[sflag:s13] =	ssyncset.done $0x0  }
0x513: {  	[sflag:s13] =	ssyncadd.s32 $0xFFFFFF80  }
0x514: {  	_ =	swait.ge [sflag:s13], $0x80  }
0x515: {  	[sflag:s13] =	ssyncset.done $0x0  }
0x516: {  	[sflag:s13] =	ssyncadd.s32 $0xFFFFFF80  }
0x517: {  	_ =	swait.ge [sflag:s13], $0x80  }
0x518: {  	[sflag:s13] =	ssyncset.done $0x0  }
0x519: {  	[sflag:s13] =	ssyncadd.s32 $0xFFFFFF80  }
0x51a: {  	_ =	swait.ge [sflag:s13], $0x80  }
0x51b: {  	[sflag:s13] =	ssyncset.done $0x0  }
0x51c: {  	[sflag:s13] =	ssyncadd.s32 $0xFFFFFF80  }
0x51d: {  	_ =	swait.ge [sflag:s13], $0x80  }
0x51e: {  	[sflag:s13] =	ssyncset.done $0x0  }
0x51f: {  	s22 =	simm.s32 $0x0;
	[sflag:s13] =	ssyncadd.s32 $0xFFFFFF80  }
0x520: {  	v1 =	vld [tilespmem:s22+$0x500]  }
0x521: {  	v2 =	vld [tilespmem:s22+$0x3D00];
	_ =	sdelay $0x3  }
0x522: {  	v1 =	vadd.s32 $0xFFFF3CB0, v1  }
0x523: {  	v3 =	vshll.u32 v2, $0x10;
	v2 =	vand.u32 $0xFFFF0000, v2;
	vm8 =	vlt.s32 v1, $0x0  }
0x524: {  	v1 =	vsel vm8, v3, v2  }
0x525: {  	[tilespmem:s29+$0x0] =	vst.add.f32.msk $0xffff, v1  }
0x526: {  	v1 =	vld [tilespmem:s22+$0x510]  }
0x527: {  	v2 =	vld [tilespmem:s22+$0x3D10];
	_ =	sdelay $0x3  }
0x528: {  	v1 =	vadd.s32 $0xFFFF3CB0, v1  }
0x529: {  	v3 =	vshll.u32 v2, $0x10;
	v2 =	vand.u32 $0xFFFF0000, v2;
	vm9 =	vlt.s32 v1, $0x0  }
0x52a: {  	v1 =	vsel vm9, v3, v2  }
0x52b: {  	[tilespmem:s30+$0x0] =	vst.add.f32.msk $0xffff, v1  }
0x52c: {  	v1 =	vld [tilespmem:s22+$0x520]  }
0x52d: {  	v2 =	vld [tilespmem:s22+$0x3D20];
	_ =	sdelay $0x3  }
0x52e: {  	v1 =	vadd.s32 $0xFFFF3CB0, v1  }
0x52f: {  	v3 =	vshll.u32 v2, $0x10;
	v2 =	vand.u32 $0xFFFF0000, v2;
	vm10 =	vlt.s32 v1, $0x0  }
0x530: {  	v1 =	vsel vm10, v3, v2  }
0x531: {  	[tilespmem:s31+$0x0] =	vst.add.f32.msk $0xffff, v1  }
0x532: {  	v1 =	vld [tilespmem:s22+$0x530]  }
0x533: {  	v2 =	vld [tilespmem:s22+$0x3D30];
	_ =	sdelay $0x3  }
0x534: {  	v1 =	vadd.s32 $0xFFFF3CB0, v1  }
0x535: {  	v3 =	vshll.u32 v2, $0x10;
	v2 =	vand.u32 $0xFFFF0000, v2;
	vm11 =	vlt.s32 v1, $0x0  }
0x536: {  	v1 =	vsel vm11, v3, v2  }
0x537: {  	[tilespmem:s0+$0x0] =	vst.add.f32.msk $0xffff, v1  }
0x538: {  	v1 =	vld [tilespmem:s22+$0x540]  }
0x539: {  	v2 =	vld [tilespmem:s22+$0x3D40];
	_ =	sdelay $0x3  }
0x53a: {  	v1 =	vadd.s32 $0xFFFF3CB0, v1  }
0x53b: {  	v3 =	vshll.u32 v2, $0x10;
	v2 =	vand.u32 $0xFFFF0000, v2;
	vm12 =	vlt.s32 v1, $0x0  }
0x53c: {  	v1 =	vsel vm12, v3, v2  }
0x53d: {  	[tilespmem:s2+$0x0] =	vst.add.f32.msk $0xffff, v1  }
0x53e: {  	v1 =	vld [tilespmem:s22+$0x550]  }
0x53f: {  	v2 =	vld [tilespmem:s22+$0x3D50];
	_ =	sdelay $0x3  }
0x540: {  	v1 =	vadd.s32 $0xFFFF3CB0, v1  }
0x541: {  	v3 =	vshll.u32 v2, $0x10;
	v2 =	vand.u32 $0xFFFF0000, v2;
	vm13 =	vlt.s32 v1, $0x0  }
0x542: {  	v1 =	vsel vm13, v3, v2  }
0x543: {  	[tilespmem:s9+$0x0] =	vst.add.f32.msk $0xffff, v1  }
0x544: {  	v1 =	vld [tilespmem:s22+$0x560]  }
0x545: {  	v2 =	vld [tilespmem:s22+$0x3D60];
	_ =	sdelay $0x3  }
0x546: {  	v1 =	vadd.s32 $0xFFFF3CB0, v1  }
0x547: {  	v3 =	vshll.u32 v2, $0x10;
	v2 =	vand.u32 $0xFFFF0000, v2;
	vm14 =	vlt.s32 v1, $0x0  }
0x548: {  	v1 =	vsel vm14, v3, v2  }
0x549: {  	[tilespmem:s10+$0x0] =	vst.add.f32.msk $0xffff, v1  }
0x54a: {  	v1 =	vld [tilespmem:s22+$0x570]  }
0x54b: {  	v2 =	vld [tilespmem:s22+$0x3D70];
	_ =	sdelay $0x3  }
0x54c: {  	v1 =	vadd.s32 $0xFFFF3CB0, v1  }
0x54d: {  	v3 =	vshll.u32 v2, $0x10;
	v2 =	vand.u32 $0xFFFF0000, v2;
	vm15 =	vlt.s32 v1, $0x0  }
0x54e: {  	s20 =	simm.s32 $0x400;
	s19 =	simm.s32 $0x200;
	v1 =	vsel vm15, v3, v2  }
.LBB2_14:
0x54f: {  	p0 =	sne.s32 s20, $0x1200  }
0x550: {  	s21 =	sshra.s32 s19, $0x2;
	[tilespmem:s11+$0x0] =	vst.add.f32.msk $0xffff, v1;
	s19 =	smov.u32 s20;
	s20 =	sadd.s32 $0x200, s20  }
0x551: {  	v1 =	vld [tilespmem:s21+$0x500]  }
0x552: {  	v2 =	vld [tilespmem:s21+$0x3D00];
	_ =	sdelay $0x3  }
0x553: {  	v1 =	vadd.s32 $0xFFFF3CB0, v1  }
0x554: {  	v3 =	vshll.u32 v2, $0x10;
	v2 =	vand.u32 $0xFFFF0000, v2;
	vm0 =	vlt.s32 v1, $0x0  }
0x555: {  	v1 =	vsel vm0, v3, v2  }
0x556: {  	[tilespmem:s29+$0x0] =	vst.add.f32.msk $0xffff, v1  }
0x557: {  	v1 =	vld [tilespmem:s21+$0x510]  }
0x558: {  	v2 =	vld [tilespmem:s21+$0x3D10];
	_ =	sdelay $0x3  }
0x559: {  	v1 =	vadd.s32 $0xFFFF3CB0, v1  }
0x55a: {  	v3 =	vshll.u32 v2, $0x10;
	v2 =	vand.u32 $0xFFFF0000, v2;
	vm0 =	vlt.s32 v1, $0x0  }
0x55b: {  	v1 =	vsel vm0, v3, v2  }
0x55c: {  	[tilespmem:s30+$0x0] =	vst.add.f32.msk $0xffff, v1  }
0x55d: {  	v1 =	vld [tilespmem:s21+$0x520]  }
0x55e: {  	v2 =	vld [tilespmem:s21+$0x3D20];
	_ =	sdelay $0x3  }
0x55f: {  	v1 =	vadd.s32 $0xFFFF3CB0, v1  }
0x560: {  	v3 =	vshll.u32 v2, $0x10;
	v2 =	vand.u32 $0xFFFF0000, v2;
	vm0 =	vlt.s32 v1, $0x0  }
0x561: {  	v1 =	vsel vm0, v3, v2  }
0x562: {  	[tilespmem:s31+$0x0] =	vst.add.f32.msk $0xffff, v1  }
0x563: {  	v1 =	vld [tilespmem:s21+$0x530]  }
0x564: {  	v2 =	vld [tilespmem:s21+$0x3D30];
	_ =	sdelay $0x3  }
0x565: {  	v1 =	vadd.s32 $0xFFFF3CB0, v1  }
0x566: {  	v3 =	vshll.u32 v2, $0x10;
	v2 =	vand.u32 $0xFFFF0000, v2;
	vm0 =	vlt.s32 v1, $0x0  }
0x567: {  	v1 =	vsel vm0, v3, v2  }
0x568: {  	[tilespmem:s0+$0x0] =	vst.add.f32.msk $0xffff, v1  }
0x569: {  	v1 =	vld [tilespmem:s21+$0x540]  }
0x56a: {  	v2 =	vld [tilespmem:s21+$0x3D40];
	_ =	sdelay $0x3  }
0x56b: {  	v1 =	vadd.s32 $0xFFFF3CB0, v1  }
0x56c: {  	v3 =	vshll.u32 v2, $0x10;
	v2 =	vand.u32 $0xFFFF0000, v2;
	vm0 =	vlt.s32 v1, $0x0  }
0x56d: {  	v1 =	vsel vm0, v3, v2  }
0x56e: {  	[tilespmem:s2+$0x0] =	vst.add.f32.msk $0xffff, v1  }
0x56f: {  	v1 =	vld [tilespmem:s21+$0x550]  }
0x570: {  	v2 =	vld [tilespmem:s21+$0x3D50];
	_ =	sdelay $0x3  }
0x571: {  	v1 =	vadd.s32 $0xFFFF3CB0, v1  }
0x572: {  	v3 =	vshll.u32 v2, $0x10;
	v2 =	vand.u32 $0xFFFF0000, v2;
	vm0 =	vlt.s32 v1, $0x0  }
0x573: {  	v1 =	vsel vm0, v3, v2  }
0x574: {  	[tilespmem:s9+$0x0] =	vst.add.f32.msk $0xffff, v1  }
0x575: {  	v1 =	vld [tilespmem:s21+$0x560]  }
0x576: {  	v2 =	vld [tilespmem:s21+$0x3D60];
	_ =	sdelay $0x3  }
0x577: {  	v1 =	vadd.s32 $0xFFFF3CB0, v1  }
0x578: {  	v3 =	vshll.u32 v2, $0x10;
	v2 =	vand.u32 $0xFFFF0000, v2;
	vm0 =	vlt.s32 v1, $0x0  }
0x579: {  	v1 =	vsel vm0, v3, v2  }
0x57a: {  	[tilespmem:s10+$0x0] =	vst.add.f32.msk $0xffff, v1  }
0x57b: {  	v1 =	vld [tilespmem:s21+$0x570]  }
0x57c: {  	v2 =	vld [tilespmem:s21+$0x3D70];
	_ =	sdelay $0x1  }
.Ltmp6:
0x57d: {  	(pc) =	sbr.rel @p0 .LBB2_14-.Ltmp6, $4  }
0x57e: {  	_ = 	snop  }
0x57f: {  	v1 =	vadd.s32 $0xFFFF3CB0, v1  }
0x580: {  	v3 =	vshll.u32 v2, $0x10;
	v2 =	vand.u32 $0xFFFF0000, v2;
	vm0 =	vlt.s32 v1, $0x0  }
0x581: {  	v1 =	vsel vm0, v3, v2  }
0x582: {  	s19 =	sshra.s32 s19, $0x2;
	[tilespmem:s11+$0x0] =	vst.add.f32.msk $0xffff, v1  }
0x583: {  	v1 =	vld [tilespmem:s19+$0x500]  }
0x584: {  	v2 =	vld [tilespmem:s19+$0x3D00];
	_ =	sdelay $0x3  }
0x585: {  	v1 =	vadd.s32 $0xFFFF3CB0, v1  }
0x586: {  	v3 =	vshll.u32 v2, $0x10;
	v2 =	vand.u32 $0xFFFF0000, v2;
	vm0 =	vlt.s32 v1, $0x0  }
0x587: {  	v1 =	vsel vm0, v3, v2  }
0x588: {  	[tilespmem:s29+$0x0] =	vst.add.f32.msk $0xffff, v1  }
0x589: {  	v1 =	vld [tilespmem:s19+$0x510]  }
0x58a: {  	v2 =	vld [tilespmem:s19+$0x3D10];
	_ =	sdelay $0x3  }
0x58b: {  	v1 =	vadd.s32 $0xFFFF3CB0, v1  }
0x58c: {  	v3 =	vshll.u32 v2, $0x10;
	v2 =	vand.u32 $0xFFFF0000, v2;
	vm13 =	vlt.s32 v1, $0x0  }
0x58d: {  	v1 =	vsel vm13, v3, v2  }
0x58e: {  	[tilespmem:s30+$0x0] =	vst.add.f32.msk $0xffff, v1  }
0x58f: {  	v1 =	vld [tilespmem:s19+$0x520]  }
0x590: {  	v2 =	vld [tilespmem:s19+$0x3D20];
	_ =	sdelay $0x3  }
0x591: {  	v1 =	vadd.s32 $0xFFFF3CB0, v1  }
0x592: {  	v3 =	vshll.u32 v2, $0x10;
	v2 =	vand.u32 $0xFFFF0000, v2;
	vm14 =	vlt.s32 v1, $0x0  }
0x593: {  	v1 =	vsel vm14, v3, v2  }
0x594: {  	[tilespmem:s31+$0x0] =	vst.add.f32.msk $0xffff, v1  }
0x595: {  	v1 =	vld [tilespmem:s19+$0x530]  }
0x596: {  	v2 =	vld [tilespmem:s19+$0x3D30];
	_ =	sdelay $0x3  }
0x597: {  	v1 =	vadd.s32 $0xFFFF3CB0, v1  }
0x598: {  	v3 =	vshll.u32 v2, $0x10;
	v2 =	vand.u32 $0xFFFF0000, v2;
	vm15 =	vlt.s32 v1, $0x0  }
0x599: {  	v1 =	vsel vm15, v3, v2  }
0x59a: {  	[tilespmem:s0+$0x0] =	vst.add.f32.msk $0xffff, v1  }
0x59b: {  	v1 =	vld [tilespmem:s19+$0x540]  }
0x59c: {  	v2 =	vld [tilespmem:s19+$0x3D40];
	_ =	sdelay $0x3  }
0x59d: {  	v1 =	vadd.s32 $0xFFFF3CB0, v1  }
0x59e: {  	v3 =	vshll.u32 v2, $0x10;
	v2 =	vand.u32 $0xFFFF0000, v2;
	vm4 =	vlt.s32 v1, $0x0  }
0x59f: {  	v1 =	vsel vm4, v3, v2  }
0x5a0: {  	[tilespmem:s2+$0x0] =	vst.add.f32.msk $0xffff, v1  }
0x5a1: {  	v1 =	vld [tilespmem:s19+$0x550]  }
0x5a2: {  	v2 =	vld [tilespmem:s19+$0x3D50];
	_ =	sdelay $0x3  }
0x5a3: {  	v1 =	vadd.s32 $0xFFFF3CB0, v1  }
0x5a4: {  	v3 =	vshll.u32 v2, $0x10;
	v2 =	vand.u32 $0xFFFF0000, v2;
	vm5 =	vlt.s32 v1, $0x0  }
0x5a5: {  	v1 =	vsel vm5, v3, v2  }
0x5a6: {  	[tilespmem:s9+$0x0] =	vst.add.f32.msk $0xffff, v1  }
0x5a7: {  	v1 =	vld [tilespmem:s19+$0x560]  }
0x5a8: {  	v2 =	vld [tilespmem:s19+$0x3D60];
	_ =	sdelay $0x3  }
0x5a9: {  	v1 =	vadd.s32 $0xFFFF3CB0, v1  }
0x5aa: {  	v3 =	vshll.u32 v2, $0x10;
	v2 =	vand.u32 $0xFFFF0000, v2;
	vm6 =	vlt.s32 v1, $0x0  }
0x5ab: {  	v1 =	vsel vm6, v3, v2  }
0x5ac: {  	[tilespmem:s10+$0x0] =	vst.add.f32.msk $0xffff, v1  }
0x5ad: {  	v1 =	vld [tilespmem:s19+$0x570]  }
0x5ae: {  	v2 =	vld [tilespmem:s19+$0x3D70];
	_ =	sdelay $0x3  }
0x5af: {  	v1 =	vadd.s32 $0xFFFF3CB0, v1  }
0x5b0: {  	v3 =	vshll.u32 v2, $0x10;
	v2 =	vand.u32 $0xFFFF0000, v2;
	vm7 =	vlt.s32 v1, $0x0  }
0x5b1: {  	v1 =	vsel vm7, v3, v2  }
0x5b2: {  	[tilespmem:s11+$0x0] =	vst.add.f32.msk $0xffff, v1  }
0x5b3: {  	_ =	swait.ge [sflag:s15], $0x80  }
0x5b4: {  	[sflag:s15] =	ssyncset.done $0x0  }
0x5b5: {  	[sflag:s15] =	ssyncadd.s32 $0xFFFFFF80  }
0x5b6: {  	_ =	swait.ge [sflag:s15], $0x80  }
0x5b7: {  	[sflag:s15] =	ssyncset.done $0x0  }
0x5b8: {  	[sflag:s15] =	ssyncadd.s32 $0xFFFFFF80  }
0x5b9: {  	_ =	swait.ge [sflag:s15], $0x80  }
0x5ba: {  	[sflag:s15] =	ssyncset.done $0x0  }
0x5bb: {  	[sflag:s15] =	ssyncadd.s32 $0xFFFFFF80  }
0x5bc: {  	_ =	swait.ge [sflag:s15], $0x80  }
0x5bd: {  	[sflag:s15] =	ssyncset.done $0x0  }
0x5be: {  	[sflag:s15] =	ssyncadd.s32 $0xFFFFFF80  }
0x5bf: {  	_ =	swait.ge [sflag:s15], $0x80  }
0x5c0: {  	[sflag:s15] =	ssyncset.done $0x0  }
0x5c1: {  	[sflag:s15] =	ssyncadd.s32 $0xFFFFFF80  }
0x5c2: {  	_ =	swait.ge [sflag:s15], $0x80  }
0x5c3: {  	[sflag:s15] =	ssyncset.done $0x0  }
0x5c4: {  	[sflag:s15] =	ssyncadd.s32 $0xFFFFFF80  }
0x5c5: {  	_ =	swait.ge [sflag:s15], $0x80  }
0x5c6: {  	[sflag:s15] =	ssyncset.done $0x0  }
0x5c7: {  	[sflag:s15] =	ssyncadd.s32 $0xFFFFFF80  }
0x5c8: {  	_ =	swait.ge [sflag:s15], $0x80  }
0x5c9: {  	[sflag:s15] =	ssyncset.done $0x0  }
0x5ca: {  	[sflag:s15] =	ssyncadd.s32 $0xFFFFFF80  }
0x5cb: {  	_ =	swait.ge [sflag:s15], $0x80  }
0x5cc: {  	[sflag:s15] =	ssyncset.done $0x0  }
0x5cd: {  	[sflag:s15] =	ssyncadd.s32 $0xFFFFFF80  }
0x5ce: {  	_ =	swait.ge [sflag:s15], $0x80  }
0x5cf: {  	[sflag:s15] =	ssyncset.done $0x0  }
0x5d0: {  	s22 =	simm.s32 $0x0;
	[sflag:s15] =	ssyncadd.s32 $0xFFFFFF80  }
0x5d1: {  	v1 =	vld [tilespmem:s22+$0xA00]  }
0x5d2: {  	v2 =	vld [tilespmem:s22+$0x4200];
	_ =	sdelay $0x3  }
0x5d3: {  	v1 =	vadd.s32 $0xFFFF3CB0, v1  }
0x5d4: {  	v3 =	vshll.u32 v2, $0x10;
	v2 =	vand.u32 $0xFFFF0000, v2;
	vm8 =	vlt.s32 v1, $0x0  }
0x5d5: {  	v1 =	vsel vm8, v3, v2  }
0x5d6: {  	[tilespmem:s29+$0x0] =	vst.add.f32.msk $0xffff, v1  }
0x5d7: {  	v1 =	vld [tilespmem:s22+$0xA10]  }
0x5d8: {  	v2 =	vld [tilespmem:s22+$0x4210];
	_ =	sdelay $0x3  }
0x5d9: {  	v1 =	vadd.s32 $0xFFFF3CB0, v1  }
0x5da: {  	v3 =	vshll.u32 v2, $0x10;
	v2 =	vand.u32 $0xFFFF0000, v2;
	vm9 =	vlt.s32 v1, $0x0  }
0x5db: {  	v1 =	vsel vm9, v3, v2  }
0x5dc: {  	[tilespmem:s30+$0x0] =	vst.add.f32.msk $0xffff, v1  }
0x5dd: {  	v1 =	vld [tilespmem:s22+$0xA20]  }
0x5de: {  	v2 =	vld [tilespmem:s22+$0x4220];
	_ =	sdelay $0x3  }
0x5df: {  	v1 =	vadd.s32 $0xFFFF3CB0, v1  }
0x5e0: {  	v3 =	vshll.u32 v2, $0x10;
	v2 =	vand.u32 $0xFFFF0000, v2;
	vm10 =	vlt.s32 v1, $0x0  }
0x5e1: {  	v1 =	vsel vm10, v3, v2  }
0x5e2: {  	[tilespmem:s31+$0x0] =	vst.add.f32.msk $0xffff, v1  }
0x5e3: {  	v1 =	vld [tilespmem:s22+$0xA30]  }
0x5e4: {  	v2 =	vld [tilespmem:s22+$0x4230];
	_ =	sdelay $0x3  }
0x5e5: {  	v1 =	vadd.s32 $0xFFFF3CB0, v1  }
0x5e6: {  	v3 =	vshll.u32 v2, $0x10;
	v2 =	vand.u32 $0xFFFF0000, v2;
	vm11 =	vlt.s32 v1, $0x0  }
0x5e7: {  	v1 =	vsel vm11, v3, v2  }
0x5e8: {  	[tilespmem:s0+$0x0] =	vst.add.f32.msk $0xffff, v1  }
0x5e9: {  	v1 =	vld [tilespmem:s22+$0xA40]  }
0x5ea: {  	v2 =	vld [tilespmem:s22+$0x4240];
	_ =	sdelay $0x3  }
0x5eb: {  	v1 =	vadd.s32 $0xFFFF3CB0, v1  }
0x5ec: {  	v3 =	vshll.u32 v2, $0x10;
	v2 =	vand.u32 $0xFFFF0000, v2;
	vm12 =	vlt.s32 v1, $0x0  }
0x5ed: {  	v1 =	vsel vm12, v3, v2  }
0x5ee: {  	[tilespmem:s2+$0x0] =	vst.add.f32.msk $0xffff, v1  }
0x5ef: {  	v1 =	vld [tilespmem:s22+$0xA50]  }
0x5f0: {  	v2 =	vld [tilespmem:s22+$0x4250];
	_ =	sdelay $0x3  }
0x5f1: {  	v1 =	vadd.s32 $0xFFFF3CB0, v1  }
0x5f2: {  	v3 =	vshll.u32 v2, $0x10;
	v2 =	vand.u32 $0xFFFF0000, v2;
	vm13 =	vlt.s32 v1, $0x0  }
0x5f3: {  	v1 =	vsel vm13, v3, v2  }
0x5f4: {  	[tilespmem:s9+$0x0] =	vst.add.f32.msk $0xffff, v1  }
0x5f5: {  	v1 =	vld [tilespmem:s22+$0xA60]  }
0x5f6: {  	v2 =	vld [tilespmem:s22+$0x4260];
	_ =	sdelay $0x3  }
0x5f7: {  	v1 =	vadd.s32 $0xFFFF3CB0, v1  }
0x5f8: {  	v3 =	vshll.u32 v2, $0x10;
	v2 =	vand.u32 $0xFFFF0000, v2;
	vm14 =	vlt.s32 v1, $0x0  }
0x5f9: {  	v1 =	vsel vm14, v3, v2  }
0x5fa: {  	[tilespmem:s10+$0x0] =	vst.add.f32.msk $0xffff, v1  }
0x5fb: {  	v1 =	vld [tilespmem:s22+$0xA70]  }
0x5fc: {  	v2 =	vld [tilespmem:s22+$0x4270];
	_ =	sdelay $0x3  }
0x5fd: {  	v1 =	vadd.s32 $0xFFFF3CB0, v1  }
0x5fe: {  	v3 =	vshll.u32 v2, $0x10;
	v2 =	vand.u32 $0xFFFF0000, v2;
	vm15 =	vlt.s32 v1, $0x0  }
0x5ff: {  	s20 =	simm.s32 $0x400;
	s19 =	simm.s32 $0x200;
	v1 =	vsel vm15, v3, v2  }
.LBB2_16:
0x600: {  	p0 =	sne.s32 s20, $0x1200  }
0x601: {  	s21 =	sshra.s32 s19, $0x2;
	[tilespmem:s11+$0x0] =	vst.add.f32.msk $0xffff, v1;
	s19 =	smov.u32 s20;
	s20 =	sadd.s32 $0x200, s20  }
0x602: {  	v1 =	vld [tilespmem:s21+$0xA00]  }
0x603: {  	v2 =	vld [tilespmem:s21+$0x4200];
	_ =	sdelay $0x3  }
0x604: {  	v1 =	vadd.s32 $0xFFFF3CB0, v1  }
0x605: {  	v3 =	vshll.u32 v2, $0x10;
	v2 =	vand.u32 $0xFFFF0000, v2;
	vm0 =	vlt.s32 v1, $0x0  }
0x606: {  	v1 =	vsel vm0, v3, v2  }
0x607: {  	[tilespmem:s29+$0x0] =	vst.add.f32.msk $0xffff, v1  }
0x608: {  	v1 =	vld [tilespmem:s21+$0xA10]  }
0x609: {  	v2 =	vld [tilespmem:s21+$0x4210];
	_ =	sdelay $0x3  }
0x60a: {  	v1 =	vadd.s32 $0xFFFF3CB0, v1  }
0x60b: {  	v3 =	vshll.u32 v2, $0x10;
	v2 =	vand.u32 $0xFFFF0000, v2;
	vm0 =	vlt.s32 v1, $0x0  }
0x60c: {  	v1 =	vsel vm0, v3, v2  }
0x60d: {  	[tilespmem:s30+$0x0] =	vst.add.f32.msk $0xffff, v1  }
0x60e: {  	v1 =	vld [tilespmem:s21+$0xA20]  }
0x60f: {  	v2 =	vld [tilespmem:s21+$0x4220];
	_ =	sdelay $0x3  }
0x610: {  	v1 =	vadd.s32 $0xFFFF3CB0, v1  }
0x611: {  	v3 =	vshll.u32 v2, $0x10;
	v2 =	vand.u32 $0xFFFF0000, v2;
	vm0 =	vlt.s32 v1, $0x0  }
0x612: {  	v1 =	vsel vm0, v3, v2  }
0x613: {  	[tilespmem:s31+$0x0] =	vst.add.f32.msk $0xffff, v1  }
0x614: {  	v1 =	vld [tilespmem:s21+$0xA30]  }
0x615: {  	v2 =	vld [tilespmem:s21+$0x4230];
	_ =	sdelay $0x3  }
0x616: {  	v1 =	vadd.s32 $0xFFFF3CB0, v1  }
0x617: {  	v3 =	vshll.u32 v2, $0x10;
	v2 =	vand.u32 $0xFFFF0000, v2;
	vm0 =	vlt.s32 v1, $0x0  }
0x618: {  	v1 =	vsel vm0, v3, v2  }
0x619: {  	[tilespmem:s0+$0x0] =	vst.add.f32.msk $0xffff, v1  }
0x61a: {  	v1 =	vld [tilespmem:s21+$0xA40]  }
0x61b: {  	v2 =	vld [tilespmem:s21+$0x4240];
	_ =	sdelay $0x3  }
0x61c: {  	v1 =	vadd.s32 $0xFFFF3CB0, v1  }
0x61d: {  	v3 =	vshll.u32 v2, $0x10;
	v2 =	vand.u32 $0xFFFF0000, v2;
	vm0 =	vlt.s32 v1, $0x0  }
0x61e: {  	v1 =	vsel vm0, v3, v2  }
0x61f: {  	[tilespmem:s2+$0x0] =	vst.add.f32.msk $0xffff, v1  }
0x620: {  	v1 =	vld [tilespmem:s21+$0xA50]  }
0x621: {  	v2 =	vld [tilespmem:s21+$0x4250];
	_ =	sdelay $0x3  }
0x622: {  	v1 =	vadd.s32 $0xFFFF3CB0, v1  }
0x623: {  	v3 =	vshll.u32 v2, $0x10;
	v2 =	vand.u32 $0xFFFF0000, v2;
	vm0 =	vlt.s32 v1, $0x0  }
0x624: {  	v1 =	vsel vm0, v3, v2  }
0x625: {  	[tilespmem:s9+$0x0] =	vst.add.f32.msk $0xffff, v1  }
0x626: {  	v1 =	vld [tilespmem:s21+$0xA60]  }
0x627: {  	v2 =	vld [tilespmem:s21+$0x4260];
	_ =	sdelay $0x3  }
0x628: {  	v1 =	vadd.s32 $0xFFFF3CB0, v1  }
0x629: {  	v3 =	vshll.u32 v2, $0x10;
	v2 =	vand.u32 $0xFFFF0000, v2;
	vm0 =	vlt.s32 v1, $0x0  }
0x62a: {  	v1 =	vsel vm0, v3, v2  }
0x62b: {  	[tilespmem:s10+$0x0] =	vst.add.f32.msk $0xffff, v1  }
0x62c: {  	v1 =	vld [tilespmem:s21+$0xA70]  }
0x62d: {  	v2 =	vld [tilespmem:s21+$0x4270];
	_ =	sdelay $0x1  }
.Ltmp7:
0x62e: {  	(pc) =	sbr.rel @p0 .LBB2_16-.Ltmp7, $4  }
0x62f: {  	_ = 	snop  }
0x630: {  	v1 =	vadd.s32 $0xFFFF3CB0, v1  }
0x631: {  	v3 =	vshll.u32 v2, $0x10;
	v2 =	vand.u32 $0xFFFF0000, v2;
	vm0 =	vlt.s32 v1, $0x0  }
0x632: {  	v1 =	vsel vm0, v3, v2  }
0x633: {  	s19 =	sshra.s32 s19, $0x2;
	[tilespmem:s11+$0x0] =	vst.add.f32.msk $0xffff, v1  }
0x634: {  	v1 =	vld [tilespmem:s19+$0xA00]  }
0x635: {  	v2 =	vld [tilespmem:s19+$0x4200];
	_ =	sdelay $0x3  }
0x636: {  	v1 =	vadd.s32 $0xFFFF3CB0, v1  }
0x637: {  	v3 =	vshll.u32 v2, $0x10;
	v2 =	vand.u32 $0xFFFF0000, v2;
	vm0 =	vlt.s32 v1, $0x0  }
0x638: {  	v1 =	vsel vm0, v3, v2  }
0x639: {  	[tilespmem:s29+$0x0] =	vst.add.f32.msk $0xffff, v1  }
0x63a: {  	v1 =	vld [tilespmem:s19+$0xA10]  }
0x63b: {  	v2 =	vld [tilespmem:s19+$0x4210];
	_ =	sdelay $0x3  }
0x63c: {  	v1 =	vadd.s32 $0xFFFF3CB0, v1  }
0x63d: {  	v3 =	vshll.u32 v2, $0x10;
	v2 =	vand.u32 $0xFFFF0000, v2;
	vm13 =	vlt.s32 v1, $0x0  }
0x63e: {  	v1 =	vsel vm13, v3, v2  }
0x63f: {  	[tilespmem:s30+$0x0] =	vst.add.f32.msk $0xffff, v1  }
0x640: {  	v1 =	vld [tilespmem:s19+$0xA20]  }
0x641: {  	v2 =	vld [tilespmem:s19+$0x4220];
	_ =	sdelay $0x3  }
0x642: {  	v1 =	vadd.s32 $0xFFFF3CB0, v1  }
0x643: {  	v3 =	vshll.u32 v2, $0x10;
	v2 =	vand.u32 $0xFFFF0000, v2;
	vm14 =	vlt.s32 v1, $0x0  }
0x644: {  	v1 =	vsel vm14, v3, v2  }
0x645: {  	[tilespmem:s31+$0x0] =	vst.add.f32.msk $0xffff, v1  }
0x646: {  	v1 =	vld [tilespmem:s19+$0xA30]  }
0x647: {  	v2 =	vld [tilespmem:s19+$0x4230];
	_ =	sdelay $0x3  }
0x648: {  	v1 =	vadd.s32 $0xFFFF3CB0, v1  }
0x649: {  	v3 =	vshll.u32 v2, $0x10;
	v2 =	vand.u32 $0xFFFF0000, v2;
	vm15 =	vlt.s32 v1, $0x0  }
0x64a: {  	v1 =	vsel vm15, v3, v2  }
0x64b: {  	[tilespmem:s0+$0x0] =	vst.add.f32.msk $0xffff, v1  }
0x64c: {  	v1 =	vld [tilespmem:s19+$0xA40]  }
0x64d: {  	v2 =	vld [tilespmem:s19+$0x4240];
	_ =	sdelay $0x3  }
0x64e: {  	v1 =	vadd.s32 $0xFFFF3CB0, v1  }
0x64f: {  	v3 =	vshll.u32 v2, $0x10;
	v2 =	vand.u32 $0xFFFF0000, v2;
	vm4 =	vlt.s32 v1, $0x0  }
0x650: {  	v1 =	vsel vm4, v3, v2  }
0x651: {  	[tilespmem:s2+$0x0] =	vst.add.f32.msk $0xffff, v1  }
0x652: {  	v1 =	vld [tilespmem:s19+$0xA50]  }
0x653: {  	v2 =	vld [tilespmem:s19+$0x4250];
	_ =	sdelay $0x3  }
0x654: {  	v1 =	vadd.s32 $0xFFFF3CB0, v1  }
0x655: {  	v3 =	vshll.u32 v2, $0x10;
	v2 =	vand.u32 $0xFFFF0000, v2;
	vm5 =	vlt.s32 v1, $0x0  }
0x656: {  	v1 =	vsel vm5, v3, v2  }
0x657: {  	[tilespmem:s9+$0x0] =	vst.add.f32.msk $0xffff, v1  }
0x658: {  	v1 =	vld [tilespmem:s19+$0xA60]  }
0x659: {  	v2 =	vld [tilespmem:s19+$0x4260];
	_ =	sdelay $0x3  }
0x65a: {  	v1 =	vadd.s32 $0xFFFF3CB0, v1  }
0x65b: {  	v3 =	vshll.u32 v2, $0x10;
	v2 =	vand.u32 $0xFFFF0000, v2;
	vm6 =	vlt.s32 v1, $0x0  }
0x65c: {  	v1 =	vsel vm6, v3, v2  }
0x65d: {  	[tilespmem:s10+$0x0] =	vst.add.f32.msk $0xffff, v1  }
0x65e: {  	v1 =	vld [tilespmem:s19+$0xA70]  }
0x65f: {  	v2 =	vld [tilespmem:s19+$0x4270];
	_ =	sdelay $0x3  }
0x660: {  	v1 =	vadd.s32 $0xFFFF3CB0, v1  }
0x661: {  	v3 =	vshll.u32 v2, $0x10;
	v2 =	vand.u32 $0xFFFF0000, v2;
	vm7 =	vlt.s32 v1, $0x0  }
0x662: {  	v1 =	vsel vm7, v3, v2  }
0x663: {  	[tilespmem:s11+$0x0] =	vst.add.f32.msk $0xffff, v1  }
0x664: {  	_ =	swait.ge [sflag:s16], $0x80  }
0x665: {  	[sflag:s16] =	ssyncset.done $0x0  }
0x666: {  	[sflag:s16] =	ssyncadd.s32 $0xFFFFFF80  }
0x667: {  	_ =	swait.ge [sflag:s16], $0x80  }
0x668: {  	[sflag:s16] =	ssyncset.done $0x0  }
0x669: {  	[sflag:s16] =	ssyncadd.s32 $0xFFFFFF80  }
0x66a: {  	_ =	swait.ge [sflag:s16], $0x80  }
0x66b: {  	[sflag:s16] =	ssyncset.done $0x0  }
0x66c: {  	[sflag:s16] =	ssyncadd.s32 $0xFFFFFF80  }
0x66d: {  	_ =	swait.ge [sflag:s16], $0x80  }
0x66e: {  	[sflag:s16] =	ssyncset.done $0x0  }
0x66f: {  	[sflag:s16] =	ssyncadd.s32 $0xFFFFFF80  }
0x670: {  	_ =	swait.ge [sflag:s16], $0x80  }
0x671: {  	[sflag:s16] =	ssyncset.done $0x0  }
0x672: {  	[sflag:s16] =	ssyncadd.s32 $0xFFFFFF80  }
0x673: {  	_ =	swait.ge [sflag:s16], $0x80  }
0x674: {  	[sflag:s16] =	ssyncset.done $0x0  }
0x675: {  	[sflag:s16] =	ssyncadd.s32 $0xFFFFFF80  }
0x676: {  	_ =	swait.ge [sflag:s16], $0x80  }
0x677: {  	[sflag:s16] =	ssyncset.done $0x0  }
0x678: {  	[sflag:s16] =	ssyncadd.s32 $0xFFFFFF80  }
0x679: {  	_ =	swait.ge [sflag:s16], $0x80  }
0x67a: {  	[sflag:s16] =	ssyncset.done $0x0  }
0x67b: {  	[sflag:s16] =	ssyncadd.s32 $0xFFFFFF80  }
0x67c: {  	_ =	swait.ge [sflag:s16], $0x80  }
0x67d: {  	[sflag:s16] =	ssyncset.done $0x0  }
0x67e: {  	[sflag:s16] =	ssyncadd.s32 $0xFFFFFF80  }
0x67f: {  	_ =	swait.ge [sflag:s16], $0x80  }
0x680: {  	[sflag:s16] =	ssyncset.done $0x0  }
0x681: {  	s22 =	simm.s32 $0x0;
	[sflag:s16] =	ssyncadd.s32 $0xFFFFFF80  }
0x682: {  	v1 =	vld [tilespmem:s22+$0xF00]  }
0x683: {  	v2 =	vld [tilespmem:s22+$0x4700];
	_ =	sdelay $0x3  }
0x684: {  	v1 =	vadd.s32 $0xFFFF3CB0, v1  }
0x685: {  	v3 =	vshll.u32 v2, $0x10;
	v2 =	vand.u32 $0xFFFF0000, v2;
	vm8 =	vlt.s32 v1, $0x0  }
0x686: {  	v1 =	vsel vm8, v3, v2  }
0x687: {  	[tilespmem:s29+$0x0] =	vst.add.f32.msk $0xffff, v1  }
0x688: {  	v1 =	vld [tilespmem:s22+$0xF10]  }
0x689: {  	v2 =	vld [tilespmem:s22+$0x4710];
	_ =	sdelay $0x3  }
0x68a: {  	v1 =	vadd.s32 $0xFFFF3CB0, v1  }
0x68b: {  	v3 =	vshll.u32 v2, $0x10;
	v2 =	vand.u32 $0xFFFF0000, v2;
	vm9 =	vlt.s32 v1, $0x0  }
0x68c: {  	v1 =	vsel vm9, v3, v2  }
0x68d: {  	[tilespmem:s30+$0x0] =	vst.add.f32.msk $0xffff, v1  }
0x68e: {  	v1 =	vld [tilespmem:s22+$0xF20]  }
0x68f: {  	v2 =	vld [tilespmem:s22+$0x4720];
	_ =	sdelay $0x3  }
0x690: {  	v1 =	vadd.s32 $0xFFFF3CB0, v1  }
0x691: {  	v3 =	vshll.u32 v2, $0x10;
	v2 =	vand.u32 $0xFFFF0000, v2;
	vm10 =	vlt.s32 v1, $0x0  }
0x692: {  	v1 =	vsel vm10, v3, v2  }
0x693: {  	[tilespmem:s31+$0x0] =	vst.add.f32.msk $0xffff, v1  }
0x694: {  	v1 =	vld [tilespmem:s22+$0xF30]  }
0x695: {  	v2 =	vld [tilespmem:s22+$0x4730];
	_ =	sdelay $0x3  }
0x696: {  	v1 =	vadd.s32 $0xFFFF3CB0, v1  }
0x697: {  	v3 =	vshll.u32 v2, $0x10;
	v2 =	vand.u32 $0xFFFF0000, v2;
	vm11 =	vlt.s32 v1, $0x0  }
0x698: {  	v1 =	vsel vm11, v3, v2  }
0x699: {  	[tilespmem:s0+$0x0] =	vst.add.f32.msk $0xffff, v1  }
0x69a: {  	v1 =	vld [tilespmem:s22+$0xF40]  }
0x69b: {  	v2 =	vld [tilespmem:s22+$0x4740];
	_ =	sdelay $0x3  }
0x69c: {  	v1 =	vadd.s32 $0xFFFF3CB0, v1  }
0x69d: {  	v3 =	vshll.u32 v2, $0x10;
	v2 =	vand.u32 $0xFFFF0000, v2;
	vm12 =	vlt.s32 v1, $0x0  }
0x69e: {  	v1 =	vsel vm12, v3, v2  }
0x69f: {  	[tilespmem:s2+$0x0] =	vst.add.f32.msk $0xffff, v1  }
0x6a0: {  	v1 =	vld [tilespmem:s22+$0xF50]  }
0x6a1: {  	v2 =	vld [tilespmem:s22+$0x4750];
	_ =	sdelay $0x3  }
0x6a2: {  	v1 =	vadd.s32 $0xFFFF3CB0, v1  }
0x6a3: {  	v3 =	vshll.u32 v2, $0x10;
	v2 =	vand.u32 $0xFFFF0000, v2;
	vm13 =	vlt.s32 v1, $0x0  }
0x6a4: {  	v1 =	vsel vm13, v3, v2  }
0x6a5: {  	[tilespmem:s9+$0x0] =	vst.add.f32.msk $0xffff, v1  }
0x6a6: {  	v1 =	vld [tilespmem:s22+$0xF60]  }
0x6a7: {  	v2 =	vld [tilespmem:s22+$0x4760];
	_ =	sdelay $0x3  }
0x6a8: {  	v1 =	vadd.s32 $0xFFFF3CB0, v1  }
0x6a9: {  	v3 =	vshll.u32 v2, $0x10;
	v2 =	vand.u32 $0xFFFF0000, v2;
	vm14 =	vlt.s32 v1, $0x0  }
0x6aa: {  	v1 =	vsel vm14, v3, v2  }
0x6ab: {  	[tilespmem:s10+$0x0] =	vst.add.f32.msk $0xffff, v1  }
0x6ac: {  	v1 =	vld [tilespmem:s22+$0xF70]  }
0x6ad: {  	v2 =	vld [tilespmem:s22+$0x4770];
	_ =	sdelay $0x3  }
0x6ae: {  	v1 =	vadd.s32 $0xFFFF3CB0, v1  }
0x6af: {  	v3 =	vshll.u32 v2, $0x10;
	v2 =	vand.u32 $0xFFFF0000, v2;
	vm15 =	vlt.s32 v1, $0x0  }
0x6b0: {  	s20 =	simm.s32 $0x400;
	s19 =	simm.s32 $0x200;
	v1 =	vsel vm15, v3, v2  }
.LBB2_18:
0x6b1: {  	p0 =	sne.s32 s20, $0x1200  }
0x6b2: {  	s21 =	sshra.s32 s19, $0x2;
	[tilespmem:s11+$0x0] =	vst.add.f32.msk $0xffff, v1;
	s19 =	smov.u32 s20;
	s20 =	sadd.s32 $0x200, s20  }
0x6b3: {  	v1 =	vld [tilespmem:s21+$0xF00]  }
0x6b4: {  	v2 =	vld [tilespmem:s21+$0x4700];
	_ =	sdelay $0x3  }
0x6b5: {  	v1 =	vadd.s32 $0xFFFF3CB0, v1  }
0x6b6: {  	v3 =	vshll.u32 v2, $0x10;
	v2 =	vand.u32 $0xFFFF0000, v2;
	vm0 =	vlt.s32 v1, $0x0  }
0x6b7: {  	v1 =	vsel vm0, v3, v2  }
0x6b8: {  	[tilespmem:s29+$0x0] =	vst.add.f32.msk $0xffff, v1  }
0x6b9: {  	v1 =	vld [tilespmem:s21+$0xF10]  }
0x6ba: {  	v2 =	vld [tilespmem:s21+$0x4710];
	_ =	sdelay $0x3  }
0x6bb: {  	v1 =	vadd.s32 $0xFFFF3CB0, v1  }
0x6bc: {  	v3 =	vshll.u32 v2, $0x10;
	v2 =	vand.u32 $0xFFFF0000, v2;
	vm0 =	vlt.s32 v1, $0x0  }
0x6bd: {  	v1 =	vsel vm0, v3, v2  }
0x6be: {  	[tilespmem:s30+$0x0] =	vst.add.f32.msk $0xffff, v1  }
0x6bf: {  	v1 =	vld [tilespmem:s21+$0xF20]  }
0x6c0: {  	v2 =	vld [tilespmem:s21+$0x4720];
	_ =	sdelay $0x3  }
0x6c1: {  	v1 =	vadd.s32 $0xFFFF3CB0, v1  }
0x6c2: {  	v3 =	vshll.u32 v2, $0x10;
	v2 =	vand.u32 $0xFFFF0000, v2;
	vm0 =	vlt.s32 v1, $0x0  }
0x6c3: {  	v1 =	vsel vm0, v3, v2  }
0x6c4: {  	[tilespmem:s31+$0x0] =	vst.add.f32.msk $0xffff, v1  }
0x6c5: {  	v1 =	vld [tilespmem:s21+$0xF30]  }
0x6c6: {  	v2 =	vld [tilespmem:s21+$0x4730];
	_ =	sdelay $0x3  }
0x6c7: {  	v1 =	vadd.s32 $0xFFFF3CB0, v1  }
0x6c8: {  	v3 =	vshll.u32 v2, $0x10;
	v2 =	vand.u32 $0xFFFF0000, v2;
	vm0 =	vlt.s32 v1, $0x0  }
0x6c9: {  	v1 =	vsel vm0, v3, v2  }
0x6ca: {  	[tilespmem:s0+$0x0] =	vst.add.f32.msk $0xffff, v1  }
0x6cb: {  	v1 =	vld [tilespmem:s21+$0xF40]  }
0x6cc: {  	v2 =	vld [tilespmem:s21+$0x4740];
	_ =	sdelay $0x3  }
0x6cd: {  	v1 =	vadd.s32 $0xFFFF3CB0, v1  }
0x6ce: {  	v3 =	vshll.u32 v2, $0x10;
	v2 =	vand.u32 $0xFFFF0000, v2;
	vm0 =	vlt.s32 v1, $0x0  }
0x6cf: {  	v1 =	vsel vm0, v3, v2  }
0x6d0: {  	[tilespmem:s2+$0x0] =	vst.add.f32.msk $0xffff, v1  }
0x6d1: {  	v1 =	vld [tilespmem:s21+$0xF50]  }
0x6d2: {  	v2 =	vld [tilespmem:s21+$0x4750];
	_ =	sdelay $0x3  }
0x6d3: {  	v1 =	vadd.s32 $0xFFFF3CB0, v1  }
0x6d4: {  	v3 =	vshll.u32 v2, $0x10;
	v2 =	vand.u32 $0xFFFF0000, v2;
	vm0 =	vlt.s32 v1, $0x0  }
0x6d5: {  	v1 =	vsel vm0, v3, v2  }
0x6d6: {  	[tilespmem:s9+$0x0] =	vst.add.f32.msk $0xffff, v1  }
0x6d7: {  	v1 =	vld [tilespmem:s21+$0xF60]  }
0x6d8: {  	v2 =	vld [tilespmem:s21+$0x4760];
	_ =	sdelay $0x3  }
0x6d9: {  	v1 =	vadd.s32 $0xFFFF3CB0, v1  }
0x6da: {  	v3 =	vshll.u32 v2, $0x10;
	v2 =	vand.u32 $0xFFFF0000, v2;
	vm0 =	vlt.s32 v1, $0x0  }
0x6db: {  	v1 =	vsel vm0, v3, v2  }
0x6dc: {  	[tilespmem:s10+$0x0] =	vst.add.f32.msk $0xffff, v1  }
0x6dd: {  	v1 =	vld [tilespmem:s21+$0xF70]  }
0x6de: {  	v2 =	vld [tilespmem:s21+$0x4770];
	_ =	sdelay $0x1  }
.Ltmp8:
0x6df: {  	(pc) =	sbr.rel @p0 .LBB2_18-.Ltmp8, $4  }
0x6e0: {  	_ = 	snop  }
0x6e1: {  	v1 =	vadd.s32 $0xFFFF3CB0, v1  }
0x6e2: {  	v3 =	vshll.u32 v2, $0x10;
	v2 =	vand.u32 $0xFFFF0000, v2;
	vm0 =	vlt.s32 v1, $0x0  }
0x6e3: {  	v1 =	vsel vm0, v3, v2  }
0x6e4: {  	s19 =	sshra.s32 s19, $0x2;
	[tilespmem:s11+$0x0] =	vst.add.f32.msk $0xffff, v1  }
0x6e5: {  	v1 =	vld [tilespmem:s19+$0xF00]  }
0x6e6: {  	v2 =	vld [tilespmem:s19+$0x4700];
	_ =	sdelay $0x3  }
0x6e7: {  	v1 =	vadd.s32 $0xFFFF3CB0, v1  }
0x6e8: {  	v3 =	vshll.u32 v2, $0x10;
	v2 =	vand.u32 $0xFFFF0000, v2;
	vm0 =	vlt.s32 v1, $0x0  }
0x6e9: {  	v1 =	vsel vm0, v3, v2  }
0x6ea: {  	[tilespmem:s29+$0x0] =	vst.add.f32.msk $0xffff, v1  }
0x6eb: {  	v1 =	vld [tilespmem:s19+$0xF10]  }
0x6ec: {  	v2 =	vld [tilespmem:s19+$0x4710];
	_ =	sdelay $0x3  }
0x6ed: {  	v1 =	vadd.s32 $0xFFFF3CB0, v1  }
0x6ee: {  	v3 =	vshll.u32 v2, $0x10;
	v2 =	vand.u32 $0xFFFF0000, v2;
	vm13 =	vlt.s32 v1, $0x0  }
0x6ef: {  	v1 =	vsel vm13, v3, v2  }
0x6f0: {  	[tilespmem:s30+$0x0] =	vst.add.f32.msk $0xffff, v1  }
0x6f1: {  	v1 =	vld [tilespmem:s19+$0xF20]  }
0x6f2: {  	v2 =	vld [tilespmem:s19+$0x4720];
	_ =	sdelay $0x3  }
0x6f3: {  	v1 =	vadd.s32 $0xFFFF3CB0, v1  }
0x6f4: {  	v3 =	vshll.u32 v2, $0x10;
	v2 =	vand.u32 $0xFFFF0000, v2;
	vm14 =	vlt.s32 v1, $0x0  }
0x6f5: {  	v1 =	vsel vm14, v3, v2  }
0x6f6: {  	[tilespmem:s31+$0x0] =	vst.add.f32.msk $0xffff, v1  }
0x6f7: {  	v1 =	vld [tilespmem:s19+$0xF30]  }
0x6f8: {  	v2 =	vld [tilespmem:s19+$0x4730];
	_ =	sdelay $0x3  }
0x6f9: {  	v1 =	vadd.s32 $0xFFFF3CB0, v1  }
0x6fa: {  	v3 =	vshll.u32 v2, $0x10;
	v2 =	vand.u32 $0xFFFF0000, v2;
	vm15 =	vlt.s32 v1, $0x0  }
0x6fb: {  	v1 =	vsel vm15, v3, v2  }
0x6fc: {  	[tilespmem:s0+$0x0] =	vst.add.f32.msk $0xffff, v1  }
0x6fd: {  	v1 =	vld [tilespmem:s19+$0xF40]  }
0x6fe: {  	v2 =	vld [tilespmem:s19+$0x4740];
	_ =	sdelay $0x3  }
0x6ff: {  	v1 =	vadd.s32 $0xFFFF3CB0, v1  }
0x700: {  	v3 =	vshll.u32 v2, $0x10;
	v2 =	vand.u32 $0xFFFF0000, v2;
	vm4 =	vlt.s32 v1, $0x0  }
0x701: {  	v1 =	vsel vm4, v3, v2  }
0x702: {  	[tilespmem:s2+$0x0] =	vst.add.f32.msk $0xffff, v1  }
0x703: {  	v1 =	vld [tilespmem:s19+$0xF50]  }
0x704: {  	v2 =	vld [tilespmem:s19+$0x4750];
	_ =	sdelay $0x3  }
0x705: {  	v1 =	vadd.s32 $0xFFFF3CB0, v1  }
0x706: {  	v3 =	vshll.u32 v2, $0x10;
	v2 =	vand.u32 $0xFFFF0000, v2;
	vm5 =	vlt.s32 v1, $0x0  }
0x707: {  	v1 =	vsel vm5, v3, v2  }
0x708: {  	[tilespmem:s9+$0x0] =	vst.add.f32.msk $0xffff, v1  }
0x709: {  	v1 =	vld [tilespmem:s19+$0xF60]  }
0x70a: {  	v2 =	vld [tilespmem:s19+$0x4760];
	_ =	sdelay $0x3  }
0x70b: {  	v1 =	vadd.s32 $0xFFFF3CB0, v1  }
0x70c: {  	v3 =	vshll.u32 v2, $0x10;
	v2 =	vand.u32 $0xFFFF0000, v2;
	vm6 =	vlt.s32 v1, $0x0  }
0x70d: {  	v1 =	vsel vm6, v3, v2  }
0x70e: {  	[tilespmem:s10+$0x0] =	vst.add.f32.msk $0xffff, v1  }
0x70f: {  	v1 =	vld [tilespmem:s19+$0xF70]  }
0x710: {  	v2 =	vld [tilespmem:s19+$0x4770];
	_ =	sdelay $0x3  }
0x711: {  	v1 =	vadd.s32 $0xFFFF3CB0, v1  }
0x712: {  	v3 =	vshll.u32 v2, $0x10;
	v2 =	vand.u32 $0xFFFF0000, v2;
	vm7 =	vlt.s32 v1, $0x0  }
0x713: {  	v1 =	vsel vm7, v3, v2  }
0x714: {  	[tilespmem:s11+$0x0] =	vst.add.f32.msk $0xffff, v1  }
0x715: {  	_ =	swait.ge [sflag:s17], $0x80  }
0x716: {  	[sflag:s17] =	ssyncset.done $0x0  }
0x717: {  	[sflag:s17] =	ssyncadd.s32 $0xFFFFFF80  }
0x718: {  	_ =	swait.ge [sflag:s17], $0x80  }
0x719: {  	[sflag:s17] =	ssyncset.done $0x0  }
0x71a: {  	[sflag:s17] =	ssyncadd.s32 $0xFFFFFF80  }
0x71b: {  	_ =	swait.ge [sflag:s17], $0x80  }
0x71c: {  	[sflag:s17] =	ssyncset.done $0x0  }
0x71d: {  	[sflag:s17] =	ssyncadd.s32 $0xFFFFFF80  }
0x71e: {  	_ =	swait.ge [sflag:s17], $0x80  }
0x71f: {  	[sflag:s17] =	ssyncset.done $0x0  }
0x720: {  	[sflag:s17] =	ssyncadd.s32 $0xFFFFFF80  }
0x721: {  	_ =	swait.ge [sflag:s17], $0x80  }
0x722: {  	[sflag:s17] =	ssyncset.done $0x0  }
0x723: {  	[sflag:s17] =	ssyncadd.s32 $0xFFFFFF80  }
0x724: {  	_ =	swait.ge [sflag:s17], $0x80  }
0x725: {  	[sflag:s17] =	ssyncset.done $0x0  }
0x726: {  	[sflag:s17] =	ssyncadd.s32 $0xFFFFFF80  }
0x727: {  	_ =	swait.ge [sflag:s17], $0x80  }
0x728: {  	[sflag:s17] =	ssyncset.done $0x0  }
0x729: {  	[sflag:s17] =	ssyncadd.s32 $0xFFFFFF80  }
0x72a: {  	_ =	swait.ge [sflag:s17], $0x80  }
0x72b: {  	[sflag:s17] =	ssyncset.done $0x0  }
0x72c: {  	[sflag:s17] =	ssyncadd.s32 $0xFFFFFF80  }
0x72d: {  	_ =	swait.ge [sflag:s17], $0x80  }
0x72e: {  	[sflag:s17] =	ssyncset.done $0x0  }
0x72f: {  	[sflag:s17] =	ssyncadd.s32 $0xFFFFFF80  }
0x730: {  	_ =	swait.ge [sflag:s17], $0x80  }
0x731: {  	[sflag:s17] =	ssyncset.done $0x0  }
0x732: {  	s22 =	simm.s32 $0x0;
	[sflag:s17] =	ssyncadd.s32 $0xFFFFFF80  }
0x733: {  	v1 =	vld [tilespmem:s22+$0x1400]  }
0x734: {  	v2 =	vld [tilespmem:s22+$0x4C00];
	_ =	sdelay $0x3  }
0x735: {  	v1 =	vadd.s32 $0xFFFF3CB0, v1  }
0x736: {  	v3 =	vshll.u32 v2, $0x10;
	v2 =	vand.u32 $0xFFFF0000, v2;
	vm8 =	vlt.s32 v1, $0x0  }
0x737: {  	v1 =	vsel vm8, v3, v2  }
0x738: {  	[tilespmem:s29+$0x0] =	vst.add.f32.msk $0xffff, v1  }
0x739: {  	v1 =	vld [tilespmem:s22+$0x1410]  }
0x73a: {  	v2 =	vld [tilespmem:s22+$0x4C10];
	_ =	sdelay $0x3  }
0x73b: {  	v1 =	vadd.s32 $0xFFFF3CB0, v1  }
0x73c: {  	v3 =	vshll.u32 v2, $0x10;
	v2 =	vand.u32 $0xFFFF0000, v2;
	vm9 =	vlt.s32 v1, $0x0  }
0x73d: {  	v1 =	vsel vm9, v3, v2  }
0x73e: {  	[tilespmem:s30+$0x0] =	vst.add.f32.msk $0xffff, v1  }
0x73f: {  	v1 =	vld [tilespmem:s22+$0x1420]  }
0x740: {  	v2 =	vld [tilespmem:s22+$0x4C20];
	_ =	sdelay $0x3  }
0x741: {  	v1 =	vadd.s32 $0xFFFF3CB0, v1  }
0x742: {  	v3 =	vshll.u32 v2, $0x10;
	v2 =	vand.u32 $0xFFFF0000, v2;
	vm10 =	vlt.s32 v1, $0x0  }
0x743: {  	v1 =	vsel vm10, v3, v2  }
0x744: {  	[tilespmem:s31+$0x0] =	vst.add.f32.msk $0xffff, v1  }
0x745: {  	v1 =	vld [tilespmem:s22+$0x1430]  }
0x746: {  	v2 =	vld [tilespmem:s22+$0x4C30];
	_ =	sdelay $0x3  }
0x747: {  	v1 =	vadd.s32 $0xFFFF3CB0, v1  }
0x748: {  	v3 =	vshll.u32 v2, $0x10;
	v2 =	vand.u32 $0xFFFF0000, v2;
	vm11 =	vlt.s32 v1, $0x0  }
0x749: {  	v1 =	vsel vm11, v3, v2  }
0x74a: {  	[tilespmem:s0+$0x0] =	vst.add.f32.msk $0xffff, v1  }
0x74b: {  	v1 =	vld [tilespmem:s22+$0x1440]  }
0x74c: {  	v2 =	vld [tilespmem:s22+$0x4C40];
	_ =	sdelay $0x3  }
0x74d: {  	v1 =	vadd.s32 $0xFFFF3CB0, v1  }
0x74e: {  	v3 =	vshll.u32 v2, $0x10;
	v2 =	vand.u32 $0xFFFF0000, v2;
	vm12 =	vlt.s32 v1, $0x0  }
0x74f: {  	v1 =	vsel vm12, v3, v2  }
0x750: {  	[tilespmem:s2+$0x0] =	vst.add.f32.msk $0xffff, v1  }
0x751: {  	v1 =	vld [tilespmem:s22+$0x1450]  }
0x752: {  	v2 =	vld [tilespmem:s22+$0x4C50];
	_ =	sdelay $0x3  }
0x753: {  	v1 =	vadd.s32 $0xFFFF3CB0, v1  }
0x754: {  	v3 =	vshll.u32 v2, $0x10;
	v2 =	vand.u32 $0xFFFF0000, v2;
	vm13 =	vlt.s32 v1, $0x0  }
0x755: {  	v1 =	vsel vm13, v3, v2  }
0x756: {  	[tilespmem:s9+$0x0] =	vst.add.f32.msk $0xffff, v1  }
0x757: {  	v1 =	vld [tilespmem:s22+$0x1460]  }
0x758: {  	v2 =	vld [tilespmem:s22+$0x4C60];
	_ =	sdelay $0x3  }
0x759: {  	v1 =	vadd.s32 $0xFFFF3CB0, v1  }
0x75a: {  	v3 =	vshll.u32 v2, $0x10;
	v2 =	vand.u32 $0xFFFF0000, v2;
	vm14 =	vlt.s32 v1, $0x0  }
0x75b: {  	v1 =	vsel vm14, v3, v2  }
0x75c: {  	[tilespmem:s10+$0x0] =	vst.add.f32.msk $0xffff, v1  }
0x75d: {  	v1 =	vld [tilespmem:s22+$0x1470]  }
0x75e: {  	v2 =	vld [tilespmem:s22+$0x4C70];
	_ =	sdelay $0x3  }
0x75f: {  	v1 =	vadd.s32 $0xFFFF3CB0, v1  }
0x760: {  	v3 =	vshll.u32 v2, $0x10;
	v2 =	vand.u32 $0xFFFF0000, v2;
	vm15 =	vlt.s32 v1, $0x0  }
0x761: {  	s20 =	simm.s32 $0x400;
	s19 =	simm.s32 $0x200;
	v1 =	vsel vm15, v3, v2  }
.LBB2_20:
0x762: {  	p0 =	sne.s32 s20, $0x1200  }
0x763: {  	s21 =	sshra.s32 s19, $0x2;
	[tilespmem:s11+$0x0] =	vst.add.f32.msk $0xffff, v1;
	s19 =	smov.u32 s20;
	s20 =	sadd.s32 $0x200, s20  }
0x764: {  	v1 =	vld [tilespmem:s21+$0x1400]  }
0x765: {  	v2 =	vld [tilespmem:s21+$0x4C00];
	_ =	sdelay $0x3  }
0x766: {  	v1 =	vadd.s32 $0xFFFF3CB0, v1  }
0x767: {  	v3 =	vshll.u32 v2, $0x10;
	v2 =	vand.u32 $0xFFFF0000, v2;
	vm0 =	vlt.s32 v1, $0x0  }
0x768: {  	v1 =	vsel vm0, v3, v2  }
0x769: {  	[tilespmem:s29+$0x0] =	vst.add.f32.msk $0xffff, v1  }
0x76a: {  	v1 =	vld [tilespmem:s21+$0x1410]  }
0x76b: {  	v2 =	vld [tilespmem:s21+$0x4C10];
	_ =	sdelay $0x3  }
0x76c: {  	v1 =	vadd.s32 $0xFFFF3CB0, v1  }
0x76d: {  	v3 =	vshll.u32 v2, $0x10;
	v2 =	vand.u32 $0xFFFF0000, v2;
	vm0 =	vlt.s32 v1, $0x0  }
0x76e: {  	v1 =	vsel vm0, v3, v2  }
0x76f: {  	[tilespmem:s30+$0x0] =	vst.add.f32.msk $0xffff, v1  }
0x770: {  	v1 =	vld [tilespmem:s21+$0x1420]  }
0x771: {  	v2 =	vld [tilespmem:s21+$0x4C20];
	_ =	sdelay $0x3  }
0x772: {  	v1 =	vadd.s32 $0xFFFF3CB0, v1  }
0x773: {  	v3 =	vshll.u32 v2, $0x10;
	v2 =	vand.u32 $0xFFFF0000, v2;
	vm0 =	vlt.s32 v1, $0x0  }
0x774: {  	v1 =	vsel vm0, v3, v2  }
0x775: {  	[tilespmem:s31+$0x0] =	vst.add.f32.msk $0xffff, v1  }
0x776: {  	v1 =	vld [tilespmem:s21+$0x1430]  }
0x777: {  	v2 =	vld [tilespmem:s21+$0x4C30];
	_ =	sdelay $0x3  }
0x778: {  	v1 =	vadd.s32 $0xFFFF3CB0, v1  }
0x779: {  	v3 =	vshll.u32 v2, $0x10;
	v2 =	vand.u32 $0xFFFF0000, v2;
	vm0 =	vlt.s32 v1, $0x0  }
0x77a: {  	v1 =	vsel vm0, v3, v2  }
0x77b: {  	[tilespmem:s0+$0x0] =	vst.add.f32.msk $0xffff, v1  }
0x77c: {  	v1 =	vld [tilespmem:s21+$0x1440]  }
0x77d: {  	v2 =	vld [tilespmem:s21+$0x4C40];
	_ =	sdelay $0x3  }
0x77e: {  	v1 =	vadd.s32 $0xFFFF3CB0, v1  }
0x77f: {  	v3 =	vshll.u32 v2, $0x10;
	v2 =	vand.u32 $0xFFFF0000, v2;
	vm0 =	vlt.s32 v1, $0x0  }
0x780: {  	v1 =	vsel vm0, v3, v2  }
0x781: {  	[tilespmem:s2+$0x0] =	vst.add.f32.msk $0xffff, v1  }
0x782: {  	v1 =	vld [tilespmem:s21+$0x1450]  }
0x783: {  	v2 =	vld [tilespmem:s21+$0x4C50];
	_ =	sdelay $0x3  }
0x784: {  	v1 =	vadd.s32 $0xFFFF3CB0, v1  }
0x785: {  	v3 =	vshll.u32 v2, $0x10;
	v2 =	vand.u32 $0xFFFF0000, v2;
	vm0 =	vlt.s32 v1, $0x0  }
0x786: {  	v1 =	vsel vm0, v3, v2  }
0x787: {  	[tilespmem:s9+$0x0] =	vst.add.f32.msk $0xffff, v1  }
0x788: {  	v1 =	vld [tilespmem:s21+$0x1460]  }
0x789: {  	v2 =	vld [tilespmem:s21+$0x4C60];
	_ =	sdelay $0x3  }
0x78a: {  	v1 =	vadd.s32 $0xFFFF3CB0, v1  }
0x78b: {  	v3 =	vshll.u32 v2, $0x10;
	v2 =	vand.u32 $0xFFFF0000, v2;
	vm0 =	vlt.s32 v1, $0x0  }
0x78c: {  	v1 =	vsel vm0, v3, v2  }
0x78d: {  	[tilespmem:s10+$0x0] =	vst.add.f32.msk $0xffff, v1  }
0x78e: {  	v1 =	vld [tilespmem:s21+$0x1470]  }
0x78f: {  	v2 =	vld [tilespmem:s21+$0x4C70];
	_ =	sdelay $0x1  }
.Ltmp9:
0x790: {  	(pc) =	sbr.rel @p0 .LBB2_20-.Ltmp9, $4  }
0x791: {  	_ = 	snop  }
0x792: {  	v1 =	vadd.s32 $0xFFFF3CB0, v1  }
0x793: {  	v3 =	vshll.u32 v2, $0x10;
	v2 =	vand.u32 $0xFFFF0000, v2;
	vm0 =	vlt.s32 v1, $0x0  }
0x794: {  	v1 =	vsel vm0, v3, v2  }
0x795: {  	s19 =	sshra.s32 s19, $0x2;
	[tilespmem:s11+$0x0] =	vst.add.f32.msk $0xffff, v1  }
0x796: {  	v1 =	vld [tilespmem:s19+$0x1400]  }
0x797: {  	v2 =	vld [tilespmem:s19+$0x4C00];
	_ =	sdelay $0x3  }
0x798: {  	v1 =	vadd.s32 $0xFFFF3CB0, v1  }
0x799: {  	v3 =	vshll.u32 v2, $0x10;
	v2 =	vand.u32 $0xFFFF0000, v2;
	vm0 =	vlt.s32 v1, $0x0  }
0x79a: {  	v1 =	vsel vm0, v3, v2  }
0x79b: {  	[tilespmem:s29+$0x0] =	vst.add.f32.msk $0xffff, v1  }
0x79c: {  	v1 =	vld [tilespmem:s19+$0x1410]  }
0x79d: {  	v2 =	vld [tilespmem:s19+$0x4C10];
	_ =	sdelay $0x3  }
0x79e: {  	v1 =	vadd.s32 $0xFFFF3CB0, v1  }
0x79f: {  	v3 =	vshll.u32 v2, $0x10;
	v2 =	vand.u32 $0xFFFF0000, v2;
	vm9 =	vlt.s32 v1, $0x0  }
0x7a0: {  	v1 =	vsel vm9, v3, v2  }
0x7a1: {  	[tilespmem:s30+$0x0] =	vst.add.f32.msk $0xffff, v1  }
0x7a2: {  	v1 =	vld [tilespmem:s19+$0x1420]  }
0x7a3: {  	v2 =	vld [tilespmem:s19+$0x4C20];
	_ =	sdelay $0x3  }
0x7a4: {  	v1 =	vadd.s32 $0xFFFF3CB0, v1  }
0x7a5: {  	v3 =	vshll.u32 v2, $0x10;
	v2 =	vand.u32 $0xFFFF0000, v2;
	vm10 =	vlt.s32 v1, $0x0  }
0x7a6: {  	v1 =	vsel vm10, v3, v2  }
0x7a7: {  	[tilespmem:s31+$0x0] =	vst.add.f32.msk $0xffff, v1  }
0x7a8: {  	v1 =	vld [tilespmem:s19+$0x1430]  }
0x7a9: {  	v2 =	vld [tilespmem:s19+$0x4C30];
	_ =	sdelay $0x3  }
0x7aa: {  	v1 =	vadd.s32 $0xFFFF3CB0, v1  }
0x7ab: {  	v3 =	vshll.u32 v2, $0x10;
	v2 =	vand.u32 $0xFFFF0000, v2;
	vm11 =	vlt.s32 v1, $0x0  }
0x7ac: {  	v1 =	vsel vm11, v3, v2  }
0x7ad: {  	[tilespmem:s0+$0x0] =	vst.add.f32.msk $0xffff, v1  }
0x7ae: {  	v1 =	vld [tilespmem:s19+$0x1440]  }
0x7af: {  	v2 =	vld [tilespmem:s19+$0x4C40];
	_ =	sdelay $0x3  }
0x7b0: {  	v1 =	vadd.s32 $0xFFFF3CB0, v1  }
0x7b1: {  	v3 =	vshll.u32 v2, $0x10;
	v2 =	vand.u32 $0xFFFF0000, v2;
	vm12 =	vlt.s32 v1, $0x0  }
0x7b2: {  	v1 =	vsel vm12, v3, v2  }
0x7b3: {  	[tilespmem:s2+$0x0] =	vst.add.f32.msk $0xffff, v1  }
0x7b4: {  	v1 =	vld [tilespmem:s19+$0x1450]  }
0x7b5: {  	v2 =	vld [tilespmem:s19+$0x4C50];
	_ =	sdelay $0x3  }
0x7b6: {  	v1 =	vadd.s32 $0xFFFF3CB0, v1  }
0x7b7: {  	v3 =	vshll.u32 v2, $0x10;
	v2 =	vand.u32 $0xFFFF0000, v2;
	vm13 =	vlt.s32 v1, $0x0  }
0x7b8: {  	v1 =	vsel vm13, v3, v2  }
0x7b9: {  	[tilespmem:s9+$0x0] =	vst.add.f32.msk $0xffff, v1  }
0x7ba: {  	v1 =	vld [tilespmem:s19+$0x1460]  }
0x7bb: {  	v2 =	vld [tilespmem:s19+$0x4C60];
	_ =	sdelay $0x3  }
0x7bc: {  	v1 =	vadd.s32 $0xFFFF3CB0, v1  }
0x7bd: {  	v3 =	vshll.u32 v2, $0x10;
	v2 =	vand.u32 $0xFFFF0000, v2;
	vm14 =	vlt.s32 v1, $0x0  }
0x7be: {  	v1 =	vsel vm14, v3, v2  }
0x7bf: {  	[tilespmem:s10+$0x0] =	vst.add.f32.msk $0xffff, v1  }
0x7c0: {  	v1 =	vld [tilespmem:s19+$0x1470]  }
0x7c1: {  	v2 =	vld [tilespmem:s19+$0x4C70];
	_ =	sdelay $0x3  }
0x7c2: {  	v1 =	vadd.s32 $0xFFFF3CB0, v1  }
0x7c3: {  	s18 =	sadd.s32 $0x1, s18;
	v3 =	vshll.u32 v2, $0x10;
	v2 =	vand.u32 $0xFFFF0000, v2;
	vm15 =	vlt.s32 v1, $0x0  }
0x7c4: {  	p0 =	sne.s32 s18, s8;
	v1 =	vsel vm15, v3, v2  }
.Ltmp10:
0x7c5: {  	[tilespmem:s11+$0x0] =	vst.add.f32.msk $0xffff, v1;
	(pc) =	sbr.rel @p0 .LBB2_1-.Ltmp10, $4  }
0x7c6: {  	[hbm4b:s7+s3] =	stream.linear.scatter [tilespmem:s29], [sflag:$0x6], $0x80, $0x38;
	[tilespmem:$0x5500] =	vst v63  }
0x7c7: {  	_ =	swait.ge [sflag:s12], $0x80  }
0x7c8: {  	[sflag:s12] =	ssyncset.done $0x0  }
0x7c9: {  	[sflag:s12] =	ssyncadd.s32 $0xFFFFFF80  }
0x7ca: {  	_ =	sfence.sel $0x180000  }
0x7cb: {  	[bflag:$0x0] =	sbarrier.arrive $0xFFFF  }
0x7cc: {  	_ =	strace $0x90000047  }
0x7cd: {  	s0 =	stileid.u32;
	[bflag:$0x2] =	sbarrier.arrive $0xFFFF  }
0x7ce: {  	p0 =	sne.s32 s0, $0x0;
	s0 =	rddreg [dreg:$0x3]  }
0x7cf: {  	s0 =	sadd.s32 @!p0 $0x100000, s0  }
0x7d0: {  	[sflag:s0] =	ssyncadd.tile.s32 @!p0 $0x1;
	_ =	shalt  }
.Lfunc_end2:
_tile_overlayer_lowered:
.L_overlay_start_2:
0x7d1: {  	(tag) =	ssettag $0x2  }
0x7d2: {  	s0 =	rddreg [dreg:$0x0];
	s2 =	stileid.u32  }
0x7d3: {  	s1 =	rddreg [dreg:$0x1];
	p0 =	sne.s32 s2, $0x0  }
0x7d4: {  	s3 =	rddreg [dreg:$0x2];
	[bflag:$0x3] =	sbarrier.arrive $0xFFFF;
	s2 =	simm.s32 @!p0 $0x1C06  }
0x7d5: {  	[timem:s3], [sflag:s2] =	dma.local @!p0 [hbm:s0], s1  }
0x7d6: {  	s0 =	simm.s32 @!p0 $0x6  }
0x7d7: {  	_ =	swait.ge @!p0 [sflag:s0], s1  }
0x7d8: {  	s1 =	ssub.s32 @!p0 $0x0, s1;
	[sflag:s0] =	ssyncset.done @!p0 $0x0  }
0x7d9: {  	[sflag:s0] =	ssyncadd.s32 @!p0 s1  }
0x7da: {  	[bflag:$0x3] =	sbarrier.arrive $0xFFFF  }
0x7db: {  	_ =	shalt  }

</sc_bundles>
